<compile_context>
chip_gen: v7x
topology: tpu7x:2x2x1
jax: 0.10.2.dev20260603
libtpu: 0.0.44.dev20260713+nightly
codegen_flags: <defaults>
</compile_context>

<pallas_src>
import functools

import jax
import jax.numpy as jnp
from jax import lax
from jax.experimental import pallas as pl
from jax.experimental.pallas import tpu as pltpu
from jax.experimental.pallas import tpu_sc as plsc

_EMB = 128
_D0, _D1, _D2 = 5, 6, 2
_TROWS = 64

_CHUNK = 400
_GSUB = 80
_LANES = 16


def _table_body(w0_ref, w1_ref, w2_ref, t_ref):
    k = lax.broadcasted_iota(jnp.int32, (_TROWS, _EMB), 0)
    a = k // (_D1 * _D2)
    b = (k // _D2) % _D1
    c = k % _D2
    t = jnp.zeros((_TROWS, _EMB), jnp.float32)
    for r in range(_D0):
        t = t + jnp.where(a == r, w0_ref[r, :][None, :], 0.0)
    for r in range(_D1):
        t = t + jnp.where(b == r, w1_ref[r, :][None, :], 0.0)
    for r in range(_D2):
        t = t + jnp.where(c == r, w2_ref[r, :][None, :], 0.0)
    t_ref[...] = t


_combined_table = pl.pallas_call(
    _table_body,
    out_shape=jax.ShapeDtypeStruct((_TROWS, _EMB), jnp.float32),
)


@functools.cache
def _make_gather(E: int):
    info = plsc.get_sparse_core_info()
    nw = info.num_cores * info.num_subcores
    assert E % (nw * _CHUNK) == 0, E
    per_w = E // nw
    n_chunks = per_w // _CHUNK
    mesh = plsc.VectorSubcoreMesh(core_axis_name="c", subcore_axis_name="s")

    @functools.partial(
        pl.kernel,
        mesh=mesh,
        out_type=jax.ShapeDtypeStruct((E, _EMB), jnp.float32),
        scratch_types=[
            pltpu.VMEM_SHARED((_TROWS, _EMB), jnp.float32),
            pltpu.VMEM((3 * _CHUNK,), jnp.int32),
            pltpu.VMEM((3 * _CHUNK,), jnp.int32),
            pltpu.VMEM((_CHUNK,), jnp.int32),
            pltpu.VMEM((_CHUNK,), jnp.int32),
            pltpu.VMEM((_CHUNK, _EMB), jnp.float32),
            pltpu.VMEM((_CHUNK, _EMB), jnp.float32),
            pltpu.SemaphoreType.DMA,
            pltpu.SemaphoreType.DMA,
            pltpu.SemaphoreType.DMA,
            pltpu.SemaphoreType.DMA,
            pltpu.SemaphoreType.DMA,
            pltpu.SemaphoreType.DMA,
        ],
    )
    def gather(t_hbm, cols_hbm, out_hbm, t_v, cols0_v, cols1_v,
               keys0_v, keys1_v, rows0_v, rows1_v,
               sem_c0, sem_c1, sem_g0, sem_g1, sem_o0, sem_o1):
        wid = lax.axis_index("s") * info.num_cores + lax.axis_index("c")
        base_w = wid * per_w
        cbase_w = wid * n_chunks * 3 * _CHUNK
        cols = (cols0_v, cols1_v)
        keys = (keys0_v, keys1_v)
        rows = (rows0_v, rows1_v)
        sem_c = (sem_c0, sem_c1)
        sem_g = (sem_g0, sem_g1)
        sem_o = (sem_o0, sem_o1)

        def fire_cols(j):
            return pltpu.async_copy(
                cols_hbm.at[pl.ds(cbase_w + j * 3 * _CHUNK, 3 * _CHUNK)],
                cols[j % 2], sem_c[j % 2])

        def compute_keys(j):
            cv, kv = cols[j % 2], keys[j % 2]

            def body(i, carry):
                off = i * _LANES
                a0 = cv[pl.ds(off, _LANES)]
                a1 = cv[pl.ds(_CHUNK + off, _LANES)]
                a2 = cv[pl.ds(2 * _CHUNK + off, _LANES)]
                kv[pl.ds(off, _LANES)] = a0 * (_D1 * _D2) + a1 * _D2 + a2
                return carry
            lax.fori_loop(0, _CHUNK // _LANES, body, 0)

        def fire_gathers(j):
            return [
                pltpu.async_copy(
                    t_v.at[keys[j % 2].at[pl.ds(g * _GSUB, _GSUB)]],
                    rows[j % 2].at[pl.ds(g * _GSUB, _GSUB)], sem_g[j % 2])
                for g in range(_CHUNK // _GSUB)
            ]

        def fire_scatter(j):
            return pltpu.async_copy(
                rows[j % 2],
                out_hbm.at[pl.ds(base_w + j * _CHUNK, _CHUNK)], sem_o[j % 2])

        pltpu.sync_copy(t_hbm, t_v)
        cols_cp = {0: fire_cols(0)}
        if n_chunks > 1:
            cols_cp[1] = fire_cols(1)
        cols_cp[0].wait()
        compute_keys(0)
        gather_cps = {0: fire_gathers(0)}
        scatter_cps = {}
        for j in range(n_chunks):
            if j + 2 < n_chunks:
                cols_cp[j + 2] = fire_cols(j + 2)
            if j + 1 < n_chunks:
                cols_cp[j + 1].wait()
                compute_keys(j + 1)
                if j >= 1:
                    scatter_cps[j - 1].wait()
                gather_cps[j + 1] = fire_gathers(j + 1)
            for cp in gather_cps[j]:
                cp.wait()
            scatter_cps[j] = fire_scatter(j)
        if n_chunks >= 2:
            scatter_cps[n_chunks - 2].wait()
        scatter_cps[n_chunks - 1].wait()

    return gather


def kernel(edge_attr, W0, W1, W2):
    E = edge_attr.shape[0]
    ea = edge_attr.astype(jnp.int32)
    packed = ea.T.reshape(3, E // _CHUNK, _CHUNK).transpose(1, 0, 2).reshape(-1)
    t = _combined_table(W0, W1, W2)
    return _make_gather(E)(t, packed)

# --- scband reference (transcript-rebuilt; emitter-appended) ---
"""Pipeline reference for scband-bond-encoder-86517821214601 (READ-ONLY COPY).

The authoritative reference and input builder live on the scoring server;
editing this copy changes nothing except your own understanding.
"""

import jax, jax.numpy as jnp
import numpy as np

E = 320000
EMB_DIM = 128
BOND_FEATURE_DIMS = [5, 6, 2]  # bond_type, bond_stereo, is_conjugated

def _xavier_uniform(key, shape):
    fan_in, fan_out = shape[0], shape[1]
    a = float(np.sqrt(6.0 / (fan_in + fan_out)))
    return jax.random.uniform(key, shape, dtype=jnp.float32, minval=-a, maxval=a)

def setup_inputs(seed: int = 0) -> dict:
    key = jax.random.key(seed)
    k_idx, k0, k1, k2 = jax.random.split(key, 4)
    edge_attr = jax.random.randint(k_idx, (E, 3), 0, 2, dtype=jnp.int64)
    W0 = _xavier_uniform(k0, (BOND_FEATURE_DIMS[0], EMB_DIM))
    W1 = _xavier_uniform(k1, (BOND_FEATURE_DIMS[1], EMB_DIM))
    W2 = _xavier_uniform(k2, (BOND_FEATURE_DIMS[2], EMB_DIM))
    return {"edge_attr": edge_attr, "W0": W0, "W1": W1, "W2": W2}

def reference(edge_attr, W0, W1, W2):
    # BondEncoder.forward: sum of per-column embedding lookups
    tables = [W0, W1, W2]
    bond_embedding = jnp.zeros((edge_attr.shape[0], W0.shape[1]), dtype=W0.dtype)
    for i in range(edge_attr.shape[1]):
        bond_embedding = bond_embedding + jnp.take(tables[i], edge_attr[:, i], axis=0)
    return bond_embedding

if __name__ == "__main__":
    import jax
    _d = setup_inputs()
    print(jax.jit(kernel)(*tuple(_d.values())))

</pallas_src>

<mosaic_0001>
#map = affine_map<(d0, d1) -> (0, 0)>
#map1 = affine_map<(d0, d1) -> (0)>
module attributes {stable_mosaic.version = 14 : i64} {
  func.func @gather(%arg0: i32, %arg1: i32, %arg2: memref<64x128xf32, #tpu.memory_space<hbm>>, %arg3: memref<960000xi32, #tpu.memory_space<hbm>>, %arg4: memref<320000x128xf32, #tpu.memory_space<hbm>>, %arg5: memref<64x128xf32, #tpu.memory_space<vmem_shared>>, %arg6: memref<1200xi32, #tpu.memory_space<vmem>>, %arg7: memref<1200xi32, #tpu.memory_space<vmem>>, %arg8: memref<400xi32, #tpu.memory_space<vmem>>, %arg9: memref<400xi32, #tpu.memory_space<vmem>>, %arg10: memref<400x128xf32, #tpu.memory_space<vmem>>, %arg11: memref<400x128xf32, #tpu.memory_space<vmem>>, %arg12: memref<!tpu.dma_semaphore, #tpu.memory_space<semaphore_mem>>, %arg13: memref<!tpu.dma_semaphore, #tpu.memory_space<semaphore_mem>>, %arg14: memref<!tpu.dma_semaphore, #tpu.memory_space<semaphore_mem>>, %arg15: memref<!tpu.dma_semaphore, #tpu.memory_space<semaphore_mem>>, %arg16: memref<!tpu.dma_semaphore, #tpu.memory_space<semaphore_mem>>, %arg17: memref<!tpu.dma_semaphore, #tpu.memory_space<semaphore_mem>>) attributes {dimension_semantics = [#tpu.dimension_semantics<core_parallel>, #tpu.dimension_semantics<subcore_parallel>], iteration_bounds = array<i64: 2, 16>, scalar_prefetch = 0 : i64, scratch_operands = 13 : i64, tpu.core_type = #tpu.core_type<sc_vector_subcore>, window_params = [{transform_indices = #map}, {transform_indices = #map1}, {transform_indices = #map}]} {
    %mul3A = arith.constant 2 : i32
    %mul3A_0 = arith.muli %arg1, %mul3A : i32
    %add3A = arith.addi %mul3A_0, %arg0 : i32
    %mul3A_1 = arith.constant 10000 : i32
    %mul3A_2 = arith.muli %add3A, %mul3A_1 : i32
    %mul3A_3 = arith.constant 25 : i32
    %mul3A_4 = arith.muli %add3A, %mul3A_3 : i32
    %mul3A_5 = arith.constant 3 : i32
    %mul3A_6 = arith.muli %mul3A_4, %mul3A_5 : i32
    %mul3A_7 = arith.constant 400 : i32
    %mul3A_8 = arith.muli %mul3A_6, %mul3A_7 : i32
    "tpu.region"() ({
      %run_scoped3A = tpu.sem_alloc : memref<!tpu.dma_semaphore, #tpu.memory_space<semaphore_mem>>
      tpu.enqueue_dma source(%arg2 : memref<64x128xf32, #tpu.memory_space<hbm>>) target(%arg5 : memref<64x128xf32, #tpu.memory_space<vmem_shared>>) target_semaphore(%run_scoped3A : memref<!tpu.dma_semaphore, #tpu.memory_space<semaphore_mem>>)
      tpu.wait_dma2 semaphore(%run_scoped3A : memref<!tpu.dma_semaphore, #tpu.memory_space<semaphore_mem>>) src(%arg2 : memref<64x128xf32, #tpu.memory_space<hbm>>) dst(%arg5 : memref<64x128xf32, #tpu.memory_space<vmem_shared>>)
      tpu.yield
    }) : () -> ()
    %add3A_9 = arith.constant 0 : i32
    %add3A_10 = arith.addi %mul3A_8, %add3A_9 : i32
    %dma_start3A = tpu.memref_slice %arg3[%add3A_10] : memref<960000xi32, #tpu.memory_space<hbm>> -> memref<1200xi32, #tpu.memory_space<hbm>>
    %dma_start3A_11 = tpu.memref_slice %arg3[%add3A_10] : memref<960000xi32, #tpu.memory_space<hbm>> -> memref<1200xi32, #tpu.memory_space<hbm>>
    tpu.enqueue_dma source(%dma_start3A_11 : memref<1200xi32, #tpu.memory_space<hbm>>) target(%arg6 : memref<1200xi32, #tpu.memory_space<vmem>>) target_semaphore(%arg12 : memref<!tpu.dma_semaphore, #tpu.memory_space<semaphore_mem>>)
    %add3A_12 = arith.constant 1200 : i32
    %add3A_13 = arith.addi %mul3A_8, %add3A_12 : i32
    %dma_start3A_14 = tpu.memref_slice %arg3[%add3A_13] : memref<960000xi32, #tpu.memory_space<hbm>> -> memref<1200xi32, #tpu.memory_space<hbm>>
    %dma_start3A_15 = tpu.memref_slice %arg3[%add3A_13] : memref<960000xi32, #tpu.memory_space<hbm>> -> memref<1200xi32, #tpu.memory_space<hbm>>
    tpu.enqueue_dma source(%dma_start3A_15 : memref<1200xi32, #tpu.memory_space<hbm>>) target(%arg7 : memref<1200xi32, #tpu.memory_space<vmem>>) target_semaphore(%arg13 : memref<!tpu.dma_semaphore, #tpu.memory_space<semaphore_mem>>)
    %dma_wait3A = tpu.memref_slice %arg3[%add3A_10] : memref<960000xi32, #tpu.memory_space<hbm>> -> memref<1200xi32, #tpu.memory_space<hbm>>
    %dma_wait3A_16 = tpu.memref_slice %arg3[%add3A_10] : memref<960000xi32, #tpu.memory_space<hbm>> -> memref<1200xi32, #tpu.memory_space<hbm>>
    tpu.wait_dma2 semaphore(%arg12 : memref<!tpu.dma_semaphore, #tpu.memory_space<semaphore_mem>>) src(%dma_wait3A_16 : memref<1200xi32, #tpu.memory_space<hbm>>) dst(%arg6 : memref<1200xi32, #tpu.memory_space<vmem>>)
    %scan3A = arith.constant 0 : i32
    %scan3A_17 = arith.constant 0 : i32
    %scan3A_18 = arith.constant 25 : i32
    %scan3A_19 = arith.addi %scan3A_17, %scan3A_18 : i32
    %scan3A_20 = arith.constant 1 : i32
    scf.for %scan3A_2556 = %scan3A_17 to %scan3A_19 step %scan3A_20  : i32 {
      %mul3A_2557 = arith.constant 16 : i32
      %mul3A_2558 = arith.muli %scan3A_2556, %mul3A_2557 : i32
      %get3A = arith.index_cast %mul3A_2558 : i32 to index
      %get3A_2559 = tpu.vector_load %arg6[%get3A] {strides = array<i32>} : memref<1200xi32, #tpu.memory_space<vmem>>, vector<16xi32>,
      %get3A_2560 = vector.shape_cast %get3A_2559 : vector<16xi32> to vector<16xi32>
      %add3A_2561 = arith.constant 400 : i32
      %add3A_2562 = arith.addi %add3A_2561, %mul3A_2558 : i32
      %get3A_2563 = arith.index_cast %add3A_2562 : i32 to index
      %get3A_2564 = tpu.vector_load %arg6[%get3A_2563] {strides = array<i32>} : memref<1200xi32, #tpu.memory_space<vmem>>, vector<16xi32>,
      %get3A_2565 = vector.shape_cast %get3A_2564 : vector<16xi32> to vector<16xi32>
      %add3A_2566 = arith.constant 800 : i32
      %add3A_2567 = arith.addi %add3A_2566, %mul3A_2558 : i32
      %get3A_2568 = arith.index_cast %add3A_2567 : i32 to index
      %get3A_2569 = tpu.vector_load %arg6[%get3A_2568] {strides = array<i32>} : memref<1200xi32, #tpu.memory_space<vmem>>, vector<16xi32>,
      %get3A_2570 = vector.shape_cast %get3A_2569 : vector<16xi32> to vector<16xi32>
      %mul3A_2571 = arith.constant 12 : i32
      %mul3A_2572 = vector.broadcast %mul3A_2571 : i32 to vector<16xi32>
      %mul3A_2573 = arith.muli %get3A_2560, %mul3A_2572 : vector<16xi32>
      %mul3A_2574 = arith.constant 2 : i32
      %mul3A_2575 = vector.broadcast %mul3A_2574 : i32 to vector<16xi32>
      %mul3A_2576 = arith.muli %get3A_2565, %mul3A_2575 : vector<16xi32>
      %add3A_2577 = arith.addi %mul3A_2573, %mul3A_2576 : vector<16xi32>
      %add3A_2578 = arith.addi %add3A_2577, %get3A_2570 : vector<16xi32>
      %swap3A = arith.index_cast %mul3A_2558 : i32 to index
      %swap3A_2579 = tpu.vector_load %arg8[%swap3A] {strides = array<i32>} : memref<400xi32, #tpu.memory_space<vmem>>, vector<16xi32>,
      %swap3A_2580 = vector.shape_cast %swap3A_2579 : vector<16xi32> to vector<16xi32>
      %swap3A_2581 = vector.shape_cast %add3A_2578 : vector<16xi32> to vector<16xi32>
      tpu.vector_store %arg8[%swap3A], %swap3A_2581 {strides = array<i32>} : memref<400xi32, #tpu.memory_space<vmem>>, vector<16xi32>,
    }
    %scan3A_21 = arith.constant 25 : i32
    %dma_start3A_22 = arith.constant 0 : i32
    %dma_start3A_23 = arith.constant 0 : i32
    %dma_start3A_24 = tpu.memref_slice %arg10[%dma_start3A_22, %dma_start3A_23] : memref<400x128xf32, #tpu.memory_space<vmem>> -> memref<80x128xf32, #tpu.memory_space<vmem>>
    %dma_start3A_25 = arith.constant 0 : i32
    %dma_start3A_26 = tpu.memref_slice %arg8[%dma_start3A_25] : memref<400xi32, #tpu.memory_space<vmem>> -> memref<80xi32, #tpu.memory_space<vmem>>
    %dma_start3A_27 = arith.constant 0 : i32
    %dma_start3A_28 = arith.constant 0 : i32
    %dma_start3A_29 = tpu.memref_slice %arg5[%dma_start3A_27, %dma_start3A_28] : memref<64x128xf32, #tpu.memory_space<vmem_shared>> -> memref<64x128xf32, #tpu.memory_space<vmem_shared>>
    tpu.enqueue_indirect_dma source(%dma_start3A_29 : memref<64x128xf32, #tpu.memory_space<vmem_shared>>) target(%dma_start3A_24 : memref<80x128xf32, #tpu.memory_space<vmem>>) offsets(%dma_start3A_26 : memref<80xi32, #tpu.memory_space<vmem>>) semaphore(%arg14 : memref<!tpu.dma_semaphore, #tpu.memory_space<semaphore_mem>>)
    %dma_start3A_30 = arith.constant 80 : i32
    %dma_start3A_31 = arith.constant 0 : i32
    %dma_start3A_32 = tpu.memref_slice %arg10[%dma_start3A_30, %dma_start3A_31] : memref<400x128xf32, #tpu.memory_space<vmem>> -> memref<80x128xf32, #tpu.memory_space<vmem>>
    %dma_start3A_33 = arith.constant 80 : i32
    %dma_start3A_34 = tpu.memref_slice %arg8[%dma_start3A_33] : memref<400xi32, #tpu.memory_space<vmem>> -> memref<80xi32, #tpu.memory_space<vmem>>
    %dma_start3A_35 = arith.constant 0 : i32
    %dma_start3A_36 = arith.constant 0 : i32
    %dma_start3A_37 = tpu.memref_slice %arg5[%dma_start3A_35, %dma_start3A_36] : memref<64x128xf32, #tpu.memory_space<vmem_shared>> -> memref<64x128xf32, #tpu.memory_space<vmem_shared>>
    tpu.enqueue_indirect_dma source(%dma_start3A_37 : memref<64x128xf32, #tpu.memory_space<vmem_shared>>) target(%dma_start3A_32 : memref<80x128xf32, #tpu.memory_space<vmem>>) offsets(%dma_start3A_34 : memref<80xi32, #tpu.memory_space<vmem>>) semaphore(%arg14 : memref<!tpu.dma_semaphore, #tpu.memory_space<semaphore_mem>>)
    %dma_start3A_38 = arith.constant 160 : i32
    %dma_start3A_39 = arith.constant 0 : i32
    %dma_start3A_40 = tpu.memref_slice %arg10[%dma_start3A_38, %dma_start3A_39] : memref<400x128xf32, #tpu.memory_space<vmem>> -> memref<80x128xf32, #tpu.memory_space<vmem>>
    %dma_start3A_41 = arith.constant 160 : i32
    %dma_start3A_42 = tpu.memref_slice %arg8[%dma_start3A_41] : memref<400xi32, #tpu.memory_space<vmem>> -> memref<80xi32, #tpu.memory_space<vmem>>
    %dma_start3A_43 = arith.constant 0 : i32
    %dma_start3A_44 = arith.constant 0 : i32
    %dma_start3A_45 = tpu.memref_slice %arg5[%dma_start3A_43, %dma_start3A_44] : memref<64x128xf32, #tpu.memory_space<vmem_shared>> -> memref<64x128xf32, #tpu.memory_space<vmem_shared>>
    tpu.enqueue_indirect_dma source(%dma_start3A_45 : memref<64x128xf32, #tpu.memory_space<vmem_shared>>) target(%dma_start3A_40 : memref<80x128xf32, #tpu.memory_space<vmem>>) offsets(%dma_start3A_42 : memref<80xi32, #tpu.memory_space<vmem>>) semaphore(%arg14 : memref<!tpu.dma_semaphore, #tpu.memory_space<semaphore_mem>>)
    %dma_start3A_46 = arith.constant 240 : i32
    %dma_start3A_47 = arith.constant 0 : i32
    %dma_start3A_48 = tpu.memref_slice %arg10[%dma_start3A_46, %dma_start3A_47] : memref<400x128xf32, #tpu.memory_space<vmem>> -> memref<80x128xf32, #tpu.memory_space<vmem>>
    %dma_start3A_49 = arith.constant 240 : i32
    %dma_start3A_50 = tpu.memref_slice %arg8[%dma_start3A_49] : memref<400xi32, #tpu.memory_space<vmem>> -> memref<80xi32, #tpu.memory_space<vmem>>
    %dma_start3A_51 = arith.constant 0 : i32
    %dma_start3A_52 = arith.constant 0 : i32
    %dma_start3A_53 = tpu.memref_slice %arg5[%dma_start3A_51, %dma_start3A_52] : memref<64x128xf32, #tpu.memory_space<vmem_shared>> -> memref<64x128xf32, #tpu.memory_space<vmem_shared>>
    tpu.enqueue_indirect_dma source(%dma_start3A_53 : memref<64x128xf32, #tpu.memory_space<vmem_shared>>) target(%dma_start3A_48 : memref<80x128xf32, #tpu.memory_space<vmem>>) offsets(%dma_start3A_50 : memref<80xi32, #tpu.memory_space<vmem>>) semaphore(%arg14 : memref<!tpu.dma_semaphore, #tpu.memory_space<semaphore_mem>>)
    %dma_start3A_54 = arith.constant 320 : i32
    %dma_start3A_55 = arith.constant 0 : i32
    %dma_start3A_56 = tpu.memref_slice %arg10[%dma_start3A_54, %dma_start3A_55] : memref<400x128xf32, #tpu.memory_space<vmem>> -> memref<80x128xf32, #tpu.memory_space<vmem>>
    %dma_start3A_57 = arith.constant 320 : i32
    %dma_start3A_58 = tpu.memref_slice %arg8[%dma_start3A_57] : memref<400xi32, #tpu.memory_space<vmem>> -> memref<80xi32, #tpu.memory_space<vmem>>
    %dma_start3A_59 = arith.constant 0 : i32
    %dma_start3A_60 = arith.constant 0 : i32
    %dma_start3A_61 = tpu.memref_slice %arg5[%dma_start3A_59, %dma_start3A_60] : memref<64x128xf32, #tpu.memory_space<vmem_shared>> -> memref<64x128xf32, #tpu.memory_space<vmem_shared>>
    tpu.enqueue_indirect_dma source(%dma_start3A_61 : memref<64x128xf32, #tpu.memory_space<vmem_shared>>) target(%dma_start3A_56 : memref<80x128xf32, #tpu.memory_space<vmem>>) offsets(%dma_start3A_58 : memref<80xi32, #tpu.memory_space<vmem>>) semaphore(%arg14 : memref<!tpu.dma_semaphore, #tpu.memory_space<semaphore_mem>>)
    %add3A_62 = arith.constant 2400 : i32
    %add3A_63 = arith.addi %mul3A_8, %add3A_62 : i32
    %dma_start3A_64 = tpu.memref_slice %arg3[%add3A_63] : memref<960000xi32, #tpu.memory_space<hbm>> -> memref<1200xi32, #tpu.memory_space<hbm>>
    %dma_start3A_65 = tpu.memref_slice %arg3[%add3A_63] : memref<960000xi32, #tpu.memory_space<hbm>> -> memref<1200xi32, #tpu.memory_space<hbm>>
    tpu.enqueue_dma source(%dma_start3A_65 : memref<1200xi32, #tpu.memory_space<hbm>>) target(%arg6 : memref<1200xi32, #tpu.memory_space<vmem>>) target_semaphore(%arg12 : memref<!tpu.dma_semaphore, #tpu.memory_space<semaphore_mem>>)
    %dma_wait3A_66 = tpu.memref_slice %arg3[%add3A_13] : memref<960000xi32, #tpu.memory_space<hbm>> -> memref<1200xi32, #tpu.memory_space<hbm>>
    %dma_wait3A_67 = tpu.memref_slice %arg3[%add3A_13] : memref<960000xi32, #tpu.memory_space<hbm>> -> memref<1200xi32, #tpu.memory_space<hbm>>
    tpu.wait_dma2 semaphore(%arg13 : memref<!tpu.dma_semaphore, #tpu.memory_space<semaphore_mem>>) src(%dma_wait3A_67 : memref<1200xi32, #tpu.memory_space<hbm>>) dst(%arg7 : memref<1200xi32, #tpu.memory_space<vmem>>)
    %scan3A_68 = arith.constant 0 : i32
    %scan3A_69 = arith.constant 0 : i32
    %scan3A_70 = arith.constant 25 : i32
    %scan3A_71 = arith.addi %scan3A_69, %scan3A_70 : i32
    %scan3A_72 = arith.constant 1 : i32
    scf.for %scan3A_2556 = %scan3A_69 to %scan3A_71 step %scan3A_72  : i32 {
      %mul3A_2557 = arith.constant 16 : i32
      %mul3A_2558 = arith.muli %scan3A_2556, %mul3A_2557 : i32
      %get3A = arith.index_cast %mul3A_2558 : i32 to index
      %get3A_2559 = tpu.vector_load %arg7[%get3A] {strides = array<i32>} : memref<1200xi32, #tpu.memory_space<vmem>>, vector<16xi32>,
      %get3A_2560 = vector.shape_cast %get3A_2559 : vector<16xi32> to vector<16xi32>
      %add3A_2561 = arith.constant 400 : i32
      %add3A_2562 = arith.addi %add3A_2561, %mul3A_2558 : i32
      %get3A_2563 = arith.index_cast %add3A_2562 : i32 to index
      %get3A_2564 = tpu.vector_load %arg7[%get3A_2563] {strides = array<i32>} : memref<1200xi32, #tpu.memory_space<vmem>>, vector<16xi32>,
      %get3A_2565 = vector.shape_cast %get3A_2564 : vector<16xi32> to vector<16xi32>
      %add3A_2566 = arith.constant 800 : i32
      %add3A_2567 = arith.addi %add3A_2566, %mul3A_2558 : i32
      %get3A_2568 = arith.index_cast %add3A_2567 : i32 to index
      %get3A_2569 = tpu.vector_load %arg7[%get3A_2568] {strides = array<i32>} : memref<1200xi32, #tpu.memory_space<vmem>>, vector<16xi32>,
      %get3A_2570 = vector.shape_cast %get3A_2569 : vector<16xi32> to vector<16xi32>
      %mul3A_2571 = arith.constant 12 : i32
      %mul3A_2572 = vector.broadcast %mul3A_2571 : i32 to vector<16xi32>
      %mul3A_2573 = arith.muli %get3A_2560, %mul3A_2572 : vector<16xi32>
      %mul3A_2574 = arith.constant 2 : i32
      %mul3A_2575 = vector.broadcast %mul3A_2574 : i32 to vector<16xi32>
      %mul3A_2576 = arith.muli %get3A_2565, %mul3A_2575 : vector<16xi32>
      %add3A_2577 = arith.addi %mul3A_2573, %mul3A_2576 : vector<16xi32>
      %add3A_2578 = arith.addi %add3A_2577, %get3A_2570 : vector<16xi32>
      %swap3A = arith.index_cast %mul3A_2558 : i32 to index
      %swap3A_2579 = tpu.vector_load %arg9[%swap3A] {strides = array<i32>} : memref<400xi32, #tpu.memory_space<vmem>>, vector<16xi32>,
      %swap3A_2580 = vector.shape_cast %swap3A_2579 : vector<16xi32> to vector<16xi32>
      %swap3A_2581 = vector.shape_cast %add3A_2578 : vector<16xi32> to vector<16xi32>
      tpu.vector_store %arg9[%swap3A], %swap3A_2581 {strides = array<i32>} : memref<400xi32, #tpu.memory_space<vmem>>, vector<16xi32>,
    }
    %scan3A_73 = arith.constant 25 : i32
    %dma_start3A_74 = arith.constant 0 : i32
    %dma_start3A_75 = arith.constant 0 : i32
    %dma_start3A_76 = tpu.memref_slice %arg11[%dma_start3A_74, %dma_start3A_75] : memref<400x128xf32, #tpu.memory_space<vmem>> -> memref<80x128xf32, #tpu.memory_space<vmem>>
    %dma_start3A_77 = arith.constant 0 : i32
    %dma_start3A_78 = tpu.memref_slice %arg9[%dma_start3A_77] : memref<400xi32, #tpu.memory_space<vmem>> -> memref<80xi32, #tpu.memory_space<vmem>>
    %dma_start3A_79 = arith.constant 0 : i32
    %dma_start3A_80 = arith.constant 0 : i32
    %dma_start3A_81 = tpu.memref_slice %arg5[%dma_start3A_79, %dma_start3A_80] : memref<64x128xf32, #tpu.memory_space<vmem_shared>> -> memref<64x128xf32, #tpu.memory_space<vmem_shared>>
    tpu.enqueue_indirect_dma source(%dma_start3A_81 : memref<64x128xf32, #tpu.memory_space<vmem_shared>>) target(%dma_start3A_76 : memref<80x128xf32, #tpu.memory_space<vmem>>) offsets(%dma_start3A_78 : memref<80xi32, #tpu.memory_space<vmem>>) semaphore(%arg15 : memref<!tpu.dma_semaphore, #tpu.memory_space<semaphore_mem>>)
    %dma_start3A_82 = arith.constant 80 : i32
    %dma_start3A_83 = arith.constant 0 : i32
    %dma_start3A_84 = tpu.memref_slice %arg11[%dma_start3A_82, %dma_start3A_83] : memref<400x128xf32, #tpu.memory_space<vmem>> -> memref<80x128xf32, #tpu.memory_space<vmem>>
    %dma_start3A_85 = arith.constant 80 : i32
    %dma_start3A_86 = tpu.memref_slice %arg9[%dma_start3A_85] : memref<400xi32, #tpu.memory_space<vmem>> -> memref<80xi32, #tpu.memory_space<vmem>>
    %dma_start3A_87 = arith.constant 0 : i32
    %dma_start3A_88 = arith.constant 0 : i32
    %dma_start3A_89 = tpu.memref_slice %arg5[%dma_start3A_87, %dma_start3A_88] : memref<64x128xf32, #tpu.memory_space<vmem_shared>> -> memref<64x128xf32, #tpu.memory_space<vmem_shared>>
    tpu.enqueue_indirect_dma source(%dma_start3A_89 : memref<64x128xf32, #tpu.memory_space<vmem_shared>>) target(%dma_start3A_84 : memref<80x128xf32, #tpu.memory_space<vmem>>) offsets(%dma_start3A_86 : memref<80xi32, #tpu.memory_space<vmem>>) semaphore(%arg15 : memref<!tpu.dma_semaphore, #tpu.memory_space<semaphore_mem>>)
    %dma_start3A_90 = arith.constant 160 : i32
    %dma_start3A_91 = arith.constant 0 : i32
    %dma_start3A_92 = tpu.memref_slice %arg11[%dma_start3A_90, %dma_start3A_91] : memref<400x128xf32, #tpu.memory_space<vmem>> -> memref<80x128xf32, #tpu.memory_space<vmem>>
    %dma_start3A_93 = arith.constant 160 : i32
    %dma_start3A_94 = tpu.memref_slice %arg9[%dma_start3A_93] : memref<400xi32, #tpu.memory_space<vmem>> -> memref<80xi32, #tpu.memory_space<vmem>>
    %dma_start3A_95 = arith.constant 0 : i32
    %dma_start3A_96 = arith.constant 0 : i32
    %dma_start3A_97 = tpu.memref_slice %arg5[%dma_start3A_95, %dma_start3A_96] : memref<64x128xf32, #tpu.memory_space<vmem_shared>> -> memref<64x128xf32, #tpu.memory_space<vmem_shared>>
    tpu.enqueue_indirect_dma source(%dma_start3A_97 : memref<64x128xf32, #tpu.memory_space<vmem_shared>>) target(%dma_start3A_92 : memref<80x128xf32, #tpu.memory_space<vmem>>) offsets(%dma_start3A_94 : memref<80xi32, #tpu.memory_space<vmem>>) semaphore(%arg15 : memref<!tpu.dma_semaphore, #tpu.memory_space<semaphore_mem>>)
    %dma_start3A_98 = arith.constant 240 : i32
    %dma_start3A_99 = arith.constant 0 : i32
    %dma_start3A_100 = tpu.memref_slice %arg11[%dma_start3A_98, %dma_start3A_99] : memref<400x128xf32, #tpu.memory_space<vmem>> -> memref<80x128xf32, #tpu.memory_space<vmem>>
    %dma_start3A_101 = arith.constant 240 : i32
    %dma_start3A_102 = tpu.memref_slice %arg9[%dma_start3A_101] : memref<400xi32, #tpu.memory_space<vmem>> -> memref<80xi32, #tpu.memory_space<vmem>>
    %dma_start3A_103 = arith.constant 0 : i32
    %dma_start3A_104 = arith.constant 0 : i32
    %dma_start3A_105 = tpu.memref_slice %arg5[%dma_start3A_103, %dma_start3A_104] : memref<64x128xf32, #tpu.memory_space<vmem_shared>> -> memref<64x128xf32, #tpu.memory_space<vmem_shared>>
    tpu.enqueue_indirect_dma source(%dma_start3A_105 : memref<64x128xf32, #tpu.memory_space<vmem_shared>>) target(%dma_start3A_100 : memref<80x128xf32, #tpu.memory_space<vmem>>) offsets(%dma_start3A_102 : memref<80xi32, #tpu.memory_space<vmem>>) semaphore(%arg15 : memref<!tpu.dma_semaphore, #tpu.memory_space<semaphore_mem>>)
    %dma_start3A_106 = arith.constant 320 : i32
    %dma_start3A_107 = arith.constant 0 : i32
    %dma_start3A_108 = tpu.memref_slice %arg11[%dma_start3A_106, %dma_start3A_107] : memref<400x128xf32, #tpu.memory_space<vmem>> -> memref<80x128xf32, #tpu.memory_space<vmem>>
    %dma_start3A_109 = arith.constant 320 : i32
    %dma_start3A_110 = tpu.memref_slice %arg9[%dma_start3A_109] : memref<400xi32, #tpu.memory_space<vmem>> -> memref<80xi32, #tpu.memory_space<vmem>>
    %dma_start3A_111 = arith.constant 0 : i32
    %dma_start3A_112 = arith.constant 0 : i32
    %dma_start3A_113 = tpu.memref_slice %arg5[%dma_start3A_111, %dma_start3A_112] : memref<64x128xf32, #tpu.memory_space<vmem_shared>> -> memref<64x128xf32, #tpu.memory_space<vmem_shared>>
    tpu.enqueue_indirect_dma source(%dma_start3A_113 : memref<64x128xf32, #tpu.memory_space<vmem_shared>>) target(%dma_start3A_108 : memref<80x128xf32, #tpu.memory_space<vmem>>) offsets(%dma_start3A_110 : memref<80xi32, #tpu.memory_space<vmem>>) semaphore(%arg15 : memref<!tpu.dma_semaphore, #tpu.memory_space<semaphore_mem>>)
    %dma_wait3A_114 = arith.constant 0 : i32
    %dma_wait3A_115 = arith.constant 0 : i32
    %dma_wait3A_116 = tpu.memref_slice %arg10[%dma_wait3A_114, %dma_wait3A_115] : memref<400x128xf32, #tpu.memory_space<vmem>> -> memref<80x128xf32, #tpu.memory_space<vmem>>
    %dma_wait3A_117 = arith.constant 0 : i32
    %dma_wait3A_118 = tpu.memref_slice %arg8[%dma_wait3A_117] : memref<400xi32, #tpu.memory_space<vmem>> -> memref<80xi32, #tpu.memory_space<vmem>>
    %dma_wait3A_119 = arith.constant 0 : i32
    %dma_wait3A_120 = arith.constant 0 : i32
    %dma_wait3A_121 = tpu.memref_slice %arg5[%dma_wait3A_119, %dma_wait3A_120] : memref<64x128xf32, #tpu.memory_space<vmem_shared>> -> memref<64x128xf32, #tpu.memory_space<vmem_shared>>
    tpu.wait_indirect_dma semaphore(%arg14 : memref<!tpu.dma_semaphore, #tpu.memory_space<semaphore_mem>>) src(%dma_wait3A_121 : memref<64x128xf32, #tpu.memory_space<vmem_shared>>) dst(%dma_wait3A_116 : memref<80x128xf32, #tpu.memory_space<vmem>>)
    %dma_wait3A_122 = arith.constant 80 : i32
    %dma_wait3A_123 = arith.constant 0 : i32
    %dma_wait3A_124 = tpu.memref_slice %arg10[%dma_wait3A_122, %dma_wait3A_123] : memref<400x128xf32, #tpu.memory_space<vmem>> -> memref<80x128xf32, #tpu.memory_space<vmem>>
    %dma_wait3A_125 = arith.constant 80 : i32
    %dma_wait3A_126 = tpu.memref_slice %arg8[%dma_wait3A_125] : memref<400xi32, #tpu.memory_space<vmem>> -> memref<80xi32, #tpu.memory_space<vmem>>
    %dma_wait3A_127 = arith.constant 0 : i32
    %dma_wait3A_128 = arith.constant 0 : i32
    %dma_wait3A_129 = tpu.memref_slice %arg5[%dma_wait3A_127, %dma_wait3A_128] : memref<64x128xf32, #tpu.memory_space<vmem_shared>> -> memref<64x128xf32, #tpu.memory_space<vmem_shared>>
    tpu.wait_indirect_dma semaphore(%arg14 : memref<!tpu.dma_semaphore, #tpu.memory_space<semaphore_mem>>) src(%dma_wait3A_129 : memref<64x128xf32, #tpu.memory_space<vmem_shared>>) dst(%dma_wait3A_124 : memref<80x128xf32, #tpu.memory_space<vmem>>)
    %dma_wait3A_130 = arith.constant 160 : i32
    %dma_wait3A_131 = arith.constant 0 : i32
    %dma_wait3A_132 = tpu.memref_slice %arg10[%dma_wait3A_130, %dma_wait3A_131] : memref<400x128xf32, #tpu.memory_space<vmem>> -> memref<80x128xf32, #tpu.memory_space<vmem>>
    %dma_wait3A_133 = arith.constant 160 : i32
    %dma_wait3A_134 = tpu.memref_slice %arg8[%dma_wait3A_133] : memref<400xi32, #tpu.memory_space<vmem>> -> memref<80xi32, #tpu.memory_space<vmem>>
    %dma_wait3A_135 = arith.constant 0 : i32
    %dma_wait3A_136 = arith.constant 0 : i32
    %dma_wait3A_137 = tpu.memref_slice %arg5[%dma_wait3A_135, %dma_wait3A_136] : memref<64x128xf32, #tpu.memory_space<vmem_shared>> -> memref<64x128xf32, #tpu.memory_space<vmem_shared>>
    tpu.wait_indirect_dma semaphore(%arg14 : memref<!tpu.dma_semaphore, #tpu.memory_space<semaphore_mem>>) src(%dma_wait3A_137 : memref<64x128xf32, #tpu.memory_space<vmem_shared>>) dst(%dma_wait3A_132 : memref<80x128xf32, #tpu.memory_space<vmem>>)
    %dma_wait3A_138 = arith.constant 240 : i32
    %dma_wait3A_139 = arith.constant 0 : i32
    %dma_wait3A_140 = tpu.memref_slice %arg10[%dma_wait3A_138, %dma_wait3A_139] : memref<400x128xf32, #tpu.memory_space<vmem>> -> memref<80x128xf32, #tpu.memory_space<vmem>>
    %dma_wait3A_141 = arith.constant 240 : i32
    %dma_wait3A_142 = tpu.memref_slice %arg8[%dma_wait3A_141] : memref<400xi32, #tpu.memory_space<vmem>> -> memref<80xi32, #tpu.memory_space<vmem>>
    %dma_wait3A_143 = arith.constant 0 : i32
    %dma_wait3A_144 = arith.constant 0 : i32
    %dma_wait3A_145 = tpu.memref_slice %arg5[%dma_wait3A_143, %dma_wait3A_144] : memref<64x128xf32, #tpu.memory_space<vmem_shared>> -> memref<64x128xf32, #tpu.memory_space<vmem_shared>>
    tpu.wait_indirect_dma semaphore(%arg14 : memref<!tpu.dma_semaphore, #tpu.memory_space<semaphore_mem>>) src(%dma_wait3A_145 : memref<64x128xf32, #tpu.memory_space<vmem_shared>>) dst(%dma_wait3A_140 : memref<80x128xf32, #tpu.memory_space<vmem>>)
    %dma_wait3A_146 = arith.constant 320 : i32
    %dma_wait3A_147 = arith.constant 0 : i32
    %dma_wait3A_148 = tpu.memref_slice %arg10[%dma_wait3A_146, %dma_wait3A_147] : memref<400x128xf32, #tpu.memory_space<vmem>> -> memref<80x128xf32, #tpu.memory_space<vmem>>
    %dma_wait3A_149 = arith.constant 320 : i32
    %dma_wait3A_150 = tpu.memref_slice %arg8[%dma_wait3A_149] : memref<400xi32, #tpu.memory_space<vmem>> -> memref<80xi32, #tpu.memory_space<vmem>>
    %dma_wait3A_151 = arith.constant 0 : i32
    %dma_wait3A_152 = arith.constant 0 : i32
    %dma_wait3A_153 = tpu.memref_slice %arg5[%dma_wait3A_151, %dma_wait3A_152] : memref<64x128xf32, #tpu.memory_space<vmem_shared>> -> memref<64x128xf32, #tpu.memory_space<vmem_shared>>
    tpu.wait_indirect_dma semaphore(%arg14 : memref<!tpu.dma_semaphore, #tpu.memory_space<semaphore_mem>>) src(%dma_wait3A_153 : memref<64x128xf32, #tpu.memory_space<vmem_shared>>) dst(%dma_wait3A_148 : memref<80x128xf32, #tpu.memory_space<vmem>>)
    %add3A_154 = arith.constant 0 : i32
    %add3A_155 = arith.addi %mul3A_2, %add3A_154 : i32
    %dma_start3A_156 = arith.constant 0 : i32
    %dma_start3A_157 = tpu.memref_slice %arg4[%add3A_155, %dma_start3A_156] : memref<320000x128xf32, #tpu.memory_space<hbm>> -> memref<400x128xf32, #tpu.memory_space<hbm>>
    %dma_start3A_158 = arith.constant 0 : i32
    %dma_start3A_159 = tpu.memref_slice %arg4[%add3A_155, %dma_start3A_158] : memref<320000x128xf32, #tpu.memory_space<hbm>> -> memref<400x128xf32, #tpu.memory_space<hbm>>
    tpu.enqueue_dma source(%arg10 : memref<400x128xf32, #tpu.memory_space<vmem>>) target(%dma_start3A_159 : memref<400x128xf32, #tpu.memory_space<hbm>>) target_semaphore(%arg16 : memref<!tpu.dma_semaphore, #tpu.memory_space<semaphore_mem>>)
    %add3A_160 = arith.constant 3600 : i32
    %add3A_161 = arith.addi %mul3A_8, %add3A_160 : i32
    %dma_start3A_162 = tpu.memref_slice %arg3[%add3A_161] : memref<960000xi32, #tpu.memory_space<hbm>> -> memref<1200xi32, #tpu.memory_space<hbm>>
    %dma_start3A_163 = tpu.memref_slice %arg3[%add3A_161] : memref<960000xi32, #tpu.memory_space<hbm>> -> memref<1200xi32, #tpu.memory_space<hbm>>
    tpu.enqueue_dma source(%dma_start3A_163 : memref<1200xi32, #tpu.memory_space<hbm>>) target(%arg7 : memref<1200xi32, #tpu.memory_space<vmem>>) target_semaphore(%arg13 : memref<!tpu.dma_semaphore, #tpu.memory_space<semaphore_mem>>)
    %dma_wait3A_164 = tpu.memref_slice %arg3[%add3A_63] : memref<960000xi32, #tpu.memory_space<hbm>> -> memref<1200xi32, #tpu.memory_space<hbm>>
    %dma_wait3A_165 = tpu.memref_slice %arg3[%add3A_63] : memref<960000xi32, #tpu.memory_space<hbm>> -> memref<1200xi32, #tpu.memory_space<hbm>>
    tpu.wait_dma2 semaphore(%arg12 : memref<!tpu.dma_semaphore, #tpu.memory_space<semaphore_mem>>) src(%dma_wait3A_165 : memref<1200xi32, #tpu.memory_space<hbm>>) dst(%arg6 : memref<1200xi32, #tpu.memory_space<vmem>>)
    %scan3A_166 = arith.constant 0 : i32
    %scan3A_167 = arith.constant 0 : i32
    %scan3A_168 = arith.constant 25 : i32
    %scan3A_169 = arith.addi %scan3A_167, %scan3A_168 : i32
    %scan3A_170 = arith.constant 1 : i32
    scf.for %scan3A_2556 = %scan3A_167 to %scan3A_169 step %scan3A_170  : i32 {
      %mul3A_2557 = arith.constant 16 : i32
      %mul3A_2558 = arith.muli %scan3A_2556, %mul3A_2557 : i32
      %get3A = arith.index_cast %mul3A_2558 : i32 to index
      %get3A_2559 = tpu.vector_load %arg6[%get3A] {strides = array<i32>} : memref<1200xi32, #tpu.memory_space<vmem>>, vector<16xi32>,
      %get3A_2560 = vector.shape_cast %get3A_2559 : vector<16xi32> to vector<16xi32>
      %add3A_2561 = arith.constant 400 : i32
      %add3A_2562 = arith.addi %add3A_2561, %mul3A_2558 : i32
      %get3A_2563 = arith.index_cast %add3A_2562 : i32 to index
      %get3A_2564 = tpu.vector_load %arg6[%get3A_2563] {strides = array<i32>} : memref<1200xi32, #tpu.memory_space<vmem>>, vector<16xi32>,
      %get3A_2565 = vector.shape_cast %get3A_2564 : vector<16xi32> to vector<16xi32>
      %add3A_2566 = arith.constant 800 : i32
      %add3A_2567 = arith.addi %add3A_2566, %mul3A_2558 : i32
      %get3A_2568 = arith.index_cast %add3A_2567 : i32 to index
      %get3A_2569 = tpu.vector_load %arg6[%get3A_2568] {strides = array<i32>} : memref<1200xi32, #tpu.memory_space<vmem>>, vector<16xi32>,
      %get3A_2570 = vector.shape_cast %get3A_2569 : vector<16xi32> to vector<16xi32>
      %mul3A_2571 = arith.constant 12 : i32
      %mul3A_2572 = vector.broadcast %mul3A_2571 : i32 to vector<16xi32>
      %mul3A_2573 = arith.muli %get3A_2560, %mul3A_2572 : vector<16xi32>
      %mul3A_2574 = arith.constant 2 : i32
      %mul3A_2575 = vector.broadcast %mul3A_2574 : i32 to vector<16xi32>
      %mul3A_2576 = arith.muli %get3A_2565, %mul3A_2575 : vector<16xi32>
      %add3A_2577 = arith.addi %mul3A_2573, %mul3A_2576 : vector<16xi32>
      %add3A_2578 = arith.addi %add3A_2577, %get3A_2570 : vector<16xi32>
      %swap3A = arith.index_cast %mul3A_2558 : i32 to index
      %swap3A_2579 = tpu.vector_load %arg8[%swap3A] {strides = array<i32>} : memref<400xi32, #tpu.memory_space<vmem>>, vector<16xi32>,
      %swap3A_2580 = vector.shape_cast %swap3A_2579 : vector<16xi32> to vector<16xi32>
      %swap3A_2581 = vector.shape_cast %add3A_2578 : vector<16xi32> to vector<16xi32>
      tpu.vector_store %arg8[%swap3A], %swap3A_2581 {strides = array<i32>} : memref<400xi32, #tpu.memory_space<vmem>>, vector<16xi32>,
    }
    %scan3A_171 = arith.constant 25 : i32
    %dma_wait3A_172 = arith.constant 0 : i32
    %dma_wait3A_173 = tpu.memref_slice %arg4[%add3A_155, %dma_wait3A_172] : memref<320000x128xf32, #tpu.memory_space<hbm>> -> memref<400x128xf32, #tpu.memory_space<hbm>>
    %dma_wait3A_174 = arith.constant 0 : i32
    %dma_wait3A_175 = tpu.memref_slice %arg4[%add3A_155, %dma_wait3A_174] : memref<320000x128xf32, #tpu.memory_space<hbm>> -> memref<400x128xf32, #tpu.memory_space<hbm>>
    tpu.wait_dma2 semaphore(%arg16 : memref<!tpu.dma_semaphore, #tpu.memory_space<semaphore_mem>>) src(%arg10 : memref<400x128xf32, #tpu.memory_space<vmem>>) dst(%dma_wait3A_175 : memref<400x128xf32, #tpu.memory_space<hbm>>)
    %dma_start3A_176 = arith.constant 0 : i32
    %dma_start3A_177 = arith.constant 0 : i32
    %dma_start3A_178 = tpu.memref_slice %arg10[%dma_start3A_176, %dma_start3A_177] : memref<400x128xf32, #tpu.memory_space<vmem>> -> memref<80x128xf32, #tpu.memory_space<vmem>>
    %dma_start3A_179 = arith.constant 0 : i32
    %dma_start3A_180 = tpu.memref_slice %arg8[%dma_start3A_179] : memref<400xi32, #tpu.memory_space<vmem>> -> memref<80xi32, #tpu.memory_space<vmem>>
    %dma_start3A_181 = arith.constant 0 : i32
    %dma_start3A_182 = arith.constant 0 : i32
    %dma_start3A_183 = tpu.memref_slice %arg5[%dma_start3A_181, %dma_start3A_182] : memref<64x128xf32, #tpu.memory_space<vmem_shared>> -> memref<64x128xf32, #tpu.memory_space<vmem_shared>>
    tpu.enqueue_indirect_dma source(%dma_start3A_183 : memref<64x128xf32, #tpu.memory_space<vmem_shared>>) target(%dma_start3A_178 : memref<80x128xf32, #tpu.memory_space<vmem>>) offsets(%dma_start3A_180 : memref<80xi32, #tpu.memory_space<vmem>>) semaphore(%arg14 : memref<!tpu.dma_semaphore, #tpu.memory_space<semaphore_mem>>)
    %dma_start3A_184 = arith.constant 80 : i32
    %dma_start3A_185 = arith.constant 0 : i32
    %dma_start3A_186 = tpu.memref_slice %arg10[%dma_start3A_184, %dma_start3A_185] : memref<400x128xf32, #tpu.memory_space<vmem>> -> memref<80x128xf32, #tpu.memory_space<vmem>>
    %dma_start3A_187 = arith.constant 80 : i32
    %dma_start3A_188 = tpu.memref_slice %arg8[%dma_start3A_187] : memref<400xi32, #tpu.memory_space<vmem>> -> memref<80xi32, #tpu.memory_space<vmem>>
    %dma_start3A_189 = arith.constant 0 : i32
    %dma_start3A_190 = arith.constant 0 : i32
    %dma_start3A_191 = tpu.memref_slice %arg5[%dma_start3A_189, %dma_start3A_190] : memref<64x128xf32, #tpu.memory_space<vmem_shared>> -> memref<64x128xf32, #tpu.memory_space<vmem_shared>>
    tpu.enqueue_indirect_dma source(%dma_start3A_191 : memref<64x128xf32, #tpu.memory_space<vmem_shared>>) target(%dma_start3A_186 : memref<80x128xf32, #tpu.memory_space<vmem>>) offsets(%dma_start3A_188 : memref<80xi32, #tpu.memory_space<vmem>>) semaphore(%arg14 : memref<!tpu.dma_semaphore, #tpu.memory_space<semaphore_mem>>)
    %dma_start3A_192 = arith.constant 160 : i32
    %dma_start3A_193 = arith.constant 0 : i32
    %dma_start3A_194 = tpu.memref_slice %arg10[%dma_start3A_192, %dma_start3A_193] : memref<400x128xf32, #tpu.memory_space<vmem>> -> memref<80x128xf32, #tpu.memory_space<vmem>>
    %dma_start3A_195 = arith.constant 160 : i32
    %dma_start3A_196 = tpu.memref_slice %arg8[%dma_start3A_195] : memref<400xi32, #tpu.memory_space<vmem>> -> memref<80xi32, #tpu.memory_space<vmem>>
    %dma_start3A_197 = arith.constant 0 : i32
    %dma_start3A_198 = arith.constant 0 : i32
    %dma_start3A_199 = tpu.memref_slice %arg5[%dma_start3A_197, %dma_start3A_198] : memref<64x128xf32, #tpu.memory_space<vmem_shared>> -> memref<64x128xf32, #tpu.memory_space<vmem_shared>>
    tpu.enqueue_indirect_dma source(%dma_start3A_199 : memref<64x128xf32, #tpu.memory_space<vmem_shared>>) target(%dma_start3A_194 : memref<80x128xf32, #tpu.memory_space<vmem>>) offsets(%dma_start3A_196 : memref<80xi32, #tpu.memory_space<vmem>>) semaphore(%arg14 : memref<!tpu.dma_semaphore, #tpu.memory_space<semaphore_mem>>)
    %dma_start3A_200 = arith.constant 240 : i32
    %dma_start3A_201 = arith.constant 0 : i32
    %dma_start3A_202 = tpu.memref_slice %arg10[%dma_start3A_200, %dma_start3A_201] : memref<400x128xf32, #tpu.memory_space<vmem>> -> memref<80x128xf32, #tpu.memory_space<vmem>>
    %dma_start3A_203 = arith.constant 240 : i32
    %dma_start3A_204 = tpu.memref_slice %arg8[%dma_start3A_203] : memref<400xi32, #tpu.memory_space<vmem>> -> memref<80xi32, #tpu.memory_space<vmem>>
    %dma_start3A_205 = arith.constant 0 : i32
    %dma_start3A_206 = arith.constant 0 : i32
    %dma_start3A_207 = tpu.memref_slice %arg5[%dma_start3A_205, %dma_start3A_206] : memref<64x128xf32, #tpu.memory_space<vmem_shared>> -> memref<64x128xf32, #tpu.memory_space<vmem_shared>>
    tpu.enqueue_indirect_dma source(%dma_start3A_207 : memref<64x128xf32, #tpu.memory_space<vmem_shared>>) target(%dma_start3A_202 : memref<80x128xf32, #tpu.memory_space<vmem>>) offsets(%dma_start3A_204 : memref<80xi32, #tpu.memory_space<vmem>>) semaphore(%arg14 : memref<!tpu.dma_semaphore, #tpu.memory_space<semaphore_mem>>)
    %dma_start3A_208 = arith.constant 320 : i32
    %dma_start3A_209 = arith.constant 0 : i32
    %dma_start3A_210 = tpu.memref_slice %arg10[%dma_start3A_208, %dma_start3A_209] : memref<400x128xf32, #tpu.memory_space<vmem>> -> memref<80x128xf32, #tpu.memory_space<vmem>>
    %dma_start3A_211 = arith.constant 320 : i32
    %dma_start3A_212 = tpu.memref_slice %arg8[%dma_start3A_211] : memref<400xi32, #tpu.memory_space<vmem>> -> memref<80xi32, #tpu.memory_space<vmem>>
    %dma_start3A_213 = arith.constant 0 : i32
    %dma_start3A_214 = arith.constant 0 : i32
    %dma_start3A_215 = tpu.memref_slice %arg5[%dma_start3A_213, %dma_start3A_214] : memref<64x128xf32, #tpu.memory_space<vmem_shared>> -> memref<64x128xf32, #tpu.memory_space<vmem_shared>>
    tpu.enqueue_indirect_dma source(%dma_start3A_215 : memref<64x128xf32, #tpu.memory_space<vmem_shared>>) target(%dma_start3A_210 : memref<80x128xf32, #tpu.memory_space<vmem>>) offsets(%dma_start3A_212 : memref<80xi32, #tpu.memory_space<vmem>>) semaphore(%arg14 : memref<!tpu.dma_semaphore, #tpu.memory_space<semaphore_mem>>)
    %dma_wait3A_216 = arith.constant 0 : i32
    %dma_wait3A_217 = arith.constant 0 : i32
    %dma_wait3A_218 = tpu.memref_slice %arg11[%dma_wait3A_216, %dma_wait3A_217] : memref<400x128xf32, #tpu.memory_space<vmem>> -> memref<80x128xf32, #tpu.memory_space<vmem>>
    %dma_wait3A_219 = arith.constant 0 : i32
    %dma_wait3A_220 = tpu.memref_slice %arg9[%dma_wait3A_219] : memref<400xi32, #tpu.memory_space<vmem>> -> memref<80xi32, #tpu.memory_space<vmem>>
    %dma_wait3A_221 = arith.constant 0 : i32
    %dma_wait3A_222 = arith.constant 0 : i32
    %dma_wait3A_223 = tpu.memref_slice %arg5[%dma_wait3A_221, %dma_wait3A_222] : memref<64x128xf32, #tpu.memory_space<vmem_shared>> -> memref<64x128xf32, #tpu.memory_space<vmem_shared>>
    tpu.wait_indirect_dma semaphore(%arg15 : memref<!tpu.dma_semaphore, #tpu.memory_space<semaphore_mem>>) src(%dma_wait3A_223 : memref<64x128xf32, #tpu.memory_space<vmem_shared>>) dst(%dma_wait3A_218 : memref<80x128xf32, #tpu.memory_space<vmem>>)
    %dma_wait3A_224 = arith.constant 80 : i32
    %dma_wait3A_225 = arith.constant 0 : i32
    %dma_wait3A_226 = tpu.memref_slice %arg11[%dma_wait3A_224, %dma_wait3A_225] : memref<400x128xf32, #tpu.memory_space<vmem>> -> memref<80x128xf32, #tpu.memory_space<vmem>>
    %dma_wait3A_227 = arith.constant 80 : i32
    %dma_wait3A_228 = tpu.memref_slice %arg9[%dma_wait3A_227] : memref<400xi32, #tpu.memory_space<vmem>> -> memref<80xi32, #tpu.memory_space<vmem>>
    %dma_wait3A_229 = arith.constant 0 : i32
    %dma_wait3A_230 = arith.constant 0 : i32
    %dma_wait3A_231 = tpu.memref_slice %arg5[%dma_wait3A_229, %dma_wait3A_230] : memref<64x128xf32, #tpu.memory_space<vmem_shared>> -> memref<64x128xf32, #tpu.memory_space<vmem_shared>>
    tpu.wait_indirect_dma semaphore(%arg15 : memref<!tpu.dma_semaphore, #tpu.memory_space<semaphore_mem>>) src(%dma_wait3A_231 : memref<64x128xf32, #tpu.memory_space<vmem_shared>>) dst(%dma_wait3A_226 : memref<80x128xf32, #tpu.memory_space<vmem>>)
    %dma_wait3A_232 = arith.constant 160 : i32
    %dma_wait3A_233 = arith.constant 0 : i32
    %dma_wait3A_234 = tpu.memref_slice %arg11[%dma_wait3A_232, %dma_wait3A_233] : memref<400x128xf32, #tpu.memory_space<vmem>> -> memref<80x128xf32, #tpu.memory_space<vmem>>
    %dma_wait3A_235 = arith.constant 160 : i32
    %dma_wait3A_236 = tpu.memref_slice %arg9[%dma_wait3A_235] : memref<400xi32, #tpu.memory_space<vmem>> -> memref<80xi32, #tpu.memory_space<vmem>>
    %dma_wait3A_237 = arith.constant 0 : i32
    %dma_wait3A_238 = arith.constant 0 : i32
    %dma_wait3A_239 = tpu.memref_slice %arg5[%dma_wait3A_237, %dma_wait3A_238] : memref<64x128xf32, #tpu.memory_space<vmem_shared>> -> memref<64x128xf32, #tpu.memory_space<vmem_shared>>
    tpu.wait_indirect_dma semaphore(%arg15 : memref<!tpu.dma_semaphore, #tpu.memory_space<semaphore_mem>>) src(%dma_wait3A_239 : memref<64x128xf32, #tpu.memory_space<vmem_shared>>) dst(%dma_wait3A_234 : memref<80x128xf32, #tpu.memory_space<vmem>>)
    %dma_wait3A_240 = arith.constant 240 : i32
    %dma_wait3A_241 = arith.constant 0 : i32
    %dma_wait3A_242 = tpu.memref_slice %arg11[%dma_wait3A_240, %dma_wait3A_241] : memref<400x128xf32, #tpu.memory_space<vmem>> -> memref<80x128xf32, #tpu.memory_space<vmem>>
    %dma_wait3A_243 = arith.constant 240 : i32
    %dma_wait3A_244 = tpu.memref_slice %arg9[%dma_wait3A_243] : memref<400xi32, #tpu.memory_space<vmem>> -> memref<80xi32, #tpu.memory_space<vmem>>
    %dma_wait3A_245 = arith.constant 0 : i32
    %dma_wait3A_246 = arith.constant 0 : i32
    %dma_wait3A_247 = tpu.memref_slice %arg5[%dma_wait3A_245, %dma_wait3A_246] : memref<64x128xf32, #tpu.memory_space<vmem_shared>> -> memref<64x128xf32, #tpu.memory_space<vmem_shared>>
    tpu.wait_indirect_dma semaphore(%arg15 : memref<!tpu.dma_semaphore, #tpu.memory_space<semaphore_mem>>) src(%dma_wait3A_247 : memref<64x128xf32, #tpu.memory_space<vmem_shared>>) dst(%dma_wait3A_242 : memref<80x128xf32, #tpu.memory_space<vmem>>)
    %dma_wait3A_248 = arith.constant 320 : i32
    %dma_wait3A_249 = arith.constant 0 : i32
    %dma_wait3A_250 = tpu.memref_slice %arg11[%dma_wait3A_248, %dma_wait3A_249] : memref<400x128xf32, #tpu.memory_space<vmem>> -> memref<80x128xf32, #tpu.memory_space<vmem>>
    %dma_wait3A_251 = arith.constant 320 : i32
    %dma_wait3A_252 = tpu.memref_slice %arg9[%dma_wait3A_251] : memref<400xi32, #tpu.memory_space<vmem>> -> memref<80xi32, #tpu.memory_space<vmem>>
    %dma_wait3A_253 = arith.constant 0 : i32
    %dma_wait3A_254 = arith.constant 0 : i32
    %dma_wait3A_255 = tpu.memref_slice %arg5[%dma_wait3A_253, %dma_wait3A_254] : memref<64x128xf32, #tpu.memory_space<vmem_shared>> -> memref<64x128xf32, #tpu.memory_space<vmem_shared>>
    tpu.wait_indirect_dma semaphore(%arg15 : memref<!tpu.dma_semaphore, #tpu.memory_space<semaphore_mem>>) src(%dma_wait3A_255 : memref<64x128xf32, #tpu.memory_space<vmem_shared>>) dst(%dma_wait3A_250 : memref<80x128xf32, #tpu.memory_space<vmem>>)
    %add3A_256 = arith.constant 400 : i32
    %add3A_257 = arith.addi %mul3A_2, %add3A_256 : i32
    %dma_start3A_258 = arith.constant 0 : i32
    %dma_start3A_259 = tpu.memref_slice %arg4[%add3A_257, %dma_start3A_258] : memref<320000x128xf32, #tpu.memory_space<hbm>> -> memref<400x128xf32, #tpu.memory_space<hbm>>
    %dma_start3A_260 = arith.constant 0 : i32
    %dma_start3A_261 = tpu.memref_slice %arg4[%add3A_257, %dma_start3A_260] : memref<320000x128xf32, #tpu.memory_space<hbm>> -> memref<400x128xf32, #tpu.memory_space<hbm>>
    tpu.enqueue_dma source(%arg11 : memref<400x128xf32, #tpu.memory_space<vmem>>) target(%dma_start3A_261 : memref<400x128xf32, #tpu.memory_space<hbm>>) target_semaphore(%arg17 : memref<!tpu.dma_semaphore, #tpu.memory_space<semaphore_mem>>)
    %add3A_262 = arith.constant 4800 : i32
    %add3A_263 = arith.addi %mul3A_8, %add3A_262 : i32
    %dma_start3A_264 = tpu.memref_slice %arg3[%add3A_263] : memref<960000xi32, #tpu.memory_space<hbm>> -> memref<1200xi32, #tpu.memory_space<hbm>>
    %dma_start3A_265 = tpu.memref_slice %arg3[%add3A_263] : memref<960000xi32, #tpu.memory_space<hbm>> -> memref<1200xi32, #tpu.memory_space<hbm>>
    tpu.enqueue_dma source(%dma_start3A_265 : memref<1200xi32, #tpu.memory_space<hbm>>) target(%arg6 : memref<1200xi32, #tpu.memory_space<vmem>>) target_semaphore(%arg12 : memref<!tpu.dma_semaphore, #tpu.memory_space<semaphore_mem>>)
    %dma_wait3A_266 = tpu.memref_slice %arg3[%add3A_161] : memref<960000xi32, #tpu.memory_space<hbm>> -> memref<1200xi32, #tpu.memory_space<hbm>>
    %dma_wait3A_267 = tpu.memref_slice %arg3[%add3A_161] : memref<960000xi32, #tpu.memory_space<hbm>> -> memref<1200xi32, #tpu.memory_space<hbm>>
    tpu.wait_dma2 semaphore(%arg13 : memref<!tpu.dma_semaphore, #tpu.memory_space<semaphore_mem>>) src(%dma_wait3A_267 : memref<1200xi32, #tpu.memory_space<hbm>>) dst(%arg7 : memref<1200xi32, #tpu.memory_space<vmem>>)
    %scan3A_268 = arith.constant 0 : i32
    %scan3A_269 = arith.constant 0 : i32
    %scan3A_270 = arith.constant 25 : i32
    %scan3A_271 = arith.addi %scan3A_269, %scan3A_270 : i32
    %scan3A_272 = arith.constant 1 : i32
    scf.for %scan3A_2556 = %scan3A_269 to %scan3A_271 step %scan3A_272  : i32 {
      %mul3A_2557 = arith.constant 16 : i32
      %mul3A_2558 = arith.muli %scan3A_2556, %mul3A_2557 : i32
      %get3A = arith.index_cast %mul3A_2558 : i32 to index
      %get3A_2559 = tpu.vector_load %arg7[%get3A] {strides = array<i32>} : memref<1200xi32, #tpu.memory_space<vmem>>, vector<16xi32>,
      %get3A_2560 = vector.shape_cast %get3A_2559 : vector<16xi32> to vector<16xi32>
      %add3A_2561 = arith.constant 400 : i32
      %add3A_2562 = arith.addi %add3A_2561, %mul3A_2558 : i32
      %get3A_2563 = arith.index_cast %add3A_2562 : i32 to index
      %get3A_2564 = tpu.vector_load %arg7[%get3A_2563] {strides = array<i32>} : memref<1200xi32, #tpu.memory_space<vmem>>, vector<16xi32>,
      %get3A_2565 = vector.shape_cast %get3A_2564 : vector<16xi32> to vector<16xi32>
      %add3A_2566 = arith.constant 800 : i32
      %add3A_2567 = arith.addi %add3A_2566, %mul3A_2558 : i32
      %get3A_2568 = arith.index_cast %add3A_2567 : i32 to index
      %get3A_2569 = tpu.vector_load %arg7[%get3A_2568] {strides = array<i32>} : memref<1200xi32, #tpu.memory_space<vmem>>, vector<16xi32>,
      %get3A_2570 = vector.shape_cast %get3A_2569 : vector<16xi32> to vector<16xi32>
      %mul3A_2571 = arith.constant 12 : i32
      %mul3A_2572 = vector.broadcast %mul3A_2571 : i32 to vector<16xi32>
      %mul3A_2573 = arith.muli %get3A_2560, %mul3A_2572 : vector<16xi32>
      %mul3A_2574 = arith.constant 2 : i32
      %mul3A_2575 = vector.broadcast %mul3A_2574 : i32 to vector<16xi32>
      %mul3A_2576 = arith.muli %get3A_2565, %mul3A_2575 : vector<16xi32>
      %add3A_2577 = arith.addi %mul3A_2573, %mul3A_2576 : vector<16xi32>
      %add3A_2578 = arith.addi %add3A_2577, %get3A_2570 : vector<16xi32>
      %swap3A = arith.index_cast %mul3A_2558 : i32 to index
      %swap3A_2579 = tpu.vector_load %arg9[%swap3A] {strides = array<i32>} : memref<400xi32, #tpu.memory_space<vmem>>, vector<16xi32>,
      %swap3A_2580 = vector.shape_cast %swap3A_2579 : vector<16xi32> to vector<16xi32>
      %swap3A_2581 = vector.shape_cast %add3A_2578 : vector<16xi32> to vector<16xi32>
      tpu.vector_store %arg9[%swap3A], %swap3A_2581 {strides = array<i32>} : memref<400xi32, #tpu.memory_space<vmem>>, vector<16xi32>,
    }
    %scan3A_273 = arith.constant 25 : i32
    %dma_wait3A_274 = arith.constant 0 : i32
    %dma_wait3A_275 = tpu.memref_slice %arg4[%add3A_257, %dma_wait3A_274] : memref<320000x128xf32, #tpu.memory_space<hbm>> -> memref<400x128xf32, #tpu.memory_space<hbm>>
    %dma_wait3A_276 = arith.constant 0 : i32
    %dma_wait3A_277 = tpu.memref_slice %arg4[%add3A_257, %dma_wait3A_276] : memref<320000x128xf32, #tpu.memory_space<hbm>> -> memref<400x128xf32, #tpu.memory_space<hbm>>
    tpu.wait_dma2 semaphore(%arg17 : memref<!tpu.dma_semaphore, #tpu.memory_space<semaphore_mem>>) src(%arg11 : memref<400x128xf32, #tpu.memory_space<vmem>>) dst(%dma_wait3A_277 : memref<400x128xf32, #tpu.memory_space<hbm>>)
    %dma_start3A_278 = arith.constant 0 : i32
    %dma_start3A_279 = arith.constant 0 : i32
    %dma_start3A_280 = tpu.memref_slice %arg11[%dma_start3A_278, %dma_start3A_279] : memref<400x128xf32, #tpu.memory_space<vmem>> -> memref<80x128xf32, #tpu.memory_space<vmem>>
    %dma_start3A_281 = arith.constant 0 : i32
    %dma_start3A_282 = tpu.memref_slice %arg9[%dma_start3A_281] : memref<400xi32, #tpu.memory_space<vmem>> -> memref<80xi32, #tpu.memory_space<vmem>>
    %dma_start3A_283 = arith.constant 0 : i32
    %dma_start3A_284 = arith.constant 0 : i32
    %dma_start3A_285 = tpu.memref_slice %arg5[%dma_start3A_283, %dma_start3A_284] : memref<64x128xf32, #tpu.memory_space<vmem_shared>> -> memref<64x128xf32, #tpu.memory_space<vmem_shared>>
    tpu.enqueue_indirect_dma source(%dma_start3A_285 : memref<64x128xf32, #tpu.memory_space<vmem_shared>>) target(%dma_start3A_280 : memref<80x128xf32, #tpu.memory_space<vmem>>) offsets(%dma_start3A_282 : memref<80xi32, #tpu.memory_space<vmem>>) semaphore(%arg15 : memref<!tpu.dma_semaphore, #tpu.memory_space<semaphore_mem>>)
    %dma_start3A_286 = arith.constant 80 : i32
    %dma_start3A_287 = arith.constant 0 : i32
    %dma_start3A_288 = tpu.memref_slice %arg11[%dma_start3A_286, %dma_start3A_287] : memref<400x128xf32, #tpu.memory_space<vmem>> -> memref<80x128xf32, #tpu.memory_space<vmem>>
    %dma_start3A_289 = arith.constant 80 : i32
    %dma_start3A_290 = tpu.memref_slice %arg9[%dma_start3A_289] : memref<400xi32, #tpu.memory_space<vmem>> -> memref<80xi32, #tpu.memory_space<vmem>>
    %dma_start3A_291 = arith.constant 0 : i32
    %dma_start3A_292 = arith.constant 0 : i32
    %dma_start3A_293 = tpu.memref_slice %arg5[%dma_start3A_291, %dma_start3A_292] : memref<64x128xf32, #tpu.memory_space<vmem_shared>> -> memref<64x128xf32, #tpu.memory_space<vmem_shared>>
    tpu.enqueue_indirect_dma source(%dma_start3A_293 : memref<64x128xf32, #tpu.memory_space<vmem_shared>>) target(%dma_start3A_288 : memref<80x128xf32, #tpu.memory_space<vmem>>) offsets(%dma_start3A_290 : memref<80xi32, #tpu.memory_space<vmem>>) semaphore(%arg15 : memref<!tpu.dma_semaphore, #tpu.memory_space<semaphore_mem>>)
    %dma_start3A_294 = arith.constant 160 : i32
    %dma_start3A_295 = arith.constant 0 : i32
    %dma_start3A_296 = tpu.memref_slice %arg11[%dma_start3A_294, %dma_start3A_295] : memref<400x128xf32, #tpu.memory_space<vmem>> -> memref<80x128xf32, #tpu.memory_space<vmem>>
    %dma_start3A_297 = arith.constant 160 : i32
    %dma_start3A_298 = tpu.memref_slice %arg9[%dma_start3A_297] : memref<400xi32, #tpu.memory_space<vmem>> -> memref<80xi32, #tpu.memory_space<vmem>>
    %dma_start3A_299 = arith.constant 0 : i32
    %dma_start3A_300 = arith.constant 0 : i32
    %dma_start3A_301 = tpu.memref_slice %arg5[%dma_start3A_299, %dma_start3A_300] : memref<64x128xf32, #tpu.memory_space<vmem_shared>> -> memref<64x128xf32, #tpu.memory_space<vmem_shared>>
    tpu.enqueue_indirect_dma source(%dma_start3A_301 : memref<64x128xf32, #tpu.memory_space<vmem_shared>>) target(%dma_start3A_296 : memref<80x128xf32, #tpu.memory_space<vmem>>) offsets(%dma_start3A_298 : memref<80xi32, #tpu.memory_space<vmem>>) semaphore(%arg15 : memref<!tpu.dma_semaphore, #tpu.memory_space<semaphore_mem>>)
    %dma_start3A_302 = arith.constant 240 : i32
    %dma_start3A_303 = arith.constant 0 : i32
    %dma_start3A_304 = tpu.memref_slice %arg11[%dma_start3A_302, %dma_start3A_303] : memref<400x128xf32, #tpu.memory_space<vmem>> -> memref<80x128xf32, #tpu.memory_space<vmem>>
    %dma_start3A_305 = arith.constant 240 : i32
    %dma_start3A_306 = tpu.memref_slice %arg9[%dma_start3A_305] : memref<400xi32, #tpu.memory_space<vmem>> -> memref<80xi32, #tpu.memory_space<vmem>>
    %dma_start3A_307 = arith.constant 0 : i32
    %dma_start3A_308 = arith.constant 0 : i32
    %dma_start3A_309 = tpu.memref_slice %arg5[%dma_start3A_307, %dma_start3A_308] : memref<64x128xf32, #tpu.memory_space<vmem_shared>> -> memref<64x128xf32, #tpu.memory_space<vmem_shared>>
    tpu.enqueue_indirect_dma source(%dma_start3A_309 : memref<64x128xf32, #tpu.memory_space<vmem_shared>>) target(%dma_start3A_304 : memref<80x128xf32, #tpu.memory_space<vmem>>) offsets(%dma_start3A_306 : memref<80xi32, #tpu.memory_space<vmem>>) semaphore(%arg15 : memref<!tpu.dma_semaphore, #tpu.memory_space<semaphore_mem>>)
    %dma_start3A_310 = arith.constant 320 : i32
    %dma_start3A_311 = arith.constant 0 : i32
    %dma_start3A_312 = tpu.memref_slice %arg11[%dma_start3A_310, %dma_start3A_311] : memref<400x128xf32, #tpu.memory_space<vmem>> -> memref<80x128xf32, #tpu.memory_space<vmem>>
    %dma_start3A_313 = arith.constant 320 : i32
    %dma_start3A_314 = tpu.memref_slice %arg9[%dma_start3A_313] : memref<400xi32, #tpu.memory_space<vmem>> -> memref<80xi32, #tpu.memory_space<vmem>>
    %dma_start3A_315 = arith.constant 0 : i32
    %dma_start3A_316 = arith.constant 0 : i32
    %dma_start3A_317 = tpu.memref_slice %arg5[%dma_start3A_315, %dma_start3A_316] : memref<64x128xf32, #tpu.memory_space<vmem_shared>> -> memref<64x128xf32, #tpu.memory_space<vmem_shared>>
    tpu.enqueue_indirect_dma source(%dma_start3A_317 : memref<64x128xf32, #tpu.memory_space<vmem_shared>>) target(%dma_start3A_312 : memref<80x128xf32, #tpu.memory_space<vmem>>) offsets(%dma_start3A_314 : memref<80xi32, #tpu.memory_space<vmem>>) semaphore(%arg15 : memref<!tpu.dma_semaphore, #tpu.memory_space<semaphore_mem>>)
    %dma_wait3A_318 = arith.constant 0 : i32
    %dma_wait3A_319 = arith.constant 0 : i32
    %dma_wait3A_320 = tpu.memref_slice %arg10[%dma_wait3A_318, %dma_wait3A_319] : memref<400x128xf32, #tpu.memory_space<vmem>> -> memref<80x128xf32, #tpu.memory_space<vmem>>
    %dma_wait3A_321 = arith.constant 0 : i32
    %dma_wait3A_322 = tpu.memref_slice %arg8[%dma_wait3A_321] : memref<400xi32, #tpu.memory_space<vmem>> -> memref<80xi32, #tpu.memory_space<vmem>>
    %dma_wait3A_323 = arith.constant 0 : i32
    %dma_wait3A_324 = arith.constant 0 : i32
    %dma_wait3A_325 = tpu.memref_slice %arg5[%dma_wait3A_323, %dma_wait3A_324] : memref<64x128xf32, #tpu.memory_space<vmem_shared>> -> memref<64x128xf32, #tpu.memory_space<vmem_shared>>
    tpu.wait_indirect_dma semaphore(%arg14 : memref<!tpu.dma_semaphore, #tpu.memory_space<semaphore_mem>>) src(%dma_wait3A_325 : memref<64x128xf32, #tpu.memory_space<vmem_shared>>) dst(%dma_wait3A_320 : memref<80x128xf32, #tpu.memory_space<vmem>>)
    %dma_wait3A_326 = arith.constant 80 : i32
    %dma_wait3A_327 = arith.constant 0 : i32
    %dma_wait3A_328 = tpu.memref_slice %arg10[%dma_wait3A_326, %dma_wait3A_327] : memref<400x128xf32, #tpu.memory_space<vmem>> -> memref<80x128xf32, #tpu.memory_space<vmem>>
    %dma_wait3A_329 = arith.constant 80 : i32
    %dma_wait3A_330 = tpu.memref_slice %arg8[%dma_wait3A_329] : memref<400xi32, #tpu.memory_space<vmem>> -> memref<80xi32, #tpu.memory_space<vmem>>
    %dma_wait3A_331 = arith.constant 0 : i32
    %dma_wait3A_332 = arith.constant 0 : i32
    %dma_wait3A_333 = tpu.memref_slice %arg5[%dma_wait3A_331, %dma_wait3A_332] : memref<64x128xf32, #tpu.memory_space<vmem_shared>> -> memref<64x128xf32, #tpu.memory_space<vmem_shared>>
    tpu.wait_indirect_dma semaphore(%arg14 : memref<!tpu.dma_semaphore, #tpu.memory_space<semaphore_mem>>) src(%dma_wait3A_333 : memref<64x128xf32, #tpu.memory_space<vmem_shared>>) dst(%dma_wait3A_328 : memref<80x128xf32, #tpu.memory_space<vmem>>)
    %dma_wait3A_334 = arith.constant 160 : i32
    %dma_wait3A_335 = arith.constant 0 : i32
    %dma_wait3A_336 = tpu.memref_slice %arg10[%dma_wait3A_334, %dma_wait3A_335] : memref<400x128xf32, #tpu.memory_space<vmem>> -> memref<80x128xf32, #tpu.memory_space<vmem>>
    %dma_wait3A_337 = arith.constant 160 : i32
    %dma_wait3A_338 = tpu.memref_slice %arg8[%dma_wait3A_337] : memref<400xi32, #tpu.memory_space<vmem>> -> memref<80xi32, #tpu.memory_space<vmem>>
    %dma_wait3A_339 = arith.constant 0 : i32
    %dma_wait3A_340 = arith.constant 0 : i32
    %dma_wait3A_341 = tpu.memref_slice %arg5[%dma_wait3A_339, %dma_wait3A_340] : memref<64x128xf32, #tpu.memory_space<vmem_shared>> -> memref<64x128xf32, #tpu.memory_space<vmem_shared>>
    tpu.wait_indirect_dma semaphore(%arg14 : memref<!tpu.dma_semaphore, #tpu.memory_space<semaphore_mem>>) src(%dma_wait3A_341 : memref<64x128xf32, #tpu.memory_space<vmem_shared>>) dst(%dma_wait3A_336 : memref<80x128xf32, #tpu.memory_space<vmem>>)
    %dma_wait3A_342 = arith.constant 240 : i32
    %dma_wait3A_343 = arith.constant 0 : i32
    %dma_wait3A_344 = tpu.memref_slice %arg10[%dma_wait3A_342, %dma_wait3A_343] : memref<400x128xf32, #tpu.memory_space<vmem>> -> memref<80x128xf32, #tpu.memory_space<vmem>>
    %dma_wait3A_345 = arith.constant 240 : i32
    %dma_wait3A_346 = tpu.memref_slice %arg8[%dma_wait3A_345] : memref<400xi32, #tpu.memory_space<vmem>> -> memref<80xi32, #tpu.memory_space<vmem>>
    %dma_wait3A_347 = arith.constant 0 : i32
    %dma_wait3A_348 = arith.constant 0 : i32
    %dma_wait3A_349 = tpu.memref_slice %arg5[%dma_wait3A_347, %dma_wait3A_348] : memref<64x128xf32, #tpu.memory_space<vmem_shared>> -> memref<64x128xf32, #tpu.memory_space<vmem_shared>>
    tpu.wait_indirect_dma semaphore(%arg14 : memref<!tpu.dma_semaphore, #tpu.memory_space<semaphore_mem>>) src(%dma_wait3A_349 : memref<64x128xf32, #tpu.memory_space<vmem_shared>>) dst(%dma_wait3A_344 : memref<80x128xf32, #tpu.memory_space<vmem>>)
    %dma_wait3A_350 = arith.constant 320 : i32
    %dma_wait3A_351 = arith.constant 0 : i32
    %dma_wait3A_352 = tpu.memref_slice %arg10[%dma_wait3A_350, %dma_wait3A_351] : memref<400x128xf32, #tpu.memory_space<vmem>> -> memref<80x128xf32, #tpu.memory_space<vmem>>
    %dma_wait3A_353 = arith.constant 320 : i32
    %dma_wait3A_354 = tpu.memref_slice %arg8[%dma_wait3A_353] : memref<400xi32, #tpu.memory_space<vmem>> -> memref<80xi32, #tpu.memory_space<vmem>>
    %dma_wait3A_355 = arith.constant 0 : i32
    %dma_wait3A_356 = arith.constant 0 : i32
    %dma_wait3A_357 = tpu.memref_slice %arg5[%dma_wait3A_355, %dma_wait3A_356] : memref<64x128xf32, #tpu.memory_space<vmem_shared>> -> memref<64x128xf32, #tpu.memory_space<vmem_shared>>
    tpu.wait_indirect_dma semaphore(%arg14 : memref<!tpu.dma_semaphore, #tpu.memory_space<semaphore_mem>>) src(%dma_wait3A_357 : memref<64x128xf32, #tpu.memory_space<vmem_shared>>) dst(%dma_wait3A_352 : memref<80x128xf32, #tpu.memory_space<vmem>>)
    %add3A_358 = arith.constant 800 : i32
    %add3A_359 = arith.addi %mul3A_2, %add3A_358 : i32
    %dma_start3A_360 = arith.constant 0 : i32
    %dma_start3A_361 = tpu.memref_slice %arg4[%add3A_359, %dma_start3A_360] : memref<320000x128xf32, #tpu.memory_space<hbm>> -> memref<400x128xf32, #tpu.memory_space<hbm>>
    %dma_start3A_362 = arith.constant 0 : i32
    %dma_start3A_363 = tpu.memref_slice %arg4[%add3A_359, %dma_start3A_362] : memref<320000x128xf32, #tpu.memory_space<hbm>> -> memref<400x128xf32, #tpu.memory_space<hbm>>
    tpu.enqueue_dma source(%arg10 : memref<400x128xf32, #tpu.memory_space<vmem>>) target(%dma_start3A_363 : memref<400x128xf32, #tpu.memory_space<hbm>>) target_semaphore(%arg16 : memref<!tpu.dma_semaphore, #tpu.memory_space<semaphore_mem>>)
    %add3A_364 = arith.constant 6000 : i32
    %add3A_365 = arith.addi %mul3A_8, %add3A_364 : i32
    %dma_start3A_366 = tpu.memref_slice %arg3[%add3A_365] : memref<960000xi32, #tpu.memory_space<hbm>> -> memref<1200xi32, #tpu.memory_space<hbm>>
    %dma_start3A_367 = tpu.memref_slice %arg3[%add3A_365] : memref<960000xi32, #tpu.memory_space<hbm>> -> memref<1200xi32, #tpu.memory_space<hbm>>
    tpu.enqueue_dma source(%dma_start3A_367 : memref<1200xi32, #tpu.memory_space<hbm>>) target(%arg7 : memref<1200xi32, #tpu.memory_space<vmem>>) target_semaphore(%arg13 : memref<!tpu.dma_semaphore, #tpu.memory_space<semaphore_mem>>)
    %dma_wait3A_368 = tpu.memref_slice %arg3[%add3A_263] : memref<960000xi32, #tpu.memory_space<hbm>> -> memref<1200xi32, #tpu.memory_space<hbm>>
    %dma_wait3A_369 = tpu.memref_slice %arg3[%add3A_263] : memref<960000xi32, #tpu.memory_space<hbm>> -> memref<1200xi32, #tpu.memory_space<hbm>>
    tpu.wait_dma2 semaphore(%arg12 : memref<!tpu.dma_semaphore, #tpu.memory_space<semaphore_mem>>) src(%dma_wait3A_369 : memref<1200xi32, #tpu.memory_space<hbm>>) dst(%arg6 : memref<1200xi32, #tpu.memory_space<vmem>>)
    %scan3A_370 = arith.constant 0 : i32
    %scan3A_371 = arith.constant 0 : i32
    %scan3A_372 = arith.constant 25 : i32
    %scan3A_373 = arith.addi %scan3A_371, %scan3A_372 : i32
    %scan3A_374 = arith.constant 1 : i32
    scf.for %scan3A_2556 = %scan3A_371 to %scan3A_373 step %scan3A_374  : i32 {
      %mul3A_2557 = arith.constant 16 : i32
      %mul3A_2558 = arith.muli %scan3A_2556, %mul3A_2557 : i32
      %get3A = arith.index_cast %mul3A_2558 : i32 to index
      %get3A_2559 = tpu.vector_load %arg6[%get3A] {strides = array<i32>} : memref<1200xi32, #tpu.memory_space<vmem>>, vector<16xi32>,
      %get3A_2560 = vector.shape_cast %get3A_2559 : vector<16xi32> to vector<16xi32>
      %add3A_2561 = arith.constant 400 : i32
      %add3A_2562 = arith.addi %add3A_2561, %mul3A_2558 : i32
      %get3A_2563 = arith.index_cast %add3A_2562 : i32 to index
      %get3A_2564 = tpu.vector_load %arg6[%get3A_2563] {strides = array<i32>} : memref<1200xi32, #tpu.memory_space<vmem>>, vector<16xi32>,
      %get3A_2565 = vector.shape_cast %get3A_2564 : vector<16xi32> to vector<16xi32>
      %add3A_2566 = arith.constant 800 : i32
      %add3A_2567 = arith.addi %add3A_2566, %mul3A_2558 : i32
      %get3A_2568 = arith.index_cast %add3A_2567 : i32 to index
      %get3A_2569 = tpu.vector_load %arg6[%get3A_2568] {strides = array<i32>} : memref<1200xi32, #tpu.memory_space<vmem>>, vector<16xi32>,
      %get3A_2570 = vector.shape_cast %get3A_2569 : vector<16xi32> to vector<16xi32>
      %mul3A_2571 = arith.constant 12 : i32
      %mul3A_2572 = vector.broadcast %mul3A_2571 : i32 to vector<16xi32>
      %mul3A_2573 = arith.muli %get3A_2560, %mul3A_2572 : vector<16xi32>
      %mul3A_2574 = arith.constant 2 : i32
      %mul3A_2575 = vector.broadcast %mul3A_2574 : i32 to vector<16xi32>
      %mul3A_2576 = arith.muli %get3A_2565, %mul3A_2575 : vector<16xi32>
      %add3A_2577 = arith.addi %mul3A_2573, %mul3A_2576 : vector<16xi32>
      %add3A_2578 = arith.addi %add3A_2577, %get3A_2570 : vector<16xi32>
      %swap3A = arith.index_cast %mul3A_2558 : i32 to index
      %swap3A_2579 = tpu.vector_load %arg8[%swap3A] {strides = array<i32>} : memref<400xi32, #tpu.memory_space<vmem>>, vector<16xi32>,
      %swap3A_2580 = vector.shape_cast %swap3A_2579 : vector<16xi32> to vector<16xi32>
      %swap3A_2581 = vector.shape_cast %add3A_2578 : vector<16xi32> to vector<16xi32>
      tpu.vector_store %arg8[%swap3A], %swap3A_2581 {strides = array<i32>} : memref<400xi32, #tpu.memory_space<vmem>>, vector<16xi32>,
    }
    %scan3A_375 = arith.constant 25 : i32
    %dma_wait3A_376 = arith.constant 0 : i32
    %dma_wait3A_377 = tpu.memref_slice %arg4[%add3A_359, %dma_wait3A_376] : memref<320000x128xf32, #tpu.memory_space<hbm>> -> memref<400x128xf32, #tpu.memory_space<hbm>>
    %dma_wait3A_378 = arith.constant 0 : i32
    %dma_wait3A_379 = tpu.memref_slice %arg4[%add3A_359, %dma_wait3A_378] : memref<320000x128xf32, #tpu.memory_space<hbm>> -> memref<400x128xf32, #tpu.memory_space<hbm>>
    tpu.wait_dma2 semaphore(%arg16 : memref<!tpu.dma_semaphore, #tpu.memory_space<semaphore_mem>>) src(%arg10 : memref<400x128xf32, #tpu.memory_space<vmem>>) dst(%dma_wait3A_379 : memref<400x128xf32, #tpu.memory_space<hbm>>)
    %dma_start3A_380 = arith.constant 0 : i32
    %dma_start3A_381 = arith.constant 0 : i32
    %dma_start3A_382 = tpu.memref_slice %arg10[%dma_start3A_380, %dma_start3A_381] : memref<400x128xf32, #tpu.memory_space<vmem>> -> memref<80x128xf32, #tpu.memory_space<vmem>>
    %dma_start3A_383 = arith.constant 0 : i32
    %dma_start3A_384 = tpu.memref_slice %arg8[%dma_start3A_383] : memref<400xi32, #tpu.memory_space<vmem>> -> memref<80xi32, #tpu.memory_space<vmem>>
    %dma_start3A_385 = arith.constant 0 : i32
    %dma_start3A_386 = arith.constant 0 : i32
    %dma_start3A_387 = tpu.memref_slice %arg5[%dma_start3A_385, %dma_start3A_386] : memref<64x128xf32, #tpu.memory_space<vmem_shared>> -> memref<64x128xf32, #tpu.memory_space<vmem_shared>>
    tpu.enqueue_indirect_dma source(%dma_start3A_387 : memref<64x128xf32, #tpu.memory_space<vmem_shared>>) target(%dma_start3A_382 : memref<80x128xf32, #tpu.memory_space<vmem>>) offsets(%dma_start3A_384 : memref<80xi32, #tpu.memory_space<vmem>>) semaphore(%arg14 : memref<!tpu.dma_semaphore, #tpu.memory_space<semaphore_mem>>)
    %dma_start3A_388 = arith.constant 80 : i32
    %dma_start3A_389 = arith.constant 0 : i32
    %dma_start3A_390 = tpu.memref_slice %arg10[%dma_start3A_388, %dma_start3A_389] : memref<400x128xf32, #tpu.memory_space<vmem>> -> memref<80x128xf32, #tpu.memory_space<vmem>>
    %dma_start3A_391 = arith.constant 80 : i32
    %dma_start3A_392 = tpu.memref_slice %arg8[%dma_start3A_391] : memref<400xi32, #tpu.memory_space<vmem>> -> memref<80xi32, #tpu.memory_space<vmem>>
    %dma_start3A_393 = arith.constant 0 : i32
    %dma_start3A_394 = arith.constant 0 : i32
    %dma_start3A_395 = tpu.memref_slice %arg5[%dma_start3A_393, %dma_start3A_394] : memref<64x128xf32, #tpu.memory_space<vmem_shared>> -> memref<64x128xf32, #tpu.memory_space<vmem_shared>>
    tpu.enqueue_indirect_dma source(%dma_start3A_395 : memref<64x128xf32, #tpu.memory_space<vmem_shared>>) target(%dma_start3A_390 : memref<80x128xf32, #tpu.memory_space<vmem>>) offsets(%dma_start3A_392 : memref<80xi32, #tpu.memory_space<vmem>>) semaphore(%arg14 : memref<!tpu.dma_semaphore, #tpu.memory_space<semaphore_mem>>)
    %dma_start3A_396 = arith.constant 160 : i32
    %dma_start3A_397 = arith.constant 0 : i32
    %dma_start3A_398 = tpu.memref_slice %arg10[%dma_start3A_396, %dma_start3A_397] : memref<400x128xf32, #tpu.memory_space<vmem>> -> memref<80x128xf32, #tpu.memory_space<vmem>>
    %dma_start3A_399 = arith.constant 160 : i32
    %dma_start3A_400 = tpu.memref_slice %arg8[%dma_start3A_399] : memref<400xi32, #tpu.memory_space<vmem>> -> memref<80xi32, #tpu.memory_space<vmem>>
    %dma_start3A_401 = arith.constant 0 : i32
    %dma_start3A_402 = arith.constant 0 : i32
    %dma_start3A_403 = tpu.memref_slice %arg5[%dma_start3A_401, %dma_start3A_402] : memref<64x128xf32, #tpu.memory_space<vmem_shared>> -> memref<64x128xf32, #tpu.memory_space<vmem_shared>>
    tpu.enqueue_indirect_dma source(%dma_start3A_403 : memref<64x128xf32, #tpu.memory_space<vmem_shared>>) target(%dma_start3A_398 : memref<80x128xf32, #tpu.memory_space<vmem>>) offsets(%dma_start3A_400 : memref<80xi32, #tpu.memory_space<vmem>>) semaphore(%arg14 : memref<!tpu.dma_semaphore, #tpu.memory_space<semaphore_mem>>)
    %dma_start3A_404 = arith.constant 240 : i32
    %dma_start3A_405 = arith.constant 0 : i32
    %dma_start3A_406 = tpu.memref_slice %arg10[%dma_start3A_404, %dma_start3A_405] : memref<400x128xf32, #tpu.memory_space<vmem>> -> memref<80x128xf32, #tpu.memory_space<vmem>>
    %dma_start3A_407 = arith.constant 240 : i32
    %dma_start3A_408 = tpu.memref_slice %arg8[%dma_start3A_407] : memref<400xi32, #tpu.memory_space<vmem>> -> memref<80xi32, #tpu.memory_space<vmem>>
    %dma_start3A_409 = arith.constant 0 : i32
    %dma_start3A_410 = arith.constant 0 : i32
    %dma_start3A_411 = tpu.memref_slice %arg5[%dma_start3A_409, %dma_start3A_410] : memref<64x128xf32, #tpu.memory_space<vmem_shared>> -> memref<64x128xf32, #tpu.memory_space<vmem_shared>>
    tpu.enqueue_indirect_dma source(%dma_start3A_411 : memref<64x128xf32, #tpu.memory_space<vmem_shared>>) target(%dma_start3A_406 : memref<80x128xf32, #tpu.memory_space<vmem>>) offsets(%dma_start3A_408 : memref<80xi32, #tpu.memory_space<vmem>>) semaphore(%arg14 : memref<!tpu.dma_semaphore, #tpu.memory_space<semaphore_mem>>)
    %dma_start3A_412 = arith.constant 320 : i32
    %dma_start3A_413 = arith.constant 0 : i32
    %dma_start3A_414 = tpu.memref_slice %arg10[%dma_start3A_412, %dma_start3A_413] : memref<400x128xf32, #tpu.memory_space<vmem>> -> memref<80x128xf32, #tpu.memory_space<vmem>>
    %dma_start3A_415 = arith.constant 320 : i32
    %dma_start3A_416 = tpu.memref_slice %arg8[%dma_start3A_415] : memref<400xi32, #tpu.memory_space<vmem>> -> memref<80xi32, #tpu.memory_space<vmem>>
    %dma_start3A_417 = arith.constant 0 : i32
    %dma_start3A_418 = arith.constant 0 : i32
    %dma_start3A_419 = tpu.memref_slice %arg5[%dma_start3A_417, %dma_start3A_418] : memref<64x128xf32, #tpu.memory_space<vmem_shared>> -> memref<64x128xf32, #tpu.memory_space<vmem_shared>>
    tpu.enqueue_indirect_dma source(%dma_start3A_419 : memref<64x128xf32, #tpu.memory_space<vmem_shared>>) target(%dma_start3A_414 : memref<80x128xf32, #tpu.memory_space<vmem>>) offsets(%dma_start3A_416 : memref<80xi32, #tpu.memory_space<vmem>>) semaphore(%arg14 : memref<!tpu.dma_semaphore, #tpu.memory_space<semaphore_mem>>)
    %dma_wait3A_420 = arith.constant 0 : i32
    %dma_wait3A_421 = arith.constant 0 : i32
    %dma_wait3A_422 = tpu.memref_slice %arg11[%dma_wait3A_420, %dma_wait3A_421] : memref<400x128xf32, #tpu.memory_space<vmem>> -> memref<80x128xf32, #tpu.memory_space<vmem>>
    %dma_wait3A_423 = arith.constant 0 : i32
    %dma_wait3A_424 = tpu.memref_slice %arg9[%dma_wait3A_423] : memref<400xi32, #tpu.memory_space<vmem>> -> memref<80xi32, #tpu.memory_space<vmem>>
    %dma_wait3A_425 = arith.constant 0 : i32
    %dma_wait3A_426 = arith.constant 0 : i32
    %dma_wait3A_427 = tpu.memref_slice %arg5[%dma_wait3A_425, %dma_wait3A_426] : memref<64x128xf32, #tpu.memory_space<vmem_shared>> -> memref<64x128xf32, #tpu.memory_space<vmem_shared>>
    tpu.wait_indirect_dma semaphore(%arg15 : memref<!tpu.dma_semaphore, #tpu.memory_space<semaphore_mem>>) src(%dma_wait3A_427 : memref<64x128xf32, #tpu.memory_space<vmem_shared>>) dst(%dma_wait3A_422 : memref<80x128xf32, #tpu.memory_space<vmem>>)
    %dma_wait3A_428 = arith.constant 80 : i32
    %dma_wait3A_429 = arith.constant 0 : i32
    %dma_wait3A_430 = tpu.memref_slice %arg11[%dma_wait3A_428, %dma_wait3A_429] : memref<400x128xf32, #tpu.memory_space<vmem>> -> memref<80x128xf32, #tpu.memory_space<vmem>>
    %dma_wait3A_431 = arith.constant 80 : i32
    %dma_wait3A_432 = tpu.memref_slice %arg9[%dma_wait3A_431] : memref<400xi32, #tpu.memory_space<vmem>> -> memref<80xi32, #tpu.memory_space<vmem>>
    %dma_wait3A_433 = arith.constant 0 : i32
    %dma_wait3A_434 = arith.constant 0 : i32
    %dma_wait3A_435 = tpu.memref_slice %arg5[%dma_wait3A_433, %dma_wait3A_434] : memref<64x128xf32, #tpu.memory_space<vmem_shared>> -> memref<64x128xf32, #tpu.memory_space<vmem_shared>>
    tpu.wait_indirect_dma semaphore(%arg15 : memref<!tpu.dma_semaphore, #tpu.memory_space<semaphore_mem>>) src(%dma_wait3A_435 : memref<64x128xf32, #tpu.memory_space<vmem_shared>>) dst(%dma_wait3A_430 : memref<80x128xf32, #tpu.memory_space<vmem>>)
    %dma_wait3A_436 = arith.constant 160 : i32
    %dma_wait3A_437 = arith.constant 0 : i32
    %dma_wait3A_438 = tpu.memref_slice %arg11[%dma_wait3A_436, %dma_wait3A_437] : memref<400x128xf32, #tpu.memory_space<vmem>> -> memref<80x128xf32, #tpu.memory_space<vmem>>
    %dma_wait3A_439 = arith.constant 160 : i32
    %dma_wait3A_440 = tpu.memref_slice %arg9[%dma_wait3A_439] : memref<400xi32, #tpu.memory_space<vmem>> -> memref<80xi32, #tpu.memory_space<vmem>>
    %dma_wait3A_441 = arith.constant 0 : i32
    %dma_wait3A_442 = arith.constant 0 : i32
    %dma_wait3A_443 = tpu.memref_slice %arg5[%dma_wait3A_441, %dma_wait3A_442] : memref<64x128xf32, #tpu.memory_space<vmem_shared>> -> memref<64x128xf32, #tpu.memory_space<vmem_shared>>
    tpu.wait_indirect_dma semaphore(%arg15 : memref<!tpu.dma_semaphore, #tpu.memory_space<semaphore_mem>>) src(%dma_wait3A_443 : memref<64x128xf32, #tpu.memory_space<vmem_shared>>) dst(%dma_wait3A_438 : memref<80x128xf32, #tpu.memory_space<vmem>>)
    %dma_wait3A_444 = arith.constant 240 : i32
    %dma_wait3A_445 = arith.constant 0 : i32
    %dma_wait3A_446 = tpu.memref_slice %arg11[%dma_wait3A_444, %dma_wait3A_445] : memref<400x128xf32, #tpu.memory_space<vmem>> -> memref<80x128xf32, #tpu.memory_space<vmem>>
    %dma_wait3A_447 = arith.constant 240 : i32
    %dma_wait3A_448 = tpu.memref_slice %arg9[%dma_wait3A_447] : memref<400xi32, #tpu.memory_space<vmem>> -> memref<80xi32, #tpu.memory_space<vmem>>
    %dma_wait3A_449 = arith.constant 0 : i32
    %dma_wait3A_450 = arith.constant 0 : i32
    %dma_wait3A_451 = tpu.memref_slice %arg5[%dma_wait3A_449, %dma_wait3A_450] : memref<64x128xf32, #tpu.memory_space<vmem_shared>> -> memref<64x128xf32, #tpu.memory_space<vmem_shared>>
    tpu.wait_indirect_dma semaphore(%arg15 : memref<!tpu.dma_semaphore, #tpu.memory_space<semaphore_mem>>) src(%dma_wait3A_451 : memref<64x128xf32, #tpu.memory_space<vmem_shared>>) dst(%dma_wait3A_446 : memref<80x128xf32, #tpu.memory_space<vmem>>)
    %dma_wait3A_452 = arith.constant 320 : i32
    %dma_wait3A_453 = arith.constant 0 : i32
    %dma_wait3A_454 = tpu.memref_slice %arg11[%dma_wait3A_452, %dma_wait3A_453] : memref<400x128xf32, #tpu.memory_space<vmem>> -> memref<80x128xf32, #tpu.memory_space<vmem>>
    %dma_wait3A_455 = arith.constant 320 : i32
    %dma_wait3A_456 = tpu.memref_slice %arg9[%dma_wait3A_455] : memref<400xi32, #tpu.memory_space<vmem>> -> memref<80xi32, #tpu.memory_space<vmem>>
    %dma_wait3A_457 = arith.constant 0 : i32
    %dma_wait3A_458 = arith.constant 0 : i32
    %dma_wait3A_459 = tpu.memref_slice %arg5[%dma_wait3A_457, %dma_wait3A_458] : memref<64x128xf32, #tpu.memory_space<vmem_shared>> -> memref<64x128xf32, #tpu.memory_space<vmem_shared>>
    tpu.wait_indirect_dma semaphore(%arg15 : memref<!tpu.dma_semaphore, #tpu.memory_space<semaphore_mem>>) src(%dma_wait3A_459 : memref<64x128xf32, #tpu.memory_space<vmem_shared>>) dst(%dma_wait3A_454 : memref<80x128xf32, #tpu.memory_space<vmem>>)
    %add3A_460 = arith.constant 1200 : i32
    %add3A_461 = arith.addi %mul3A_2, %add3A_460 : i32
    %dma_start3A_462 = arith.constant 0 : i32
    %dma_start3A_463 = tpu.memref_slice %arg4[%add3A_461, %dma_start3A_462] : memref<320000x128xf32, #tpu.memory_space<hbm>> -> memref<400x128xf32, #tpu.memory_space<hbm>>
    %dma_start3A_464 = arith.constant 0 : i32
    %dma_start3A_465 = tpu.memref_slice %arg4[%add3A_461, %dma_start3A_464] : memref<320000x128xf32, #tpu.memory_space<hbm>> -> memref<400x128xf32, #tpu.memory_space<hbm>>
    tpu.enqueue_dma source(%arg11 : memref<400x128xf32, #tpu.memory_space<vmem>>) target(%dma_start3A_465 : memref<400x128xf32, #tpu.memory_space<hbm>>) target_semaphore(%arg17 : memref<!tpu.dma_semaphore, #tpu.memory_space<semaphore_mem>>)
    %add3A_466 = arith.constant 7200 : i32
    %add3A_467 = arith.addi %mul3A_8, %add3A_466 : i32
    %dma_start3A_468 = tpu.memref_slice %arg3[%add3A_467] : memref<960000xi32, #tpu.memory_space<hbm>> -> memref<1200xi32, #tpu.memory_space<hbm>>
    %dma_start3A_469 = tpu.memref_slice %arg3[%add3A_467] : memref<960000xi32, #tpu.memory_space<hbm>> -> memref<1200xi32, #tpu.memory_space<hbm>>
    tpu.enqueue_dma source(%dma_start3A_469 : memref<1200xi32, #tpu.memory_space<hbm>>) target(%arg6 : memref<1200xi32, #tpu.memory_space<vmem>>) target_semaphore(%arg12 : memref<!tpu.dma_semaphore, #tpu.memory_space<semaphore_mem>>)
    %dma_wait3A_470 = tpu.memref_slice %arg3[%add3A_365] : memref<960000xi32, #tpu.memory_space<hbm>> -> memref<1200xi32, #tpu.memory_space<hbm>>
    %dma_wait3A_471 = tpu.memref_slice %arg3[%add3A_365] : memref<960000xi32, #tpu.memory_space<hbm>> -> memref<1200xi32, #tpu.memory_space<hbm>>
    tpu.wait_dma2 semaphore(%arg13 : memref<!tpu.dma_semaphore, #tpu.memory_space<semaphore_mem>>) src(%dma_wait3A_471 : memref<1200xi32, #tpu.memory_space<hbm>>) dst(%arg7 : memref<1200xi32, #tpu.memory_space<vmem>>)
    %scan3A_472 = arith.constant 0 : i32
    %scan3A_473 = arith.constant 0 : i32
    %scan3A_474 = arith.constant 25 : i32
    %scan3A_475 = arith.addi %scan3A_473, %scan3A_474 : i32
    %scan3A_476 = arith.constant 1 : i32
    scf.for %scan3A_2556 = %scan3A_473 to %scan3A_475 step %scan3A_476  : i32 {
      %mul3A_2557 = arith.constant 16 : i32
      %mul3A_2558 = arith.muli %scan3A_2556, %mul3A_2557 : i32
      %get3A = arith.index_cast %mul3A_2558 : i32 to index
      %get3A_2559 = tpu.vector_load %arg7[%get3A] {strides = array<i32>} : memref<1200xi32, #tpu.memory_space<vmem>>, vector<16xi32>,
      %get3A_2560 = vector.shape_cast %get3A_2559 : vector<16xi32> to vector<16xi32>
      %add3A_2561 = arith.constant 400 : i32
      %add3A_2562 = arith.addi %add3A_2561, %mul3A_2558 : i32
      %get3A_2563 = arith.index_cast %add3A_2562 : i32 to index
      %get3A_2564 = tpu.vector_load %arg7[%get3A_2563] {strides = array<i32>} : memref<1200xi32, #tpu.memory_space<vmem>>, vector<16xi32>,
      %get3A_2565 = vector.shape_cast %get3A_2564 : vector<16xi32> to vector<16xi32>
      %add3A_2566 = arith.constant 800 : i32
      %add3A_2567 = arith.addi %add3A_2566, %mul3A_2558 : i32
      %get3A_2568 = arith.index_cast %add3A_2567 : i32 to index
      %get3A_2569 = tpu.vector_load %arg7[%get3A_2568] {strides = array<i32>} : memref<1200xi32, #tpu.memory_space<vmem>>, vector<16xi32>,
      %get3A_2570 = vector.shape_cast %get3A_2569 : vector<16xi32> to vector<16xi32>
      %mul3A_2571 = arith.constant 12 : i32
      %mul3A_2572 = vector.broadcast %mul3A_2571 : i32 to vector<16xi32>
      %mul3A_2573 = arith.muli %get3A_2560, %mul3A_2572 : vector<16xi32>
      %mul3A_2574 = arith.constant 2 : i32
      %mul3A_2575 = vector.broadcast %mul3A_2574 : i32 to vector<16xi32>
      %mul3A_2576 = arith.muli %get3A_2565, %mul3A_2575 : vector<16xi32>
      %add3A_2577 = arith.addi %mul3A_2573, %mul3A_2576 : vector<16xi32>
      %add3A_2578 = arith.addi %add3A_2577, %get3A_2570 : vector<16xi32>
      %swap3A = arith.index_cast %mul3A_2558 : i32 to index
      %swap3A_2579 = tpu.vector_load %arg9[%swap3A] {strides = array<i32>} : memref<400xi32, #tpu.memory_space<vmem>>, vector<16xi32>,
      %swap3A_2580 = vector.shape_cast %swap3A_2579 : vector<16xi32> to vector<16xi32>
      %swap3A_2581 = vector.shape_cast %add3A_2578 : vector<16xi32> to vector<16xi32>
      tpu.vector_store %arg9[%swap3A], %swap3A_2581 {strides = array<i32>} : memref<400xi32, #tpu.memory_space<vmem>>, vector<16xi32>,
    }
    %scan3A_477 = arith.constant 25 : i32
    %dma_wait3A_478 = arith.constant 0 : i32
    %dma_wait3A_479 = tpu.memref_slice %arg4[%add3A_461, %dma_wait3A_478] : memref<320000x128xf32, #tpu.memory_space<hbm>> -> memref<400x128xf32, #tpu.memory_space<hbm>>
    %dma_wait3A_480 = arith.constant 0 : i32
    %dma_wait3A_481 = tpu.memref_slice %arg4[%add3A_461, %dma_wait3A_480] : memref<320000x128xf32, #tpu.memory_space<hbm>> -> memref<400x128xf32, #tpu.memory_space<hbm>>
    tpu.wait_dma2 semaphore(%arg17 : memref<!tpu.dma_semaphore, #tpu.memory_space<semaphore_mem>>) src(%arg11 : memref<400x128xf32, #tpu.memory_space<vmem>>) dst(%dma_wait3A_481 : memref<400x128xf32, #tpu.memory_space<hbm>>)
    %dma_start3A_482 = arith.constant 0 : i32
    %dma_start3A_483 = arith.constant 0 : i32
    %dma_start3A_484 = tpu.memref_slice %arg11[%dma_start3A_482, %dma_start3A_483] : memref<400x128xf32, #tpu.memory_space<vmem>> -> memref<80x128xf32, #tpu.memory_space<vmem>>
    %dma_start3A_485 = arith.constant 0 : i32
    %dma_start3A_486 = tpu.memref_slice %arg9[%dma_start3A_485] : memref<400xi32, #tpu.memory_space<vmem>> -> memref<80xi32, #tpu.memory_space<vmem>>
    %dma_start3A_487 = arith.constant 0 : i32
    %dma_start3A_488 = arith.constant 0 : i32
    %dma_start3A_489 = tpu.memref_slice %arg5[%dma_start3A_487, %dma_start3A_488] : memref<64x128xf32, #tpu.memory_space<vmem_shared>> -> memref<64x128xf32, #tpu.memory_space<vmem_shared>>
    tpu.enqueue_indirect_dma source(%dma_start3A_489 : memref<64x128xf32, #tpu.memory_space<vmem_shared>>) target(%dma_start3A_484 : memref<80x128xf32, #tpu.memory_space<vmem>>) offsets(%dma_start3A_486 : memref<80xi32, #tpu.memory_space<vmem>>) semaphore(%arg15 : memref<!tpu.dma_semaphore, #tpu.memory_space<semaphore_mem>>)
    %dma_start3A_490 = arith.constant 80 : i32
    %dma_start3A_491 = arith.constant 0 : i32
    %dma_start3A_492 = tpu.memref_slice %arg11[%dma_start3A_490, %dma_start3A_491] : memref<400x128xf32, #tpu.memory_space<vmem>> -> memref<80x128xf32, #tpu.memory_space<vmem>>
    %dma_start3A_493 = arith.constant 80 : i32
    %dma_start3A_494 = tpu.memref_slice %arg9[%dma_start3A_493] : memref<400xi32, #tpu.memory_space<vmem>> -> memref<80xi32, #tpu.memory_space<vmem>>
    %dma_start3A_495 = arith.constant 0 : i32
    %dma_start3A_496 = arith.constant 0 : i32
    %dma_start3A_497 = tpu.memref_slice %arg5[%dma_start3A_495, %dma_start3A_496] : memref<64x128xf32, #tpu.memory_space<vmem_shared>> -> memref<64x128xf32, #tpu.memory_space<vmem_shared>>
    tpu.enqueue_indirect_dma source(%dma_start3A_497 : memref<64x128xf32, #tpu.memory_space<vmem_shared>>) target(%dma_start3A_492 : memref<80x128xf32, #tpu.memory_space<vmem>>) offsets(%dma_start3A_494 : memref<80xi32, #tpu.memory_space<vmem>>) semaphore(%arg15 : memref<!tpu.dma_semaphore, #tpu.memory_space<semaphore_mem>>)
    %dma_start3A_498 = arith.constant 160 : i32
    %dma_start3A_499 = arith.constant 0 : i32
    %dma_start3A_500 = tpu.memref_slice %arg11[%dma_start3A_498, %dma_start3A_499] : memref<400x128xf32, #tpu.memory_space<vmem>> -> memref<80x128xf32, #tpu.memory_space<vmem>>
    %dma_start3A_501 = arith.constant 160 : i32
    %dma_start3A_502 = tpu.memref_slice %arg9[%dma_start3A_501] : memref<400xi32, #tpu.memory_space<vmem>> -> memref<80xi32, #tpu.memory_space<vmem>>
    %dma_start3A_503 = arith.constant 0 : i32
    %dma_start3A_504 = arith.constant 0 : i32
    %dma_start3A_505 = tpu.memref_slice %arg5[%dma_start3A_503, %dma_start3A_504] : memref<64x128xf32, #tpu.memory_space<vmem_shared>> -> memref<64x128xf32, #tpu.memory_space<vmem_shared>>
    tpu.enqueue_indirect_dma source(%dma_start3A_505 : memref<64x128xf32, #tpu.memory_space<vmem_shared>>) target(%dma_start3A_500 : memref<80x128xf32, #tpu.memory_space<vmem>>) offsets(%dma_start3A_502 : memref<80xi32, #tpu.memory_space<vmem>>) semaphore(%arg15 : memref<!tpu.dma_semaphore, #tpu.memory_space<semaphore_mem>>)
    %dma_start3A_506 = arith.constant 240 : i32
    %dma_start3A_507 = arith.constant 0 : i32
    %dma_start3A_508 = tpu.memref_slice %arg11[%dma_start3A_506, %dma_start3A_507] : memref<400x128xf32, #tpu.memory_space<vmem>> -> memref<80x128xf32, #tpu.memory_space<vmem>>
    %dma_start3A_509 = arith.constant 240 : i32
    %dma_start3A_510 = tpu.memref_slice %arg9[%dma_start3A_509] : memref<400xi32, #tpu.memory_space<vmem>> -> memref<80xi32, #tpu.memory_space<vmem>>
    %dma_start3A_511 = arith.constant 0 : i32
    %dma_start3A_512 = arith.constant 0 : i32
    %dma_start3A_513 = tpu.memref_slice %arg5[%dma_start3A_511, %dma_start3A_512] : memref<64x128xf32, #tpu.memory_space<vmem_shared>> -> memref<64x128xf32, #tpu.memory_space<vmem_shared>>
    tpu.enqueue_indirect_dma source(%dma_start3A_513 : memref<64x128xf32, #tpu.memory_space<vmem_shared>>) target(%dma_start3A_508 : memref<80x128xf32, #tpu.memory_space<vmem>>) offsets(%dma_start3A_510 : memref<80xi32, #tpu.memory_space<vmem>>) semaphore(%arg15 : memref<!tpu.dma_semaphore, #tpu.memory_space<semaphore_mem>>)
    %dma_start3A_514 = arith.constant 320 : i32
    %dma_start3A_515 = arith.constant 0 : i32
    %dma_start3A_516 = tpu.memref_slice %arg11[%dma_start3A_514, %dma_start3A_515] : memref<400x128xf32, #tpu.memory_space<vmem>> -> memref<80x128xf32, #tpu.memory_space<vmem>>
    %dma_start3A_517 = arith.constant 320 : i32
    %dma_start3A_518 = tpu.memref_slice %arg9[%dma_start3A_517] : memref<400xi32, #tpu.memory_space<vmem>> -> memref<80xi32, #tpu.memory_space<vmem>>
    %dma_start3A_519 = arith.constant 0 : i32
    %dma_start3A_520 = arith.constant 0 : i32
    %dma_start3A_521 = tpu.memref_slice %arg5[%dma_start3A_519, %dma_start3A_520] : memref<64x128xf32, #tpu.memory_space<vmem_shared>> -> memref<64x128xf32, #tpu.memory_space<vmem_shared>>
    tpu.enqueue_indirect_dma source(%dma_start3A_521 : memref<64x128xf32, #tpu.memory_space<vmem_shared>>) target(%dma_start3A_516 : memref<80x128xf32, #tpu.memory_space<vmem>>) offsets(%dma_start3A_518 : memref<80xi32, #tpu.memory_space<vmem>>) semaphore(%arg15 : memref<!tpu.dma_semaphore, #tpu.memory_space<semaphore_mem>>)
    %dma_wait3A_522 = arith.constant 0 : i32
    %dma_wait3A_523 = arith.constant 0 : i32
    %dma_wait3A_524 = tpu.memref_slice %arg10[%dma_wait3A_522, %dma_wait3A_523] : memref<400x128xf32, #tpu.memory_space<vmem>> -> memref<80x128xf32, #tpu.memory_space<vmem>>
    %dma_wait3A_525 = arith.constant 0 : i32
    %dma_wait3A_526 = tpu.memref_slice %arg8[%dma_wait3A_525] : memref<400xi32, #tpu.memory_space<vmem>> -> memref<80xi32, #tpu.memory_space<vmem>>
    %dma_wait3A_527 = arith.constant 0 : i32
    %dma_wait3A_528 = arith.constant 0 : i32
    %dma_wait3A_529 = tpu.memref_slice %arg5[%dma_wait3A_527, %dma_wait3A_528] : memref<64x128xf32, #tpu.memory_space<vmem_shared>> -> memref<64x128xf32, #tpu.memory_space<vmem_shared>>
    tpu.wait_indirect_dma semaphore(%arg14 : memref<!tpu.dma_semaphore, #tpu.memory_space<semaphore_mem>>) src(%dma_wait3A_529 : memref<64x128xf32, #tpu.memory_space<vmem_shared>>) dst(%dma_wait3A_524 : memref<80x128xf32, #tpu.memory_space<vmem>>)
    %dma_wait3A_530 = arith.constant 80 : i32
    %dma_wait3A_531 = arith.constant 0 : i32
    %dma_wait3A_532 = tpu.memref_slice %arg10[%dma_wait3A_530, %dma_wait3A_531] : memref<400x128xf32, #tpu.memory_space<vmem>> -> memref<80x128xf32, #tpu.memory_space<vmem>>
    %dma_wait3A_533 = arith.constant 80 : i32
    %dma_wait3A_534 = tpu.memref_slice %arg8[%dma_wait3A_533] : memref<400xi32, #tpu.memory_space<vmem>> -> memref<80xi32, #tpu.memory_space<vmem>>
    %dma_wait3A_535 = arith.constant 0 : i32
    %dma_wait3A_536 = arith.constant 0 : i32
    %dma_wait3A_537 = tpu.memref_slice %arg5[%dma_wait3A_535, %dma_wait3A_536] : memref<64x128xf32, #tpu.memory_space<vmem_shared>> -> memref<64x128xf32, #tpu.memory_space<vmem_shared>>
    tpu.wait_indirect_dma semaphore(%arg14 : memref<!tpu.dma_semaphore, #tpu.memory_space<semaphore_mem>>) src(%dma_wait3A_537 : memref<64x128xf32, #tpu.memory_space<vmem_shared>>) dst(%dma_wait3A_532 : memref<80x128xf32, #tpu.memory_space<vmem>>)
    %dma_wait3A_538 = arith.constant 160 : i32
    %dma_wait3A_539 = arith.constant 0 : i32
    %dma_wait3A_540 = tpu.memref_slice %arg10[%dma_wait3A_538, %dma_wait3A_539] : memref<400x128xf32, #tpu.memory_space<vmem>> -> memref<80x128xf32, #tpu.memory_space<vmem>>
    %dma_wait3A_541 = arith.constant 160 : i32
    %dma_wait3A_542 = tpu.memref_slice %arg8[%dma_wait3A_541] : memref<400xi32, #tpu.memory_space<vmem>> -> memref<80xi32, #tpu.memory_space<vmem>>
    %dma_wait3A_543 = arith.constant 0 : i32
    %dma_wait3A_544 = arith.constant 0 : i32
    %dma_wait3A_545 = tpu.memref_slice %arg5[%dma_wait3A_543, %dma_wait3A_544] : memref<64x128xf32, #tpu.memory_space<vmem_shared>> -> memref<64x128xf32, #tpu.memory_space<vmem_shared>>
    tpu.wait_indirect_dma semaphore(%arg14 : memref<!tpu.dma_semaphore, #tpu.memory_space<semaphore_mem>>) src(%dma_wait3A_545 : memref<64x128xf32, #tpu.memory_space<vmem_shared>>) dst(%dma_wait3A_540 : memref<80x128xf32, #tpu.memory_space<vmem>>)
    %dma_wait3A_546 = arith.constant 240 : i32
    %dma_wait3A_547 = arith.constant 0 : i32
    %dma_wait3A_548 = tpu.memref_slice %arg10[%dma_wait3A_546, %dma_wait3A_547] : memref<400x128xf32, #tpu.memory_space<vmem>> -> memref<80x128xf32, #tpu.memory_space<vmem>>
    %dma_wait3A_549 = arith.constant 240 : i32
    %dma_wait3A_550 = tpu.memref_slice %arg8[%dma_wait3A_549] : memref<400xi32, #tpu.memory_space<vmem>> -> memref<80xi32, #tpu.memory_space<vmem>>
    %dma_wait3A_551 = arith.constant 0 : i32
    %dma_wait3A_552 = arith.constant 0 : i32
    %dma_wait3A_553 = tpu.memref_slice %arg5[%dma_wait3A_551, %dma_wait3A_552] : memref<64x128xf32, #tpu.memory_space<vmem_shared>> -> memref<64x128xf32, #tpu.memory_space<vmem_shared>>
    tpu.wait_indirect_dma semaphore(%arg14 : memref<!tpu.dma_semaphore, #tpu.memory_space<semaphore_mem>>) src(%dma_wait3A_553 : memref<64x128xf32, #tpu.memory_space<vmem_shared>>) dst(%dma_wait3A_548 : memref<80x128xf32, #tpu.memory_space<vmem>>)
    %dma_wait3A_554 = arith.constant 320 : i32
    %dma_wait3A_555 = arith.constant 0 : i32
    %dma_wait3A_556 = tpu.memref_slice %arg10[%dma_wait3A_554, %dma_wait3A_555] : memref<400x128xf32, #tpu.memory_space<vmem>> -> memref<80x128xf32, #tpu.memory_space<vmem>>
    %dma_wait3A_557 = arith.constant 320 : i32
    %dma_wait3A_558 = tpu.memref_slice %arg8[%dma_wait3A_557] : memref<400xi32, #tpu.memory_space<vmem>> -> memref<80xi32, #tpu.memory_space<vmem>>
    %dma_wait3A_559 = arith.constant 0 : i32
    %dma_wait3A_560 = arith.constant 0 : i32
    %dma_wait3A_561 = tpu.memref_slice %arg5[%dma_wait3A_559, %dma_wait3A_560] : memref<64x128xf32, #tpu.memory_space<vmem_shared>> -> memref<64x128xf32, #tpu.memory_space<vmem_shared>>
    tpu.wait_indirect_dma semaphore(%arg14 : memref<!tpu.dma_semaphore, #tpu.memory_space<semaphore_mem>>) src(%dma_wait3A_561 : memref<64x128xf32, #tpu.memory_space<vmem_shared>>) dst(%dma_wait3A_556 : memref<80x128xf32, #tpu.memory_space<vmem>>)
    %add3A_562 = arith.constant 1600 : i32
    %add3A_563 = arith.addi %mul3A_2, %add3A_562 : i32
    %dma_start3A_564 = arith.constant 0 : i32
    %dma_start3A_565 = tpu.memref_slice %arg4[%add3A_563, %dma_start3A_564] : memref<320000x128xf32, #tpu.memory_space<hbm>> -> memref<400x128xf32, #tpu.memory_space<hbm>>
    %dma_start3A_566 = arith.constant 0 : i32
    %dma_start3A_567 = tpu.memref_slice %arg4[%add3A_563, %dma_start3A_566] : memref<320000x128xf32, #tpu.memory_space<hbm>> -> memref<400x128xf32, #tpu.memory_space<hbm>>
    tpu.enqueue_dma source(%arg10 : memref<400x128xf32, #tpu.memory_space<vmem>>) target(%dma_start3A_567 : memref<400x128xf32, #tpu.memory_space<hbm>>) target_semaphore(%arg16 : memref<!tpu.dma_semaphore, #tpu.memory_space<semaphore_mem>>)
    %add3A_568 = arith.constant 8400 : i32
    %add3A_569 = arith.addi %mul3A_8, %add3A_568 : i32
    %dma_start3A_570 = tpu.memref_slice %arg3[%add3A_569] : memref<960000xi32, #tpu.memory_space<hbm>> -> memref<1200xi32, #tpu.memory_space<hbm>>
    %dma_start3A_571 = tpu.memref_slice %arg3[%add3A_569] : memref<960000xi32, #tpu.memory_space<hbm>> -> memref<1200xi32, #tpu.memory_space<hbm>>
    tpu.enqueue_dma source(%dma_start3A_571 : memref<1200xi32, #tpu.memory_space<hbm>>) target(%arg7 : memref<1200xi32, #tpu.memory_space<vmem>>) target_semaphore(%arg13 : memref<!tpu.dma_semaphore, #tpu.memory_space<semaphore_mem>>)
    %dma_wait3A_572 = tpu.memref_slice %arg3[%add3A_467] : memref<960000xi32, #tpu.memory_space<hbm>> -> memref<1200xi32, #tpu.memory_space<hbm>>
    %dma_wait3A_573 = tpu.memref_slice %arg3[%add3A_467] : memref<960000xi32, #tpu.memory_space<hbm>> -> memref<1200xi32, #tpu.memory_space<hbm>>
    tpu.wait_dma2 semaphore(%arg12 : memref<!tpu.dma_semaphore, #tpu.memory_space<semaphore_mem>>) src(%dma_wait3A_573 : memref<1200xi32, #tpu.memory_space<hbm>>) dst(%arg6 : memref<1200xi32, #tpu.memory_space<vmem>>)
    %scan3A_574 = arith.constant 0 : i32
    %scan3A_575 = arith.constant 0 : i32
    %scan3A_576 = arith.constant 25 : i32
    %scan3A_577 = arith.addi %scan3A_575, %scan3A_576 : i32
    %scan3A_578 = arith.constant 1 : i32
    scf.for %scan3A_2556 = %scan3A_575 to %scan3A_577 step %scan3A_578  : i32 {
      %mul3A_2557 = arith.constant 16 : i32
      %mul3A_2558 = arith.muli %scan3A_2556, %mul3A_2557 : i32
      %get3A = arith.index_cast %mul3A_2558 : i32 to index
      %get3A_2559 = tpu.vector_load %arg6[%get3A] {strides = array<i32>} : memref<1200xi32, #tpu.memory_space<vmem>>, vector<16xi32>,
      %get3A_2560 = vector.shape_cast %get3A_2559 : vector<16xi32> to vector<16xi32>
      %add3A_2561 = arith.constant 400 : i32
      %add3A_2562 = arith.addi %add3A_2561, %mul3A_2558 : i32
      %get3A_2563 = arith.index_cast %add3A_2562 : i32 to index
      %get3A_2564 = tpu.vector_load %arg6[%get3A_2563] {strides = array<i32>} : memref<1200xi32, #tpu.memory_space<vmem>>, vector<16xi32>,
      %get3A_2565 = vector.shape_cast %get3A_2564 : vector<16xi32> to vector<16xi32>
      %add3A_2566 = arith.constant 800 : i32
      %add3A_2567 = arith.addi %add3A_2566, %mul3A_2558 : i32
      %get3A_2568 = arith.index_cast %add3A_2567 : i32 to index
      %get3A_2569 = tpu.vector_load %arg6[%get3A_2568] {strides = array<i32>} : memref<1200xi32, #tpu.memory_space<vmem>>, vector<16xi32>,
      %get3A_2570 = vector.shape_cast %get3A_2569 : vector<16xi32> to vector<16xi32>
      %mul3A_2571 = arith.constant 12 : i32
      %mul3A_2572 = vector.broadcast %mul3A_2571 : i32 to vector<16xi32>
      %mul3A_2573 = arith.muli %get3A_2560, %mul3A_2572 : vector<16xi32>
      %mul3A_2574 = arith.constant 2 : i32
      %mul3A_2575 = vector.broadcast %mul3A_2574 : i32 to vector<16xi32>
      %mul3A_2576 = arith.muli %get3A_2565, %mul3A_2575 : vector<16xi32>
      %add3A_2577 = arith.addi %mul3A_2573, %mul3A_2576 : vector<16xi32>
      %add3A_2578 = arith.addi %add3A_2577, %get3A_2570 : vector<16xi32>
      %swap3A = arith.index_cast %mul3A_2558 : i32 to index
      %swap3A_2579 = tpu.vector_load %arg8[%swap3A] {strides = array<i32>} : memref<400xi32, #tpu.memory_space<vmem>>, vector<16xi32>,
      %swap3A_2580 = vector.shape_cast %swap3A_2579 : vector<16xi32> to vector<16xi32>
      %swap3A_2581 = vector.shape_cast %add3A_2578 : vector<16xi32> to vector<16xi32>
      tpu.vector_store %arg8[%swap3A], %swap3A_2581 {strides = array<i32>} : memref<400xi32, #tpu.memory_space<vmem>>, vector<16xi32>,
    }
    %scan3A_579 = arith.constant 25 : i32
    %dma_wait3A_580 = arith.constant 0 : i32
    %dma_wait3A_581 = tpu.memref_slice %arg4[%add3A_563, %dma_wait3A_580] : memref<320000x128xf32, #tpu.memory_space<hbm>> -> memref<400x128xf32, #tpu.memory_space<hbm>>
    %dma_wait3A_582 = arith.constant 0 : i32
    %dma_wait3A_583 = tpu.memref_slice %arg4[%add3A_563, %dma_wait3A_582] : memref<320000x128xf32, #tpu.memory_space<hbm>> -> memref<400x128xf32, #tpu.memory_space<hbm>>
    tpu.wait_dma2 semaphore(%arg16 : memref<!tpu.dma_semaphore, #tpu.memory_space<semaphore_mem>>) src(%arg10 : memref<400x128xf32, #tpu.memory_space<vmem>>) dst(%dma_wait3A_583 : memref<400x128xf32, #tpu.memory_space<hbm>>)
    %dma_start3A_584 = arith.constant 0 : i32
    %dma_start3A_585 = arith.constant 0 : i32
    %dma_start3A_586 = tpu.memref_slice %arg10[%dma_start3A_584, %dma_start3A_585] : memref<400x128xf32, #tpu.memory_space<vmem>> -> memref<80x128xf32, #tpu.memory_space<vmem>>
    %dma_start3A_587 = arith.constant 0 : i32
    %dma_start3A_588 = tpu.memref_slice %arg8[%dma_start3A_587] : memref<400xi32, #tpu.memory_space<vmem>> -> memref<80xi32, #tpu.memory_space<vmem>>
    %dma_start3A_589 = arith.constant 0 : i32
    %dma_start3A_590 = arith.constant 0 : i32
    %dma_start3A_591 = tpu.memref_slice %arg5[%dma_start3A_589, %dma_start3A_590] : memref<64x128xf32, #tpu.memory_space<vmem_shared>> -> memref<64x128xf32, #tpu.memory_space<vmem_shared>>
    tpu.enqueue_indirect_dma source(%dma_start3A_591 : memref<64x128xf32, #tpu.memory_space<vmem_shared>>) target(%dma_start3A_586 : memref<80x128xf32, #tpu.memory_space<vmem>>) offsets(%dma_start3A_588 : memref<80xi32, #tpu.memory_space<vmem>>) semaphore(%arg14 : memref<!tpu.dma_semaphore, #tpu.memory_space<semaphore_mem>>)
    %dma_start3A_592 = arith.constant 80 : i32
    %dma_start3A_593 = arith.constant 0 : i32
    %dma_start3A_594 = tpu.memref_slice %arg10[%dma_start3A_592, %dma_start3A_593] : memref<400x128xf32, #tpu.memory_space<vmem>> -> memref<80x128xf32, #tpu.memory_space<vmem>>
    %dma_start3A_595 = arith.constant 80 : i32
    %dma_start3A_596 = tpu.memref_slice %arg8[%dma_start3A_595] : memref<400xi32, #tpu.memory_space<vmem>> -> memref<80xi32, #tpu.memory_space<vmem>>
    %dma_start3A_597 = arith.constant 0 : i32
    %dma_start3A_598 = arith.constant 0 : i32
    %dma_start3A_599 = tpu.memref_slice %arg5[%dma_start3A_597, %dma_start3A_598] : memref<64x128xf32, #tpu.memory_space<vmem_shared>> -> memref<64x128xf32, #tpu.memory_space<vmem_shared>>
    tpu.enqueue_indirect_dma source(%dma_start3A_599 : memref<64x128xf32, #tpu.memory_space<vmem_shared>>) target(%dma_start3A_594 : memref<80x128xf32, #tpu.memory_space<vmem>>) offsets(%dma_start3A_596 : memref<80xi32, #tpu.memory_space<vmem>>) semaphore(%arg14 : memref<!tpu.dma_semaphore, #tpu.memory_space<semaphore_mem>>)
    %dma_start3A_600 = arith.constant 160 : i32
    %dma_start3A_601 = arith.constant 0 : i32
    %dma_start3A_602 = tpu.memref_slice %arg10[%dma_start3A_600, %dma_start3A_601] : memref<400x128xf32, #tpu.memory_space<vmem>> -> memref<80x128xf32, #tpu.memory_space<vmem>>
    %dma_start3A_603 = arith.constant 160 : i32
    %dma_start3A_604 = tpu.memref_slice %arg8[%dma_start3A_603] : memref<400xi32, #tpu.memory_space<vmem>> -> memref<80xi32, #tpu.memory_space<vmem>>
    %dma_start3A_605 = arith.constant 0 : i32
    %dma_start3A_606 = arith.constant 0 : i32
    %dma_start3A_607 = tpu.memref_slice %arg5[%dma_start3A_605, %dma_start3A_606] : memref<64x128xf32, #tpu.memory_space<vmem_shared>> -> memref<64x128xf32, #tpu.memory_space<vmem_shared>>
    tpu.enqueue_indirect_dma source(%dma_start3A_607 : memref<64x128xf32, #tpu.memory_space<vmem_shared>>) target(%dma_start3A_602 : memref<80x128xf32, #tpu.memory_space<vmem>>) offsets(%dma_start3A_604 : memref<80xi32, #tpu.memory_space<vmem>>) semaphore(%arg14 : memref<!tpu.dma_semaphore, #tpu.memory_space<semaphore_mem>>)
    %dma_start3A_608 = arith.constant 240 : i32
    %dma_start3A_609 = arith.constant 0 : i32
    %dma_start3A_610 = tpu.memref_slice %arg10[%dma_start3A_608, %dma_start3A_609] : memref<400x128xf32, #tpu.memory_space<vmem>> -> memref<80x128xf32, #tpu.memory_space<vmem>>
    %dma_start3A_611 = arith.constant 240 : i32
    %dma_start3A_612 = tpu.memref_slice %arg8[%dma_start3A_611] : memref<400xi32, #tpu.memory_space<vmem>> -> memref<80xi32, #tpu.memory_space<vmem>>
    %dma_start3A_613 = arith.constant 0 : i32
    %dma_start3A_614 = arith.constant 0 : i32
    %dma_start3A_615 = tpu.memref_slice %arg5[%dma_start3A_613, %dma_start3A_614] : memref<64x128xf32, #tpu.memory_space<vmem_shared>> -> memref<64x128xf32, #tpu.memory_space<vmem_shared>>
    tpu.enqueue_indirect_dma source(%dma_start3A_615 : memref<64x128xf32, #tpu.memory_space<vmem_shared>>) target(%dma_start3A_610 : memref<80x128xf32, #tpu.memory_space<vmem>>) offsets(%dma_start3A_612 : memref<80xi32, #tpu.memory_space<vmem>>) semaphore(%arg14 : memref<!tpu.dma_semaphore, #tpu.memory_space<semaphore_mem>>)
    %dma_start3A_616 = arith.constant 320 : i32
    %dma_start3A_617 = arith.constant 0 : i32
    %dma_start3A_618 = tpu.memref_slice %arg10[%dma_start3A_616, %dma_start3A_617] : memref<400x128xf32, #tpu.memory_space<vmem>> -> memref<80x128xf32, #tpu.memory_space<vmem>>
    %dma_start3A_619 = arith.constant 320 : i32
    %dma_start3A_620 = tpu.memref_slice %arg8[%dma_start3A_619] : memref<400xi32, #tpu.memory_space<vmem>> -> memref<80xi32, #tpu.memory_space<vmem>>
    %dma_start3A_621 = arith.constant 0 : i32
    %dma_start3A_622 = arith.constant 0 : i32
    %dma_start3A_623 = tpu.memref_slice %arg5[%dma_start3A_621, %dma_start3A_622] : memref<64x128xf32, #tpu.memory_space<vmem_shared>> -> memref<64x128xf32, #tpu.memory_space<vmem_shared>>
    tpu.enqueue_indirect_dma source(%dma_start3A_623 : memref<64x128xf32, #tpu.memory_space<vmem_shared>>) target(%dma_start3A_618 : memref<80x128xf32, #tpu.memory_space<vmem>>) offsets(%dma_start3A_620 : memref<80xi32, #tpu.memory_space<vmem>>) semaphore(%arg14 : memref<!tpu.dma_semaphore, #tpu.memory_space<semaphore_mem>>)
    %dma_wait3A_624 = arith.constant 0 : i32
    %dma_wait3A_625 = arith.constant 0 : i32
    %dma_wait3A_626 = tpu.memref_slice %arg11[%dma_wait3A_624, %dma_wait3A_625] : memref<400x128xf32, #tpu.memory_space<vmem>> -> memref<80x128xf32, #tpu.memory_space<vmem>>
    %dma_wait3A_627 = arith.constant 0 : i32
    %dma_wait3A_628 = tpu.memref_slice %arg9[%dma_wait3A_627] : memref<400xi32, #tpu.memory_space<vmem>> -> memref<80xi32, #tpu.memory_space<vmem>>
    %dma_wait3A_629 = arith.constant 0 : i32
    %dma_wait3A_630 = arith.constant 0 : i32
    %dma_wait3A_631 = tpu.memref_slice %arg5[%dma_wait3A_629, %dma_wait3A_630] : memref<64x128xf32, #tpu.memory_space<vmem_shared>> -> memref<64x128xf32, #tpu.memory_space<vmem_shared>>
    tpu.wait_indirect_dma semaphore(%arg15 : memref<!tpu.dma_semaphore, #tpu.memory_space<semaphore_mem>>) src(%dma_wait3A_631 : memref<64x128xf32, #tpu.memory_space<vmem_shared>>) dst(%dma_wait3A_626 : memref<80x128xf32, #tpu.memory_space<vmem>>)
    %dma_wait3A_632 = arith.constant 80 : i32
    %dma_wait3A_633 = arith.constant 0 : i32
    %dma_wait3A_634 = tpu.memref_slice %arg11[%dma_wait3A_632, %dma_wait3A_633] : memref<400x128xf32, #tpu.memory_space<vmem>> -> memref<80x128xf32, #tpu.memory_space<vmem>>
    %dma_wait3A_635 = arith.constant 80 : i32
    %dma_wait3A_636 = tpu.memref_slice %arg9[%dma_wait3A_635] : memref<400xi32, #tpu.memory_space<vmem>> -> memref<80xi32, #tpu.memory_space<vmem>>
    %dma_wait3A_637 = arith.constant 0 : i32
    %dma_wait3A_638 = arith.constant 0 : i32
    %dma_wait3A_639 = tpu.memref_slice %arg5[%dma_wait3A_637, %dma_wait3A_638] : memref<64x128xf32, #tpu.memory_space<vmem_shared>> -> memref<64x128xf32, #tpu.memory_space<vmem_shared>>
    tpu.wait_indirect_dma semaphore(%arg15 : memref<!tpu.dma_semaphore, #tpu.memory_space<semaphore_mem>>) src(%dma_wait3A_639 : memref<64x128xf32, #tpu.memory_space<vmem_shared>>) dst(%dma_wait3A_634 : memref<80x128xf32, #tpu.memory_space<vmem>>)
    %dma_wait3A_640 = arith.constant 160 : i32
    %dma_wait3A_641 = arith.constant 0 : i32
    %dma_wait3A_642 = tpu.memref_slice %arg11[%dma_wait3A_640, %dma_wait3A_641] : memref<400x128xf32, #tpu.memory_space<vmem>> -> memref<80x128xf32, #tpu.memory_space<vmem>>
    %dma_wait3A_643 = arith.constant 160 : i32
    %dma_wait3A_644 = tpu.memref_slice %arg9[%dma_wait3A_643] : memref<400xi32, #tpu.memory_space<vmem>> -> memref<80xi32, #tpu.memory_space<vmem>>
    %dma_wait3A_645 = arith.constant 0 : i32
    %dma_wait3A_646 = arith.constant 0 : i32
    %dma_wait3A_647 = tpu.memref_slice %arg5[%dma_wait3A_645, %dma_wait3A_646] : memref<64x128xf32, #tpu.memory_space<vmem_shared>> -> memref<64x128xf32, #tpu.memory_space<vmem_shared>>
    tpu.wait_indirect_dma semaphore(%arg15 : memref<!tpu.dma_semaphore, #tpu.memory_space<semaphore_mem>>) src(%dma_wait3A_647 : memref<64x128xf32, #tpu.memory_space<vmem_shared>>) dst(%dma_wait3A_642 : memref<80x128xf32, #tpu.memory_space<vmem>>)
    %dma_wait3A_648 = arith.constant 240 : i32
    %dma_wait3A_649 = arith.constant 0 : i32
    %dma_wait3A_650 = tpu.memref_slice %arg11[%dma_wait3A_648, %dma_wait3A_649] : memref<400x128xf32, #tpu.memory_space<vmem>> -> memref<80x128xf32, #tpu.memory_space<vmem>>
    %dma_wait3A_651 = arith.constant 240 : i32
    %dma_wait3A_652 = tpu.memref_slice %arg9[%dma_wait3A_651] : memref<400xi32, #tpu.memory_space<vmem>> -> memref<80xi32, #tpu.memory_space<vmem>>
    %dma_wait3A_653 = arith.constant 0 : i32
    %dma_wait3A_654 = arith.constant 0 : i32
    %dma_wait3A_655 = tpu.memref_slice %arg5[%dma_wait3A_653, %dma_wait3A_654] : memref<64x128xf32, #tpu.memory_space<vmem_shared>> -> memref<64x128xf32, #tpu.memory_space<vmem_shared>>
    tpu.wait_indirect_dma semaphore(%arg15 : memref<!tpu.dma_semaphore, #tpu.memory_space<semaphore_mem>>) src(%dma_wait3A_655 : memref<64x128xf32, #tpu.memory_space<vmem_shared>>) dst(%dma_wait3A_650 : memref<80x128xf32, #tpu.memory_space<vmem>>)
    %dma_wait3A_656 = arith.constant 320 : i32
    %dma_wait3A_657 = arith.constant 0 : i32
    %dma_wait3A_658 = tpu.memref_slice %arg11[%dma_wait3A_656, %dma_wait3A_657] : memref<400x128xf32, #tpu.memory_space<vmem>> -> memref<80x128xf32, #tpu.memory_space<vmem>>
    %dma_wait3A_659 = arith.constant 320 : i32
    %dma_wait3A_660 = tpu.memref_slice %arg9[%dma_wait3A_659] : memref<400xi32, #tpu.memory_space<vmem>> -> memref<80xi32, #tpu.memory_space<vmem>>
    %dma_wait3A_661 = arith.constant 0 : i32
    %dma_wait3A_662 = arith.constant 0 : i32
    %dma_wait3A_663 = tpu.memref_slice %arg5[%dma_wait3A_661, %dma_wait3A_662] : memref<64x128xf32, #tpu.memory_space<vmem_shared>> -> memref<64x128xf32, #tpu.memory_space<vmem_shared>>
    tpu.wait_indirect_dma semaphore(%arg15 : memref<!tpu.dma_semaphore, #tpu.memory_space<semaphore_mem>>) src(%dma_wait3A_663 : memref<64x128xf32, #tpu.memory_space<vmem_shared>>) dst(%dma_wait3A_658 : memref<80x128xf32, #tpu.memory_space<vmem>>)
    %add3A_664 = arith.constant 2000 : i32
    %add3A_665 = arith.addi %mul3A_2, %add3A_664 : i32
    %dma_start3A_666 = arith.constant 0 : i32
    %dma_start3A_667 = tpu.memref_slice %arg4[%add3A_665, %dma_start3A_666] : memref<320000x128xf32, #tpu.memory_space<hbm>> -> memref<400x128xf32, #tpu.memory_space<hbm>>
    %dma_start3A_668 = arith.constant 0 : i32
    %dma_start3A_669 = tpu.memref_slice %arg4[%add3A_665, %dma_start3A_668] : memref<320000x128xf32, #tpu.memory_space<hbm>> -> memref<400x128xf32, #tpu.memory_space<hbm>>
    tpu.enqueue_dma source(%arg11 : memref<400x128xf32, #tpu.memory_space<vmem>>) target(%dma_start3A_669 : memref<400x128xf32, #tpu.memory_space<hbm>>) target_semaphore(%arg17 : memref<!tpu.dma_semaphore, #tpu.memory_space<semaphore_mem>>)
    %add3A_670 = arith.constant 9600 : i32
    %add3A_671 = arith.addi %mul3A_8, %add3A_670 : i32
    %dma_start3A_672 = tpu.memref_slice %arg3[%add3A_671] : memref<960000xi32, #tpu.memory_space<hbm>> -> memref<1200xi32, #tpu.memory_space<hbm>>
    %dma_start3A_673 = tpu.memref_slice %arg3[%add3A_671] : memref<960000xi32, #tpu.memory_space<hbm>> -> memref<1200xi32, #tpu.memory_space<hbm>>
    tpu.enqueue_dma source(%dma_start3A_673 : memref<1200xi32, #tpu.memory_space<hbm>>) target(%arg6 : memref<1200xi32, #tpu.memory_space<vmem>>) target_semaphore(%arg12 : memref<!tpu.dma_semaphore, #tpu.memory_space<semaphore_mem>>)
    %dma_wait3A_674 = tpu.memref_slice %arg3[%add3A_569] : memref<960000xi32, #tpu.memory_space<hbm>> -> memref<1200xi32, #tpu.memory_space<hbm>>
    %dma_wait3A_675 = tpu.memref_slice %arg3[%add3A_569] : memref<960000xi32, #tpu.memory_space<hbm>> -> memref<1200xi32, #tpu.memory_space<hbm>>
    tpu.wait_dma2 semaphore(%arg13 : memref<!tpu.dma_semaphore, #tpu.memory_space<semaphore_mem>>) src(%dma_wait3A_675 : memref<1200xi32, #tpu.memory_space<hbm>>) dst(%arg7 : memref<1200xi32, #tpu.memory_space<vmem>>)
    %scan3A_676 = arith.constant 0 : i32
    %scan3A_677 = arith.constant 0 : i32
    %scan3A_678 = arith.constant 25 : i32
    %scan3A_679 = arith.addi %scan3A_677, %scan3A_678 : i32
    %scan3A_680 = arith.constant 1 : i32
    scf.for %scan3A_2556 = %scan3A_677 to %scan3A_679 step %scan3A_680  : i32 {
      %mul3A_2557 = arith.constant 16 : i32
      %mul3A_2558 = arith.muli %scan3A_2556, %mul3A_2557 : i32
      %get3A = arith.index_cast %mul3A_2558 : i32 to index
      %get3A_2559 = tpu.vector_load %arg7[%get3A] {strides = array<i32>} : memref<1200xi32, #tpu.memory_space<vmem>>, vector<16xi32>,
      %get3A_2560 = vector.shape_cast %get3A_2559 : vector<16xi32> to vector<16xi32>
      %add3A_2561 = arith.constant 400 : i32
      %add3A_2562 = arith.addi %add3A_2561, %mul3A_2558 : i32
      %get3A_2563 = arith.index_cast %add3A_2562 : i32 to index
      %get3A_2564 = tpu.vector_load %arg7[%get3A_2563] {strides = array<i32>} : memref<1200xi32, #tpu.memory_space<vmem>>, vector<16xi32>,
      %get3A_2565 = vector.shape_cast %get3A_2564 : vector<16xi32> to vector<16xi32>
      %add3A_2566 = arith.constant 800 : i32
      %add3A_2567 = arith.addi %add3A_2566, %mul3A_2558 : i32
      %get3A_2568 = arith.index_cast %add3A_2567 : i32 to index
      %get3A_2569 = tpu.vector_load %arg7[%get3A_2568] {strides = array<i32>} : memref<1200xi32, #tpu.memory_space<vmem>>, vector<16xi32>,
      %get3A_2570 = vector.shape_cast %get3A_2569 : vector<16xi32> to vector<16xi32>
      %mul3A_2571 = arith.constant 12 : i32
      %mul3A_2572 = vector.broadcast %mul3A_2571 : i32 to vector<16xi32>
      %mul3A_2573 = arith.muli %get3A_2560, %mul3A_2572 : vector<16xi32>
      %mul3A_2574 = arith.constant 2 : i32
      %mul3A_2575 = vector.broadcast %mul3A_2574 : i32 to vector<16xi32>
      %mul3A_2576 = arith.muli %get3A_2565, %mul3A_2575 : vector<16xi32>
      %add3A_2577 = arith.addi %mul3A_2573, %mul3A_2576 : vector<16xi32>
      %add3A_2578 = arith.addi %add3A_2577, %get3A_2570 : vector<16xi32>
      %swap3A = arith.index_cast %mul3A_2558 : i32 to index
      %swap3A_2579 = tpu.vector_load %arg9[%swap3A] {strides = array<i32>} : memref<400xi32, #tpu.memory_space<vmem>>, vector<16xi32>,
      %swap3A_2580 = vector.shape_cast %swap3A_2579 : vector<16xi32> to vector<16xi32>
      %swap3A_2581 = vector.shape_cast %add3A_2578 : vector<16xi32> to vector<16xi32>
      tpu.vector_store %arg9[%swap3A], %swap3A_2581 {strides = array<i32>} : memref<400xi32, #tpu.memory_space<vmem>>, vector<16xi32>,
    }
    %scan3A_681 = arith.constant 25 : i32
    %dma_wait3A_682 = arith.constant 0 : i32
    %dma_wait3A_683 = tpu.memref_slice %arg4[%add3A_665, %dma_wait3A_682] : memref<320000x128xf32, #tpu.memory_space<hbm>> -> memref<400x128xf32, #tpu.memory_space<hbm>>
    %dma_wait3A_684 = arith.constant 0 : i32
    %dma_wait3A_685 = tpu.memref_slice %arg4[%add3A_665, %dma_wait3A_684] : memref<320000x128xf32, #tpu.memory_space<hbm>> -> memref<400x128xf32, #tpu.memory_space<hbm>>
    tpu.wait_dma2 semaphore(%arg17 : memref<!tpu.dma_semaphore, #tpu.memory_space<semaphore_mem>>) src(%arg11 : memref<400x128xf32, #tpu.memory_space<vmem>>) dst(%dma_wait3A_685 : memref<400x128xf32, #tpu.memory_space<hbm>>)
    %dma_start3A_686 = arith.constant 0 : i32
    %dma_start3A_687 = arith.constant 0 : i32
    %dma_start3A_688 = tpu.memref_slice %arg11[%dma_start3A_686, %dma_start3A_687] : memref<400x128xf32, #tpu.memory_space<vmem>> -> memref<80x128xf32, #tpu.memory_space<vmem>>
    %dma_start3A_689 = arith.constant 0 : i32
    %dma_start3A_690 = tpu.memref_slice %arg9[%dma_start3A_689] : memref<400xi32, #tpu.memory_space<vmem>> -> memref<80xi32, #tpu.memory_space<vmem>>
    %dma_start3A_691 = arith.constant 0 : i32
    %dma_start3A_692 = arith.constant 0 : i32
    %dma_start3A_693 = tpu.memref_slice %arg5[%dma_start3A_691, %dma_start3A_692] : memref<64x128xf32, #tpu.memory_space<vmem_shared>> -> memref<64x128xf32, #tpu.memory_space<vmem_shared>>
    tpu.enqueue_indirect_dma source(%dma_start3A_693 : memref<64x128xf32, #tpu.memory_space<vmem_shared>>) target(%dma_start3A_688 : memref<80x128xf32, #tpu.memory_space<vmem>>) offsets(%dma_start3A_690 : memref<80xi32, #tpu.memory_space<vmem>>) semaphore(%arg15 : memref<!tpu.dma_semaphore, #tpu.memory_space<semaphore_mem>>)
    %dma_start3A_694 = arith.constant 80 : i32
    %dma_start3A_695 = arith.constant 0 : i32
    %dma_start3A_696 = tpu.memref_slice %arg11[%dma_start3A_694, %dma_start3A_695] : memref<400x128xf32, #tpu.memory_space<vmem>> -> memref<80x128xf32, #tpu.memory_space<vmem>>
    %dma_start3A_697 = arith.constant 80 : i32
    %dma_start3A_698 = tpu.memref_slice %arg9[%dma_start3A_697] : memref<400xi32, #tpu.memory_space<vmem>> -> memref<80xi32, #tpu.memory_space<vmem>>
    %dma_start3A_699 = arith.constant 0 : i32
    %dma_start3A_700 = arith.constant 0 : i32
    %dma_start3A_701 = tpu.memref_slice %arg5[%dma_start3A_699, %dma_start3A_700] : memref<64x128xf32, #tpu.memory_space<vmem_shared>> -> memref<64x128xf32, #tpu.memory_space<vmem_shared>>
    tpu.enqueue_indirect_dma source(%dma_start3A_701 : memref<64x128xf32, #tpu.memory_space<vmem_shared>>) target(%dma_start3A_696 : memref<80x128xf32, #tpu.memory_space<vmem>>) offsets(%dma_start3A_698 : memref<80xi32, #tpu.memory_space<vmem>>) semaphore(%arg15 : memref<!tpu.dma_semaphore, #tpu.memory_space<semaphore_mem>>)
    %dma_start3A_702 = arith.constant 160 : i32
    %dma_start3A_703 = arith.constant 0 : i32
    %dma_start3A_704 = tpu.memref_slice %arg11[%dma_start3A_702, %dma_start3A_703] : memref<400x128xf32, #tpu.memory_space<vmem>> -> memref<80x128xf32, #tpu.memory_space<vmem>>
    %dma_start3A_705 = arith.constant 160 : i32
    %dma_start3A_706 = tpu.memref_slice %arg9[%dma_start3A_705] : memref<400xi32, #tpu.memory_space<vmem>> -> memref<80xi32, #tpu.memory_space<vmem>>
    %dma_start3A_707 = arith.constant 0 : i32
    %dma_start3A_708 = arith.constant 0 : i32
    %dma_start3A_709 = tpu.memref_slice %arg5[%dma_start3A_707, %dma_start3A_708] : memref<64x128xf32, #tpu.memory_space<vmem_shared>> -> memref<64x128xf32, #tpu.memory_space<vmem_shared>>
    tpu.enqueue_indirect_dma source(%dma_start3A_709 : memref<64x128xf32, #tpu.memory_space<vmem_shared>>) target(%dma_start3A_704 : memref<80x128xf32, #tpu.memory_space<vmem>>) offsets(%dma_start3A_706 : memref<80xi32, #tpu.memory_space<vmem>>) semaphore(%arg15 : memref<!tpu.dma_semaphore, #tpu.memory_space<semaphore_mem>>)
    %dma_start3A_710 = arith.constant 240 : i32
    %dma_start3A_711 = arith.constant 0 : i32
    %dma_start3A_712 = tpu.memref_slice %arg11[%dma_start3A_710, %dma_start3A_711] : memref<400x128xf32, #tpu.memory_space<vmem>> -> memref<80x128xf32, #tpu.memory_space<vmem>>
    %dma_start3A_713 = arith.constant 240 : i32
    %dma_start3A_714 = tpu.memref_slice %arg9[%dma_start3A_713] : memref<400xi32, #tpu.memory_space<vmem>> -> memref<80xi32, #tpu.memory_space<vmem>>
    %dma_start3A_715 = arith.constant 0 : i32
    %dma_start3A_716 = arith.constant 0 : i32
    %dma_start3A_717 = tpu.memref_slice %arg5[%dma_start3A_715, %dma_start3A_716] : memref<64x128xf32, #tpu.memory_space<vmem_shared>> -> memref<64x128xf32, #tpu.memory_space<vmem_shared>>
    tpu.enqueue_indirect_dma source(%dma_start3A_717 : memref<64x128xf32, #tpu.memory_space<vmem_shared>>) target(%dma_start3A_712 : memref<80x128xf32, #tpu.memory_space<vmem>>) offsets(%dma_start3A_714 : memref<80xi32, #tpu.memory_space<vmem>>) semaphore(%arg15 : memref<!tpu.dma_semaphore, #tpu.memory_space<semaphore_mem>>)
    %dma_start3A_718 = arith.constant 320 : i32
    %dma_start3A_719 = arith.constant 0 : i32
    %dma_start3A_720 = tpu.memref_slice %arg11[%dma_start3A_718, %dma_start3A_719] : memref<400x128xf32, #tpu.memory_space<vmem>> -> memref<80x128xf32, #tpu.memory_space<vmem>>
    %dma_start3A_721 = arith.constant 320 : i32
    %dma_start3A_722 = tpu.memref_slice %arg9[%dma_start3A_721] : memref<400xi32, #tpu.memory_space<vmem>> -> memref<80xi32, #tpu.memory_space<vmem>>
    %dma_start3A_723 = arith.constant 0 : i32
    %dma_start3A_724 = arith.constant 0 : i32
    %dma_start3A_725 = tpu.memref_slice %arg5[%dma_start3A_723, %dma_start3A_724] : memref<64x128xf32, #tpu.memory_space<vmem_shared>> -> memref<64x128xf32, #tpu.memory_space<vmem_shared>>
    tpu.enqueue_indirect_dma source(%dma_start3A_725 : memref<64x128xf32, #tpu.memory_space<vmem_shared>>) target(%dma_start3A_720 : memref<80x128xf32, #tpu.memory_space<vmem>>) offsets(%dma_start3A_722 : memref<80xi32, #tpu.memory_space<vmem>>) semaphore(%arg15 : memref<!tpu.dma_semaphore, #tpu.memory_space<semaphore_mem>>)
    %dma_wait3A_726 = arith.constant 0 : i32
    %dma_wait3A_727 = arith.constant 0 : i32
    %dma_wait3A_728 = tpu.memref_slice %arg10[%dma_wait3A_726, %dma_wait3A_727] : memref<400x128xf32, #tpu.memory_space<vmem>> -> memref<80x128xf32, #tpu.memory_space<vmem>>
    %dma_wait3A_729 = arith.constant 0 : i32
    %dma_wait3A_730 = tpu.memref_slice %arg8[%dma_wait3A_729] : memref<400xi32, #tpu.memory_space<vmem>> -> memref<80xi32, #tpu.memory_space<vmem>>
    %dma_wait3A_731 = arith.constant 0 : i32
    %dma_wait3A_732 = arith.constant 0 : i32
    %dma_wait3A_733 = tpu.memref_slice %arg5[%dma_wait3A_731, %dma_wait3A_732] : memref<64x128xf32, #tpu.memory_space<vmem_shared>> -> memref<64x128xf32, #tpu.memory_space<vmem_shared>>
    tpu.wait_indirect_dma semaphore(%arg14 : memref<!tpu.dma_semaphore, #tpu.memory_space<semaphore_mem>>) src(%dma_wait3A_733 : memref<64x128xf32, #tpu.memory_space<vmem_shared>>) dst(%dma_wait3A_728 : memref<80x128xf32, #tpu.memory_space<vmem>>)
    %dma_wait3A_734 = arith.constant 80 : i32
    %dma_wait3A_735 = arith.constant 0 : i32
    %dma_wait3A_736 = tpu.memref_slice %arg10[%dma_wait3A_734, %dma_wait3A_735] : memref<400x128xf32, #tpu.memory_space<vmem>> -> memref<80x128xf32, #tpu.memory_space<vmem>>
    %dma_wait3A_737 = arith.constant 80 : i32
    %dma_wait3A_738 = tpu.memref_slice %arg8[%dma_wait3A_737] : memref<400xi32, #tpu.memory_space<vmem>> -> memref<80xi32, #tpu.memory_space<vmem>>
    %dma_wait3A_739 = arith.constant 0 : i32
    %dma_wait3A_740 = arith.constant 0 : i32
    %dma_wait3A_741 = tpu.memref_slice %arg5[%dma_wait3A_739, %dma_wait3A_740] : memref<64x128xf32, #tpu.memory_space<vmem_shared>> -> memref<64x128xf32, #tpu.memory_space<vmem_shared>>
    tpu.wait_indirect_dma semaphore(%arg14 : memref<!tpu.dma_semaphore, #tpu.memory_space<semaphore_mem>>) src(%dma_wait3A_741 : memref<64x128xf32, #tpu.memory_space<vmem_shared>>) dst(%dma_wait3A_736 : memref<80x128xf32, #tpu.memory_space<vmem>>)
    %dma_wait3A_742 = arith.constant 160 : i32
    %dma_wait3A_743 = arith.constant 0 : i32
    %dma_wait3A_744 = tpu.memref_slice %arg10[%dma_wait3A_742, %dma_wait3A_743] : memref<400x128xf32, #tpu.memory_space<vmem>> -> memref<80x128xf32, #tpu.memory_space<vmem>>
    %dma_wait3A_745 = arith.constant 160 : i32
    %dma_wait3A_746 = tpu.memref_slice %arg8[%dma_wait3A_745] : memref<400xi32, #tpu.memory_space<vmem>> -> memref<80xi32, #tpu.memory_space<vmem>>
    %dma_wait3A_747 = arith.constant 0 : i32
    %dma_wait3A_748 = arith.constant 0 : i32
    %dma_wait3A_749 = tpu.memref_slice %arg5[%dma_wait3A_747, %dma_wait3A_748] : memref<64x128xf32, #tpu.memory_space<vmem_shared>> -> memref<64x128xf32, #tpu.memory_space<vmem_shared>>
    tpu.wait_indirect_dma semaphore(%arg14 : memref<!tpu.dma_semaphore, #tpu.memory_space<semaphore_mem>>) src(%dma_wait3A_749 : memref<64x128xf32, #tpu.memory_space<vmem_shared>>) dst(%dma_wait3A_744 : memref<80x128xf32, #tpu.memory_space<vmem>>)
    %dma_wait3A_750 = arith.constant 240 : i32
    %dma_wait3A_751 = arith.constant 0 : i32
    %dma_wait3A_752 = tpu.memref_slice %arg10[%dma_wait3A_750, %dma_wait3A_751] : memref<400x128xf32, #tpu.memory_space<vmem>> -> memref<80x128xf32, #tpu.memory_space<vmem>>
    %dma_wait3A_753 = arith.constant 240 : i32
    %dma_wait3A_754 = tpu.memref_slice %arg8[%dma_wait3A_753] : memref<400xi32, #tpu.memory_space<vmem>> -> memref<80xi32, #tpu.memory_space<vmem>>
    %dma_wait3A_755 = arith.constant 0 : i32
    %dma_wait3A_756 = arith.constant 0 : i32
    %dma_wait3A_757 = tpu.memref_slice %arg5[%dma_wait3A_755, %dma_wait3A_756] : memref<64x128xf32, #tpu.memory_space<vmem_shared>> -> memref<64x128xf32, #tpu.memory_space<vmem_shared>>
    tpu.wait_indirect_dma semaphore(%arg14 : memref<!tpu.dma_semaphore, #tpu.memory_space<semaphore_mem>>) src(%dma_wait3A_757 : memref<64x128xf32, #tpu.memory_space<vmem_shared>>) dst(%dma_wait3A_752 : memref<80x128xf32, #tpu.memory_space<vmem>>)
    %dma_wait3A_758 = arith.constant 320 : i32
    %dma_wait3A_759 = arith.constant 0 : i32
    %dma_wait3A_760 = tpu.memref_slice %arg10[%dma_wait3A_758, %dma_wait3A_759] : memref<400x128xf32, #tpu.memory_space<vmem>> -> memref<80x128xf32, #tpu.memory_space<vmem>>
    %dma_wait3A_761 = arith.constant 320 : i32
    %dma_wait3A_762 = tpu.memref_slice %arg8[%dma_wait3A_761] : memref<400xi32, #tpu.memory_space<vmem>> -> memref<80xi32, #tpu.memory_space<vmem>>
    %dma_wait3A_763 = arith.constant 0 : i32
    %dma_wait3A_764 = arith.constant 0 : i32
    %dma_wait3A_765 = tpu.memref_slice %arg5[%dma_wait3A_763, %dma_wait3A_764] : memref<64x128xf32, #tpu.memory_space<vmem_shared>> -> memref<64x128xf32, #tpu.memory_space<vmem_shared>>
    tpu.wait_indirect_dma semaphore(%arg14 : memref<!tpu.dma_semaphore, #tpu.memory_space<semaphore_mem>>) src(%dma_wait3A_765 : memref<64x128xf32, #tpu.memory_space<vmem_shared>>) dst(%dma_wait3A_760 : memref<80x128xf32, #tpu.memory_space<vmem>>)
    %add3A_766 = arith.constant 2400 : i32
    %add3A_767 = arith.addi %mul3A_2, %add3A_766 : i32
    %dma_start3A_768 = arith.constant 0 : i32
    %dma_start3A_769 = tpu.memref_slice %arg4[%add3A_767, %dma_start3A_768] : memref<320000x128xf32, #tpu.memory_space<hbm>> -> memref<400x128xf32, #tpu.memory_space<hbm>>
    %dma_start3A_770 = arith.constant 0 : i32
    %dma_start3A_771 = tpu.memref_slice %arg4[%add3A_767, %dma_start3A_770] : memref<320000x128xf32, #tpu.memory_space<hbm>> -> memref<400x128xf32, #tpu.memory_space<hbm>>
    tpu.enqueue_dma source(%arg10 : memref<400x128xf32, #tpu.memory_space<vmem>>) target(%dma_start3A_771 : memref<400x128xf32, #tpu.memory_space<hbm>>) target_semaphore(%arg16 : memref<!tpu.dma_semaphore, #tpu.memory_space<semaphore_mem>>)
    %add3A_772 = arith.constant 10800 : i32
    %add3A_773 = arith.addi %mul3A_8, %add3A_772 : i32
    %dma_start3A_774 = tpu.memref_slice %arg3[%add3A_773] : memref<960000xi32, #tpu.memory_space<hbm>> -> memref<1200xi32, #tpu.memory_space<hbm>>
    %dma_start3A_775 = tpu.memref_slice %arg3[%add3A_773] : memref<960000xi32, #tpu.memory_space<hbm>> -> memref<1200xi32, #tpu.memory_space<hbm>>
    tpu.enqueue_dma source(%dma_start3A_775 : memref<1200xi32, #tpu.memory_space<hbm>>) target(%arg7 : memref<1200xi32, #tpu.memory_space<vmem>>) target_semaphore(%arg13 : memref<!tpu.dma_semaphore, #tpu.memory_space<semaphore_mem>>)
    %dma_wait3A_776 = tpu.memref_slice %arg3[%add3A_671] : memref<960000xi32, #tpu.memory_space<hbm>> -> memref<1200xi32, #tpu.memory_space<hbm>>
    %dma_wait3A_777 = tpu.memref_slice %arg3[%add3A_671] : memref<960000xi32, #tpu.memory_space<hbm>> -> memref<1200xi32, #tpu.memory_space<hbm>>
    tpu.wait_dma2 semaphore(%arg12 : memref<!tpu.dma_semaphore, #tpu.memory_space<semaphore_mem>>) src(%dma_wait3A_777 : memref<1200xi32, #tpu.memory_space<hbm>>) dst(%arg6 : memref<1200xi32, #tpu.memory_space<vmem>>)
    %scan3A_778 = arith.constant 0 : i32
    %scan3A_779 = arith.constant 0 : i32
    %scan3A_780 = arith.constant 25 : i32
    %scan3A_781 = arith.addi %scan3A_779, %scan3A_780 : i32
    %scan3A_782 = arith.constant 1 : i32
    scf.for %scan3A_2556 = %scan3A_779 to %scan3A_781 step %scan3A_782  : i32 {
      %mul3A_2557 = arith.constant 16 : i32
      %mul3A_2558 = arith.muli %scan3A_2556, %mul3A_2557 : i32
      %get3A = arith.index_cast %mul3A_2558 : i32 to index
      %get3A_2559 = tpu.vector_load %arg6[%get3A] {strides = array<i32>} : memref<1200xi32, #tpu.memory_space<vmem>>, vector<16xi32>,
      %get3A_2560 = vector.shape_cast %get3A_2559 : vector<16xi32> to vector<16xi32>
      %add3A_2561 = arith.constant 400 : i32
      %add3A_2562 = arith.addi %add3A_2561, %mul3A_2558 : i32
      %get3A_2563 = arith.index_cast %add3A_2562 : i32 to index
      %get3A_2564 = tpu.vector_load %arg6[%get3A_2563] {strides = array<i32>} : memref<1200xi32, #tpu.memory_space<vmem>>, vector<16xi32>,
      %get3A_2565 = vector.shape_cast %get3A_2564 : vector<16xi32> to vector<16xi32>
      %add3A_2566 = arith.constant 800 : i32
      %add3A_2567 = arith.addi %add3A_2566, %mul3A_2558 : i32
      %get3A_2568 = arith.index_cast %add3A_2567 : i32 to index
      %get3A_2569 = tpu.vector_load %arg6[%get3A_2568] {strides = array<i32>} : memref<1200xi32, #tpu.memory_space<vmem>>, vector<16xi32>,
      %get3A_2570 = vector.shape_cast %get3A_2569 : vector<16xi32> to vector<16xi32>
      %mul3A_2571 = arith.constant 12 : i32
      %mul3A_2572 = vector.broadcast %mul3A_2571 : i32 to vector<16xi32>
      %mul3A_2573 = arith.muli %get3A_2560, %mul3A_2572 : vector<16xi32>
      %mul3A_2574 = arith.constant 2 : i32
      %mul3A_2575 = vector.broadcast %mul3A_2574 : i32 to vector<16xi32>
      %mul3A_2576 = arith.muli %get3A_2565, %mul3A_2575 : vector<16xi32>
      %add3A_2577 = arith.addi %mul3A_2573, %mul3A_2576 : vector<16xi32>
      %add3A_2578 = arith.addi %add3A_2577, %get3A_2570 : vector<16xi32>
      %swap3A = arith.index_cast %mul3A_2558 : i32 to index
      %swap3A_2579 = tpu.vector_load %arg8[%swap3A] {strides = array<i32>} : memref<400xi32, #tpu.memory_space<vmem>>, vector<16xi32>,
      %swap3A_2580 = vector.shape_cast %swap3A_2579 : vector<16xi32> to vector<16xi32>
      %swap3A_2581 = vector.shape_cast %add3A_2578 : vector<16xi32> to vector<16xi32>
      tpu.vector_store %arg8[%swap3A], %swap3A_2581 {strides = array<i32>} : memref<400xi32, #tpu.memory_space<vmem>>, vector<16xi32>,
    }
    %scan3A_783 = arith.constant 25 : i32
    %dma_wait3A_784 = arith.constant 0 : i32
    %dma_wait3A_785 = tpu.memref_slice %arg4[%add3A_767, %dma_wait3A_784] : memref<320000x128xf32, #tpu.memory_space<hbm>> -> memref<400x128xf32, #tpu.memory_space<hbm>>
    %dma_wait3A_786 = arith.constant 0 : i32
    %dma_wait3A_787 = tpu.memref_slice %arg4[%add3A_767, %dma_wait3A_786] : memref<320000x128xf32, #tpu.memory_space<hbm>> -> memref<400x128xf32, #tpu.memory_space<hbm>>
    tpu.wait_dma2 semaphore(%arg16 : memref<!tpu.dma_semaphore, #tpu.memory_space<semaphore_mem>>) src(%arg10 : memref<400x128xf32, #tpu.memory_space<vmem>>) dst(%dma_wait3A_787 : memref<400x128xf32, #tpu.memory_space<hbm>>)
    %dma_start3A_788 = arith.constant 0 : i32
    %dma_start3A_789 = arith.constant 0 : i32
    %dma_start3A_790 = tpu.memref_slice %arg10[%dma_start3A_788, %dma_start3A_789] : memref<400x128xf32, #tpu.memory_space<vmem>> -> memref<80x128xf32, #tpu.memory_space<vmem>>
    %dma_start3A_791 = arith.constant 0 : i32
    %dma_start3A_792 = tpu.memref_slice %arg8[%dma_start3A_791] : memref<400xi32, #tpu.memory_space<vmem>> -> memref<80xi32, #tpu.memory_space<vmem>>
    %dma_start3A_793 = arith.constant 0 : i32
    %dma_start3A_794 = arith.constant 0 : i32
    %dma_start3A_795 = tpu.memref_slice %arg5[%dma_start3A_793, %dma_start3A_794] : memref<64x128xf32, #tpu.memory_space<vmem_shared>> -> memref<64x128xf32, #tpu.memory_space<vmem_shared>>
    tpu.enqueue_indirect_dma source(%dma_start3A_795 : memref<64x128xf32, #tpu.memory_space<vmem_shared>>) target(%dma_start3A_790 : memref<80x128xf32, #tpu.memory_space<vmem>>) offsets(%dma_start3A_792 : memref<80xi32, #tpu.memory_space<vmem>>) semaphore(%arg14 : memref<!tpu.dma_semaphore, #tpu.memory_space<semaphore_mem>>)
    %dma_start3A_796 = arith.constant 80 : i32
    %dma_start3A_797 = arith.constant 0 : i32
    %dma_start3A_798 = tpu.memref_slice %arg10[%dma_start3A_796, %dma_start3A_797] : memref<400x128xf32, #tpu.memory_space<vmem>> -> memref<80x128xf32, #tpu.memory_space<vmem>>
    %dma_start3A_799 = arith.constant 80 : i32
    %dma_start3A_800 = tpu.memref_slice %arg8[%dma_start3A_799] : memref<400xi32, #tpu.memory_space<vmem>> -> memref<80xi32, #tpu.memory_space<vmem>>
    %dma_start3A_801 = arith.constant 0 : i32
    %dma_start3A_802 = arith.constant 0 : i32
    %dma_start3A_803 = tpu.memref_slice %arg5[%dma_start3A_801, %dma_start3A_802] : memref<64x128xf32, #tpu.memory_space<vmem_shared>> -> memref<64x128xf32, #tpu.memory_space<vmem_shared>>
    tpu.enqueue_indirect_dma source(%dma_start3A_803 : memref<64x128xf32, #tpu.memory_space<vmem_shared>>) target(%dma_start3A_798 : memref<80x128xf32, #tpu.memory_space<vmem>>) offsets(%dma_start3A_800 : memref<80xi32, #tpu.memory_space<vmem>>) semaphore(%arg14 : memref<!tpu.dma_semaphore, #tpu.memory_space<semaphore_mem>>)
    %dma_start3A_804 = arith.constant 160 : i32
    %dma_start3A_805 = arith.constant 0 : i32
    %dma_start3A_806 = tpu.memref_slice %arg10[%dma_start3A_804, %dma_start3A_805] : memref<400x128xf32, #tpu.memory_space<vmem>> -> memref<80x128xf32, #tpu.memory_space<vmem>>
    %dma_start3A_807 = arith.constant 160 : i32
    %dma_start3A_808 = tpu.memref_slice %arg8[%dma_start3A_807] : memref<400xi32, #tpu.memory_space<vmem>> -> memref<80xi32, #tpu.memory_space<vmem>>
    %dma_start3A_809 = arith.constant 0 : i32
    %dma_start3A_810 = arith.constant 0 : i32
    %dma_start3A_811 = tpu.memref_slice %arg5[%dma_start3A_809, %dma_start3A_810] : memref<64x128xf32, #tpu.memory_space<vmem_shared>> -> memref<64x128xf32, #tpu.memory_space<vmem_shared>>
    tpu.enqueue_indirect_dma source(%dma_start3A_811 : memref<64x128xf32, #tpu.memory_space<vmem_shared>>) target(%dma_start3A_806 : memref<80x128xf32, #tpu.memory_space<vmem>>) offsets(%dma_start3A_808 : memref<80xi32, #tpu.memory_space<vmem>>) semaphore(%arg14 : memref<!tpu.dma_semaphore, #tpu.memory_space<semaphore_mem>>)
    %dma_start3A_812 = arith.constant 240 : i32
    %dma_start3A_813 = arith.constant 0 : i32
    %dma_start3A_814 = tpu.memref_slice %arg10[%dma_start3A_812, %dma_start3A_813] : memref<400x128xf32, #tpu.memory_space<vmem>> -> memref<80x128xf32, #tpu.memory_space<vmem>>
    %dma_start3A_815 = arith.constant 240 : i32
    %dma_start3A_816 = tpu.memref_slice %arg8[%dma_start3A_815] : memref<400xi32, #tpu.memory_space<vmem>> -> memref<80xi32, #tpu.memory_space<vmem>>
    %dma_start3A_817 = arith.constant 0 : i32
    %dma_start3A_818 = arith.constant 0 : i32
    %dma_start3A_819 = tpu.memref_slice %arg5[%dma_start3A_817, %dma_start3A_818] : memref<64x128xf32, #tpu.memory_space<vmem_shared>> -> memref<64x128xf32, #tpu.memory_space<vmem_shared>>
    tpu.enqueue_indirect_dma source(%dma_start3A_819 : memref<64x128xf32, #tpu.memory_space<vmem_shared>>) target(%dma_start3A_814 : memref<80x128xf32, #tpu.memory_space<vmem>>) offsets(%dma_start3A_816 : memref<80xi32, #tpu.memory_space<vmem>>) semaphore(%arg14 : memref<!tpu.dma_semaphore, #tpu.memory_space<semaphore_mem>>)
    %dma_start3A_820 = arith.constant 320 : i32
    %dma_start3A_821 = arith.constant 0 : i32
    %dma_start3A_822 = tpu.memref_slice %arg10[%dma_start3A_820, %dma_start3A_821] : memref<400x128xf32, #tpu.memory_space<vmem>> -> memref<80x128xf32, #tpu.memory_space<vmem>>
    %dma_start3A_823 = arith.constant 320 : i32
    %dma_start3A_824 = tpu.memref_slice %arg8[%dma_start3A_823] : memref<400xi32, #tpu.memory_space<vmem>> -> memref<80xi32, #tpu.memory_space<vmem>>
    %dma_start3A_825 = arith.constant 0 : i32
    %dma_start3A_826 = arith.constant 0 : i32
    %dma_start3A_827 = tpu.memref_slice %arg5[%dma_start3A_825, %dma_start3A_826] : memref<64x128xf32, #tpu.memory_space<vmem_shared>> -> memref<64x128xf32, #tpu.memory_space<vmem_shared>>
    tpu.enqueue_indirect_dma source(%dma_start3A_827 : memref<64x128xf32, #tpu.memory_space<vmem_shared>>) target(%dma_start3A_822 : memref<80x128xf32, #tpu.memory_space<vmem>>) offsets(%dma_start3A_824 : memref<80xi32, #tpu.memory_space<vmem>>) semaphore(%arg14 : memref<!tpu.dma_semaphore, #tpu.memory_space<semaphore_mem>>)
    %dma_wait3A_828 = arith.constant 0 : i32
    %dma_wait3A_829 = arith.constant 0 : i32
    %dma_wait3A_830 = tpu.memref_slice %arg11[%dma_wait3A_828, %dma_wait3A_829] : memref<400x128xf32, #tpu.memory_space<vmem>> -> memref<80x128xf32, #tpu.memory_space<vmem>>
    %dma_wait3A_831 = arith.constant 0 : i32
    %dma_wait3A_832 = tpu.memref_slice %arg9[%dma_wait3A_831] : memref<400xi32, #tpu.memory_space<vmem>> -> memref<80xi32, #tpu.memory_space<vmem>>
    %dma_wait3A_833 = arith.constant 0 : i32
    %dma_wait3A_834 = arith.constant 0 : i32
    %dma_wait3A_835 = tpu.memref_slice %arg5[%dma_wait3A_833, %dma_wait3A_834] : memref<64x128xf32, #tpu.memory_space<vmem_shared>> -> memref<64x128xf32, #tpu.memory_space<vmem_shared>>
    tpu.wait_indirect_dma semaphore(%arg15 : memref<!tpu.dma_semaphore, #tpu.memory_space<semaphore_mem>>) src(%dma_wait3A_835 : memref<64x128xf32, #tpu.memory_space<vmem_shared>>) dst(%dma_wait3A_830 : memref<80x128xf32, #tpu.memory_space<vmem>>)
    %dma_wait3A_836 = arith.constant 80 : i32
    %dma_wait3A_837 = arith.constant 0 : i32
    %dma_wait3A_838 = tpu.memref_slice %arg11[%dma_wait3A_836, %dma_wait3A_837] : memref<400x128xf32, #tpu.memory_space<vmem>> -> memref<80x128xf32, #tpu.memory_space<vmem>>
    %dma_wait3A_839 = arith.constant 80 : i32
    %dma_wait3A_840 = tpu.memref_slice %arg9[%dma_wait3A_839] : memref<400xi32, #tpu.memory_space<vmem>> -> memref<80xi32, #tpu.memory_space<vmem>>
    %dma_wait3A_841 = arith.constant 0 : i32
    %dma_wait3A_842 = arith.constant 0 : i32
    %dma_wait3A_843 = tpu.memref_slice %arg5[%dma_wait3A_841, %dma_wait3A_842] : memref<64x128xf32, #tpu.memory_space<vmem_shared>> -> memref<64x128xf32, #tpu.memory_space<vmem_shared>>
    tpu.wait_indirect_dma semaphore(%arg15 : memref<!tpu.dma_semaphore, #tpu.memory_space<semaphore_mem>>) src(%dma_wait3A_843 : memref<64x128xf32, #tpu.memory_space<vmem_shared>>) dst(%dma_wait3A_838 : memref<80x128xf32, #tpu.memory_space<vmem>>)
    %dma_wait3A_844 = arith.constant 160 : i32
    %dma_wait3A_845 = arith.constant 0 : i32
    %dma_wait3A_846 = tpu.memref_slice %arg11[%dma_wait3A_844, %dma_wait3A_845] : memref<400x128xf32, #tpu.memory_space<vmem>> -> memref<80x128xf32, #tpu.memory_space<vmem>>
    %dma_wait3A_847 = arith.constant 160 : i32
    %dma_wait3A_848 = tpu.memref_slice %arg9[%dma_wait3A_847] : memref<400xi32, #tpu.memory_space<vmem>> -> memref<80xi32, #tpu.memory_space<vmem>>
    %dma_wait3A_849 = arith.constant 0 : i32
    %dma_wait3A_850 = arith.constant 0 : i32
    %dma_wait3A_851 = tpu.memref_slice %arg5[%dma_wait3A_849, %dma_wait3A_850] : memref<64x128xf32, #tpu.memory_space<vmem_shared>> -> memref<64x128xf32, #tpu.memory_space<vmem_shared>>
    tpu.wait_indirect_dma semaphore(%arg15 : memref<!tpu.dma_semaphore, #tpu.memory_space<semaphore_mem>>) src(%dma_wait3A_851 : memref<64x128xf32, #tpu.memory_space<vmem_shared>>) dst(%dma_wait3A_846 : memref<80x128xf32, #tpu.memory_space<vmem>>)
    %dma_wait3A_852 = arith.constant 240 : i32
    %dma_wait3A_853 = arith.constant 0 : i32
    %dma_wait3A_854 = tpu.memref_slice %arg11[%dma_wait3A_852, %dma_wait3A_853] : memref<400x128xf32, #tpu.memory_space<vmem>> -> memref<80x128xf32, #tpu.memory_space<vmem>>
    %dma_wait3A_855 = arith.constant 240 : i32
    %dma_wait3A_856 = tpu.memref_slice %arg9[%dma_wait3A_855] : memref<400xi32, #tpu.memory_space<vmem>> -> memref<80xi32, #tpu.memory_space<vmem>>
    %dma_wait3A_857 = arith.constant 0 : i32
    %dma_wait3A_858 = arith.constant 0 : i32
    %dma_wait3A_859 = tpu.memref_slice %arg5[%dma_wait3A_857, %dma_wait3A_858] : memref<64x128xf32, #tpu.memory_space<vmem_shared>> -> memref<64x128xf32, #tpu.memory_space<vmem_shared>>
    tpu.wait_indirect_dma semaphore(%arg15 : memref<!tpu.dma_semaphore, #tpu.memory_space<semaphore_mem>>) src(%dma_wait3A_859 : memref<64x128xf32, #tpu.memory_space<vmem_shared>>) dst(%dma_wait3A_854 : memref<80x128xf32, #tpu.memory_space<vmem>>)
    %dma_wait3A_860 = arith.constant 320 : i32
    %dma_wait3A_861 = arith.constant 0 : i32
    %dma_wait3A_862 = tpu.memref_slice %arg11[%dma_wait3A_860, %dma_wait3A_861] : memref<400x128xf32, #tpu.memory_space<vmem>> -> memref<80x128xf32, #tpu.memory_space<vmem>>
    %dma_wait3A_863 = arith.constant 320 : i32
    %dma_wait3A_864 = tpu.memref_slice %arg9[%dma_wait3A_863] : memref<400xi32, #tpu.memory_space<vmem>> -> memref<80xi32, #tpu.memory_space<vmem>>
    %dma_wait3A_865 = arith.constant 0 : i32
    %dma_wait3A_866 = arith.constant 0 : i32
    %dma_wait3A_867 = tpu.memref_slice %arg5[%dma_wait3A_865, %dma_wait3A_866] : memref<64x128xf32, #tpu.memory_space<vmem_shared>> -> memref<64x128xf32, #tpu.memory_space<vmem_shared>>
    tpu.wait_indirect_dma semaphore(%arg15 : memref<!tpu.dma_semaphore, #tpu.memory_space<semaphore_mem>>) src(%dma_wait3A_867 : memref<64x128xf32, #tpu.memory_space<vmem_shared>>) dst(%dma_wait3A_862 : memref<80x128xf32, #tpu.memory_space<vmem>>)
    %add3A_868 = arith.constant 2800 : i32
    %add3A_869 = arith.addi %mul3A_2, %add3A_868 : i32
    %dma_start3A_870 = arith.constant 0 : i32
    %dma_start3A_871 = tpu.memref_slice %arg4[%add3A_869, %dma_start3A_870] : memref<320000x128xf32, #tpu.memory_space<hbm>> -> memref<400x128xf32, #tpu.memory_space<hbm>>
    %dma_start3A_872 = arith.constant 0 : i32
    %dma_start3A_873 = tpu.memref_slice %arg4[%add3A_869, %dma_start3A_872] : memref<320000x128xf32, #tpu.memory_space<hbm>> -> memref<400x128xf32, #tpu.memory_space<hbm>>
    tpu.enqueue_dma source(%arg11 : memref<400x128xf32, #tpu.memory_space<vmem>>) target(%dma_start3A_873 : memref<400x128xf32, #tpu.memory_space<hbm>>) target_semaphore(%arg17 : memref<!tpu.dma_semaphore, #tpu.memory_space<semaphore_mem>>)
    %add3A_874 = arith.constant 12000 : i32
    %add3A_875 = arith.addi %mul3A_8, %add3A_874 : i32
    %dma_start3A_876 = tpu.memref_slice %arg3[%add3A_875] : memref<960000xi32, #tpu.memory_space<hbm>> -> memref<1200xi32, #tpu.memory_space<hbm>>
    %dma_start3A_877 = tpu.memref_slice %arg3[%add3A_875] : memref<960000xi32, #tpu.memory_space<hbm>> -> memref<1200xi32, #tpu.memory_space<hbm>>
    tpu.enqueue_dma source(%dma_start3A_877 : memref<1200xi32, #tpu.memory_space<hbm>>) target(%arg6 : memref<1200xi32, #tpu.memory_space<vmem>>) target_semaphore(%arg12 : memref<!tpu.dma_semaphore, #tpu.memory_space<semaphore_mem>>)
    %dma_wait3A_878 = tpu.memref_slice %arg3[%add3A_773] : memref<960000xi32, #tpu.memory_space<hbm>> -> memref<1200xi32, #tpu.memory_space<hbm>>
    %dma_wait3A_879 = tpu.memref_slice %arg3[%add3A_773] : memref<960000xi32, #tpu.memory_space<hbm>> -> memref<1200xi32, #tpu.memory_space<hbm>>
    tpu.wait_dma2 semaphore(%arg13 : memref<!tpu.dma_semaphore, #tpu.memory_space<semaphore_mem>>) src(%dma_wait3A_879 : memref<1200xi32, #tpu.memory_space<hbm>>) dst(%arg7 : memref<1200xi32, #tpu.memory_space<vmem>>)
    %scan3A_880 = arith.constant 0 : i32
    %scan3A_881 = arith.constant 0 : i32
    %scan3A_882 = arith.constant 25 : i32
    %scan3A_883 = arith.addi %scan3A_881, %scan3A_882 : i32
    %scan3A_884 = arith.constant 1 : i32
    scf.for %scan3A_2556 = %scan3A_881 to %scan3A_883 step %scan3A_884  : i32 {
      %mul3A_2557 = arith.constant 16 : i32
      %mul3A_2558 = arith.muli %scan3A_2556, %mul3A_2557 : i32
      %get3A = arith.index_cast %mul3A_2558 : i32 to index
      %get3A_2559 = tpu.vector_load %arg7[%get3A] {strides = array<i32>} : memref<1200xi32, #tpu.memory_space<vmem>>, vector<16xi32>,
      %get3A_2560 = vector.shape_cast %get3A_2559 : vector<16xi32> to vector<16xi32>
      %add3A_2561 = arith.constant 400 : i32
      %add3A_2562 = arith.addi %add3A_2561, %mul3A_2558 : i32
      %get3A_2563 = arith.index_cast %add3A_2562 : i32 to index
      %get3A_2564 = tpu.vector_load %arg7[%get3A_2563] {strides = array<i32>} : memref<1200xi32, #tpu.memory_space<vmem>>, vector<16xi32>,
      %get3A_2565 = vector.shape_cast %get3A_2564 : vector<16xi32> to vector<16xi32>
      %add3A_2566 = arith.constant 800 : i32
      %add3A_2567 = arith.addi %add3A_2566, %mul3A_2558 : i32
      %get3A_2568 = arith.index_cast %add3A_2567 : i32 to index
      %get3A_2569 = tpu.vector_load %arg7[%get3A_2568] {strides = array<i32>} : memref<1200xi32, #tpu.memory_space<vmem>>, vector<16xi32>,
      %get3A_2570 = vector.shape_cast %get3A_2569 : vector<16xi32> to vector<16xi32>
      %mul3A_2571 = arith.constant 12 : i32
      %mul3A_2572 = vector.broadcast %mul3A_2571 : i32 to vector<16xi32>
      %mul3A_2573 = arith.muli %get3A_2560, %mul3A_2572 : vector<16xi32>
      %mul3A_2574 = arith.constant 2 : i32
      %mul3A_2575 = vector.broadcast %mul3A_2574 : i32 to vector<16xi32>
      %mul3A_2576 = arith.muli %get3A_2565, %mul3A_2575 : vector<16xi32>
      %add3A_2577 = arith.addi %mul3A_2573, %mul3A_2576 : vector<16xi32>
      %add3A_2578 = arith.addi %add3A_2577, %get3A_2570 : vector<16xi32>
      %swap3A = arith.index_cast %mul3A_2558 : i32 to index
      %swap3A_2579 = tpu.vector_load %arg9[%swap3A] {strides = array<i32>} : memref<400xi32, #tpu.memory_space<vmem>>, vector<16xi32>,
      %swap3A_2580 = vector.shape_cast %swap3A_2579 : vector<16xi32> to vector<16xi32>
      %swap3A_2581 = vector.shape_cast %add3A_2578 : vector<16xi32> to vector<16xi32>
      tpu.vector_store %arg9[%swap3A], %swap3A_2581 {strides = array<i32>} : memref<400xi32, #tpu.memory_space<vmem>>, vector<16xi32>,
    }
    %scan3A_885 = arith.constant 25 : i32
    %dma_wait3A_886 = arith.constant 0 : i32
    %dma_wait3A_887 = tpu.memref_slice %arg4[%add3A_869, %dma_wait3A_886] : memref<320000x128xf32, #tpu.memory_space<hbm>> -> memref<400x128xf32, #tpu.memory_space<hbm>>
    %dma_wait3A_888 = arith.constant 0 : i32
    %dma_wait3A_889 = tpu.memref_slice %arg4[%add3A_869, %dma_wait3A_888] : memref<320000x128xf32, #tpu.memory_space<hbm>> -> memref<400x128xf32, #tpu.memory_space<hbm>>
    tpu.wait_dma2 semaphore(%arg17 : memref<!tpu.dma_semaphore, #tpu.memory_space<semaphore_mem>>) src(%arg11 : memref<400x128xf32, #tpu.memory_space<vmem>>) dst(%dma_wait3A_889 : memref<400x128xf32, #tpu.memory_space<hbm>>)
    %dma_start3A_890 = arith.constant 0 : i32
    %dma_start3A_891 = arith.constant 0 : i32
    %dma_start3A_892 = tpu.memref_slice %arg11[%dma_start3A_890, %dma_start3A_891] : memref<400x128xf32, #tpu.memory_space<vmem>> -> memref<80x128xf32, #tpu.memory_space<vmem>>
    %dma_start3A_893 = arith.constant 0 : i32
    %dma_start3A_894 = tpu.memref_slice %arg9[%dma_start3A_893] : memref<400xi32, #tpu.memory_space<vmem>> -> memref<80xi32, #tpu.memory_space<vmem>>
    %dma_start3A_895 = arith.constant 0 : i32
    %dma_start3A_896 = arith.constant 0 : i32
    %dma_start3A_897 = tpu.memref_slice %arg5[%dma_start3A_895, %dma_start3A_896] : memref<64x128xf32, #tpu.memory_space<vmem_shared>> -> memref<64x128xf32, #tpu.memory_space<vmem_shared>>
    tpu.enqueue_indirect_dma source(%dma_start3A_897 : memref<64x128xf32, #tpu.memory_space<vmem_shared>>) target(%dma_start3A_892 : memref<80x128xf32, #tpu.memory_space<vmem>>) offsets(%dma_start3A_894 : memref<80xi32, #tpu.memory_space<vmem>>) semaphore(%arg15 : memref<!tpu.dma_semaphore, #tpu.memory_space<semaphore_mem>>)
    %dma_start3A_898 = arith.constant 80 : i32
    %dma_start3A_899 = arith.constant 0 : i32
    %dma_start3A_900 = tpu.memref_slice %arg11[%dma_start3A_898, %dma_start3A_899] : memref<400x128xf32, #tpu.memory_space<vmem>> -> memref<80x128xf32, #tpu.memory_space<vmem>>
    %dma_start3A_901 = arith.constant 80 : i32
    %dma_start3A_902 = tpu.memref_slice %arg9[%dma_start3A_901] : memref<400xi32, #tpu.memory_space<vmem>> -> memref<80xi32, #tpu.memory_space<vmem>>
    %dma_start3A_903 = arith.constant 0 : i32
    %dma_start3A_904 = arith.constant 0 : i32
    %dma_start3A_905 = tpu.memref_slice %arg5[%dma_start3A_903, %dma_start3A_904] : memref<64x128xf32, #tpu.memory_space<vmem_shared>> -> memref<64x128xf32, #tpu.memory_space<vmem_shared>>
    tpu.enqueue_indirect_dma source(%dma_start3A_905 : memref<64x128xf32, #tpu.memory_space<vmem_shared>>) target(%dma_start3A_900 : memref<80x128xf32, #tpu.memory_space<vmem>>) offsets(%dma_start3A_902 : memref<80xi32, #tpu.memory_space<vmem>>) semaphore(%arg15 : memref<!tpu.dma_semaphore, #tpu.memory_space<semaphore_mem>>)
    %dma_start3A_906 = arith.constant 160 : i32
    %dma_start3A_907 = arith.constant 0 : i32
    %dma_start3A_908 = tpu.memref_slice %arg11[%dma_start3A_906, %dma_start3A_907] : memref<400x128xf32, #tpu.memory_space<vmem>> -> memref<80x128xf32, #tpu.memory_space<vmem>>
    %dma_start3A_909 = arith.constant 160 : i32
    %dma_start3A_910 = tpu.memref_slice %arg9[%dma_start3A_909] : memref<400xi32, #tpu.memory_space<vmem>> -> memref<80xi32, #tpu.memory_space<vmem>>
    %dma_start3A_911 = arith.constant 0 : i32
    %dma_start3A_912 = arith.constant 0 : i32
    %dma_start3A_913 = tpu.memref_slice %arg5[%dma_start3A_911, %dma_start3A_912] : memref<64x128xf32, #tpu.memory_space<vmem_shared>> -> memref<64x128xf32, #tpu.memory_space<vmem_shared>>
    tpu.enqueue_indirect_dma source(%dma_start3A_913 : memref<64x128xf32, #tpu.memory_space<vmem_shared>>) target(%dma_start3A_908 : memref<80x128xf32, #tpu.memory_space<vmem>>) offsets(%dma_start3A_910 : memref<80xi32, #tpu.memory_space<vmem>>) semaphore(%arg15 : memref<!tpu.dma_semaphore, #tpu.memory_space<semaphore_mem>>)
    %dma_start3A_914 = arith.constant 240 : i32
    %dma_start3A_915 = arith.constant 0 : i32
    %dma_start3A_916 = tpu.memref_slice %arg11[%dma_start3A_914, %dma_start3A_915] : memref<400x128xf32, #tpu.memory_space<vmem>> -> memref<80x128xf32, #tpu.memory_space<vmem>>
    %dma_start3A_917 = arith.constant 240 : i32
    %dma_start3A_918 = tpu.memref_slice %arg9[%dma_start3A_917] : memref<400xi32, #tpu.memory_space<vmem>> -> memref<80xi32, #tpu.memory_space<vmem>>
    %dma_start3A_919 = arith.constant 0 : i32
    %dma_start3A_920 = arith.constant 0 : i32
    %dma_start3A_921 = tpu.memref_slice %arg5[%dma_start3A_919, %dma_start3A_920] : memref<64x128xf32, #tpu.memory_space<vmem_shared>> -> memref<64x128xf32, #tpu.memory_space<vmem_shared>>
    tpu.enqueue_indirect_dma source(%dma_start3A_921 : memref<64x128xf32, #tpu.memory_space<vmem_shared>>) target(%dma_start3A_916 : memref<80x128xf32, #tpu.memory_space<vmem>>) offsets(%dma_start3A_918 : memref<80xi32, #tpu.memory_space<vmem>>) semaphore(%arg15 : memref<!tpu.dma_semaphore, #tpu.memory_space<semaphore_mem>>)
    %dma_start3A_922 = arith.constant 320 : i32
    %dma_start3A_923 = arith.constant 0 : i32
    %dma_start3A_924 = tpu.memref_slice %arg11[%dma_start3A_922, %dma_start3A_923] : memref<400x128xf32, #tpu.memory_space<vmem>> -> memref<80x128xf32, #tpu.memory_space<vmem>>
    %dma_start3A_925 = arith.constant 320 : i32
    %dma_start3A_926 = tpu.memref_slice %arg9[%dma_start3A_925] : memref<400xi32, #tpu.memory_space<vmem>> -> memref<80xi32, #tpu.memory_space<vmem>>
    %dma_start3A_927 = arith.constant 0 : i32
    %dma_start3A_928 = arith.constant 0 : i32
    %dma_start3A_929 = tpu.memref_slice %arg5[%dma_start3A_927, %dma_start3A_928] : memref<64x128xf32, #tpu.memory_space<vmem_shared>> -> memref<64x128xf32, #tpu.memory_space<vmem_shared>>
    tpu.enqueue_indirect_dma source(%dma_start3A_929 : memref<64x128xf32, #tpu.memory_space<vmem_shared>>) target(%dma_start3A_924 : memref<80x128xf32, #tpu.memory_space<vmem>>) offsets(%dma_start3A_926 : memref<80xi32, #tpu.memory_space<vmem>>) semaphore(%arg15 : memref<!tpu.dma_semaphore, #tpu.memory_space<semaphore_mem>>)
    %dma_wait3A_930 = arith.constant 0 : i32
    %dma_wait3A_931 = arith.constant 0 : i32
    %dma_wait3A_932 = tpu.memref_slice %arg10[%dma_wait3A_930, %dma_wait3A_931] : memref<400x128xf32, #tpu.memory_space<vmem>> -> memref<80x128xf32, #tpu.memory_space<vmem>>
    %dma_wait3A_933 = arith.constant 0 : i32
    %dma_wait3A_934 = tpu.memref_slice %arg8[%dma_wait3A_933] : memref<400xi32, #tpu.memory_space<vmem>> -> memref<80xi32, #tpu.memory_space<vmem>>
    %dma_wait3A_935 = arith.constant 0 : i32
    %dma_wait3A_936 = arith.constant 0 : i32
    %dma_wait3A_937 = tpu.memref_slice %arg5[%dma_wait3A_935, %dma_wait3A_936] : memref<64x128xf32, #tpu.memory_space<vmem_shared>> -> memref<64x128xf32, #tpu.memory_space<vmem_shared>>
    tpu.wait_indirect_dma semaphore(%arg14 : memref<!tpu.dma_semaphore, #tpu.memory_space<semaphore_mem>>) src(%dma_wait3A_937 : memref<64x128xf32, #tpu.memory_space<vmem_shared>>) dst(%dma_wait3A_932 : memref<80x128xf32, #tpu.memory_space<vmem>>)
    %dma_wait3A_938 = arith.constant 80 : i32
    %dma_wait3A_939 = arith.constant 0 : i32
    %dma_wait3A_940 = tpu.memref_slice %arg10[%dma_wait3A_938, %dma_wait3A_939] : memref<400x128xf32, #tpu.memory_space<vmem>> -> memref<80x128xf32, #tpu.memory_space<vmem>>
    %dma_wait3A_941 = arith.constant 80 : i32
    %dma_wait3A_942 = tpu.memref_slice %arg8[%dma_wait3A_941] : memref<400xi32, #tpu.memory_space<vmem>> -> memref<80xi32, #tpu.memory_space<vmem>>
    %dma_wait3A_943 = arith.constant 0 : i32
    %dma_wait3A_944 = arith.constant 0 : i32
    %dma_wait3A_945 = tpu.memref_slice %arg5[%dma_wait3A_943, %dma_wait3A_944] : memref<64x128xf32, #tpu.memory_space<vmem_shared>> -> memref<64x128xf32, #tpu.memory_space<vmem_shared>>
    tpu.wait_indirect_dma semaphore(%arg14 : memref<!tpu.dma_semaphore, #tpu.memory_space<semaphore_mem>>) src(%dma_wait3A_945 : memref<64x128xf32, #tpu.memory_space<vmem_shared>>) dst(%dma_wait3A_940 : memref<80x128xf32, #tpu.memory_space<vmem>>)
    %dma_wait3A_946 = arith.constant 160 : i32
    %dma_wait3A_947 = arith.constant 0 : i32
    %dma_wait3A_948 = tpu.memref_slice %arg10[%dma_wait3A_946, %dma_wait3A_947] : memref<400x128xf32, #tpu.memory_space<vmem>> -> memref<80x128xf32, #tpu.memory_space<vmem>>
    %dma_wait3A_949 = arith.constant 160 : i32
    %dma_wait3A_950 = tpu.memref_slice %arg8[%dma_wait3A_949] : memref<400xi32, #tpu.memory_space<vmem>> -> memref<80xi32, #tpu.memory_space<vmem>>
    %dma_wait3A_951 = arith.constant 0 : i32
    %dma_wait3A_952 = arith.constant 0 : i32
    %dma_wait3A_953 = tpu.memref_slice %arg5[%dma_wait3A_951, %dma_wait3A_952] : memref<64x128xf32, #tpu.memory_space<vmem_shared>> -> memref<64x128xf32, #tpu.memory_space<vmem_shared>>
    tpu.wait_indirect_dma semaphore(%arg14 : memref<!tpu.dma_semaphore, #tpu.memory_space<semaphore_mem>>) src(%dma_wait3A_953 : memref<64x128xf32, #tpu.memory_space<vmem_shared>>) dst(%dma_wait3A_948 : memref<80x128xf32, #tpu.memory_space<vmem>>)
    %dma_wait3A_954 = arith.constant 240 : i32
    %dma_wait3A_955 = arith.constant 0 : i32
    %dma_wait3A_956 = tpu.memref_slice %arg10[%dma_wait3A_954, %dma_wait3A_955] : memref<400x128xf32, #tpu.memory_space<vmem>> -> memref<80x128xf32, #tpu.memory_space<vmem>>
    %dma_wait3A_957 = arith.constant 240 : i32
    %dma_wait3A_958 = tpu.memref_slice %arg8[%dma_wait3A_957] : memref<400xi32, #tpu.memory_space<vmem>> -> memref<80xi32, #tpu.memory_space<vmem>>
    %dma_wait3A_959 = arith.constant 0 : i32
    %dma_wait3A_960 = arith.constant 0 : i32
    %dma_wait3A_961 = tpu.memref_slice %arg5[%dma_wait3A_959, %dma_wait3A_960] : memref<64x128xf32, #tpu.memory_space<vmem_shared>> -> memref<64x128xf32, #tpu.memory_space<vmem_shared>>
    tpu.wait_indirect_dma semaphore(%arg14 : memref<!tpu.dma_semaphore, #tpu.memory_space<semaphore_mem>>) src(%dma_wait3A_961 : memref<64x128xf32, #tpu.memory_space<vmem_shared>>) dst(%dma_wait3A_956 : memref<80x128xf32, #tpu.memory_space<vmem>>)
    %dma_wait3A_962 = arith.constant 320 : i32
    %dma_wait3A_963 = arith.constant 0 : i32
    %dma_wait3A_964 = tpu.memref_slice %arg10[%dma_wait3A_962, %dma_wait3A_963] : memref<400x128xf32, #tpu.memory_space<vmem>> -> memref<80x128xf32, #tpu.memory_space<vmem>>
    %dma_wait3A_965 = arith.constant 320 : i32
    %dma_wait3A_966 = tpu.memref_slice %arg8[%dma_wait3A_965] : memref<400xi32, #tpu.memory_space<vmem>> -> memref<80xi32, #tpu.memory_space<vmem>>
    %dma_wait3A_967 = arith.constant 0 : i32
    %dma_wait3A_968 = arith.constant 0 : i32
    %dma_wait3A_969 = tpu.memref_slice %arg5[%dma_wait3A_967, %dma_wait3A_968] : memref<64x128xf32, #tpu.memory_space<vmem_shared>> -> memref<64x128xf32, #tpu.memory_space<vmem_shared>>
    tpu.wait_indirect_dma semaphore(%arg14 : memref<!tpu.dma_semaphore, #tpu.memory_space<semaphore_mem>>) src(%dma_wait3A_969 : memref<64x128xf32, #tpu.memory_space<vmem_shared>>) dst(%dma_wait3A_964 : memref<80x128xf32, #tpu.memory_space<vmem>>)
    %add3A_970 = arith.constant 3200 : i32
    %add3A_971 = arith.addi %mul3A_2, %add3A_970 : i32
    %dma_start3A_972 = arith.constant 0 : i32
    %dma_start3A_973 = tpu.memref_slice %arg4[%add3A_971, %dma_start3A_972] : memref<320000x128xf32, #tpu.memory_space<hbm>> -> memref<400x128xf32, #tpu.memory_space<hbm>>
    %dma_start3A_974 = arith.constant 0 : i32
    %dma_start3A_975 = tpu.memref_slice %arg4[%add3A_971, %dma_start3A_974] : memref<320000x128xf32, #tpu.memory_space<hbm>> -> memref<400x128xf32, #tpu.memory_space<hbm>>
    tpu.enqueue_dma source(%arg10 : memref<400x128xf32, #tpu.memory_space<vmem>>) target(%dma_start3A_975 : memref<400x128xf32, #tpu.memory_space<hbm>>) target_semaphore(%arg16 : memref<!tpu.dma_semaphore, #tpu.memory_space<semaphore_mem>>)
    %add3A_976 = arith.constant 13200 : i32
    %add3A_977 = arith.addi %mul3A_8, %add3A_976 : i32
    %dma_start3A_978 = tpu.memref_slice %arg3[%add3A_977] : memref<960000xi32, #tpu.memory_space<hbm>> -> memref<1200xi32, #tpu.memory_space<hbm>>
    %dma_start3A_979 = tpu.memref_slice %arg3[%add3A_977] : memref<960000xi32, #tpu.memory_space<hbm>> -> memref<1200xi32, #tpu.memory_space<hbm>>
    tpu.enqueue_dma source(%dma_start3A_979 : memref<1200xi32, #tpu.memory_space<hbm>>) target(%arg7 : memref<1200xi32, #tpu.memory_space<vmem>>) target_semaphore(%arg13 : memref<!tpu.dma_semaphore, #tpu.memory_space<semaphore_mem>>)
    %dma_wait3A_980 = tpu.memref_slice %arg3[%add3A_875] : memref<960000xi32, #tpu.memory_space<hbm>> -> memref<1200xi32, #tpu.memory_space<hbm>>
    %dma_wait3A_981 = tpu.memref_slice %arg3[%add3A_875] : memref<960000xi32, #tpu.memory_space<hbm>> -> memref<1200xi32, #tpu.memory_space<hbm>>
    tpu.wait_dma2 semaphore(%arg12 : memref<!tpu.dma_semaphore, #tpu.memory_space<semaphore_mem>>) src(%dma_wait3A_981 : memref<1200xi32, #tpu.memory_space<hbm>>) dst(%arg6 : memref<1200xi32, #tpu.memory_space<vmem>>)
    %scan3A_982 = arith.constant 0 : i32
    %scan3A_983 = arith.constant 0 : i32
    %scan3A_984 = arith.constant 25 : i32
    %scan3A_985 = arith.addi %scan3A_983, %scan3A_984 : i32
    %scan3A_986 = arith.constant 1 : i32
    scf.for %scan3A_2556 = %scan3A_983 to %scan3A_985 step %scan3A_986  : i32 {
      %mul3A_2557 = arith.constant 16 : i32
      %mul3A_2558 = arith.muli %scan3A_2556, %mul3A_2557 : i32
      %get3A = arith.index_cast %mul3A_2558 : i32 to index
      %get3A_2559 = tpu.vector_load %arg6[%get3A] {strides = array<i32>} : memref<1200xi32, #tpu.memory_space<vmem>>, vector<16xi32>,
      %get3A_2560 = vector.shape_cast %get3A_2559 : vector<16xi32> to vector<16xi32>
      %add3A_2561 = arith.constant 400 : i32
      %add3A_2562 = arith.addi %add3A_2561, %mul3A_2558 : i32
      %get3A_2563 = arith.index_cast %add3A_2562 : i32 to index
      %get3A_2564 = tpu.vector_load %arg6[%get3A_2563] {strides = array<i32>} : memref<1200xi32, #tpu.memory_space<vmem>>, vector<16xi32>,
      %get3A_2565 = vector.shape_cast %get3A_2564 : vector<16xi32> to vector<16xi32>
      %add3A_2566 = arith.constant 800 : i32
      %add3A_2567 = arith.addi %add3A_2566, %mul3A_2558 : i32
      %get3A_2568 = arith.index_cast %add3A_2567 : i32 to index
      %get3A_2569 = tpu.vector_load %arg6[%get3A_2568] {strides = array<i32>} : memref<1200xi32, #tpu.memory_space<vmem>>, vector<16xi32>,
      %get3A_2570 = vector.shape_cast %get3A_2569 : vector<16xi32> to vector<16xi32>
      %mul3A_2571 = arith.constant 12 : i32
      %mul3A_2572 = vector.broadcast %mul3A_2571 : i32 to vector<16xi32>
      %mul3A_2573 = arith.muli %get3A_2560, %mul3A_2572 : vector<16xi32>
      %mul3A_2574 = arith.constant 2 : i32
      %mul3A_2575 = vector.broadcast %mul3A_2574 : i32 to vector<16xi32>
      %mul3A_2576 = arith.muli %get3A_2565, %mul3A_2575 : vector<16xi32>
      %add3A_2577 = arith.addi %mul3A_2573, %mul3A_2576 : vector<16xi32>
      %add3A_2578 = arith.addi %add3A_2577, %get3A_2570 : vector<16xi32>
      %swap3A = arith.index_cast %mul3A_2558 : i32 to index
      %swap3A_2579 = tpu.vector_load %arg8[%swap3A] {strides = array<i32>} : memref<400xi32, #tpu.memory_space<vmem>>, vector<16xi32>,
      %swap3A_2580 = vector.shape_cast %swap3A_2579 : vector<16xi32> to vector<16xi32>
      %swap3A_2581 = vector.shape_cast %add3A_2578 : vector<16xi32> to vector<16xi32>
      tpu.vector_store %arg8[%swap3A], %swap3A_2581 {strides = array<i32>} : memref<400xi32, #tpu.memory_space<vmem>>, vector<16xi32>,
    }
    %scan3A_987 = arith.constant 25 : i32
    %dma_wait3A_988 = arith.constant 0 : i32
    %dma_wait3A_989 = tpu.memref_slice %arg4[%add3A_971, %dma_wait3A_988] : memref<320000x128xf32, #tpu.memory_space<hbm>> -> memref<400x128xf32, #tpu.memory_space<hbm>>
    %dma_wait3A_990 = arith.constant 0 : i32
    %dma_wait3A_991 = tpu.memref_slice %arg4[%add3A_971, %dma_wait3A_990] : memref<320000x128xf32, #tpu.memory_space<hbm>> -> memref<400x128xf32, #tpu.memory_space<hbm>>
    tpu.wait_dma2 semaphore(%arg16 : memref<!tpu.dma_semaphore, #tpu.memory_space<semaphore_mem>>) src(%arg10 : memref<400x128xf32, #tpu.memory_space<vmem>>) dst(%dma_wait3A_991 : memref<400x128xf32, #tpu.memory_space<hbm>>)
    %dma_start3A_992 = arith.constant 0 : i32
    %dma_start3A_993 = arith.constant 0 : i32
    %dma_start3A_994 = tpu.memref_slice %arg10[%dma_start3A_992, %dma_start3A_993] : memref<400x128xf32, #tpu.memory_space<vmem>> -> memref<80x128xf32, #tpu.memory_space<vmem>>
    %dma_start3A_995 = arith.constant 0 : i32
    %dma_start3A_996 = tpu.memref_slice %arg8[%dma_start3A_995] : memref<400xi32, #tpu.memory_space<vmem>> -> memref<80xi32, #tpu.memory_space<vmem>>
    %dma_start3A_997 = arith.constant 0 : i32
    %dma_start3A_998 = arith.constant 0 : i32
    %dma_start3A_999 = tpu.memref_slice %arg5[%dma_start3A_997, %dma_start3A_998] : memref<64x128xf32, #tpu.memory_space<vmem_shared>> -> memref<64x128xf32, #tpu.memory_space<vmem_shared>>
    tpu.enqueue_indirect_dma source(%dma_start3A_999 : memref<64x128xf32, #tpu.memory_space<vmem_shared>>) target(%dma_start3A_994 : memref<80x128xf32, #tpu.memory_space<vmem>>) offsets(%dma_start3A_996 : memref<80xi32, #tpu.memory_space<vmem>>) semaphore(%arg14 : memref<!tpu.dma_semaphore, #tpu.memory_space<semaphore_mem>>)
    %dma_start3A_1000 = arith.constant 80 : i32
    %dma_start3A_1001 = arith.constant 0 : i32
    %dma_start3A_1002 = tpu.memref_slice %arg10[%dma_start3A_1000, %dma_start3A_1001] : memref<400x128xf32, #tpu.memory_space<vmem>> -> memref<80x128xf32, #tpu.memory_space<vmem>>
    %dma_start3A_1003 = arith.constant 80 : i32
    %dma_start3A_1004 = tpu.memref_slice %arg8[%dma_start3A_1003] : memref<400xi32, #tpu.memory_space<vmem>> -> memref<80xi32, #tpu.memory_space<vmem>>
    %dma_start3A_1005 = arith.constant 0 : i32
    %dma_start3A_1006 = arith.constant 0 : i32
    %dma_start3A_1007 = tpu.memref_slice %arg5[%dma_start3A_1005, %dma_start3A_1006] : memref<64x128xf32, #tpu.memory_space<vmem_shared>> -> memref<64x128xf32, #tpu.memory_space<vmem_shared>>
    tpu.enqueue_indirect_dma source(%dma_start3A_1007 : memref<64x128xf32, #tpu.memory_space<vmem_shared>>) target(%dma_start3A_1002 : memref<80x128xf32, #tpu.memory_space<vmem>>) offsets(%dma_start3A_1004 : memref<80xi32, #tpu.memory_space<vmem>>) semaphore(%arg14 : memref<!tpu.dma_semaphore, #tpu.memory_space<semaphore_mem>>)
    %dma_start3A_1008 = arith.constant 160 : i32
    %dma_start3A_1009 = arith.constant 0 : i32
    %dma_start3A_1010 = tpu.memref_slice %arg10[%dma_start3A_1008, %dma_start3A_1009] : memref<400x128xf32, #tpu.memory_space<vmem>> -> memref<80x128xf32, #tpu.memory_space<vmem>>
    %dma_start3A_1011 = arith.constant 160 : i32
    %dma_start3A_1012 = tpu.memref_slice %arg8[%dma_start3A_1011] : memref<400xi32, #tpu.memory_space<vmem>> -> memref<80xi32, #tpu.memory_space<vmem>>
    %dma_start3A_1013 = arith.constant 0 : i32
    %dma_start3A_1014 = arith.constant 0 : i32
    %dma_start3A_1015 = tpu.memref_slice %arg5[%dma_start3A_1013, %dma_start3A_1014] : memref<64x128xf32, #tpu.memory_space<vmem_shared>> -> memref<64x128xf32, #tpu.memory_space<vmem_shared>>
    tpu.enqueue_indirect_dma source(%dma_start3A_1015 : memref<64x128xf32, #tpu.memory_space<vmem_shared>>) target(%dma_start3A_1010 : memref<80x128xf32, #tpu.memory_space<vmem>>) offsets(%dma_start3A_1012 : memref<80xi32, #tpu.memory_space<vmem>>) semaphore(%arg14 : memref<!tpu.dma_semaphore, #tpu.memory_space<semaphore_mem>>)
    %dma_start3A_1016 = arith.constant 240 : i32
    %dma_start3A_1017 = arith.constant 0 : i32
    %dma_start3A_1018 = tpu.memref_slice %arg10[%dma_start3A_1016, %dma_start3A_1017] : memref<400x128xf32, #tpu.memory_space<vmem>> -> memref<80x128xf32, #tpu.memory_space<vmem>>
    %dma_start3A_1019 = arith.constant 240 : i32
    %dma_start3A_1020 = tpu.memref_slice %arg8[%dma_start3A_1019] : memref<400xi32, #tpu.memory_space<vmem>> -> memref<80xi32, #tpu.memory_space<vmem>>
    %dma_start3A_1021 = arith.constant 0 : i32
    %dma_start3A_1022 = arith.constant 0 : i32
    %dma_start3A_1023 = tpu.memref_slice %arg5[%dma_start3A_1021, %dma_start3A_1022] : memref<64x128xf32, #tpu.memory_space<vmem_shared>> -> memref<64x128xf32, #tpu.memory_space<vmem_shared>>
    tpu.enqueue_indirect_dma source(%dma_start3A_1023 : memref<64x128xf32, #tpu.memory_space<vmem_shared>>) target(%dma_start3A_1018 : memref<80x128xf32, #tpu.memory_space<vmem>>) offsets(%dma_start3A_1020 : memref<80xi32, #tpu.memory_space<vmem>>) semaphore(%arg14 : memref<!tpu.dma_semaphore, #tpu.memory_space<semaphore_mem>>)
    %dma_start3A_1024 = arith.constant 320 : i32
    %dma_start3A_1025 = arith.constant 0 : i32
    %dma_start3A_1026 = tpu.memref_slice %arg10[%dma_start3A_1024, %dma_start3A_1025] : memref<400x128xf32, #tpu.memory_space<vmem>> -> memref<80x128xf32, #tpu.memory_space<vmem>>
    %dma_start3A_1027 = arith.constant 320 : i32
    %dma_start3A_1028 = tpu.memref_slice %arg8[%dma_start3A_1027] : memref<400xi32, #tpu.memory_space<vmem>> -> memref<80xi32, #tpu.memory_space<vmem>>
    %dma_start3A_1029 = arith.constant 0 : i32
    %dma_start3A_1030 = arith.constant 0 : i32
    %dma_start3A_1031 = tpu.memref_slice %arg5[%dma_start3A_1029, %dma_start3A_1030] : memref<64x128xf32, #tpu.memory_space<vmem_shared>> -> memref<64x128xf32, #tpu.memory_space<vmem_shared>>
    tpu.enqueue_indirect_dma source(%dma_start3A_1031 : memref<64x128xf32, #tpu.memory_space<vmem_shared>>) target(%dma_start3A_1026 : memref<80x128xf32, #tpu.memory_space<vmem>>) offsets(%dma_start3A_1028 : memref<80xi32, #tpu.memory_space<vmem>>) semaphore(%arg14 : memref<!tpu.dma_semaphore, #tpu.memory_space<semaphore_mem>>)
    %dma_wait3A_1032 = arith.constant 0 : i32
    %dma_wait3A_1033 = arith.constant 0 : i32
    %dma_wait3A_1034 = tpu.memref_slice %arg11[%dma_wait3A_1032, %dma_wait3A_1033] : memref<400x128xf32, #tpu.memory_space<vmem>> -> memref<80x128xf32, #tpu.memory_space<vmem>>
    %dma_wait3A_1035 = arith.constant 0 : i32
    %dma_wait3A_1036 = tpu.memref_slice %arg9[%dma_wait3A_1035] : memref<400xi32, #tpu.memory_space<vmem>> -> memref<80xi32, #tpu.memory_space<vmem>>
    %dma_wait3A_1037 = arith.constant 0 : i32
    %dma_wait3A_1038 = arith.constant 0 : i32
    %dma_wait3A_1039 = tpu.memref_slice %arg5[%dma_wait3A_1037, %dma_wait3A_1038] : memref<64x128xf32, #tpu.memory_space<vmem_shared>> -> memref<64x128xf32, #tpu.memory_space<vmem_shared>>
    tpu.wait_indirect_dma semaphore(%arg15 : memref<!tpu.dma_semaphore, #tpu.memory_space<semaphore_mem>>) src(%dma_wait3A_1039 : memref<64x128xf32, #tpu.memory_space<vmem_shared>>) dst(%dma_wait3A_1034 : memref<80x128xf32, #tpu.memory_space<vmem>>)
    %dma_wait3A_1040 = arith.constant 80 : i32
    %dma_wait3A_1041 = arith.constant 0 : i32
    %dma_wait3A_1042 = tpu.memref_slice %arg11[%dma_wait3A_1040, %dma_wait3A_1041] : memref<400x128xf32, #tpu.memory_space<vmem>> -> memref<80x128xf32, #tpu.memory_space<vmem>>
    %dma_wait3A_1043 = arith.constant 80 : i32
    %dma_wait3A_1044 = tpu.memref_slice %arg9[%dma_wait3A_1043] : memref<400xi32, #tpu.memory_space<vmem>> -> memref<80xi32, #tpu.memory_space<vmem>>
    %dma_wait3A_1045 = arith.constant 0 : i32
    %dma_wait3A_1046 = arith.constant 0 : i32
    %dma_wait3A_1047 = tpu.memref_slice %arg5[%dma_wait3A_1045, %dma_wait3A_1046] : memref<64x128xf32, #tpu.memory_space<vmem_shared>> -> memref<64x128xf32, #tpu.memory_space<vmem_shared>>
    tpu.wait_indirect_dma semaphore(%arg15 : memref<!tpu.dma_semaphore, #tpu.memory_space<semaphore_mem>>) src(%dma_wait3A_1047 : memref<64x128xf32, #tpu.memory_space<vmem_shared>>) dst(%dma_wait3A_1042 : memref<80x128xf32, #tpu.memory_space<vmem>>)
    %dma_wait3A_1048 = arith.constant 160 : i32
    %dma_wait3A_1049 = arith.constant 0 : i32
    %dma_wait3A_1050 = tpu.memref_slice %arg11[%dma_wait3A_1048, %dma_wait3A_1049] : memref<400x128xf32, #tpu.memory_space<vmem>> -> memref<80x128xf32, #tpu.memory_space<vmem>>
    %dma_wait3A_1051 = arith.constant 160 : i32
    %dma_wait3A_1052 = tpu.memref_slice %arg9[%dma_wait3A_1051] : memref<400xi32, #tpu.memory_space<vmem>> -> memref<80xi32, #tpu.memory_space<vmem>>
    %dma_wait3A_1053 = arith.constant 0 : i32
    %dma_wait3A_1054 = arith.constant 0 : i32
    %dma_wait3A_1055 = tpu.memref_slice %arg5[%dma_wait3A_1053, %dma_wait3A_1054] : memref<64x128xf32, #tpu.memory_space<vmem_shared>> -> memref<64x128xf32, #tpu.memory_space<vmem_shared>>
    tpu.wait_indirect_dma semaphore(%arg15 : memref<!tpu.dma_semaphore, #tpu.memory_space<semaphore_mem>>) src(%dma_wait3A_1055 : memref<64x128xf32, #tpu.memory_space<vmem_shared>>) dst(%dma_wait3A_1050 : memref<80x128xf32, #tpu.memory_space<vmem>>)
    %dma_wait3A_1056 = arith.constant 240 : i32
    %dma_wait3A_1057 = arith.constant 0 : i32
    %dma_wait3A_1058 = tpu.memref_slice %arg11[%dma_wait3A_1056, %dma_wait3A_1057] : memref<400x128xf32, #tpu.memory_space<vmem>> -> memref<80x128xf32, #tpu.memory_space<vmem>>
    %dma_wait3A_1059 = arith.constant 240 : i32
    %dma_wait3A_1060 = tpu.memref_slice %arg9[%dma_wait3A_1059] : memref<400xi32, #tpu.memory_space<vmem>> -> memref<80xi32, #tpu.memory_space<vmem>>
    %dma_wait3A_1061 = arith.constant 0 : i32
    %dma_wait3A_1062 = arith.constant 0 : i32
    %dma_wait3A_1063 = tpu.memref_slice %arg5[%dma_wait3A_1061, %dma_wait3A_1062] : memref<64x128xf32, #tpu.memory_space<vmem_shared>> -> memref<64x128xf32, #tpu.memory_space<vmem_shared>>
    tpu.wait_indirect_dma semaphore(%arg15 : memref<!tpu.dma_semaphore, #tpu.memory_space<semaphore_mem>>) src(%dma_wait3A_1063 : memref<64x128xf32, #tpu.memory_space<vmem_shared>>) dst(%dma_wait3A_1058 : memref<80x128xf32, #tpu.memory_space<vmem>>)
    %dma_wait3A_1064 = arith.constant 320 : i32
    %dma_wait3A_1065 = arith.constant 0 : i32
    %dma_wait3A_1066 = tpu.memref_slice %arg11[%dma_wait3A_1064, %dma_wait3A_1065] : memref<400x128xf32, #tpu.memory_space<vmem>> -> memref<80x128xf32, #tpu.memory_space<vmem>>
    %dma_wait3A_1067 = arith.constant 320 : i32
    %dma_wait3A_1068 = tpu.memref_slice %arg9[%dma_wait3A_1067] : memref<400xi32, #tpu.memory_space<vmem>> -> memref<80xi32, #tpu.memory_space<vmem>>
    %dma_wait3A_1069 = arith.constant 0 : i32
    %dma_wait3A_1070 = arith.constant 0 : i32
    %dma_wait3A_1071 = tpu.memref_slice %arg5[%dma_wait3A_1069, %dma_wait3A_1070] : memref<64x128xf32, #tpu.memory_space<vmem_shared>> -> memref<64x128xf32, #tpu.memory_space<vmem_shared>>
    tpu.wait_indirect_dma semaphore(%arg15 : memref<!tpu.dma_semaphore, #tpu.memory_space<semaphore_mem>>) src(%dma_wait3A_1071 : memref<64x128xf32, #tpu.memory_space<vmem_shared>>) dst(%dma_wait3A_1066 : memref<80x128xf32, #tpu.memory_space<vmem>>)
    %add3A_1072 = arith.constant 3600 : i32
    %add3A_1073 = arith.addi %mul3A_2, %add3A_1072 : i32
    %dma_start3A_1074 = arith.constant 0 : i32
    %dma_start3A_1075 = tpu.memref_slice %arg4[%add3A_1073, %dma_start3A_1074] : memref<320000x128xf32, #tpu.memory_space<hbm>> -> memref<400x128xf32, #tpu.memory_space<hbm>>
    %dma_start3A_1076 = arith.constant 0 : i32
    %dma_start3A_1077 = tpu.memref_slice %arg4[%add3A_1073, %dma_start3A_1076] : memref<320000x128xf32, #tpu.memory_space<hbm>> -> memref<400x128xf32, #tpu.memory_space<hbm>>
    tpu.enqueue_dma source(%arg11 : memref<400x128xf32, #tpu.memory_space<vmem>>) target(%dma_start3A_1077 : memref<400x128xf32, #tpu.memory_space<hbm>>) target_semaphore(%arg17 : memref<!tpu.dma_semaphore, #tpu.memory_space<semaphore_mem>>)
    %add3A_1078 = arith.constant 14400 : i32
    %add3A_1079 = arith.addi %mul3A_8, %add3A_1078 : i32
    %dma_start3A_1080 = tpu.memref_slice %arg3[%add3A_1079] : memref<960000xi32, #tpu.memory_space<hbm>> -> memref<1200xi32, #tpu.memory_space<hbm>>
    %dma_start3A_1081 = tpu.memref_slice %arg3[%add3A_1079] : memref<960000xi32, #tpu.memory_space<hbm>> -> memref<1200xi32, #tpu.memory_space<hbm>>
    tpu.enqueue_dma source(%dma_start3A_1081 : memref<1200xi32, #tpu.memory_space<hbm>>) target(%arg6 : memref<1200xi32, #tpu.memory_space<vmem>>) target_semaphore(%arg12 : memref<!tpu.dma_semaphore, #tpu.memory_space<semaphore_mem>>)
    %dma_wait3A_1082 = tpu.memref_slice %arg3[%add3A_977] : memref<960000xi32, #tpu.memory_space<hbm>> -> memref<1200xi32, #tpu.memory_space<hbm>>
    %dma_wait3A_1083 = tpu.memref_slice %arg3[%add3A_977] : memref<960000xi32, #tpu.memory_space<hbm>> -> memref<1200xi32, #tpu.memory_space<hbm>>
    tpu.wait_dma2 semaphore(%arg13 : memref<!tpu.dma_semaphore, #tpu.memory_space<semaphore_mem>>) src(%dma_wait3A_1083 : memref<1200xi32, #tpu.memory_space<hbm>>) dst(%arg7 : memref<1200xi32, #tpu.memory_space<vmem>>)
    %scan3A_1084 = arith.constant 0 : i32
    %scan3A_1085 = arith.constant 0 : i32
    %scan3A_1086 = arith.constant 25 : i32
    %scan3A_1087 = arith.addi %scan3A_1085, %scan3A_1086 : i32
    %scan3A_1088 = arith.constant 1 : i32
    scf.for %scan3A_2556 = %scan3A_1085 to %scan3A_1087 step %scan3A_1088  : i32 {
      %mul3A_2557 = arith.constant 16 : i32
      %mul3A_2558 = arith.muli %scan3A_2556, %mul3A_2557 : i32
      %get3A = arith.index_cast %mul3A_2558 : i32 to index
      %get3A_2559 = tpu.vector_load %arg7[%get3A] {strides = array<i32>} : memref<1200xi32, #tpu.memory_space<vmem>>, vector<16xi32>,
      %get3A_2560 = vector.shape_cast %get3A_2559 : vector<16xi32> to vector<16xi32>
      %add3A_2561 = arith.constant 400 : i32
      %add3A_2562 = arith.addi %add3A_2561, %mul3A_2558 : i32
      %get3A_2563 = arith.index_cast %add3A_2562 : i32 to index
      %get3A_2564 = tpu.vector_load %arg7[%get3A_2563] {strides = array<i32>} : memref<1200xi32, #tpu.memory_space<vmem>>, vector<16xi32>,
      %get3A_2565 = vector.shape_cast %get3A_2564 : vector<16xi32> to vector<16xi32>
      %add3A_2566 = arith.constant 800 : i32
      %add3A_2567 = arith.addi %add3A_2566, %mul3A_2558 : i32
      %get3A_2568 = arith.index_cast %add3A_2567 : i32 to index
      %get3A_2569 = tpu.vector_load %arg7[%get3A_2568] {strides = array<i32>} : memref<1200xi32, #tpu.memory_space<vmem>>, vector<16xi32>,
      %get3A_2570 = vector.shape_cast %get3A_2569 : vector<16xi32> to vector<16xi32>
      %mul3A_2571 = arith.constant 12 : i32
      %mul3A_2572 = vector.broadcast %mul3A_2571 : i32 to vector<16xi32>
      %mul3A_2573 = arith.muli %get3A_2560, %mul3A_2572 : vector<16xi32>
      %mul3A_2574 = arith.constant 2 : i32
      %mul3A_2575 = vector.broadcast %mul3A_2574 : i32 to vector<16xi32>
      %mul3A_2576 = arith.muli %get3A_2565, %mul3A_2575 : vector<16xi32>
      %add3A_2577 = arith.addi %mul3A_2573, %mul3A_2576 : vector<16xi32>
      %add3A_2578 = arith.addi %add3A_2577, %get3A_2570 : vector<16xi32>
      %swap3A = arith.index_cast %mul3A_2558 : i32 to index
      %swap3A_2579 = tpu.vector_load %arg9[%swap3A] {strides = array<i32>} : memref<400xi32, #tpu.memory_space<vmem>>, vector<16xi32>,
      %swap3A_2580 = vector.shape_cast %swap3A_2579 : vector<16xi32> to vector<16xi32>
      %swap3A_2581 = vector.shape_cast %add3A_2578 : vector<16xi32> to vector<16xi32>
      tpu.vector_store %arg9[%swap3A], %swap3A_2581 {strides = array<i32>} : memref<400xi32, #tpu.memory_space<vmem>>, vector<16xi32>,
    }
    %scan3A_1089 = arith.constant 25 : i32
    %dma_wait3A_1090 = arith.constant 0 : i32
    %dma_wait3A_1091 = tpu.memref_slice %arg4[%add3A_1073, %dma_wait3A_1090] : memref<320000x128xf32, #tpu.memory_space<hbm>> -> memref<400x128xf32, #tpu.memory_space<hbm>>
    %dma_wait3A_1092 = arith.constant 0 : i32
    %dma_wait3A_1093 = tpu.memref_slice %arg4[%add3A_1073, %dma_wait3A_1092] : memref<320000x128xf32, #tpu.memory_space<hbm>> -> memref<400x128xf32, #tpu.memory_space<hbm>>
    tpu.wait_dma2 semaphore(%arg17 : memref<!tpu.dma_semaphore, #tpu.memory_space<semaphore_mem>>) src(%arg11 : memref<400x128xf32, #tpu.memory_space<vmem>>) dst(%dma_wait3A_1093 : memref<400x128xf32, #tpu.memory_space<hbm>>)
    %dma_start3A_1094 = arith.constant 0 : i32
    %dma_start3A_1095 = arith.constant 0 : i32
    %dma_start3A_1096 = tpu.memref_slice %arg11[%dma_start3A_1094, %dma_start3A_1095] : memref<400x128xf32, #tpu.memory_space<vmem>> -> memref<80x128xf32, #tpu.memory_space<vmem>>
    %dma_start3A_1097 = arith.constant 0 : i32
    %dma_start3A_1098 = tpu.memref_slice %arg9[%dma_start3A_1097] : memref<400xi32, #tpu.memory_space<vmem>> -> memref<80xi32, #tpu.memory_space<vmem>>
    %dma_start3A_1099 = arith.constant 0 : i32
    %dma_start3A_1100 = arith.constant 0 : i32
    %dma_start3A_1101 = tpu.memref_slice %arg5[%dma_start3A_1099, %dma_start3A_1100] : memref<64x128xf32, #tpu.memory_space<vmem_shared>> -> memref<64x128xf32, #tpu.memory_space<vmem_shared>>
    tpu.enqueue_indirect_dma source(%dma_start3A_1101 : memref<64x128xf32, #tpu.memory_space<vmem_shared>>) target(%dma_start3A_1096 : memref<80x128xf32, #tpu.memory_space<vmem>>) offsets(%dma_start3A_1098 : memref<80xi32, #tpu.memory_space<vmem>>) semaphore(%arg15 : memref<!tpu.dma_semaphore, #tpu.memory_space<semaphore_mem>>)
    %dma_start3A_1102 = arith.constant 80 : i32
    %dma_start3A_1103 = arith.constant 0 : i32
    %dma_start3A_1104 = tpu.memref_slice %arg11[%dma_start3A_1102, %dma_start3A_1103] : memref<400x128xf32, #tpu.memory_space<vmem>> -> memref<80x128xf32, #tpu.memory_space<vmem>>
    %dma_start3A_1105 = arith.constant 80 : i32
    %dma_start3A_1106 = tpu.memref_slice %arg9[%dma_start3A_1105] : memref<400xi32, #tpu.memory_space<vmem>> -> memref<80xi32, #tpu.memory_space<vmem>>
    %dma_start3A_1107 = arith.constant 0 : i32
    %dma_start3A_1108 = arith.constant 0 : i32
    %dma_start3A_1109 = tpu.memref_slice %arg5[%dma_start3A_1107, %dma_start3A_1108] : memref<64x128xf32, #tpu.memory_space<vmem_shared>> -> memref<64x128xf32, #tpu.memory_space<vmem_shared>>
    tpu.enqueue_indirect_dma source(%dma_start3A_1109 : memref<64x128xf32, #tpu.memory_space<vmem_shared>>) target(%dma_start3A_1104 : memref<80x128xf32, #tpu.memory_space<vmem>>) offsets(%dma_start3A_1106 : memref<80xi32, #tpu.memory_space<vmem>>) semaphore(%arg15 : memref<!tpu.dma_semaphore, #tpu.memory_space<semaphore_mem>>)
    %dma_start3A_1110 = arith.constant 160 : i32
    %dma_start3A_1111 = arith.constant 0 : i32
    %dma_start3A_1112 = tpu.memref_slice %arg11[%dma_start3A_1110, %dma_start3A_1111] : memref<400x128xf32, #tpu.memory_space<vmem>> -> memref<80x128xf32, #tpu.memory_space<vmem>>
    %dma_start3A_1113 = arith.constant 160 : i32
    %dma_start3A_1114 = tpu.memref_slice %arg9[%dma_start3A_1113] : memref<400xi32, #tpu.memory_space<vmem>> -> memref<80xi32, #tpu.memory_space<vmem>>
    %dma_start3A_1115 = arith.constant 0 : i32
    %dma_start3A_1116 = arith.constant 0 : i32
    %dma_start3A_1117 = tpu.memref_slice %arg5[%dma_start3A_1115, %dma_start3A_1116] : memref<64x128xf32, #tpu.memory_space<vmem_shared>> -> memref<64x128xf32, #tpu.memory_space<vmem_shared>>
    tpu.enqueue_indirect_dma source(%dma_start3A_1117 : memref<64x128xf32, #tpu.memory_space<vmem_shared>>) target(%dma_start3A_1112 : memref<80x128xf32, #tpu.memory_space<vmem>>) offsets(%dma_start3A_1114 : memref<80xi32, #tpu.memory_space<vmem>>) semaphore(%arg15 : memref<!tpu.dma_semaphore, #tpu.memory_space<semaphore_mem>>)
    %dma_start3A_1118 = arith.constant 240 : i32
    %dma_start3A_1119 = arith.constant 0 : i32
    %dma_start3A_1120 = tpu.memref_slice %arg11[%dma_start3A_1118, %dma_start3A_1119] : memref<400x128xf32, #tpu.memory_space<vmem>> -> memref<80x128xf32, #tpu.memory_space<vmem>>
    %dma_start3A_1121 = arith.constant 240 : i32
    %dma_start3A_1122 = tpu.memref_slice %arg9[%dma_start3A_1121] : memref<400xi32, #tpu.memory_space<vmem>> -> memref<80xi32, #tpu.memory_space<vmem>>
    %dma_start3A_1123 = arith.constant 0 : i32
    %dma_start3A_1124 = arith.constant 0 : i32
    %dma_start3A_1125 = tpu.memref_slice %arg5[%dma_start3A_1123, %dma_start3A_1124] : memref<64x128xf32, #tpu.memory_space<vmem_shared>> -> memref<64x128xf32, #tpu.memory_space<vmem_shared>>
    tpu.enqueue_indirect_dma source(%dma_start3A_1125 : memref<64x128xf32, #tpu.memory_space<vmem_shared>>) target(%dma_start3A_1120 : memref<80x128xf32, #tpu.memory_space<vmem>>) offsets(%dma_start3A_1122 : memref<80xi32, #tpu.memory_space<vmem>>) semaphore(%arg15 : memref<!tpu.dma_semaphore, #tpu.memory_space<semaphore_mem>>)
    %dma_start3A_1126 = arith.constant 320 : i32
    %dma_start3A_1127 = arith.constant 0 : i32
    %dma_start3A_1128 = tpu.memref_slice %arg11[%dma_start3A_1126, %dma_start3A_1127] : memref<400x128xf32, #tpu.memory_space<vmem>> -> memref<80x128xf32, #tpu.memory_space<vmem>>
    %dma_start3A_1129 = arith.constant 320 : i32
    %dma_start3A_1130 = tpu.memref_slice %arg9[%dma_start3A_1129] : memref<400xi32, #tpu.memory_space<vmem>> -> memref<80xi32, #tpu.memory_space<vmem>>
    %dma_start3A_1131 = arith.constant 0 : i32
    %dma_start3A_1132 = arith.constant 0 : i32
    %dma_start3A_1133 = tpu.memref_slice %arg5[%dma_start3A_1131, %dma_start3A_1132] : memref<64x128xf32, #tpu.memory_space<vmem_shared>> -> memref<64x128xf32, #tpu.memory_space<vmem_shared>>
    tpu.enqueue_indirect_dma source(%dma_start3A_1133 : memref<64x128xf32, #tpu.memory_space<vmem_shared>>) target(%dma_start3A_1128 : memref<80x128xf32, #tpu.memory_space<vmem>>) offsets(%dma_start3A_1130 : memref<80xi32, #tpu.memory_space<vmem>>) semaphore(%arg15 : memref<!tpu.dma_semaphore, #tpu.memory_space<semaphore_mem>>)
    %dma_wait3A_1134 = arith.constant 0 : i32
    %dma_wait3A_1135 = arith.constant 0 : i32
    %dma_wait3A_1136 = tpu.memref_slice %arg10[%dma_wait3A_1134, %dma_wait3A_1135] : memref<400x128xf32, #tpu.memory_space<vmem>> -> memref<80x128xf32, #tpu.memory_space<vmem>>
    %dma_wait3A_1137 = arith.constant 0 : i32
    %dma_wait3A_1138 = tpu.memref_slice %arg8[%dma_wait3A_1137] : memref<400xi32, #tpu.memory_space<vmem>> -> memref<80xi32, #tpu.memory_space<vmem>>
    %dma_wait3A_1139 = arith.constant 0 : i32
    %dma_wait3A_1140 = arith.constant 0 : i32
    %dma_wait3A_1141 = tpu.memref_slice %arg5[%dma_wait3A_1139, %dma_wait3A_1140] : memref<64x128xf32, #tpu.memory_space<vmem_shared>> -> memref<64x128xf32, #tpu.memory_space<vmem_shared>>
    tpu.wait_indirect_dma semaphore(%arg14 : memref<!tpu.dma_semaphore, #tpu.memory_space<semaphore_mem>>) src(%dma_wait3A_1141 : memref<64x128xf32, #tpu.memory_space<vmem_shared>>) dst(%dma_wait3A_1136 : memref<80x128xf32, #tpu.memory_space<vmem>>)
    %dma_wait3A_1142 = arith.constant 80 : i32
    %dma_wait3A_1143 = arith.constant 0 : i32
    %dma_wait3A_1144 = tpu.memref_slice %arg10[%dma_wait3A_1142, %dma_wait3A_1143] : memref<400x128xf32, #tpu.memory_space<vmem>> -> memref<80x128xf32, #tpu.memory_space<vmem>>
    %dma_wait3A_1145 = arith.constant 80 : i32
    %dma_wait3A_1146 = tpu.memref_slice %arg8[%dma_wait3A_1145] : memref<400xi32, #tpu.memory_space<vmem>> -> memref<80xi32, #tpu.memory_space<vmem>>
    %dma_wait3A_1147 = arith.constant 0 : i32
    %dma_wait3A_1148 = arith.constant 0 : i32
    %dma_wait3A_1149 = tpu.memref_slice %arg5[%dma_wait3A_1147, %dma_wait3A_1148] : memref<64x128xf32, #tpu.memory_space<vmem_shared>> -> memref<64x128xf32, #tpu.memory_space<vmem_shared>>
    tpu.wait_indirect_dma semaphore(%arg14 : memref<!tpu.dma_semaphore, #tpu.memory_space<semaphore_mem>>) src(%dma_wait3A_1149 : memref<64x128xf32, #tpu.memory_space<vmem_shared>>) dst(%dma_wait3A_1144 : memref<80x128xf32, #tpu.memory_space<vmem>>)
    %dma_wait3A_1150 = arith.constant 160 : i32
    %dma_wait3A_1151 = arith.constant 0 : i32
    %dma_wait3A_1152 = tpu.memref_slice %arg10[%dma_wait3A_1150, %dma_wait3A_1151] : memref<400x128xf32, #tpu.memory_space<vmem>> -> memref<80x128xf32, #tpu.memory_space<vmem>>
    %dma_wait3A_1153 = arith.constant 160 : i32
    %dma_wait3A_1154 = tpu.memref_slice %arg8[%dma_wait3A_1153] : memref<400xi32, #tpu.memory_space<vmem>> -> memref<80xi32, #tpu.memory_space<vmem>>
    %dma_wait3A_1155 = arith.constant 0 : i32
    %dma_wait3A_1156 = arith.constant 0 : i32
    %dma_wait3A_1157 = tpu.memref_slice %arg5[%dma_wait3A_1155, %dma_wait3A_1156] : memref<64x128xf32, #tpu.memory_space<vmem_shared>> -> memref<64x128xf32, #tpu.memory_space<vmem_shared>>
    tpu.wait_indirect_dma semaphore(%arg14 : memref<!tpu.dma_semaphore, #tpu.memory_space<semaphore_mem>>) src(%dma_wait3A_1157 : memref<64x128xf32, #tpu.memory_space<vmem_shared>>) dst(%dma_wait3A_1152 : memref<80x128xf32, #tpu.memory_space<vmem>>)
    %dma_wait3A_1158 = arith.constant 240 : i32
    %dma_wait3A_1159 = arith.constant 0 : i32
    %dma_wait3A_1160 = tpu.memref_slice %arg10[%dma_wait3A_1158, %dma_wait3A_1159] : memref<400x128xf32, #tpu.memory_space<vmem>> -> memref<80x128xf32, #tpu.memory_space<vmem>>
    %dma_wait3A_1161 = arith.constant 240 : i32
    %dma_wait3A_1162 = tpu.memref_slice %arg8[%dma_wait3A_1161] : memref<400xi32, #tpu.memory_space<vmem>> -> memref<80xi32, #tpu.memory_space<vmem>>
    %dma_wait3A_1163 = arith.constant 0 : i32
    %dma_wait3A_1164 = arith.constant 0 : i32
    %dma_wait3A_1165 = tpu.memref_slice %arg5[%dma_wait3A_1163, %dma_wait3A_1164] : memref<64x128xf32, #tpu.memory_space<vmem_shared>> -> memref<64x128xf32, #tpu.memory_space<vmem_shared>>
    tpu.wait_indirect_dma semaphore(%arg14 : memref<!tpu.dma_semaphore, #tpu.memory_space<semaphore_mem>>) src(%dma_wait3A_1165 : memref<64x128xf32, #tpu.memory_space<vmem_shared>>) dst(%dma_wait3A_1160 : memref<80x128xf32, #tpu.memory_space<vmem>>)
    %dma_wait3A_1166 = arith.constant 320 : i32
    %dma_wait3A_1167 = arith.constant 0 : i32
    %dma_wait3A_1168 = tpu.memref_slice %arg10[%dma_wait3A_1166, %dma_wait3A_1167] : memref<400x128xf32, #tpu.memory_space<vmem>> -> memref<80x128xf32, #tpu.memory_space<vmem>>
    %dma_wait3A_1169 = arith.constant 320 : i32
    %dma_wait3A_1170 = tpu.memref_slice %arg8[%dma_wait3A_1169] : memref<400xi32, #tpu.memory_space<vmem>> -> memref<80xi32, #tpu.memory_space<vmem>>
    %dma_wait3A_1171 = arith.constant 0 : i32
    %dma_wait3A_1172 = arith.constant 0 : i32
    %dma_wait3A_1173 = tpu.memref_slice %arg5[%dma_wait3A_1171, %dma_wait3A_1172] : memref<64x128xf32, #tpu.memory_space<vmem_shared>> -> memref<64x128xf32, #tpu.memory_space<vmem_shared>>
    tpu.wait_indirect_dma semaphore(%arg14 : memref<!tpu.dma_semaphore, #tpu.memory_space<semaphore_mem>>) src(%dma_wait3A_1173 : memref<64x128xf32, #tpu.memory_space<vmem_shared>>) dst(%dma_wait3A_1168 : memref<80x128xf32, #tpu.memory_space<vmem>>)
    %add3A_1174 = arith.constant 4000 : i32
    %add3A_1175 = arith.addi %mul3A_2, %add3A_1174 : i32
    %dma_start3A_1176 = arith.constant 0 : i32
    %dma_start3A_1177 = tpu.memref_slice %arg4[%add3A_1175, %dma_start3A_1176] : memref<320000x128xf32, #tpu.memory_space<hbm>> -> memref<400x128xf32, #tpu.memory_space<hbm>>
    %dma_start3A_1178 = arith.constant 0 : i32
    %dma_start3A_1179 = tpu.memref_slice %arg4[%add3A_1175, %dma_start3A_1178] : memref<320000x128xf32, #tpu.memory_space<hbm>> -> memref<400x128xf32, #tpu.memory_space<hbm>>
    tpu.enqueue_dma source(%arg10 : memref<400x128xf32, #tpu.memory_space<vmem>>) target(%dma_start3A_1179 : memref<400x128xf32, #tpu.memory_space<hbm>>) target_semaphore(%arg16 : memref<!tpu.dma_semaphore, #tpu.memory_space<semaphore_mem>>)
    %add3A_1180 = arith.constant 15600 : i32
    %add3A_1181 = arith.addi %mul3A_8, %add3A_1180 : i32
    %dma_start3A_1182 = tpu.memref_slice %arg3[%add3A_1181] : memref<960000xi32, #tpu.memory_space<hbm>> -> memref<1200xi32, #tpu.memory_space<hbm>>
    %dma_start3A_1183 = tpu.memref_slice %arg3[%add3A_1181] : memref<960000xi32, #tpu.memory_space<hbm>> -> memref<1200xi32, #tpu.memory_space<hbm>>
    tpu.enqueue_dma source(%dma_start3A_1183 : memref<1200xi32, #tpu.memory_space<hbm>>) target(%arg7 : memref<1200xi32, #tpu.memory_space<vmem>>) target_semaphore(%arg13 : memref<!tpu.dma_semaphore, #tpu.memory_space<semaphore_mem>>)
    %dma_wait3A_1184 = tpu.memref_slice %arg3[%add3A_1079] : memref<960000xi32, #tpu.memory_space<hbm>> -> memref<1200xi32, #tpu.memory_space<hbm>>
    %dma_wait3A_1185 = tpu.memref_slice %arg3[%add3A_1079] : memref<960000xi32, #tpu.memory_space<hbm>> -> memref<1200xi32, #tpu.memory_space<hbm>>
    tpu.wait_dma2 semaphore(%arg12 : memref<!tpu.dma_semaphore, #tpu.memory_space<semaphore_mem>>) src(%dma_wait3A_1185 : memref<1200xi32, #tpu.memory_space<hbm>>) dst(%arg6 : memref<1200xi32, #tpu.memory_space<vmem>>)
    %scan3A_1186 = arith.constant 0 : i32
    %scan3A_1187 = arith.constant 0 : i32
    %scan3A_1188 = arith.constant 25 : i32
    %scan3A_1189 = arith.addi %scan3A_1187, %scan3A_1188 : i32
    %scan3A_1190 = arith.constant 1 : i32
    scf.for %scan3A_2556 = %scan3A_1187 to %scan3A_1189 step %scan3A_1190  : i32 {
      %mul3A_2557 = arith.constant 16 : i32
      %mul3A_2558 = arith.muli %scan3A_2556, %mul3A_2557 : i32
      %get3A = arith.index_cast %mul3A_2558 : i32 to index
      %get3A_2559 = tpu.vector_load %arg6[%get3A] {strides = array<i32>} : memref<1200xi32, #tpu.memory_space<vmem>>, vector<16xi32>,
      %get3A_2560 = vector.shape_cast %get3A_2559 : vector<16xi32> to vector<16xi32>
      %add3A_2561 = arith.constant 400 : i32
      %add3A_2562 = arith.addi %add3A_2561, %mul3A_2558 : i32
      %get3A_2563 = arith.index_cast %add3A_2562 : i32 to index
      %get3A_2564 = tpu.vector_load %arg6[%get3A_2563] {strides = array<i32>} : memref<1200xi32, #tpu.memory_space<vmem>>, vector<16xi32>,
      %get3A_2565 = vector.shape_cast %get3A_2564 : vector<16xi32> to vector<16xi32>
      %add3A_2566 = arith.constant 800 : i32
      %add3A_2567 = arith.addi %add3A_2566, %mul3A_2558 : i32
      %get3A_2568 = arith.index_cast %add3A_2567 : i32 to index
      %get3A_2569 = tpu.vector_load %arg6[%get3A_2568] {strides = array<i32>} : memref<1200xi32, #tpu.memory_space<vmem>>, vector<16xi32>,
      %get3A_2570 = vector.shape_cast %get3A_2569 : vector<16xi32> to vector<16xi32>
      %mul3A_2571 = arith.constant 12 : i32
      %mul3A_2572 = vector.broadcast %mul3A_2571 : i32 to vector<16xi32>
      %mul3A_2573 = arith.muli %get3A_2560, %mul3A_2572 : vector<16xi32>
      %mul3A_2574 = arith.constant 2 : i32
      %mul3A_2575 = vector.broadcast %mul3A_2574 : i32 to vector<16xi32>
      %mul3A_2576 = arith.muli %get3A_2565, %mul3A_2575 : vector<16xi32>
      %add3A_2577 = arith.addi %mul3A_2573, %mul3A_2576 : vector<16xi32>
      %add3A_2578 = arith.addi %add3A_2577, %get3A_2570 : vector<16xi32>
      %swap3A = arith.index_cast %mul3A_2558 : i32 to index
      %swap3A_2579 = tpu.vector_load %arg8[%swap3A] {strides = array<i32>} : memref<400xi32, #tpu.memory_space<vmem>>, vector<16xi32>,
      %swap3A_2580 = vector.shape_cast %swap3A_2579 : vector<16xi32> to vector<16xi32>
      %swap3A_2581 = vector.shape_cast %add3A_2578 : vector<16xi32> to vector<16xi32>
      tpu.vector_store %arg8[%swap3A], %swap3A_2581 {strides = array<i32>} : memref<400xi32, #tpu.memory_space<vmem>>, vector<16xi32>,
    }
    %scan3A_1191 = arith.constant 25 : i32
    %dma_wait3A_1192 = arith.constant 0 : i32
    %dma_wait3A_1193 = tpu.memref_slice %arg4[%add3A_1175, %dma_wait3A_1192] : memref<320000x128xf32, #tpu.memory_space<hbm>> -> memref<400x128xf32, #tpu.memory_space<hbm>>
    %dma_wait3A_1194 = arith.constant 0 : i32
    %dma_wait3A_1195 = tpu.memref_slice %arg4[%add3A_1175, %dma_wait3A_1194] : memref<320000x128xf32, #tpu.memory_space<hbm>> -> memref<400x128xf32, #tpu.memory_space<hbm>>
    tpu.wait_dma2 semaphore(%arg16 : memref<!tpu.dma_semaphore, #tpu.memory_space<semaphore_mem>>) src(%arg10 : memref<400x128xf32, #tpu.memory_space<vmem>>) dst(%dma_wait3A_1195 : memref<400x128xf32, #tpu.memory_space<hbm>>)
    %dma_start3A_1196 = arith.constant 0 : i32
    %dma_start3A_1197 = arith.constant 0 : i32
    %dma_start3A_1198 = tpu.memref_slice %arg10[%dma_start3A_1196, %dma_start3A_1197] : memref<400x128xf32, #tpu.memory_space<vmem>> -> memref<80x128xf32, #tpu.memory_space<vmem>>
    %dma_start3A_1199 = arith.constant 0 : i32
    %dma_start3A_1200 = tpu.memref_slice %arg8[%dma_start3A_1199] : memref<400xi32, #tpu.memory_space<vmem>> -> memref<80xi32, #tpu.memory_space<vmem>>
    %dma_start3A_1201 = arith.constant 0 : i32
    %dma_start3A_1202 = arith.constant 0 : i32
    %dma_start3A_1203 = tpu.memref_slice %arg5[%dma_start3A_1201, %dma_start3A_1202] : memref<64x128xf32, #tpu.memory_space<vmem_shared>> -> memref<64x128xf32, #tpu.memory_space<vmem_shared>>
    tpu.enqueue_indirect_dma source(%dma_start3A_1203 : memref<64x128xf32, #tpu.memory_space<vmem_shared>>) target(%dma_start3A_1198 : memref<80x128xf32, #tpu.memory_space<vmem>>) offsets(%dma_start3A_1200 : memref<80xi32, #tpu.memory_space<vmem>>) semaphore(%arg14 : memref<!tpu.dma_semaphore, #tpu.memory_space<semaphore_mem>>)
    %dma_start3A_1204 = arith.constant 80 : i32
    %dma_start3A_1205 = arith.constant 0 : i32
    %dma_start3A_1206 = tpu.memref_slice %arg10[%dma_start3A_1204, %dma_start3A_1205] : memref<400x128xf32, #tpu.memory_space<vmem>> -> memref<80x128xf32, #tpu.memory_space<vmem>>
    %dma_start3A_1207 = arith.constant 80 : i32
    %dma_start3A_1208 = tpu.memref_slice %arg8[%dma_start3A_1207] : memref<400xi32, #tpu.memory_space<vmem>> -> memref<80xi32, #tpu.memory_space<vmem>>
    %dma_start3A_1209 = arith.constant 0 : i32
    %dma_start3A_1210 = arith.constant 0 : i32
    %dma_start3A_1211 = tpu.memref_slice %arg5[%dma_start3A_1209, %dma_start3A_1210] : memref<64x128xf32, #tpu.memory_space<vmem_shared>> -> memref<64x128xf32, #tpu.memory_space<vmem_shared>>
    tpu.enqueue_indirect_dma source(%dma_start3A_1211 : memref<64x128xf32, #tpu.memory_space<vmem_shared>>) target(%dma_start3A_1206 : memref<80x128xf32, #tpu.memory_space<vmem>>) offsets(%dma_start3A_1208 : memref<80xi32, #tpu.memory_space<vmem>>) semaphore(%arg14 : memref<!tpu.dma_semaphore, #tpu.memory_space<semaphore_mem>>)
    %dma_start3A_1212 = arith.constant 160 : i32
    %dma_start3A_1213 = arith.constant 0 : i32
    %dma_start3A_1214 = tpu.memref_slice %arg10[%dma_start3A_1212, %dma_start3A_1213] : memref<400x128xf32, #tpu.memory_space<vmem>> -> memref<80x128xf32, #tpu.memory_space<vmem>>
    %dma_start3A_1215 = arith.constant 160 : i32
    %dma_start3A_1216 = tpu.memref_slice %arg8[%dma_start3A_1215] : memref<400xi32, #tpu.memory_space<vmem>> -> memref<80xi32, #tpu.memory_space<vmem>>
    %dma_start3A_1217 = arith.constant 0 : i32
    %dma_start3A_1218 = arith.constant 0 : i32
    %dma_start3A_1219 = tpu.memref_slice %arg5[%dma_start3A_1217, %dma_start3A_1218] : memref<64x128xf32, #tpu.memory_space<vmem_shared>> -> memref<64x128xf32, #tpu.memory_space<vmem_shared>>
    tpu.enqueue_indirect_dma source(%dma_start3A_1219 : memref<64x128xf32, #tpu.memory_space<vmem_shared>>) target(%dma_start3A_1214 : memref<80x128xf32, #tpu.memory_space<vmem>>) offsets(%dma_start3A_1216 : memref<80xi32, #tpu.memory_space<vmem>>) semaphore(%arg14 : memref<!tpu.dma_semaphore, #tpu.memory_space<semaphore_mem>>)
    %dma_start3A_1220 = arith.constant 240 : i32
    %dma_start3A_1221 = arith.constant 0 : i32
    %dma_start3A_1222 = tpu.memref_slice %arg10[%dma_start3A_1220, %dma_start3A_1221] : memref<400x128xf32, #tpu.memory_space<vmem>> -> memref<80x128xf32, #tpu.memory_space<vmem>>
    %dma_start3A_1223 = arith.constant 240 : i32
    %dma_start3A_1224 = tpu.memref_slice %arg8[%dma_start3A_1223] : memref<400xi32, #tpu.memory_space<vmem>> -> memref<80xi32, #tpu.memory_space<vmem>>
    %dma_start3A_1225 = arith.constant 0 : i32
    %dma_start3A_1226 = arith.constant 0 : i32
    %dma_start3A_1227 = tpu.memref_slice %arg5[%dma_start3A_1225, %dma_start3A_1226] : memref<64x128xf32, #tpu.memory_space<vmem_shared>> -> memref<64x128xf32, #tpu.memory_space<vmem_shared>>
    tpu.enqueue_indirect_dma source(%dma_start3A_1227 : memref<64x128xf32, #tpu.memory_space<vmem_shared>>) target(%dma_start3A_1222 : memref<80x128xf32, #tpu.memory_space<vmem>>) offsets(%dma_start3A_1224 : memref<80xi32, #tpu.memory_space<vmem>>) semaphore(%arg14 : memref<!tpu.dma_semaphore, #tpu.memory_space<semaphore_mem>>)
    %dma_start3A_1228 = arith.constant 320 : i32
    %dma_start3A_1229 = arith.constant 0 : i32
    %dma_start3A_1230 = tpu.memref_slice %arg10[%dma_start3A_1228, %dma_start3A_1229] : memref<400x128xf32, #tpu.memory_space<vmem>> -> memref<80x128xf32, #tpu.memory_space<vmem>>
    %dma_start3A_1231 = arith.constant 320 : i32
    %dma_start3A_1232 = tpu.memref_slice %arg8[%dma_start3A_1231] : memref<400xi32, #tpu.memory_space<vmem>> -> memref<80xi32, #tpu.memory_space<vmem>>
    %dma_start3A_1233 = arith.constant 0 : i32
    %dma_start3A_1234 = arith.constant 0 : i32
    %dma_start3A_1235 = tpu.memref_slice %arg5[%dma_start3A_1233, %dma_start3A_1234] : memref<64x128xf32, #tpu.memory_space<vmem_shared>> -> memref<64x128xf32, #tpu.memory_space<vmem_shared>>
    tpu.enqueue_indirect_dma source(%dma_start3A_1235 : memref<64x128xf32, #tpu.memory_space<vmem_shared>>) target(%dma_start3A_1230 : memref<80x128xf32, #tpu.memory_space<vmem>>) offsets(%dma_start3A_1232 : memref<80xi32, #tpu.memory_space<vmem>>) semaphore(%arg14 : memref<!tpu.dma_semaphore, #tpu.memory_space<semaphore_mem>>)
    %dma_wait3A_1236 = arith.constant 0 : i32
    %dma_wait3A_1237 = arith.constant 0 : i32
    %dma_wait3A_1238 = tpu.memref_slice %arg11[%dma_wait3A_1236, %dma_wait3A_1237] : memref<400x128xf32, #tpu.memory_space<vmem>> -> memref<80x128xf32, #tpu.memory_space<vmem>>
    %dma_wait3A_1239 = arith.constant 0 : i32
    %dma_wait3A_1240 = tpu.memref_slice %arg9[%dma_wait3A_1239] : memref<400xi32, #tpu.memory_space<vmem>> -> memref<80xi32, #tpu.memory_space<vmem>>
    %dma_wait3A_1241 = arith.constant 0 : i32
    %dma_wait3A_1242 = arith.constant 0 : i32
    %dma_wait3A_1243 = tpu.memref_slice %arg5[%dma_wait3A_1241, %dma_wait3A_1242] : memref<64x128xf32, #tpu.memory_space<vmem_shared>> -> memref<64x128xf32, #tpu.memory_space<vmem_shared>>
    tpu.wait_indirect_dma semaphore(%arg15 : memref<!tpu.dma_semaphore, #tpu.memory_space<semaphore_mem>>) src(%dma_wait3A_1243 : memref<64x128xf32, #tpu.memory_space<vmem_shared>>) dst(%dma_wait3A_1238 : memref<80x128xf32, #tpu.memory_space<vmem>>)
    %dma_wait3A_1244 = arith.constant 80 : i32
    %dma_wait3A_1245 = arith.constant 0 : i32
    %dma_wait3A_1246 = tpu.memref_slice %arg11[%dma_wait3A_1244, %dma_wait3A_1245] : memref<400x128xf32, #tpu.memory_space<vmem>> -> memref<80x128xf32, #tpu.memory_space<vmem>>
    %dma_wait3A_1247 = arith.constant 80 : i32
    %dma_wait3A_1248 = tpu.memref_slice %arg9[%dma_wait3A_1247] : memref<400xi32, #tpu.memory_space<vmem>> -> memref<80xi32, #tpu.memory_space<vmem>>
    %dma_wait3A_1249 = arith.constant 0 : i32
    %dma_wait3A_1250 = arith.constant 0 : i32
    %dma_wait3A_1251 = tpu.memref_slice %arg5[%dma_wait3A_1249, %dma_wait3A_1250] : memref<64x128xf32, #tpu.memory_space<vmem_shared>> -> memref<64x128xf32, #tpu.memory_space<vmem_shared>>
    tpu.wait_indirect_dma semaphore(%arg15 : memref<!tpu.dma_semaphore, #tpu.memory_space<semaphore_mem>>) src(%dma_wait3A_1251 : memref<64x128xf32, #tpu.memory_space<vmem_shared>>) dst(%dma_wait3A_1246 : memref<80x128xf32, #tpu.memory_space<vmem>>)
    %dma_wait3A_1252 = arith.constant 160 : i32
    %dma_wait3A_1253 = arith.constant 0 : i32
    %dma_wait3A_1254 = tpu.memref_slice %arg11[%dma_wait3A_1252, %dma_wait3A_1253] : memref<400x128xf32, #tpu.memory_space<vmem>> -> memref<80x128xf32, #tpu.memory_space<vmem>>
    %dma_wait3A_1255 = arith.constant 160 : i32
    %dma_wait3A_1256 = tpu.memref_slice %arg9[%dma_wait3A_1255] : memref<400xi32, #tpu.memory_space<vmem>> -> memref<80xi32, #tpu.memory_space<vmem>>
    %dma_wait3A_1257 = arith.constant 0 : i32
    %dma_wait3A_1258 = arith.constant 0 : i32
    %dma_wait3A_1259 = tpu.memref_slice %arg5[%dma_wait3A_1257, %dma_wait3A_1258] : memref<64x128xf32, #tpu.memory_space<vmem_shared>> -> memref<64x128xf32, #tpu.memory_space<vmem_shared>>
    tpu.wait_indirect_dma semaphore(%arg15 : memref<!tpu.dma_semaphore, #tpu.memory_space<semaphore_mem>>) src(%dma_wait3A_1259 : memref<64x128xf32, #tpu.memory_space<vmem_shared>>) dst(%dma_wait3A_1254 : memref<80x128xf32, #tpu.memory_space<vmem>>)
    %dma_wait3A_1260 = arith.constant 240 : i32
    %dma_wait3A_1261 = arith.constant 0 : i32
    %dma_wait3A_1262 = tpu.memref_slice %arg11[%dma_wait3A_1260, %dma_wait3A_1261] : memref<400x128xf32, #tpu.memory_space<vmem>> -> memref<80x128xf32, #tpu.memory_space<vmem>>
    %dma_wait3A_1263 = arith.constant 240 : i32
    %dma_wait3A_1264 = tpu.memref_slice %arg9[%dma_wait3A_1263] : memref<400xi32, #tpu.memory_space<vmem>> -> memref<80xi32, #tpu.memory_space<vmem>>
    %dma_wait3A_1265 = arith.constant 0 : i32
    %dma_wait3A_1266 = arith.constant 0 : i32
    %dma_wait3A_1267 = tpu.memref_slice %arg5[%dma_wait3A_1265, %dma_wait3A_1266] : memref<64x128xf32, #tpu.memory_space<vmem_shared>> -> memref<64x128xf32, #tpu.memory_space<vmem_shared>>
    tpu.wait_indirect_dma semaphore(%arg15 : memref<!tpu.dma_semaphore, #tpu.memory_space<semaphore_mem>>) src(%dma_wait3A_1267 : memref<64x128xf32, #tpu.memory_space<vmem_shared>>) dst(%dma_wait3A_1262 : memref<80x128xf32, #tpu.memory_space<vmem>>)
    %dma_wait3A_1268 = arith.constant 320 : i32
    %dma_wait3A_1269 = arith.constant 0 : i32
    %dma_wait3A_1270 = tpu.memref_slice %arg11[%dma_wait3A_1268, %dma_wait3A_1269] : memref<400x128xf32, #tpu.memory_space<vmem>> -> memref<80x128xf32, #tpu.memory_space<vmem>>
    %dma_wait3A_1271 = arith.constant 320 : i32
    %dma_wait3A_1272 = tpu.memref_slice %arg9[%dma_wait3A_1271] : memref<400xi32, #tpu.memory_space<vmem>> -> memref<80xi32, #tpu.memory_space<vmem>>
    %dma_wait3A_1273 = arith.constant 0 : i32
    %dma_wait3A_1274 = arith.constant 0 : i32
    %dma_wait3A_1275 = tpu.memref_slice %arg5[%dma_wait3A_1273, %dma_wait3A_1274] : memref<64x128xf32, #tpu.memory_space<vmem_shared>> -> memref<64x128xf32, #tpu.memory_space<vmem_shared>>
    tpu.wait_indirect_dma semaphore(%arg15 : memref<!tpu.dma_semaphore, #tpu.memory_space<semaphore_mem>>) src(%dma_wait3A_1275 : memref<64x128xf32, #tpu.memory_space<vmem_shared>>) dst(%dma_wait3A_1270 : memref<80x128xf32, #tpu.memory_space<vmem>>)
    %add3A_1276 = arith.constant 4400 : i32
    %add3A_1277 = arith.addi %mul3A_2, %add3A_1276 : i32
    %dma_start3A_1278 = arith.constant 0 : i32
    %dma_start3A_1279 = tpu.memref_slice %arg4[%add3A_1277, %dma_start3A_1278] : memref<320000x128xf32, #tpu.memory_space<hbm>> -> memref<400x128xf32, #tpu.memory_space<hbm>>
    %dma_start3A_1280 = arith.constant 0 : i32
    %dma_start3A_1281 = tpu.memref_slice %arg4[%add3A_1277, %dma_start3A_1280] : memref<320000x128xf32, #tpu.memory_space<hbm>> -> memref<400x128xf32, #tpu.memory_space<hbm>>
    tpu.enqueue_dma source(%arg11 : memref<400x128xf32, #tpu.memory_space<vmem>>) target(%dma_start3A_1281 : memref<400x128xf32, #tpu.memory_space<hbm>>) target_semaphore(%arg17 : memref<!tpu.dma_semaphore, #tpu.memory_space<semaphore_mem>>)
    %add3A_1282 = arith.constant 16800 : i32
    %add3A_1283 = arith.addi %mul3A_8, %add3A_1282 : i32
    %dma_start3A_1284 = tpu.memref_slice %arg3[%add3A_1283] : memref<960000xi32, #tpu.memory_space<hbm>> -> memref<1200xi32, #tpu.memory_space<hbm>>
    %dma_start3A_1285 = tpu.memref_slice %arg3[%add3A_1283] : memref<960000xi32, #tpu.memory_space<hbm>> -> memref<1200xi32, #tpu.memory_space<hbm>>
    tpu.enqueue_dma source(%dma_start3A_1285 : memref<1200xi32, #tpu.memory_space<hbm>>) target(%arg6 : memref<1200xi32, #tpu.memory_space<vmem>>) target_semaphore(%arg12 : memref<!tpu.dma_semaphore, #tpu.memory_space<semaphore_mem>>)
    %dma_wait3A_1286 = tpu.memref_slice %arg3[%add3A_1181] : memref<960000xi32, #tpu.memory_space<hbm>> -> memref<1200xi32, #tpu.memory_space<hbm>>
    %dma_wait3A_1287 = tpu.memref_slice %arg3[%add3A_1181] : memref<960000xi32, #tpu.memory_space<hbm>> -> memref<1200xi32, #tpu.memory_space<hbm>>
    tpu.wait_dma2 semaphore(%arg13 : memref<!tpu.dma_semaphore, #tpu.memory_space<semaphore_mem>>) src(%dma_wait3A_1287 : memref<1200xi32, #tpu.memory_space<hbm>>) dst(%arg7 : memref<1200xi32, #tpu.memory_space<vmem>>)
    %scan3A_1288 = arith.constant 0 : i32
    %scan3A_1289 = arith.constant 0 : i32
    %scan3A_1290 = arith.constant 25 : i32
    %scan3A_1291 = arith.addi %scan3A_1289, %scan3A_1290 : i32
    %scan3A_1292 = arith.constant 1 : i32
    scf.for %scan3A_2556 = %scan3A_1289 to %scan3A_1291 step %scan3A_1292  : i32 {
      %mul3A_2557 = arith.constant 16 : i32
      %mul3A_2558 = arith.muli %scan3A_2556, %mul3A_2557 : i32
      %get3A = arith.index_cast %mul3A_2558 : i32 to index
      %get3A_2559 = tpu.vector_load %arg7[%get3A] {strides = array<i32>} : memref<1200xi32, #tpu.memory_space<vmem>>, vector<16xi32>,
      %get3A_2560 = vector.shape_cast %get3A_2559 : vector<16xi32> to vector<16xi32>
      %add3A_2561 = arith.constant 400 : i32
      %add3A_2562 = arith.addi %add3A_2561, %mul3A_2558 : i32
      %get3A_2563 = arith.index_cast %add3A_2562 : i32 to index
      %get3A_2564 = tpu.vector_load %arg7[%get3A_2563] {strides = array<i32>} : memref<1200xi32, #tpu.memory_space<vmem>>, vector<16xi32>,
      %get3A_2565 = vector.shape_cast %get3A_2564 : vector<16xi32> to vector<16xi32>
      %add3A_2566 = arith.constant 800 : i32
      %add3A_2567 = arith.addi %add3A_2566, %mul3A_2558 : i32
      %get3A_2568 = arith.index_cast %add3A_2567 : i32 to index
      %get3A_2569 = tpu.vector_load %arg7[%get3A_2568] {strides = array<i32>} : memref<1200xi32, #tpu.memory_space<vmem>>, vector<16xi32>,
      %get3A_2570 = vector.shape_cast %get3A_2569 : vector<16xi32> to vector<16xi32>
      %mul3A_2571 = arith.constant 12 : i32
      %mul3A_2572 = vector.broadcast %mul3A_2571 : i32 to vector<16xi32>
      %mul3A_2573 = arith.muli %get3A_2560, %mul3A_2572 : vector<16xi32>
      %mul3A_2574 = arith.constant 2 : i32
      %mul3A_2575 = vector.broadcast %mul3A_2574 : i32 to vector<16xi32>
      %mul3A_2576 = arith.muli %get3A_2565, %mul3A_2575 : vector<16xi32>
      %add3A_2577 = arith.addi %mul3A_2573, %mul3A_2576 : vector<16xi32>
      %add3A_2578 = arith.addi %add3A_2577, %get3A_2570 : vector<16xi32>
      %swap3A = arith.index_cast %mul3A_2558 : i32 to index
      %swap3A_2579 = tpu.vector_load %arg9[%swap3A] {strides = array<i32>} : memref<400xi32, #tpu.memory_space<vmem>>, vector<16xi32>,
      %swap3A_2580 = vector.shape_cast %swap3A_2579 : vector<16xi32> to vector<16xi32>
      %swap3A_2581 = vector.shape_cast %add3A_2578 : vector<16xi32> to vector<16xi32>
      tpu.vector_store %arg9[%swap3A], %swap3A_2581 {strides = array<i32>} : memref<400xi32, #tpu.memory_space<vmem>>, vector<16xi32>,
    }
    %scan3A_1293 = arith.constant 25 : i32
    %dma_wait3A_1294 = arith.constant 0 : i32
    %dma_wait3A_1295 = tpu.memref_slice %arg4[%add3A_1277, %dma_wait3A_1294] : memref<320000x128xf32, #tpu.memory_space<hbm>> -> memref<400x128xf32, #tpu.memory_space<hbm>>
    %dma_wait3A_1296 = arith.constant 0 : i32
    %dma_wait3A_1297 = tpu.memref_slice %arg4[%add3A_1277, %dma_wait3A_1296] : memref<320000x128xf32, #tpu.memory_space<hbm>> -> memref<400x128xf32, #tpu.memory_space<hbm>>
    tpu.wait_dma2 semaphore(%arg17 : memref<!tpu.dma_semaphore, #tpu.memory_space<semaphore_mem>>) src(%arg11 : memref<400x128xf32, #tpu.memory_space<vmem>>) dst(%dma_wait3A_1297 : memref<400x128xf32, #tpu.memory_space<hbm>>)
    %dma_start3A_1298 = arith.constant 0 : i32
    %dma_start3A_1299 = arith.constant 0 : i32
    %dma_start3A_1300 = tpu.memref_slice %arg11[%dma_start3A_1298, %dma_start3A_1299] : memref<400x128xf32, #tpu.memory_space<vmem>> -> memref<80x128xf32, #tpu.memory_space<vmem>>
    %dma_start3A_1301 = arith.constant 0 : i32
    %dma_start3A_1302 = tpu.memref_slice %arg9[%dma_start3A_1301] : memref<400xi32, #tpu.memory_space<vmem>> -> memref<80xi32, #tpu.memory_space<vmem>>
    %dma_start3A_1303 = arith.constant 0 : i32
    %dma_start3A_1304 = arith.constant 0 : i32
    %dma_start3A_1305 = tpu.memref_slice %arg5[%dma_start3A_1303, %dma_start3A_1304] : memref<64x128xf32, #tpu.memory_space<vmem_shared>> -> memref<64x128xf32, #tpu.memory_space<vmem_shared>>
    tpu.enqueue_indirect_dma source(%dma_start3A_1305 : memref<64x128xf32, #tpu.memory_space<vmem_shared>>) target(%dma_start3A_1300 : memref<80x128xf32, #tpu.memory_space<vmem>>) offsets(%dma_start3A_1302 : memref<80xi32, #tpu.memory_space<vmem>>) semaphore(%arg15 : memref<!tpu.dma_semaphore, #tpu.memory_space<semaphore_mem>>)
    %dma_start3A_1306 = arith.constant 80 : i32
    %dma_start3A_1307 = arith.constant 0 : i32
    %dma_start3A_1308 = tpu.memref_slice %arg11[%dma_start3A_1306, %dma_start3A_1307] : memref<400x128xf32, #tpu.memory_space<vmem>> -> memref<80x128xf32, #tpu.memory_space<vmem>>
    %dma_start3A_1309 = arith.constant 80 : i32
    %dma_start3A_1310 = tpu.memref_slice %arg9[%dma_start3A_1309] : memref<400xi32, #tpu.memory_space<vmem>> -> memref<80xi32, #tpu.memory_space<vmem>>
    %dma_start3A_1311 = arith.constant 0 : i32
    %dma_start3A_1312 = arith.constant 0 : i32
    %dma_start3A_1313 = tpu.memref_slice %arg5[%dma_start3A_1311, %dma_start3A_1312] : memref<64x128xf32, #tpu.memory_space<vmem_shared>> -> memref<64x128xf32, #tpu.memory_space<vmem_shared>>
    tpu.enqueue_indirect_dma source(%dma_start3A_1313 : memref<64x128xf32, #tpu.memory_space<vmem_shared>>) target(%dma_start3A_1308 : memref<80x128xf32, #tpu.memory_space<vmem>>) offsets(%dma_start3A_1310 : memref<80xi32, #tpu.memory_space<vmem>>) semaphore(%arg15 : memref<!tpu.dma_semaphore, #tpu.memory_space<semaphore_mem>>)
    %dma_start3A_1314 = arith.constant 160 : i32
    %dma_start3A_1315 = arith.constant 0 : i32
    %dma_start3A_1316 = tpu.memref_slice %arg11[%dma_start3A_1314, %dma_start3A_1315] : memref<400x128xf32, #tpu.memory_space<vmem>> -> memref<80x128xf32, #tpu.memory_space<vmem>>
    %dma_start3A_1317 = arith.constant 160 : i32
    %dma_start3A_1318 = tpu.memref_slice %arg9[%dma_start3A_1317] : memref<400xi32, #tpu.memory_space<vmem>> -> memref<80xi32, #tpu.memory_space<vmem>>
    %dma_start3A_1319 = arith.constant 0 : i32
    %dma_start3A_1320 = arith.constant 0 : i32
    %dma_start3A_1321 = tpu.memref_slice %arg5[%dma_start3A_1319, %dma_start3A_1320] : memref<64x128xf32, #tpu.memory_space<vmem_shared>> -> memref<64x128xf32, #tpu.memory_space<vmem_shared>>
    tpu.enqueue_indirect_dma source(%dma_start3A_1321 : memref<64x128xf32, #tpu.memory_space<vmem_shared>>) target(%dma_start3A_1316 : memref<80x128xf32, #tpu.memory_space<vmem>>) offsets(%dma_start3A_1318 : memref<80xi32, #tpu.memory_space<vmem>>) semaphore(%arg15 : memref<!tpu.dma_semaphore, #tpu.memory_space<semaphore_mem>>)
    %dma_start3A_1322 = arith.constant 240 : i32
    %dma_start3A_1323 = arith.constant 0 : i32
    %dma_start3A_1324 = tpu.memref_slice %arg11[%dma_start3A_1322, %dma_start3A_1323] : memref<400x128xf32, #tpu.memory_space<vmem>> -> memref<80x128xf32, #tpu.memory_space<vmem>>
    %dma_start3A_1325 = arith.constant 240 : i32
    %dma_start3A_1326 = tpu.memref_slice %arg9[%dma_start3A_1325] : memref<400xi32, #tpu.memory_space<vmem>> -> memref<80xi32, #tpu.memory_space<vmem>>
    %dma_start3A_1327 = arith.constant 0 : i32
    %dma_start3A_1328 = arith.constant 0 : i32
    %dma_start3A_1329 = tpu.memref_slice %arg5[%dma_start3A_1327, %dma_start3A_1328] : memref<64x128xf32, #tpu.memory_space<vmem_shared>> -> memref<64x128xf32, #tpu.memory_space<vmem_shared>>
    tpu.enqueue_indirect_dma source(%dma_start3A_1329 : memref<64x128xf32, #tpu.memory_space<vmem_shared>>) target(%dma_start3A_1324 : memref<80x128xf32, #tpu.memory_space<vmem>>) offsets(%dma_start3A_1326 : memref<80xi32, #tpu.memory_space<vmem>>) semaphore(%arg15 : memref<!tpu.dma_semaphore, #tpu.memory_space<semaphore_mem>>)
    %dma_start3A_1330 = arith.constant 320 : i32
    %dma_start3A_1331 = arith.constant 0 : i32
    %dma_start3A_1332 = tpu.memref_slice %arg11[%dma_start3A_1330, %dma_start3A_1331] : memref<400x128xf32, #tpu.memory_space<vmem>> -> memref<80x128xf32, #tpu.memory_space<vmem>>
    %dma_start3A_1333 = arith.constant 320 : i32
    %dma_start3A_1334 = tpu.memref_slice %arg9[%dma_start3A_1333] : memref<400xi32, #tpu.memory_space<vmem>> -> memref<80xi32, #tpu.memory_space<vmem>>
    %dma_start3A_1335 = arith.constant 0 : i32
    %dma_start3A_1336 = arith.constant 0 : i32
    %dma_start3A_1337 = tpu.memref_slice %arg5[%dma_start3A_1335, %dma_start3A_1336] : memref<64x128xf32, #tpu.memory_space<vmem_shared>> -> memref<64x128xf32, #tpu.memory_space<vmem_shared>>
    tpu.enqueue_indirect_dma source(%dma_start3A_1337 : memref<64x128xf32, #tpu.memory_space<vmem_shared>>) target(%dma_start3A_1332 : memref<80x128xf32, #tpu.memory_space<vmem>>) offsets(%dma_start3A_1334 : memref<80xi32, #tpu.memory_space<vmem>>) semaphore(%arg15 : memref<!tpu.dma_semaphore, #tpu.memory_space<semaphore_mem>>)
    %dma_wait3A_1338 = arith.constant 0 : i32
    %dma_wait3A_1339 = arith.constant 0 : i32
    %dma_wait3A_1340 = tpu.memref_slice %arg10[%dma_wait3A_1338, %dma_wait3A_1339] : memref<400x128xf32, #tpu.memory_space<vmem>> -> memref<80x128xf32, #tpu.memory_space<vmem>>
    %dma_wait3A_1341 = arith.constant 0 : i32
    %dma_wait3A_1342 = tpu.memref_slice %arg8[%dma_wait3A_1341] : memref<400xi32, #tpu.memory_space<vmem>> -> memref<80xi32, #tpu.memory_space<vmem>>
    %dma_wait3A_1343 = arith.constant 0 : i32
    %dma_wait3A_1344 = arith.constant 0 : i32
    %dma_wait3A_1345 = tpu.memref_slice %arg5[%dma_wait3A_1343, %dma_wait3A_1344] : memref<64x128xf32, #tpu.memory_space<vmem_shared>> -> memref<64x128xf32, #tpu.memory_space<vmem_shared>>
    tpu.wait_indirect_dma semaphore(%arg14 : memref<!tpu.dma_semaphore, #tpu.memory_space<semaphore_mem>>) src(%dma_wait3A_1345 : memref<64x128xf32, #tpu.memory_space<vmem_shared>>) dst(%dma_wait3A_1340 : memref<80x128xf32, #tpu.memory_space<vmem>>)
    %dma_wait3A_1346 = arith.constant 80 : i32
    %dma_wait3A_1347 = arith.constant 0 : i32
    %dma_wait3A_1348 = tpu.memref_slice %arg10[%dma_wait3A_1346, %dma_wait3A_1347] : memref<400x128xf32, #tpu.memory_space<vmem>> -> memref<80x128xf32, #tpu.memory_space<vmem>>
    %dma_wait3A_1349 = arith.constant 80 : i32
    %dma_wait3A_1350 = tpu.memref_slice %arg8[%dma_wait3A_1349] : memref<400xi32, #tpu.memory_space<vmem>> -> memref<80xi32, #tpu.memory_space<vmem>>
    %dma_wait3A_1351 = arith.constant 0 : i32
    %dma_wait3A_1352 = arith.constant 0 : i32
    %dma_wait3A_1353 = tpu.memref_slice %arg5[%dma_wait3A_1351, %dma_wait3A_1352] : memref<64x128xf32, #tpu.memory_space<vmem_shared>> -> memref<64x128xf32, #tpu.memory_space<vmem_shared>>
    tpu.wait_indirect_dma semaphore(%arg14 : memref<!tpu.dma_semaphore, #tpu.memory_space<semaphore_mem>>) src(%dma_wait3A_1353 : memref<64x128xf32, #tpu.memory_space<vmem_shared>>) dst(%dma_wait3A_1348 : memref<80x128xf32, #tpu.memory_space<vmem>>)
    %dma_wait3A_1354 = arith.constant 160 : i32
    %dma_wait3A_1355 = arith.constant 0 : i32
    %dma_wait3A_1356 = tpu.memref_slice %arg10[%dma_wait3A_1354, %dma_wait3A_1355] : memref<400x128xf32, #tpu.memory_space<vmem>> -> memref<80x128xf32, #tpu.memory_space<vmem>>
    %dma_wait3A_1357 = arith.constant 160 : i32
    %dma_wait3A_1358 = tpu.memref_slice %arg8[%dma_wait3A_1357] : memref<400xi32, #tpu.memory_space<vmem>> -> memref<80xi32, #tpu.memory_space<vmem>>
    %dma_wait3A_1359 = arith.constant 0 : i32
    %dma_wait3A_1360 = arith.constant 0 : i32
    %dma_wait3A_1361 = tpu.memref_slice %arg5[%dma_wait3A_1359, %dma_wait3A_1360] : memref<64x128xf32, #tpu.memory_space<vmem_shared>> -> memref<64x128xf32, #tpu.memory_space<vmem_shared>>
    tpu.wait_indirect_dma semaphore(%arg14 : memref<!tpu.dma_semaphore, #tpu.memory_space<semaphore_mem>>) src(%dma_wait3A_1361 : memref<64x128xf32, #tpu.memory_space<vmem_shared>>) dst(%dma_wait3A_1356 : memref<80x128xf32, #tpu.memory_space<vmem>>)
    %dma_wait3A_1362 = arith.constant 240 : i32
    %dma_wait3A_1363 = arith.constant 0 : i32
    %dma_wait3A_1364 = tpu.memref_slice %arg10[%dma_wait3A_1362, %dma_wait3A_1363] : memref<400x128xf32, #tpu.memory_space<vmem>> -> memref<80x128xf32, #tpu.memory_space<vmem>>
    %dma_wait3A_1365 = arith.constant 240 : i32
    %dma_wait3A_1366 = tpu.memref_slice %arg8[%dma_wait3A_1365] : memref<400xi32, #tpu.memory_space<vmem>> -> memref<80xi32, #tpu.memory_space<vmem>>
    %dma_wait3A_1367 = arith.constant 0 : i32
    %dma_wait3A_1368 = arith.constant 0 : i32
    %dma_wait3A_1369 = tpu.memref_slice %arg5[%dma_wait3A_1367, %dma_wait3A_1368] : memref<64x128xf32, #tpu.memory_space<vmem_shared>> -> memref<64x128xf32, #tpu.memory_space<vmem_shared>>
    tpu.wait_indirect_dma semaphore(%arg14 : memref<!tpu.dma_semaphore, #tpu.memory_space<semaphore_mem>>) src(%dma_wait3A_1369 : memref<64x128xf32, #tpu.memory_space<vmem_shared>>) dst(%dma_wait3A_1364 : memref<80x128xf32, #tpu.memory_space<vmem>>)
    %dma_wait3A_1370 = arith.constant 320 : i32
    %dma_wait3A_1371 = arith.constant 0 : i32
    %dma_wait3A_1372 = tpu.memref_slice %arg10[%dma_wait3A_1370, %dma_wait3A_1371] : memref<400x128xf32, #tpu.memory_space<vmem>> -> memref<80x128xf32, #tpu.memory_space<vmem>>
    %dma_wait3A_1373 = arith.constant 320 : i32
    %dma_wait3A_1374 = tpu.memref_slice %arg8[%dma_wait3A_1373] : memref<400xi32, #tpu.memory_space<vmem>> -> memref<80xi32, #tpu.memory_space<vmem>>
    %dma_wait3A_1375 = arith.constant 0 : i32
    %dma_wait3A_1376 = arith.constant 0 : i32
    %dma_wait3A_1377 = tpu.memref_slice %arg5[%dma_wait3A_1375, %dma_wait3A_1376] : memref<64x128xf32, #tpu.memory_space<vmem_shared>> -> memref<64x128xf32, #tpu.memory_space<vmem_shared>>
    tpu.wait_indirect_dma semaphore(%arg14 : memref<!tpu.dma_semaphore, #tpu.memory_space<semaphore_mem>>) src(%dma_wait3A_1377 : memref<64x128xf32, #tpu.memory_space<vmem_shared>>) dst(%dma_wait3A_1372 : memref<80x128xf32, #tpu.memory_space<vmem>>)
    %add3A_1378 = arith.constant 4800 : i32
    %add3A_1379 = arith.addi %mul3A_2, %add3A_1378 : i32
    %dma_start3A_1380 = arith.constant 0 : i32
    %dma_start3A_1381 = tpu.memref_slice %arg4[%add3A_1379, %dma_start3A_1380] : memref<320000x128xf32, #tpu.memory_space<hbm>> -> memref<400x128xf32, #tpu.memory_space<hbm>>
    %dma_start3A_1382 = arith.constant 0 : i32
    %dma_start3A_1383 = tpu.memref_slice %arg4[%add3A_1379, %dma_start3A_1382] : memref<320000x128xf32, #tpu.memory_space<hbm>> -> memref<400x128xf32, #tpu.memory_space<hbm>>
    tpu.enqueue_dma source(%arg10 : memref<400x128xf32, #tpu.memory_space<vmem>>) target(%dma_start3A_1383 : memref<400x128xf32, #tpu.memory_space<hbm>>) target_semaphore(%arg16 : memref<!tpu.dma_semaphore, #tpu.memory_space<semaphore_mem>>)
    %add3A_1384 = arith.constant 18000 : i32
    %add3A_1385 = arith.addi %mul3A_8, %add3A_1384 : i32
    %dma_start3A_1386 = tpu.memref_slice %arg3[%add3A_1385] : memref<960000xi32, #tpu.memory_space<hbm>> -> memref<1200xi32, #tpu.memory_space<hbm>>
    %dma_start3A_1387 = tpu.memref_slice %arg3[%add3A_1385] : memref<960000xi32, #tpu.memory_space<hbm>> -> memref<1200xi32, #tpu.memory_space<hbm>>
    tpu.enqueue_dma source(%dma_start3A_1387 : memref<1200xi32, #tpu.memory_space<hbm>>) target(%arg7 : memref<1200xi32, #tpu.memory_space<vmem>>) target_semaphore(%arg13 : memref<!tpu.dma_semaphore, #tpu.memory_space<semaphore_mem>>)
    %dma_wait3A_1388 = tpu.memref_slice %arg3[%add3A_1283] : memref<960000xi32, #tpu.memory_space<hbm>> -> memref<1200xi32, #tpu.memory_space<hbm>>
    %dma_wait3A_1389 = tpu.memref_slice %arg3[%add3A_1283] : memref<960000xi32, #tpu.memory_space<hbm>> -> memref<1200xi32, #tpu.memory_space<hbm>>
    tpu.wait_dma2 semaphore(%arg12 : memref<!tpu.dma_semaphore, #tpu.memory_space<semaphore_mem>>) src(%dma_wait3A_1389 : memref<1200xi32, #tpu.memory_space<hbm>>) dst(%arg6 : memref<1200xi32, #tpu.memory_space<vmem>>)
    %scan3A_1390 = arith.constant 0 : i32
    %scan3A_1391 = arith.constant 0 : i32
    %scan3A_1392 = arith.constant 25 : i32
    %scan3A_1393 = arith.addi %scan3A_1391, %scan3A_1392 : i32
    %scan3A_1394 = arith.constant 1 : i32
    scf.for %scan3A_2556 = %scan3A_1391 to %scan3A_1393 step %scan3A_1394  : i32 {
      %mul3A_2557 = arith.constant 16 : i32
      %mul3A_2558 = arith.muli %scan3A_2556, %mul3A_2557 : i32
      %get3A = arith.index_cast %mul3A_2558 : i32 to index
      %get3A_2559 = tpu.vector_load %arg6[%get3A] {strides = array<i32>} : memref<1200xi32, #tpu.memory_space<vmem>>, vector<16xi32>,
      %get3A_2560 = vector.shape_cast %get3A_2559 : vector<16xi32> to vector<16xi32>
      %add3A_2561 = arith.constant 400 : i32
      %add3A_2562 = arith.addi %add3A_2561, %mul3A_2558 : i32
      %get3A_2563 = arith.index_cast %add3A_2562 : i32 to index
      %get3A_2564 = tpu.vector_load %arg6[%get3A_2563] {strides = array<i32>} : memref<1200xi32, #tpu.memory_space<vmem>>, vector<16xi32>,
      %get3A_2565 = vector.shape_cast %get3A_2564 : vector<16xi32> to vector<16xi32>
      %add3A_2566 = arith.constant 800 : i32
      %add3A_2567 = arith.addi %add3A_2566, %mul3A_2558 : i32
      %get3A_2568 = arith.index_cast %add3A_2567 : i32 to index
      %get3A_2569 = tpu.vector_load %arg6[%get3A_2568] {strides = array<i32>} : memref<1200xi32, #tpu.memory_space<vmem>>, vector<16xi32>,
      %get3A_2570 = vector.shape_cast %get3A_2569 : vector<16xi32> to vector<16xi32>
      %mul3A_2571 = arith.constant 12 : i32
      %mul3A_2572 = vector.broadcast %mul3A_2571 : i32 to vector<16xi32>
      %mul3A_2573 = arith.muli %get3A_2560, %mul3A_2572 : vector<16xi32>
      %mul3A_2574 = arith.constant 2 : i32
      %mul3A_2575 = vector.broadcast %mul3A_2574 : i32 to vector<16xi32>
      %mul3A_2576 = arith.muli %get3A_2565, %mul3A_2575 : vector<16xi32>
      %add3A_2577 = arith.addi %mul3A_2573, %mul3A_2576 : vector<16xi32>
      %add3A_2578 = arith.addi %add3A_2577, %get3A_2570 : vector<16xi32>
      %swap3A = arith.index_cast %mul3A_2558 : i32 to index
      %swap3A_2579 = tpu.vector_load %arg8[%swap3A] {strides = array<i32>} : memref<400xi32, #tpu.memory_space<vmem>>, vector<16xi32>,
      %swap3A_2580 = vector.shape_cast %swap3A_2579 : vector<16xi32> to vector<16xi32>
      %swap3A_2581 = vector.shape_cast %add3A_2578 : vector<16xi32> to vector<16xi32>
      tpu.vector_store %arg8[%swap3A], %swap3A_2581 {strides = array<i32>} : memref<400xi32, #tpu.memory_space<vmem>>, vector<16xi32>,
    }
    %scan3A_1395 = arith.constant 25 : i32
    %dma_wait3A_1396 = arith.constant 0 : i32
    %dma_wait3A_1397 = tpu.memref_slice %arg4[%add3A_1379, %dma_wait3A_1396] : memref<320000x128xf32, #tpu.memory_space<hbm>> -> memref<400x128xf32, #tpu.memory_space<hbm>>
    %dma_wait3A_1398 = arith.constant 0 : i32
    %dma_wait3A_1399 = tpu.memref_slice %arg4[%add3A_1379, %dma_wait3A_1398] : memref<320000x128xf32, #tpu.memory_space<hbm>> -> memref<400x128xf32, #tpu.memory_space<hbm>>
    tpu.wait_dma2 semaphore(%arg16 : memref<!tpu.dma_semaphore, #tpu.memory_space<semaphore_mem>>) src(%arg10 : memref<400x128xf32, #tpu.memory_space<vmem>>) dst(%dma_wait3A_1399 : memref<400x128xf32, #tpu.memory_space<hbm>>)
    %dma_start3A_1400 = arith.constant 0 : i32
    %dma_start3A_1401 = arith.constant 0 : i32
    %dma_start3A_1402 = tpu.memref_slice %arg10[%dma_start3A_1400, %dma_start3A_1401] : memref<400x128xf32, #tpu.memory_space<vmem>> -> memref<80x128xf32, #tpu.memory_space<vmem>>
    %dma_start3A_1403 = arith.constant 0 : i32
    %dma_start3A_1404 = tpu.memref_slice %arg8[%dma_start3A_1403] : memref<400xi32, #tpu.memory_space<vmem>> -> memref<80xi32, #tpu.memory_space<vmem>>
    %dma_start3A_1405 = arith.constant 0 : i32
    %dma_start3A_1406 = arith.constant 0 : i32
    %dma_start3A_1407 = tpu.memref_slice %arg5[%dma_start3A_1405, %dma_start3A_1406] : memref<64x128xf32, #tpu.memory_space<vmem_shared>> -> memref<64x128xf32, #tpu.memory_space<vmem_shared>>
    tpu.enqueue_indirect_dma source(%dma_start3A_1407 : memref<64x128xf32, #tpu.memory_space<vmem_shared>>) target(%dma_start3A_1402 : memref<80x128xf32, #tpu.memory_space<vmem>>) offsets(%dma_start3A_1404 : memref<80xi32, #tpu.memory_space<vmem>>) semaphore(%arg14 : memref<!tpu.dma_semaphore, #tpu.memory_space<semaphore_mem>>)
    %dma_start3A_1408 = arith.constant 80 : i32
    %dma_start3A_1409 = arith.constant 0 : i32
    %dma_start3A_1410 = tpu.memref_slice %arg10[%dma_start3A_1408, %dma_start3A_1409] : memref<400x128xf32, #tpu.memory_space<vmem>> -> memref<80x128xf32, #tpu.memory_space<vmem>>
    %dma_start3A_1411 = arith.constant 80 : i32
    %dma_start3A_1412 = tpu.memref_slice %arg8[%dma_start3A_1411] : memref<400xi32, #tpu.memory_space<vmem>> -> memref<80xi32, #tpu.memory_space<vmem>>
    %dma_start3A_1413 = arith.constant 0 : i32
    %dma_start3A_1414 = arith.constant 0 : i32
    %dma_start3A_1415 = tpu.memref_slice %arg5[%dma_start3A_1413, %dma_start3A_1414] : memref<64x128xf32, #tpu.memory_space<vmem_shared>> -> memref<64x128xf32, #tpu.memory_space<vmem_shared>>
    tpu.enqueue_indirect_dma source(%dma_start3A_1415 : memref<64x128xf32, #tpu.memory_space<vmem_shared>>) target(%dma_start3A_1410 : memref<80x128xf32, #tpu.memory_space<vmem>>) offsets(%dma_start3A_1412 : memref<80xi32, #tpu.memory_space<vmem>>) semaphore(%arg14 : memref<!tpu.dma_semaphore, #tpu.memory_space<semaphore_mem>>)
    %dma_start3A_1416 = arith.constant 160 : i32
    %dma_start3A_1417 = arith.constant 0 : i32
    %dma_start3A_1418 = tpu.memref_slice %arg10[%dma_start3A_1416, %dma_start3A_1417] : memref<400x128xf32, #tpu.memory_space<vmem>> -> memref<80x128xf32, #tpu.memory_space<vmem>>
    %dma_start3A_1419 = arith.constant 160 : i32
    %dma_start3A_1420 = tpu.memref_slice %arg8[%dma_start3A_1419] : memref<400xi32, #tpu.memory_space<vmem>> -> memref<80xi32, #tpu.memory_space<vmem>>
    %dma_start3A_1421 = arith.constant 0 : i32
    %dma_start3A_1422 = arith.constant 0 : i32
    %dma_start3A_1423 = tpu.memref_slice %arg5[%dma_start3A_1421, %dma_start3A_1422] : memref<64x128xf32, #tpu.memory_space<vmem_shared>> -> memref<64x128xf32, #tpu.memory_space<vmem_shared>>
    tpu.enqueue_indirect_dma source(%dma_start3A_1423 : memref<64x128xf32, #tpu.memory_space<vmem_shared>>) target(%dma_start3A_1418 : memref<80x128xf32, #tpu.memory_space<vmem>>) offsets(%dma_start3A_1420 : memref<80xi32, #tpu.memory_space<vmem>>) semaphore(%arg14 : memref<!tpu.dma_semaphore, #tpu.memory_space<semaphore_mem>>)
    %dma_start3A_1424 = arith.constant 240 : i32
    %dma_start3A_1425 = arith.constant 0 : i32
    %dma_start3A_1426 = tpu.memref_slice %arg10[%dma_start3A_1424, %dma_start3A_1425] : memref<400x128xf32, #tpu.memory_space<vmem>> -> memref<80x128xf32, #tpu.memory_space<vmem>>
    %dma_start3A_1427 = arith.constant 240 : i32
    %dma_start3A_1428 = tpu.memref_slice %arg8[%dma_start3A_1427] : memref<400xi32, #tpu.memory_space<vmem>> -> memref<80xi32, #tpu.memory_space<vmem>>
    %dma_start3A_1429 = arith.constant 0 : i32
    %dma_start3A_1430 = arith.constant 0 : i32
    %dma_start3A_1431 = tpu.memref_slice %arg5[%dma_start3A_1429, %dma_start3A_1430] : memref<64x128xf32, #tpu.memory_space<vmem_shared>> -> memref<64x128xf32, #tpu.memory_space<vmem_shared>>
    tpu.enqueue_indirect_dma source(%dma_start3A_1431 : memref<64x128xf32, #tpu.memory_space<vmem_shared>>) target(%dma_start3A_1426 : memref<80x128xf32, #tpu.memory_space<vmem>>) offsets(%dma_start3A_1428 : memref<80xi32, #tpu.memory_space<vmem>>) semaphore(%arg14 : memref<!tpu.dma_semaphore, #tpu.memory_space<semaphore_mem>>)
    %dma_start3A_1432 = arith.constant 320 : i32
    %dma_start3A_1433 = arith.constant 0 : i32
    %dma_start3A_1434 = tpu.memref_slice %arg10[%dma_start3A_1432, %dma_start3A_1433] : memref<400x128xf32, #tpu.memory_space<vmem>> -> memref<80x128xf32, #tpu.memory_space<vmem>>
    %dma_start3A_1435 = arith.constant 320 : i32
    %dma_start3A_1436 = tpu.memref_slice %arg8[%dma_start3A_1435] : memref<400xi32, #tpu.memory_space<vmem>> -> memref<80xi32, #tpu.memory_space<vmem>>
    %dma_start3A_1437 = arith.constant 0 : i32
    %dma_start3A_1438 = arith.constant 0 : i32
    %dma_start3A_1439 = tpu.memref_slice %arg5[%dma_start3A_1437, %dma_start3A_1438] : memref<64x128xf32, #tpu.memory_space<vmem_shared>> -> memref<64x128xf32, #tpu.memory_space<vmem_shared>>
    tpu.enqueue_indirect_dma source(%dma_start3A_1439 : memref<64x128xf32, #tpu.memory_space<vmem_shared>>) target(%dma_start3A_1434 : memref<80x128xf32, #tpu.memory_space<vmem>>) offsets(%dma_start3A_1436 : memref<80xi32, #tpu.memory_space<vmem>>) semaphore(%arg14 : memref<!tpu.dma_semaphore, #tpu.memory_space<semaphore_mem>>)
    %dma_wait3A_1440 = arith.constant 0 : i32
    %dma_wait3A_1441 = arith.constant 0 : i32
    %dma_wait3A_1442 = tpu.memref_slice %arg11[%dma_wait3A_1440, %dma_wait3A_1441] : memref<400x128xf32, #tpu.memory_space<vmem>> -> memref<80x128xf32, #tpu.memory_space<vmem>>
    %dma_wait3A_1443 = arith.constant 0 : i32
    %dma_wait3A_1444 = tpu.memref_slice %arg9[%dma_wait3A_1443] : memref<400xi32, #tpu.memory_space<vmem>> -> memref<80xi32, #tpu.memory_space<vmem>>
    %dma_wait3A_1445 = arith.constant 0 : i32
    %dma_wait3A_1446 = arith.constant 0 : i32
    %dma_wait3A_1447 = tpu.memref_slice %arg5[%dma_wait3A_1445, %dma_wait3A_1446] : memref<64x128xf32, #tpu.memory_space<vmem_shared>> -> memref<64x128xf32, #tpu.memory_space<vmem_shared>>
    tpu.wait_indirect_dma semaphore(%arg15 : memref<!tpu.dma_semaphore, #tpu.memory_space<semaphore_mem>>) src(%dma_wait3A_1447 : memref<64x128xf32, #tpu.memory_space<vmem_shared>>) dst(%dma_wait3A_1442 : memref<80x128xf32, #tpu.memory_space<vmem>>)
    %dma_wait3A_1448 = arith.constant 80 : i32
    %dma_wait3A_1449 = arith.constant 0 : i32
    %dma_wait3A_1450 = tpu.memref_slice %arg11[%dma_wait3A_1448, %dma_wait3A_1449] : memref<400x128xf32, #tpu.memory_space<vmem>> -> memref<80x128xf32, #tpu.memory_space<vmem>>
    %dma_wait3A_1451 = arith.constant 80 : i32
    %dma_wait3A_1452 = tpu.memref_slice %arg9[%dma_wait3A_1451] : memref<400xi32, #tpu.memory_space<vmem>> -> memref<80xi32, #tpu.memory_space<vmem>>
    %dma_wait3A_1453 = arith.constant 0 : i32
    %dma_wait3A_1454 = arith.constant 0 : i32
    %dma_wait3A_1455 = tpu.memref_slice %arg5[%dma_wait3A_1453, %dma_wait3A_1454] : memref<64x128xf32, #tpu.memory_space<vmem_shared>> -> memref<64x128xf32, #tpu.memory_space<vmem_shared>>
    tpu.wait_indirect_dma semaphore(%arg15 : memref<!tpu.dma_semaphore, #tpu.memory_space<semaphore_mem>>) src(%dma_wait3A_1455 : memref<64x128xf32, #tpu.memory_space<vmem_shared>>) dst(%dma_wait3A_1450 : memref<80x128xf32, #tpu.memory_space<vmem>>)
    %dma_wait3A_1456 = arith.constant 160 : i32
    %dma_wait3A_1457 = arith.constant 0 : i32
    %dma_wait3A_1458 = tpu.memref_slice %arg11[%dma_wait3A_1456, %dma_wait3A_1457] : memref<400x128xf32, #tpu.memory_space<vmem>> -> memref<80x128xf32, #tpu.memory_space<vmem>>
    %dma_wait3A_1459 = arith.constant 160 : i32
    %dma_wait3A_1460 = tpu.memref_slice %arg9[%dma_wait3A_1459] : memref<400xi32, #tpu.memory_space<vmem>> -> memref<80xi32, #tpu.memory_space<vmem>>
    %dma_wait3A_1461 = arith.constant 0 : i32
    %dma_wait3A_1462 = arith.constant 0 : i32
    %dma_wait3A_1463 = tpu.memref_slice %arg5[%dma_wait3A_1461, %dma_wait3A_1462] : memref<64x128xf32, #tpu.memory_space<vmem_shared>> -> memref<64x128xf32, #tpu.memory_space<vmem_shared>>
    tpu.wait_indirect_dma semaphore(%arg15 : memref<!tpu.dma_semaphore, #tpu.memory_space<semaphore_mem>>) src(%dma_wait3A_1463 : memref<64x128xf32, #tpu.memory_space<vmem_shared>>) dst(%dma_wait3A_1458 : memref<80x128xf32, #tpu.memory_space<vmem>>)
    %dma_wait3A_1464 = arith.constant 240 : i32
    %dma_wait3A_1465 = arith.constant 0 : i32
    %dma_wait3A_1466 = tpu.memref_slice %arg11[%dma_wait3A_1464, %dma_wait3A_1465] : memref<400x128xf32, #tpu.memory_space<vmem>> -> memref<80x128xf32, #tpu.memory_space<vmem>>
    %dma_wait3A_1467 = arith.constant 240 : i32
    %dma_wait3A_1468 = tpu.memref_slice %arg9[%dma_wait3A_1467] : memref<400xi32, #tpu.memory_space<vmem>> -> memref<80xi32, #tpu.memory_space<vmem>>
    %dma_wait3A_1469 = arith.constant 0 : i32
    %dma_wait3A_1470 = arith.constant 0 : i32
    %dma_wait3A_1471 = tpu.memref_slice %arg5[%dma_wait3A_1469, %dma_wait3A_1470] : memref<64x128xf32, #tpu.memory_space<vmem_shared>> -> memref<64x128xf32, #tpu.memory_space<vmem_shared>>
    tpu.wait_indirect_dma semaphore(%arg15 : memref<!tpu.dma_semaphore, #tpu.memory_space<semaphore_mem>>) src(%dma_wait3A_1471 : memref<64x128xf32, #tpu.memory_space<vmem_shared>>) dst(%dma_wait3A_1466 : memref<80x128xf32, #tpu.memory_space<vmem>>)
    %dma_wait3A_1472 = arith.constant 320 : i32
    %dma_wait3A_1473 = arith.constant 0 : i32
    %dma_wait3A_1474 = tpu.memref_slice %arg11[%dma_wait3A_1472, %dma_wait3A_1473] : memref<400x128xf32, #tpu.memory_space<vmem>> -> memref<80x128xf32, #tpu.memory_space<vmem>>
    %dma_wait3A_1475 = arith.constant 320 : i32
    %dma_wait3A_1476 = tpu.memref_slice %arg9[%dma_wait3A_1475] : memref<400xi32, #tpu.memory_space<vmem>> -> memref<80xi32, #tpu.memory_space<vmem>>
    %dma_wait3A_1477 = arith.constant 0 : i32
    %dma_wait3A_1478 = arith.constant 0 : i32
    %dma_wait3A_1479 = tpu.memref_slice %arg5[%dma_wait3A_1477, %dma_wait3A_1478] : memref<64x128xf32, #tpu.memory_space<vmem_shared>> -> memref<64x128xf32, #tpu.memory_space<vmem_shared>>
    tpu.wait_indirect_dma semaphore(%arg15 : memref<!tpu.dma_semaphore, #tpu.memory_space<semaphore_mem>>) src(%dma_wait3A_1479 : memref<64x128xf32, #tpu.memory_space<vmem_shared>>) dst(%dma_wait3A_1474 : memref<80x128xf32, #tpu.memory_space<vmem>>)
    %add3A_1480 = arith.constant 5200 : i32
    %add3A_1481 = arith.addi %mul3A_2, %add3A_1480 : i32
    %dma_start3A_1482 = arith.constant 0 : i32
    %dma_start3A_1483 = tpu.memref_slice %arg4[%add3A_1481, %dma_start3A_1482] : memref<320000x128xf32, #tpu.memory_space<hbm>> -> memref<400x128xf32, #tpu.memory_space<hbm>>
    %dma_start3A_1484 = arith.constant 0 : i32
    %dma_start3A_1485 = tpu.memref_slice %arg4[%add3A_1481, %dma_start3A_1484] : memref<320000x128xf32, #tpu.memory_space<hbm>> -> memref<400x128xf32, #tpu.memory_space<hbm>>
    tpu.enqueue_dma source(%arg11 : memref<400x128xf32, #tpu.memory_space<vmem>>) target(%dma_start3A_1485 : memref<400x128xf32, #tpu.memory_space<hbm>>) target_semaphore(%arg17 : memref<!tpu.dma_semaphore, #tpu.memory_space<semaphore_mem>>)
    %add3A_1486 = arith.constant 19200 : i32
    %add3A_1487 = arith.addi %mul3A_8, %add3A_1486 : i32
    %dma_start3A_1488 = tpu.memref_slice %arg3[%add3A_1487] : memref<960000xi32, #tpu.memory_space<hbm>> -> memref<1200xi32, #tpu.memory_space<hbm>>
    %dma_start3A_1489 = tpu.memref_slice %arg3[%add3A_1487] : memref<960000xi32, #tpu.memory_space<hbm>> -> memref<1200xi32, #tpu.memory_space<hbm>>
    tpu.enqueue_dma source(%dma_start3A_1489 : memref<1200xi32, #tpu.memory_space<hbm>>) target(%arg6 : memref<1200xi32, #tpu.memory_space<vmem>>) target_semaphore(%arg12 : memref<!tpu.dma_semaphore, #tpu.memory_space<semaphore_mem>>)
    %dma_wait3A_1490 = tpu.memref_slice %arg3[%add3A_1385] : memref<960000xi32, #tpu.memory_space<hbm>> -> memref<1200xi32, #tpu.memory_space<hbm>>
    %dma_wait3A_1491 = tpu.memref_slice %arg3[%add3A_1385] : memref<960000xi32, #tpu.memory_space<hbm>> -> memref<1200xi32, #tpu.memory_space<hbm>>
    tpu.wait_dma2 semaphore(%arg13 : memref<!tpu.dma_semaphore, #tpu.memory_space<semaphore_mem>>) src(%dma_wait3A_1491 : memref<1200xi32, #tpu.memory_space<hbm>>) dst(%arg7 : memref<1200xi32, #tpu.memory_space<vmem>>)
    %scan3A_1492 = arith.constant 0 : i32
    %scan3A_1493 = arith.constant 0 : i32
    %scan3A_1494 = arith.constant 25 : i32
    %scan3A_1495 = arith.addi %scan3A_1493, %scan3A_1494 : i32
    %scan3A_1496 = arith.constant 1 : i32
    scf.for %scan3A_2556 = %scan3A_1493 to %scan3A_1495 step %scan3A_1496  : i32 {
      %mul3A_2557 = arith.constant 16 : i32
      %mul3A_2558 = arith.muli %scan3A_2556, %mul3A_2557 : i32
      %get3A = arith.index_cast %mul3A_2558 : i32 to index
      %get3A_2559 = tpu.vector_load %arg7[%get3A] {strides = array<i32>} : memref<1200xi32, #tpu.memory_space<vmem>>, vector<16xi32>,
      %get3A_2560 = vector.shape_cast %get3A_2559 : vector<16xi32> to vector<16xi32>
      %add3A_2561 = arith.constant 400 : i32
      %add3A_2562 = arith.addi %add3A_2561, %mul3A_2558 : i32
      %get3A_2563 = arith.index_cast %add3A_2562 : i32 to index
      %get3A_2564 = tpu.vector_load %arg7[%get3A_2563] {strides = array<i32>} : memref<1200xi32, #tpu.memory_space<vmem>>, vector<16xi32>,
      %get3A_2565 = vector.shape_cast %get3A_2564 : vector<16xi32> to vector<16xi32>
      %add3A_2566 = arith.constant 800 : i32
      %add3A_2567 = arith.addi %add3A_2566, %mul3A_2558 : i32
      %get3A_2568 = arith.index_cast %add3A_2567 : i32 to index
      %get3A_2569 = tpu.vector_load %arg7[%get3A_2568] {strides = array<i32>} : memref<1200xi32, #tpu.memory_space<vmem>>, vector<16xi32>,
      %get3A_2570 = vector.shape_cast %get3A_2569 : vector<16xi32> to vector<16xi32>
      %mul3A_2571 = arith.constant 12 : i32
      %mul3A_2572 = vector.broadcast %mul3A_2571 : i32 to vector<16xi32>
      %mul3A_2573 = arith.muli %get3A_2560, %mul3A_2572 : vector<16xi32>
      %mul3A_2574 = arith.constant 2 : i32
      %mul3A_2575 = vector.broadcast %mul3A_2574 : i32 to vector<16xi32>
      %mul3A_2576 = arith.muli %get3A_2565, %mul3A_2575 : vector<16xi32>
      %add3A_2577 = arith.addi %mul3A_2573, %mul3A_2576 : vector<16xi32>
      %add3A_2578 = arith.addi %add3A_2577, %get3A_2570 : vector<16xi32>
      %swap3A = arith.index_cast %mul3A_2558 : i32 to index
      %swap3A_2579 = tpu.vector_load %arg9[%swap3A] {strides = array<i32>} : memref<400xi32, #tpu.memory_space<vmem>>, vector<16xi32>,
      %swap3A_2580 = vector.shape_cast %swap3A_2579 : vector<16xi32> to vector<16xi32>
      %swap3A_2581 = vector.shape_cast %add3A_2578 : vector<16xi32> to vector<16xi32>
      tpu.vector_store %arg9[%swap3A], %swap3A_2581 {strides = array<i32>} : memref<400xi32, #tpu.memory_space<vmem>>, vector<16xi32>,
    }
    %scan3A_1497 = arith.constant 25 : i32
    %dma_wait3A_1498 = arith.constant 0 : i32
    %dma_wait3A_1499 = tpu.memref_slice %arg4[%add3A_1481, %dma_wait3A_1498] : memref<320000x128xf32, #tpu.memory_space<hbm>> -> memref<400x128xf32, #tpu.memory_space<hbm>>
    %dma_wait3A_1500 = arith.constant 0 : i32
    %dma_wait3A_1501 = tpu.memref_slice %arg4[%add3A_1481, %dma_wait3A_1500] : memref<320000x128xf32, #tpu.memory_space<hbm>> -> memref<400x128xf32, #tpu.memory_space<hbm>>
    tpu.wait_dma2 semaphore(%arg17 : memref<!tpu.dma_semaphore, #tpu.memory_space<semaphore_mem>>) src(%arg11 : memref<400x128xf32, #tpu.memory_space<vmem>>) dst(%dma_wait3A_1501 : memref<400x128xf32, #tpu.memory_space<hbm>>)
    %dma_start3A_1502 = arith.constant 0 : i32
    %dma_start3A_1503 = arith.constant 0 : i32
    %dma_start3A_1504 = tpu.memref_slice %arg11[%dma_start3A_1502, %dma_start3A_1503] : memref<400x128xf32, #tpu.memory_space<vmem>> -> memref<80x128xf32, #tpu.memory_space<vmem>>
    %dma_start3A_1505 = arith.constant 0 : i32
    %dma_start3A_1506 = tpu.memref_slice %arg9[%dma_start3A_1505] : memref<400xi32, #tpu.memory_space<vmem>> -> memref<80xi32, #tpu.memory_space<vmem>>
    %dma_start3A_1507 = arith.constant 0 : i32
    %dma_start3A_1508 = arith.constant 0 : i32
    %dma_start3A_1509 = tpu.memref_slice %arg5[%dma_start3A_1507, %dma_start3A_1508] : memref<64x128xf32, #tpu.memory_space<vmem_shared>> -> memref<64x128xf32, #tpu.memory_space<vmem_shared>>
    tpu.enqueue_indirect_dma source(%dma_start3A_1509 : memref<64x128xf32, #tpu.memory_space<vmem_shared>>) target(%dma_start3A_1504 : memref<80x128xf32, #tpu.memory_space<vmem>>) offsets(%dma_start3A_1506 : memref<80xi32, #tpu.memory_space<vmem>>) semaphore(%arg15 : memref<!tpu.dma_semaphore, #tpu.memory_space<semaphore_mem>>)
    %dma_start3A_1510 = arith.constant 80 : i32
    %dma_start3A_1511 = arith.constant 0 : i32
    %dma_start3A_1512 = tpu.memref_slice %arg11[%dma_start3A_1510, %dma_start3A_1511] : memref<400x128xf32, #tpu.memory_space<vmem>> -> memref<80x128xf32, #tpu.memory_space<vmem>>
    %dma_start3A_1513 = arith.constant 80 : i32
    %dma_start3A_1514 = tpu.memref_slice %arg9[%dma_start3A_1513] : memref<400xi32, #tpu.memory_space<vmem>> -> memref<80xi32, #tpu.memory_space<vmem>>
    %dma_start3A_1515 = arith.constant 0 : i32
    %dma_start3A_1516 = arith.constant 0 : i32
    %dma_start3A_1517 = tpu.memref_slice %arg5[%dma_start3A_1515, %dma_start3A_1516] : memref<64x128xf32, #tpu.memory_space<vmem_shared>> -> memref<64x128xf32, #tpu.memory_space<vmem_shared>>
    tpu.enqueue_indirect_dma source(%dma_start3A_1517 : memref<64x128xf32, #tpu.memory_space<vmem_shared>>) target(%dma_start3A_1512 : memref<80x128xf32, #tpu.memory_space<vmem>>) offsets(%dma_start3A_1514 : memref<80xi32, #tpu.memory_space<vmem>>) semaphore(%arg15 : memref<!tpu.dma_semaphore, #tpu.memory_space<semaphore_mem>>)
    %dma_start3A_1518 = arith.constant 160 : i32
    %dma_start3A_1519 = arith.constant 0 : i32
    %dma_start3A_1520 = tpu.memref_slice %arg11[%dma_start3A_1518, %dma_start3A_1519] : memref<400x128xf32, #tpu.memory_space<vmem>> -> memref<80x128xf32, #tpu.memory_space<vmem>>
    %dma_start3A_1521 = arith.constant 160 : i32
    %dma_start3A_1522 = tpu.memref_slice %arg9[%dma_start3A_1521] : memref<400xi32, #tpu.memory_space<vmem>> -> memref<80xi32, #tpu.memory_space<vmem>>
    %dma_start3A_1523 = arith.constant 0 : i32
    %dma_start3A_1524 = arith.constant 0 : i32
    %dma_start3A_1525 = tpu.memref_slice %arg5[%dma_start3A_1523, %dma_start3A_1524] : memref<64x128xf32, #tpu.memory_space<vmem_shared>> -> memref<64x128xf32, #tpu.memory_space<vmem_shared>>
    tpu.enqueue_indirect_dma source(%dma_start3A_1525 : memref<64x128xf32, #tpu.memory_space<vmem_shared>>) target(%dma_start3A_1520 : memref<80x128xf32, #tpu.memory_space<vmem>>) offsets(%dma_start3A_1522 : memref<80xi32, #tpu.memory_space<vmem>>) semaphore(%arg15 : memref<!tpu.dma_semaphore, #tpu.memory_space<semaphore_mem>>)
    %dma_start3A_1526 = arith.constant 240 : i32
    %dma_start3A_1527 = arith.constant 0 : i32
    %dma_start3A_1528 = tpu.memref_slice %arg11[%dma_start3A_1526, %dma_start3A_1527] : memref<400x128xf32, #tpu.memory_space<vmem>> -> memref<80x128xf32, #tpu.memory_space<vmem>>
    %dma_start3A_1529 = arith.constant 240 : i32
    %dma_start3A_1530 = tpu.memref_slice %arg9[%dma_start3A_1529] : memref<400xi32, #tpu.memory_space<vmem>> -> memref<80xi32, #tpu.memory_space<vmem>>
    %dma_start3A_1531 = arith.constant 0 : i32
    %dma_start3A_1532 = arith.constant 0 : i32
    %dma_start3A_1533 = tpu.memref_slice %arg5[%dma_start3A_1531, %dma_start3A_1532] : memref<64x128xf32, #tpu.memory_space<vmem_shared>> -> memref<64x128xf32, #tpu.memory_space<vmem_shared>>
    tpu.enqueue_indirect_dma source(%dma_start3A_1533 : memref<64x128xf32, #tpu.memory_space<vmem_shared>>) target(%dma_start3A_1528 : memref<80x128xf32, #tpu.memory_space<vmem>>) offsets(%dma_start3A_1530 : memref<80xi32, #tpu.memory_space<vmem>>) semaphore(%arg15 : memref<!tpu.dma_semaphore, #tpu.memory_space<semaphore_mem>>)
    %dma_start3A_1534 = arith.constant 320 : i32
    %dma_start3A_1535 = arith.constant 0 : i32
    %dma_start3A_1536 = tpu.memref_slice %arg11[%dma_start3A_1534, %dma_start3A_1535] : memref<400x128xf32, #tpu.memory_space<vmem>> -> memref<80x128xf32, #tpu.memory_space<vmem>>
    %dma_start3A_1537 = arith.constant 320 : i32
    %dma_start3A_1538 = tpu.memref_slice %arg9[%dma_start3A_1537] : memref<400xi32, #tpu.memory_space<vmem>> -> memref<80xi32, #tpu.memory_space<vmem>>
    %dma_start3A_1539 = arith.constant 0 : i32
    %dma_start3A_1540 = arith.constant 0 : i32
    %dma_start3A_1541 = tpu.memref_slice %arg5[%dma_start3A_1539, %dma_start3A_1540] : memref<64x128xf32, #tpu.memory_space<vmem_shared>> -> memref<64x128xf32, #tpu.memory_space<vmem_shared>>
    tpu.enqueue_indirect_dma source(%dma_start3A_1541 : memref<64x128xf32, #tpu.memory_space<vmem_shared>>) target(%dma_start3A_1536 : memref<80x128xf32, #tpu.memory_space<vmem>>) offsets(%dma_start3A_1538 : memref<80xi32, #tpu.memory_space<vmem>>) semaphore(%arg15 : memref<!tpu.dma_semaphore, #tpu.memory_space<semaphore_mem>>)
    %dma_wait3A_1542 = arith.constant 0 : i32
    %dma_wait3A_1543 = arith.constant 0 : i32
    %dma_wait3A_1544 = tpu.memref_slice %arg10[%dma_wait3A_1542, %dma_wait3A_1543] : memref<400x128xf32, #tpu.memory_space<vmem>> -> memref<80x128xf32, #tpu.memory_space<vmem>>
    %dma_wait3A_1545 = arith.constant 0 : i32
    %dma_wait3A_1546 = tpu.memref_slice %arg8[%dma_wait3A_1545] : memref<400xi32, #tpu.memory_space<vmem>> -> memref<80xi32, #tpu.memory_space<vmem>>
    %dma_wait3A_1547 = arith.constant 0 : i32
    %dma_wait3A_1548 = arith.constant 0 : i32
    %dma_wait3A_1549 = tpu.memref_slice %arg5[%dma_wait3A_1547, %dma_wait3A_1548] : memref<64x128xf32, #tpu.memory_space<vmem_shared>> -> memref<64x128xf32, #tpu.memory_space<vmem_shared>>
    tpu.wait_indirect_dma semaphore(%arg14 : memref<!tpu.dma_semaphore, #tpu.memory_space<semaphore_mem>>) src(%dma_wait3A_1549 : memref<64x128xf32, #tpu.memory_space<vmem_shared>>) dst(%dma_wait3A_1544 : memref<80x128xf32, #tpu.memory_space<vmem>>)
    %dma_wait3A_1550 = arith.constant 80 : i32
    %dma_wait3A_1551 = arith.constant 0 : i32
    %dma_wait3A_1552 = tpu.memref_slice %arg10[%dma_wait3A_1550, %dma_wait3A_1551] : memref<400x128xf32, #tpu.memory_space<vmem>> -> memref<80x128xf32, #tpu.memory_space<vmem>>
    %dma_wait3A_1553 = arith.constant 80 : i32
    %dma_wait3A_1554 = tpu.memref_slice %arg8[%dma_wait3A_1553] : memref<400xi32, #tpu.memory_space<vmem>> -> memref<80xi32, #tpu.memory_space<vmem>>
    %dma_wait3A_1555 = arith.constant 0 : i32
    %dma_wait3A_1556 = arith.constant 0 : i32
    %dma_wait3A_1557 = tpu.memref_slice %arg5[%dma_wait3A_1555, %dma_wait3A_1556] : memref<64x128xf32, #tpu.memory_space<vmem_shared>> -> memref<64x128xf32, #tpu.memory_space<vmem_shared>>
    tpu.wait_indirect_dma semaphore(%arg14 : memref<!tpu.dma_semaphore, #tpu.memory_space<semaphore_mem>>) src(%dma_wait3A_1557 : memref<64x128xf32, #tpu.memory_space<vmem_shared>>) dst(%dma_wait3A_1552 : memref<80x128xf32, #tpu.memory_space<vmem>>)
    %dma_wait3A_1558 = arith.constant 160 : i32
    %dma_wait3A_1559 = arith.constant 0 : i32
    %dma_wait3A_1560 = tpu.memref_slice %arg10[%dma_wait3A_1558, %dma_wait3A_1559] : memref<400x128xf32, #tpu.memory_space<vmem>> -> memref<80x128xf32, #tpu.memory_space<vmem>>
    %dma_wait3A_1561 = arith.constant 160 : i32
    %dma_wait3A_1562 = tpu.memref_slice %arg8[%dma_wait3A_1561] : memref<400xi32, #tpu.memory_space<vmem>> -> memref<80xi32, #tpu.memory_space<vmem>>
    %dma_wait3A_1563 = arith.constant 0 : i32
    %dma_wait3A_1564 = arith.constant 0 : i32
    %dma_wait3A_1565 = tpu.memref_slice %arg5[%dma_wait3A_1563, %dma_wait3A_1564] : memref<64x128xf32, #tpu.memory_space<vmem_shared>> -> memref<64x128xf32, #tpu.memory_space<vmem_shared>>
    tpu.wait_indirect_dma semaphore(%arg14 : memref<!tpu.dma_semaphore, #tpu.memory_space<semaphore_mem>>) src(%dma_wait3A_1565 : memref<64x128xf32, #tpu.memory_space<vmem_shared>>) dst(%dma_wait3A_1560 : memref<80x128xf32, #tpu.memory_space<vmem>>)
    %dma_wait3A_1566 = arith.constant 240 : i32
    %dma_wait3A_1567 = arith.constant 0 : i32
    %dma_wait3A_1568 = tpu.memref_slice %arg10[%dma_wait3A_1566, %dma_wait3A_1567] : memref<400x128xf32, #tpu.memory_space<vmem>> -> memref<80x128xf32, #tpu.memory_space<vmem>>
    %dma_wait3A_1569 = arith.constant 240 : i32
    %dma_wait3A_1570 = tpu.memref_slice %arg8[%dma_wait3A_1569] : memref<400xi32, #tpu.memory_space<vmem>> -> memref<80xi32, #tpu.memory_space<vmem>>
    %dma_wait3A_1571 = arith.constant 0 : i32
    %dma_wait3A_1572 = arith.constant 0 : i32
    %dma_wait3A_1573 = tpu.memref_slice %arg5[%dma_wait3A_1571, %dma_wait3A_1572] : memref<64x128xf32, #tpu.memory_space<vmem_shared>> -> memref<64x128xf32, #tpu.memory_space<vmem_shared>>
    tpu.wait_indirect_dma semaphore(%arg14 : memref<!tpu.dma_semaphore, #tpu.memory_space<semaphore_mem>>) src(%dma_wait3A_1573 : memref<64x128xf32, #tpu.memory_space<vmem_shared>>) dst(%dma_wait3A_1568 : memref<80x128xf32, #tpu.memory_space<vmem>>)
    %dma_wait3A_1574 = arith.constant 320 : i32
    %dma_wait3A_1575 = arith.constant 0 : i32
    %dma_wait3A_1576 = tpu.memref_slice %arg10[%dma_wait3A_1574, %dma_wait3A_1575] : memref<400x128xf32, #tpu.memory_space<vmem>> -> memref<80x128xf32, #tpu.memory_space<vmem>>
    %dma_wait3A_1577 = arith.constant 320 : i32
    %dma_wait3A_1578 = tpu.memref_slice %arg8[%dma_wait3A_1577] : memref<400xi32, #tpu.memory_space<vmem>> -> memref<80xi32, #tpu.memory_space<vmem>>
    %dma_wait3A_1579 = arith.constant 0 : i32
    %dma_wait3A_1580 = arith.constant 0 : i32
    %dma_wait3A_1581 = tpu.memref_slice %arg5[%dma_wait3A_1579, %dma_wait3A_1580] : memref<64x128xf32, #tpu.memory_space<vmem_shared>> -> memref<64x128xf32, #tpu.memory_space<vmem_shared>>
    tpu.wait_indirect_dma semaphore(%arg14 : memref<!tpu.dma_semaphore, #tpu.memory_space<semaphore_mem>>) src(%dma_wait3A_1581 : memref<64x128xf32, #tpu.memory_space<vmem_shared>>) dst(%dma_wait3A_1576 : memref<80x128xf32, #tpu.memory_space<vmem>>)
    %add3A_1582 = arith.constant 5600 : i32
    %add3A_1583 = arith.addi %mul3A_2, %add3A_1582 : i32
    %dma_start3A_1584 = arith.constant 0 : i32
    %dma_start3A_1585 = tpu.memref_slice %arg4[%add3A_1583, %dma_start3A_1584] : memref<320000x128xf32, #tpu.memory_space<hbm>> -> memref<400x128xf32, #tpu.memory_space<hbm>>
    %dma_start3A_1586 = arith.constant 0 : i32
    %dma_start3A_1587 = tpu.memref_slice %arg4[%add3A_1583, %dma_start3A_1586] : memref<320000x128xf32, #tpu.memory_space<hbm>> -> memref<400x128xf32, #tpu.memory_space<hbm>>
    tpu.enqueue_dma source(%arg10 : memref<400x128xf32, #tpu.memory_space<vmem>>) target(%dma_start3A_1587 : memref<400x128xf32, #tpu.memory_space<hbm>>) target_semaphore(%arg16 : memref<!tpu.dma_semaphore, #tpu.memory_space<semaphore_mem>>)
    %add3A_1588 = arith.constant 20400 : i32
    %add3A_1589 = arith.addi %mul3A_8, %add3A_1588 : i32
    %dma_start3A_1590 = tpu.memref_slice %arg3[%add3A_1589] : memref<960000xi32, #tpu.memory_space<hbm>> -> memref<1200xi32, #tpu.memory_space<hbm>>
    %dma_start3A_1591 = tpu.memref_slice %arg3[%add3A_1589] : memref<960000xi32, #tpu.memory_space<hbm>> -> memref<1200xi32, #tpu.memory_space<hbm>>
    tpu.enqueue_dma source(%dma_start3A_1591 : memref<1200xi32, #tpu.memory_space<hbm>>) target(%arg7 : memref<1200xi32, #tpu.memory_space<vmem>>) target_semaphore(%arg13 : memref<!tpu.dma_semaphore, #tpu.memory_space<semaphore_mem>>)
    %dma_wait3A_1592 = tpu.memref_slice %arg3[%add3A_1487] : memref<960000xi32, #tpu.memory_space<hbm>> -> memref<1200xi32, #tpu.memory_space<hbm>>
    %dma_wait3A_1593 = tpu.memref_slice %arg3[%add3A_1487] : memref<960000xi32, #tpu.memory_space<hbm>> -> memref<1200xi32, #tpu.memory_space<hbm>>
    tpu.wait_dma2 semaphore(%arg12 : memref<!tpu.dma_semaphore, #tpu.memory_space<semaphore_mem>>) src(%dma_wait3A_1593 : memref<1200xi32, #tpu.memory_space<hbm>>) dst(%arg6 : memref<1200xi32, #tpu.memory_space<vmem>>)
    %scan3A_1594 = arith.constant 0 : i32
    %scan3A_1595 = arith.constant 0 : i32
    %scan3A_1596 = arith.constant 25 : i32
    %scan3A_1597 = arith.addi %scan3A_1595, %scan3A_1596 : i32
    %scan3A_1598 = arith.constant 1 : i32
    scf.for %scan3A_2556 = %scan3A_1595 to %scan3A_1597 step %scan3A_1598  : i32 {
      %mul3A_2557 = arith.constant 16 : i32
      %mul3A_2558 = arith.muli %scan3A_2556, %mul3A_2557 : i32
      %get3A = arith.index_cast %mul3A_2558 : i32 to index
      %get3A_2559 = tpu.vector_load %arg6[%get3A] {strides = array<i32>} : memref<1200xi32, #tpu.memory_space<vmem>>, vector<16xi32>,
      %get3A_2560 = vector.shape_cast %get3A_2559 : vector<16xi32> to vector<16xi32>
      %add3A_2561 = arith.constant 400 : i32
      %add3A_2562 = arith.addi %add3A_2561, %mul3A_2558 : i32
      %get3A_2563 = arith.index_cast %add3A_2562 : i32 to index
      %get3A_2564 = tpu.vector_load %arg6[%get3A_2563] {strides = array<i32>} : memref<1200xi32, #tpu.memory_space<vmem>>, vector<16xi32>,
      %get3A_2565 = vector.shape_cast %get3A_2564 : vector<16xi32> to vector<16xi32>
      %add3A_2566 = arith.constant 800 : i32
      %add3A_2567 = arith.addi %add3A_2566, %mul3A_2558 : i32
      %get3A_2568 = arith.index_cast %add3A_2567 : i32 to index
      %get3A_2569 = tpu.vector_load %arg6[%get3A_2568] {strides = array<i32>} : memref<1200xi32, #tpu.memory_space<vmem>>, vector<16xi32>,
      %get3A_2570 = vector.shape_cast %get3A_2569 : vector<16xi32> to vector<16xi32>
      %mul3A_2571 = arith.constant 12 : i32
      %mul3A_2572 = vector.broadcast %mul3A_2571 : i32 to vector<16xi32>
      %mul3A_2573 = arith.muli %get3A_2560, %mul3A_2572 : vector<16xi32>
      %mul3A_2574 = arith.constant 2 : i32
      %mul3A_2575 = vector.broadcast %mul3A_2574 : i32 to vector<16xi32>
      %mul3A_2576 = arith.muli %get3A_2565, %mul3A_2575 : vector<16xi32>
      %add3A_2577 = arith.addi %mul3A_2573, %mul3A_2576 : vector<16xi32>
      %add3A_2578 = arith.addi %add3A_2577, %get3A_2570 : vector<16xi32>
      %swap3A = arith.index_cast %mul3A_2558 : i32 to index
      %swap3A_2579 = tpu.vector_load %arg8[%swap3A] {strides = array<i32>} : memref<400xi32, #tpu.memory_space<vmem>>, vector<16xi32>,
      %swap3A_2580 = vector.shape_cast %swap3A_2579 : vector<16xi32> to vector<16xi32>
      %swap3A_2581 = vector.shape_cast %add3A_2578 : vector<16xi32> to vector<16xi32>
      tpu.vector_store %arg8[%swap3A], %swap3A_2581 {strides = array<i32>} : memref<400xi32, #tpu.memory_space<vmem>>, vector<16xi32>,
    }
    %scan3A_1599 = arith.constant 25 : i32
    %dma_wait3A_1600 = arith.constant 0 : i32
    %dma_wait3A_1601 = tpu.memref_slice %arg4[%add3A_1583, %dma_wait3A_1600] : memref<320000x128xf32, #tpu.memory_space<hbm>> -> memref<400x128xf32, #tpu.memory_space<hbm>>
    %dma_wait3A_1602 = arith.constant 0 : i32
    %dma_wait3A_1603 = tpu.memref_slice %arg4[%add3A_1583, %dma_wait3A_1602] : memref<320000x128xf32, #tpu.memory_space<hbm>> -> memref<400x128xf32, #tpu.memory_space<hbm>>
    tpu.wait_dma2 semaphore(%arg16 : memref<!tpu.dma_semaphore, #tpu.memory_space<semaphore_mem>>) src(%arg10 : memref<400x128xf32, #tpu.memory_space<vmem>>) dst(%dma_wait3A_1603 : memref<400x128xf32, #tpu.memory_space<hbm>>)
    %dma_start3A_1604 = arith.constant 0 : i32
    %dma_start3A_1605 = arith.constant 0 : i32
    %dma_start3A_1606 = tpu.memref_slice %arg10[%dma_start3A_1604, %dma_start3A_1605] : memref<400x128xf32, #tpu.memory_space<vmem>> -> memref<80x128xf32, #tpu.memory_space<vmem>>
    %dma_start3A_1607 = arith.constant 0 : i32
    %dma_start3A_1608 = tpu.memref_slice %arg8[%dma_start3A_1607] : memref<400xi32, #tpu.memory_space<vmem>> -> memref<80xi32, #tpu.memory_space<vmem>>
    %dma_start3A_1609 = arith.constant 0 : i32
    %dma_start3A_1610 = arith.constant 0 : i32
    %dma_start3A_1611 = tpu.memref_slice %arg5[%dma_start3A_1609, %dma_start3A_1610] : memref<64x128xf32, #tpu.memory_space<vmem_shared>> -> memref<64x128xf32, #tpu.memory_space<vmem_shared>>
    tpu.enqueue_indirect_dma source(%dma_start3A_1611 : memref<64x128xf32, #tpu.memory_space<vmem_shared>>) target(%dma_start3A_1606 : memref<80x128xf32, #tpu.memory_space<vmem>>) offsets(%dma_start3A_1608 : memref<80xi32, #tpu.memory_space<vmem>>) semaphore(%arg14 : memref<!tpu.dma_semaphore, #tpu.memory_space<semaphore_mem>>)
    %dma_start3A_1612 = arith.constant 80 : i32
    %dma_start3A_1613 = arith.constant 0 : i32
    %dma_start3A_1614 = tpu.memref_slice %arg10[%dma_start3A_1612, %dma_start3A_1613] : memref<400x128xf32, #tpu.memory_space<vmem>> -> memref<80x128xf32, #tpu.memory_space<vmem>>
    %dma_start3A_1615 = arith.constant 80 : i32
    %dma_start3A_1616 = tpu.memref_slice %arg8[%dma_start3A_1615] : memref<400xi32, #tpu.memory_space<vmem>> -> memref<80xi32, #tpu.memory_space<vmem>>
    %dma_start3A_1617 = arith.constant 0 : i32
    %dma_start3A_1618 = arith.constant 0 : i32
    %dma_start3A_1619 = tpu.memref_slice %arg5[%dma_start3A_1617, %dma_start3A_1618] : memref<64x128xf32, #tpu.memory_space<vmem_shared>> -> memref<64x128xf32, #tpu.memory_space<vmem_shared>>
    tpu.enqueue_indirect_dma source(%dma_start3A_1619 : memref<64x128xf32, #tpu.memory_space<vmem_shared>>) target(%dma_start3A_1614 : memref<80x128xf32, #tpu.memory_space<vmem>>) offsets(%dma_start3A_1616 : memref<80xi32, #tpu.memory_space<vmem>>) semaphore(%arg14 : memref<!tpu.dma_semaphore, #tpu.memory_space<semaphore_mem>>)
    %dma_start3A_1620 = arith.constant 160 : i32
    %dma_start3A_1621 = arith.constant 0 : i32
    %dma_start3A_1622 = tpu.memref_slice %arg10[%dma_start3A_1620, %dma_start3A_1621] : memref<400x128xf32, #tpu.memory_space<vmem>> -> memref<80x128xf32, #tpu.memory_space<vmem>>
    %dma_start3A_1623 = arith.constant 160 : i32
    %dma_start3A_1624 = tpu.memref_slice %arg8[%dma_start3A_1623] : memref<400xi32, #tpu.memory_space<vmem>> -> memref<80xi32, #tpu.memory_space<vmem>>
    %dma_start3A_1625 = arith.constant 0 : i32
    %dma_start3A_1626 = arith.constant 0 : i32
    %dma_start3A_1627 = tpu.memref_slice %arg5[%dma_start3A_1625, %dma_start3A_1626] : memref<64x128xf32, #tpu.memory_space<vmem_shared>> -> memref<64x128xf32, #tpu.memory_space<vmem_shared>>
    tpu.enqueue_indirect_dma source(%dma_start3A_1627 : memref<64x128xf32, #tpu.memory_space<vmem_shared>>) target(%dma_start3A_1622 : memref<80x128xf32, #tpu.memory_space<vmem>>) offsets(%dma_start3A_1624 : memref<80xi32, #tpu.memory_space<vmem>>) semaphore(%arg14 : memref<!tpu.dma_semaphore, #tpu.memory_space<semaphore_mem>>)
    %dma_start3A_1628 = arith.constant 240 : i32
    %dma_start3A_1629 = arith.constant 0 : i32
    %dma_start3A_1630 = tpu.memref_slice %arg10[%dma_start3A_1628, %dma_start3A_1629] : memref<400x128xf32, #tpu.memory_space<vmem>> -> memref<80x128xf32, #tpu.memory_space<vmem>>
    %dma_start3A_1631 = arith.constant 240 : i32
    %dma_start3A_1632 = tpu.memref_slice %arg8[%dma_start3A_1631] : memref<400xi32, #tpu.memory_space<vmem>> -> memref<80xi32, #tpu.memory_space<vmem>>
    %dma_start3A_1633 = arith.constant 0 : i32
    %dma_start3A_1634 = arith.constant 0 : i32
    %dma_start3A_1635 = tpu.memref_slice %arg5[%dma_start3A_1633, %dma_start3A_1634] : memref<64x128xf32, #tpu.memory_space<vmem_shared>> -> memref<64x128xf32, #tpu.memory_space<vmem_shared>>
    tpu.enqueue_indirect_dma source(%dma_start3A_1635 : memref<64x128xf32, #tpu.memory_space<vmem_shared>>) target(%dma_start3A_1630 : memref<80x128xf32, #tpu.memory_space<vmem>>) offsets(%dma_start3A_1632 : memref<80xi32, #tpu.memory_space<vmem>>) semaphore(%arg14 : memref<!tpu.dma_semaphore, #tpu.memory_space<semaphore_mem>>)
    %dma_start3A_1636 = arith.constant 320 : i32
    %dma_start3A_1637 = arith.constant 0 : i32
    %dma_start3A_1638 = tpu.memref_slice %arg10[%dma_start3A_1636, %dma_start3A_1637] : memref<400x128xf32, #tpu.memory_space<vmem>> -> memref<80x128xf32, #tpu.memory_space<vmem>>
    %dma_start3A_1639 = arith.constant 320 : i32
    %dma_start3A_1640 = tpu.memref_slice %arg8[%dma_start3A_1639] : memref<400xi32, #tpu.memory_space<vmem>> -> memref<80xi32, #tpu.memory_space<vmem>>
    %dma_start3A_1641 = arith.constant 0 : i32
    %dma_start3A_1642 = arith.constant 0 : i32
    %dma_start3A_1643 = tpu.memref_slice %arg5[%dma_start3A_1641, %dma_start3A_1642] : memref<64x128xf32, #tpu.memory_space<vmem_shared>> -> memref<64x128xf32, #tpu.memory_space<vmem_shared>>
    tpu.enqueue_indirect_dma source(%dma_start3A_1643 : memref<64x128xf32, #tpu.memory_space<vmem_shared>>) target(%dma_start3A_1638 : memref<80x128xf32, #tpu.memory_space<vmem>>) offsets(%dma_start3A_1640 : memref<80xi32, #tpu.memory_space<vmem>>) semaphore(%arg14 : memref<!tpu.dma_semaphore, #tpu.memory_space<semaphore_mem>>)
    %dma_wait3A_1644 = arith.constant 0 : i32
    %dma_wait3A_1645 = arith.constant 0 : i32
    %dma_wait3A_1646 = tpu.memref_slice %arg11[%dma_wait3A_1644, %dma_wait3A_1645] : memref<400x128xf32, #tpu.memory_space<vmem>> -> memref<80x128xf32, #tpu.memory_space<vmem>>
    %dma_wait3A_1647 = arith.constant 0 : i32
    %dma_wait3A_1648 = tpu.memref_slice %arg9[%dma_wait3A_1647] : memref<400xi32, #tpu.memory_space<vmem>> -> memref<80xi32, #tpu.memory_space<vmem>>
    %dma_wait3A_1649 = arith.constant 0 : i32
    %dma_wait3A_1650 = arith.constant 0 : i32
    %dma_wait3A_1651 = tpu.memref_slice %arg5[%dma_wait3A_1649, %dma_wait3A_1650] : memref<64x128xf32, #tpu.memory_space<vmem_shared>> -> memref<64x128xf32, #tpu.memory_space<vmem_shared>>
    tpu.wait_indirect_dma semaphore(%arg15 : memref<!tpu.dma_semaphore, #tpu.memory_space<semaphore_mem>>) src(%dma_wait3A_1651 : memref<64x128xf32, #tpu.memory_space<vmem_shared>>) dst(%dma_wait3A_1646 : memref<80x128xf32, #tpu.memory_space<vmem>>)
    %dma_wait3A_1652 = arith.constant 80 : i32
    %dma_wait3A_1653 = arith.constant 0 : i32
    %dma_wait3A_1654 = tpu.memref_slice %arg11[%dma_wait3A_1652, %dma_wait3A_1653] : memref<400x128xf32, #tpu.memory_space<vmem>> -> memref<80x128xf32, #tpu.memory_space<vmem>>
    %dma_wait3A_1655 = arith.constant 80 : i32
    %dma_wait3A_1656 = tpu.memref_slice %arg9[%dma_wait3A_1655] : memref<400xi32, #tpu.memory_space<vmem>> -> memref<80xi32, #tpu.memory_space<vmem>>
    %dma_wait3A_1657 = arith.constant 0 : i32
    %dma_wait3A_1658 = arith.constant 0 : i32
    %dma_wait3A_1659 = tpu.memref_slice %arg5[%dma_wait3A_1657, %dma_wait3A_1658] : memref<64x128xf32, #tpu.memory_space<vmem_shared>> -> memref<64x128xf32, #tpu.memory_space<vmem_shared>>
    tpu.wait_indirect_dma semaphore(%arg15 : memref<!tpu.dma_semaphore, #tpu.memory_space<semaphore_mem>>) src(%dma_wait3A_1659 : memref<64x128xf32, #tpu.memory_space<vmem_shared>>) dst(%dma_wait3A_1654 : memref<80x128xf32, #tpu.memory_space<vmem>>)
    %dma_wait3A_1660 = arith.constant 160 : i32
    %dma_wait3A_1661 = arith.constant 0 : i32
    %dma_wait3A_1662 = tpu.memref_slice %arg11[%dma_wait3A_1660, %dma_wait3A_1661] : memref<400x128xf32, #tpu.memory_space<vmem>> -> memref<80x128xf32, #tpu.memory_space<vmem>>
    %dma_wait3A_1663 = arith.constant 160 : i32
    %dma_wait3A_1664 = tpu.memref_slice %arg9[%dma_wait3A_1663] : memref<400xi32, #tpu.memory_space<vmem>> -> memref<80xi32, #tpu.memory_space<vmem>>
    %dma_wait3A_1665 = arith.constant 0 : i32
    %dma_wait3A_1666 = arith.constant 0 : i32
    %dma_wait3A_1667 = tpu.memref_slice %arg5[%dma_wait3A_1665, %dma_wait3A_1666] : memref<64x128xf32, #tpu.memory_space<vmem_shared>> -> memref<64x128xf32, #tpu.memory_space<vmem_shared>>
    tpu.wait_indirect_dma semaphore(%arg15 : memref<!tpu.dma_semaphore, #tpu.memory_space<semaphore_mem>>) src(%dma_wait3A_1667 : memref<64x128xf32, #tpu.memory_space<vmem_shared>>) dst(%dma_wait3A_1662 : memref<80x128xf32, #tpu.memory_space<vmem>>)
    %dma_wait3A_1668 = arith.constant 240 : i32
    %dma_wait3A_1669 = arith.constant 0 : i32
    %dma_wait3A_1670 = tpu.memref_slice %arg11[%dma_wait3A_1668, %dma_wait3A_1669] : memref<400x128xf32, #tpu.memory_space<vmem>> -> memref<80x128xf32, #tpu.memory_space<vmem>>
    %dma_wait3A_1671 = arith.constant 240 : i32
    %dma_wait3A_1672 = tpu.memref_slice %arg9[%dma_wait3A_1671] : memref<400xi32, #tpu.memory_space<vmem>> -> memref<80xi32, #tpu.memory_space<vmem>>
    %dma_wait3A_1673 = arith.constant 0 : i32
    %dma_wait3A_1674 = arith.constant 0 : i32
    %dma_wait3A_1675 = tpu.memref_slice %arg5[%dma_wait3A_1673, %dma_wait3A_1674] : memref<64x128xf32, #tpu.memory_space<vmem_shared>> -> memref<64x128xf32, #tpu.memory_space<vmem_shared>>
    tpu.wait_indirect_dma semaphore(%arg15 : memref<!tpu.dma_semaphore, #tpu.memory_space<semaphore_mem>>) src(%dma_wait3A_1675 : memref<64x128xf32, #tpu.memory_space<vmem_shared>>) dst(%dma_wait3A_1670 : memref<80x128xf32, #tpu.memory_space<vmem>>)
    %dma_wait3A_1676 = arith.constant 320 : i32
    %dma_wait3A_1677 = arith.constant 0 : i32
    %dma_wait3A_1678 = tpu.memref_slice %arg11[%dma_wait3A_1676, %dma_wait3A_1677] : memref<400x128xf32, #tpu.memory_space<vmem>> -> memref<80x128xf32, #tpu.memory_space<vmem>>
    %dma_wait3A_1679 = arith.constant 320 : i32
    %dma_wait3A_1680 = tpu.memref_slice %arg9[%dma_wait3A_1679] : memref<400xi32, #tpu.memory_space<vmem>> -> memref<80xi32, #tpu.memory_space<vmem>>
    %dma_wait3A_1681 = arith.constant 0 : i32
    %dma_wait3A_1682 = arith.constant 0 : i32
    %dma_wait3A_1683 = tpu.memref_slice %arg5[%dma_wait3A_1681, %dma_wait3A_1682] : memref<64x128xf32, #tpu.memory_space<vmem_shared>> -> memref<64x128xf32, #tpu.memory_space<vmem_shared>>
    tpu.wait_indirect_dma semaphore(%arg15 : memref<!tpu.dma_semaphore, #tpu.memory_space<semaphore_mem>>) src(%dma_wait3A_1683 : memref<64x128xf32, #tpu.memory_space<vmem_shared>>) dst(%dma_wait3A_1678 : memref<80x128xf32, #tpu.memory_space<vmem>>)
    %add3A_1684 = arith.constant 6000 : i32
    %add3A_1685 = arith.addi %mul3A_2, %add3A_1684 : i32
    %dma_start3A_1686 = arith.constant 0 : i32
    %dma_start3A_1687 = tpu.memref_slice %arg4[%add3A_1685, %dma_start3A_1686] : memref<320000x128xf32, #tpu.memory_space<hbm>> -> memref<400x128xf32, #tpu.memory_space<hbm>>
    %dma_start3A_1688 = arith.constant 0 : i32
    %dma_start3A_1689 = tpu.memref_slice %arg4[%add3A_1685, %dma_start3A_1688] : memref<320000x128xf32, #tpu.memory_space<hbm>> -> memref<400x128xf32, #tpu.memory_space<hbm>>
    tpu.enqueue_dma source(%arg11 : memref<400x128xf32, #tpu.memory_space<vmem>>) target(%dma_start3A_1689 : memref<400x128xf32, #tpu.memory_space<hbm>>) target_semaphore(%arg17 : memref<!tpu.dma_semaphore, #tpu.memory_space<semaphore_mem>>)
    %add3A_1690 = arith.constant 21600 : i32
    %add3A_1691 = arith.addi %mul3A_8, %add3A_1690 : i32
    %dma_start3A_1692 = tpu.memref_slice %arg3[%add3A_1691] : memref<960000xi32, #tpu.memory_space<hbm>> -> memref<1200xi32, #tpu.memory_space<hbm>>
    %dma_start3A_1693 = tpu.memref_slice %arg3[%add3A_1691] : memref<960000xi32, #tpu.memory_space<hbm>> -> memref<1200xi32, #tpu.memory_space<hbm>>
    tpu.enqueue_dma source(%dma_start3A_1693 : memref<1200xi32, #tpu.memory_space<hbm>>) target(%arg6 : memref<1200xi32, #tpu.memory_space<vmem>>) target_semaphore(%arg12 : memref<!tpu.dma_semaphore, #tpu.memory_space<semaphore_mem>>)
    %dma_wait3A_1694 = tpu.memref_slice %arg3[%add3A_1589] : memref<960000xi32, #tpu.memory_space<hbm>> -> memref<1200xi32, #tpu.memory_space<hbm>>
    %dma_wait3A_1695 = tpu.memref_slice %arg3[%add3A_1589] : memref<960000xi32, #tpu.memory_space<hbm>> -> memref<1200xi32, #tpu.memory_space<hbm>>
    tpu.wait_dma2 semaphore(%arg13 : memref<!tpu.dma_semaphore, #tpu.memory_space<semaphore_mem>>) src(%dma_wait3A_1695 : memref<1200xi32, #tpu.memory_space<hbm>>) dst(%arg7 : memref<1200xi32, #tpu.memory_space<vmem>>)
    %scan3A_1696 = arith.constant 0 : i32
    %scan3A_1697 = arith.constant 0 : i32
    %scan3A_1698 = arith.constant 25 : i32
    %scan3A_1699 = arith.addi %scan3A_1697, %scan3A_1698 : i32
    %scan3A_1700 = arith.constant 1 : i32
    scf.for %scan3A_2556 = %scan3A_1697 to %scan3A_1699 step %scan3A_1700  : i32 {
      %mul3A_2557 = arith.constant 16 : i32
      %mul3A_2558 = arith.muli %scan3A_2556, %mul3A_2557 : i32
      %get3A = arith.index_cast %mul3A_2558 : i32 to index
      %get3A_2559 = tpu.vector_load %arg7[%get3A] {strides = array<i32>} : memref<1200xi32, #tpu.memory_space<vmem>>, vector<16xi32>,
      %get3A_2560 = vector.shape_cast %get3A_2559 : vector<16xi32> to vector<16xi32>
      %add3A_2561 = arith.constant 400 : i32
      %add3A_2562 = arith.addi %add3A_2561, %mul3A_2558 : i32
      %get3A_2563 = arith.index_cast %add3A_2562 : i32 to index
      %get3A_2564 = tpu.vector_load %arg7[%get3A_2563] {strides = array<i32>} : memref<1200xi32, #tpu.memory_space<vmem>>, vector<16xi32>,
      %get3A_2565 = vector.shape_cast %get3A_2564 : vector<16xi32> to vector<16xi32>
      %add3A_2566 = arith.constant 800 : i32
      %add3A_2567 = arith.addi %add3A_2566, %mul3A_2558 : i32
      %get3A_2568 = arith.index_cast %add3A_2567 : i32 to index
      %get3A_2569 = tpu.vector_load %arg7[%get3A_2568] {strides = array<i32>} : memref<1200xi32, #tpu.memory_space<vmem>>, vector<16xi32>,
      %get3A_2570 = vector.shape_cast %get3A_2569 : vector<16xi32> to vector<16xi32>
      %mul3A_2571 = arith.constant 12 : i32
      %mul3A_2572 = vector.broadcast %mul3A_2571 : i32 to vector<16xi32>
      %mul3A_2573 = arith.muli %get3A_2560, %mul3A_2572 : vector<16xi32>
      %mul3A_2574 = arith.constant 2 : i32
      %mul3A_2575 = vector.broadcast %mul3A_2574 : i32 to vector<16xi32>
      %mul3A_2576 = arith.muli %get3A_2565, %mul3A_2575 : vector<16xi32>
      %add3A_2577 = arith.addi %mul3A_2573, %mul3A_2576 : vector<16xi32>
      %add3A_2578 = arith.addi %add3A_2577, %get3A_2570 : vector<16xi32>
      %swap3A = arith.index_cast %mul3A_2558 : i32 to index
      %swap3A_2579 = tpu.vector_load %arg9[%swap3A] {strides = array<i32>} : memref<400xi32, #tpu.memory_space<vmem>>, vector<16xi32>,
      %swap3A_2580 = vector.shape_cast %swap3A_2579 : vector<16xi32> to vector<16xi32>
      %swap3A_2581 = vector.shape_cast %add3A_2578 : vector<16xi32> to vector<16xi32>
      tpu.vector_store %arg9[%swap3A], %swap3A_2581 {strides = array<i32>} : memref<400xi32, #tpu.memory_space<vmem>>, vector<16xi32>,
    }
    %scan3A_1701 = arith.constant 25 : i32
    %dma_wait3A_1702 = arith.constant 0 : i32
    %dma_wait3A_1703 = tpu.memref_slice %arg4[%add3A_1685, %dma_wait3A_1702] : memref<320000x128xf32, #tpu.memory_space<hbm>> -> memref<400x128xf32, #tpu.memory_space<hbm>>
    %dma_wait3A_1704 = arith.constant 0 : i32
    %dma_wait3A_1705 = tpu.memref_slice %arg4[%add3A_1685, %dma_wait3A_1704] : memref<320000x128xf32, #tpu.memory_space<hbm>> -> memref<400x128xf32, #tpu.memory_space<hbm>>
    tpu.wait_dma2 semaphore(%arg17 : memref<!tpu.dma_semaphore, #tpu.memory_space<semaphore_mem>>) src(%arg11 : memref<400x128xf32, #tpu.memory_space<vmem>>) dst(%dma_wait3A_1705 : memref<400x128xf32, #tpu.memory_space<hbm>>)
    %dma_start3A_1706 = arith.constant 0 : i32
    %dma_start3A_1707 = arith.constant 0 : i32
    %dma_start3A_1708 = tpu.memref_slice %arg11[%dma_start3A_1706, %dma_start3A_1707] : memref<400x128xf32, #tpu.memory_space<vmem>> -> memref<80x128xf32, #tpu.memory_space<vmem>>
    %dma_start3A_1709 = arith.constant 0 : i32
    %dma_start3A_1710 = tpu.memref_slice %arg9[%dma_start3A_1709] : memref<400xi32, #tpu.memory_space<vmem>> -> memref<80xi32, #tpu.memory_space<vmem>>
    %dma_start3A_1711 = arith.constant 0 : i32
    %dma_start3A_1712 = arith.constant 0 : i32
    %dma_start3A_1713 = tpu.memref_slice %arg5[%dma_start3A_1711, %dma_start3A_1712] : memref<64x128xf32, #tpu.memory_space<vmem_shared>> -> memref<64x128xf32, #tpu.memory_space<vmem_shared>>
    tpu.enqueue_indirect_dma source(%dma_start3A_1713 : memref<64x128xf32, #tpu.memory_space<vmem_shared>>) target(%dma_start3A_1708 : memref<80x128xf32, #tpu.memory_space<vmem>>) offsets(%dma_start3A_1710 : memref<80xi32, #tpu.memory_space<vmem>>) semaphore(%arg15 : memref<!tpu.dma_semaphore, #tpu.memory_space<semaphore_mem>>)
    %dma_start3A_1714 = arith.constant 80 : i32
    %dma_start3A_1715 = arith.constant 0 : i32
    %dma_start3A_1716 = tpu.memref_slice %arg11[%dma_start3A_1714, %dma_start3A_1715] : memref<400x128xf32, #tpu.memory_space<vmem>> -> memref<80x128xf32, #tpu.memory_space<vmem>>
    %dma_start3A_1717 = arith.constant 80 : i32
    %dma_start3A_1718 = tpu.memref_slice %arg9[%dma_start3A_1717] : memref<400xi32, #tpu.memory_space<vmem>> -> memref<80xi32, #tpu.memory_space<vmem>>
    %dma_start3A_1719 = arith.constant 0 : i32
    %dma_start3A_1720 = arith.constant 0 : i32
    %dma_start3A_1721 = tpu.memref_slice %arg5[%dma_start3A_1719, %dma_start3A_1720] : memref<64x128xf32, #tpu.memory_space<vmem_shared>> -> memref<64x128xf32, #tpu.memory_space<vmem_shared>>
    tpu.enqueue_indirect_dma source(%dma_start3A_1721 : memref<64x128xf32, #tpu.memory_space<vmem_shared>>) target(%dma_start3A_1716 : memref<80x128xf32, #tpu.memory_space<vmem>>) offsets(%dma_start3A_1718 : memref<80xi32, #tpu.memory_space<vmem>>) semaphore(%arg15 : memref<!tpu.dma_semaphore, #tpu.memory_space<semaphore_mem>>)
    %dma_start3A_1722 = arith.constant 160 : i32
    %dma_start3A_1723 = arith.constant 0 : i32
    %dma_start3A_1724 = tpu.memref_slice %arg11[%dma_start3A_1722, %dma_start3A_1723] : memref<400x128xf32, #tpu.memory_space<vmem>> -> memref<80x128xf32, #tpu.memory_space<vmem>>
    %dma_start3A_1725 = arith.constant 160 : i32
    %dma_start3A_1726 = tpu.memref_slice %arg9[%dma_start3A_1725] : memref<400xi32, #tpu.memory_space<vmem>> -> memref<80xi32, #tpu.memory_space<vmem>>
    %dma_start3A_1727 = arith.constant 0 : i32
    %dma_start3A_1728 = arith.constant 0 : i32
    %dma_start3A_1729 = tpu.memref_slice %arg5[%dma_start3A_1727, %dma_start3A_1728] : memref<64x128xf32, #tpu.memory_space<vmem_shared>> -> memref<64x128xf32, #tpu.memory_space<vmem_shared>>
    tpu.enqueue_indirect_dma source(%dma_start3A_1729 : memref<64x128xf32, #tpu.memory_space<vmem_shared>>) target(%dma_start3A_1724 : memref<80x128xf32, #tpu.memory_space<vmem>>) offsets(%dma_start3A_1726 : memref<80xi32, #tpu.memory_space<vmem>>) semaphore(%arg15 : memref<!tpu.dma_semaphore, #tpu.memory_space<semaphore_mem>>)
    %dma_start3A_1730 = arith.constant 240 : i32
    %dma_start3A_1731 = arith.constant 0 : i32
    %dma_start3A_1732 = tpu.memref_slice %arg11[%dma_start3A_1730, %dma_start3A_1731] : memref<400x128xf32, #tpu.memory_space<vmem>> -> memref<80x128xf32, #tpu.memory_space<vmem>>
    %dma_start3A_1733 = arith.constant 240 : i32
    %dma_start3A_1734 = tpu.memref_slice %arg9[%dma_start3A_1733] : memref<400xi32, #tpu.memory_space<vmem>> -> memref<80xi32, #tpu.memory_space<vmem>>
    %dma_start3A_1735 = arith.constant 0 : i32
    %dma_start3A_1736 = arith.constant 0 : i32
    %dma_start3A_1737 = tpu.memref_slice %arg5[%dma_start3A_1735, %dma_start3A_1736] : memref<64x128xf32, #tpu.memory_space<vmem_shared>> -> memref<64x128xf32, #tpu.memory_space<vmem_shared>>
    tpu.enqueue_indirect_dma source(%dma_start3A_1737 : memref<64x128xf32, #tpu.memory_space<vmem_shared>>) target(%dma_start3A_1732 : memref<80x128xf32, #tpu.memory_space<vmem>>) offsets(%dma_start3A_1734 : memref<80xi32, #tpu.memory_space<vmem>>) semaphore(%arg15 : memref<!tpu.dma_semaphore, #tpu.memory_space<semaphore_mem>>)
    %dma_start3A_1738 = arith.constant 320 : i32
    %dma_start3A_1739 = arith.constant 0 : i32
    %dma_start3A_1740 = tpu.memref_slice %arg11[%dma_start3A_1738, %dma_start3A_1739] : memref<400x128xf32, #tpu.memory_space<vmem>> -> memref<80x128xf32, #tpu.memory_space<vmem>>
    %dma_start3A_1741 = arith.constant 320 : i32
    %dma_start3A_1742 = tpu.memref_slice %arg9[%dma_start3A_1741] : memref<400xi32, #tpu.memory_space<vmem>> -> memref<80xi32, #tpu.memory_space<vmem>>
    %dma_start3A_1743 = arith.constant 0 : i32
    %dma_start3A_1744 = arith.constant 0 : i32
    %dma_start3A_1745 = tpu.memref_slice %arg5[%dma_start3A_1743, %dma_start3A_1744] : memref<64x128xf32, #tpu.memory_space<vmem_shared>> -> memref<64x128xf32, #tpu.memory_space<vmem_shared>>
    tpu.enqueue_indirect_dma source(%dma_start3A_1745 : memref<64x128xf32, #tpu.memory_space<vmem_shared>>) target(%dma_start3A_1740 : memref<80x128xf32, #tpu.memory_space<vmem>>) offsets(%dma_start3A_1742 : memref<80xi32, #tpu.memory_space<vmem>>) semaphore(%arg15 : memref<!tpu.dma_semaphore, #tpu.memory_space<semaphore_mem>>)
    %dma_wait3A_1746 = arith.constant 0 : i32
    %dma_wait3A_1747 = arith.constant 0 : i32
    %dma_wait3A_1748 = tpu.memref_slice %arg10[%dma_wait3A_1746, %dma_wait3A_1747] : memref<400x128xf32, #tpu.memory_space<vmem>> -> memref<80x128xf32, #tpu.memory_space<vmem>>
    %dma_wait3A_1749 = arith.constant 0 : i32
    %dma_wait3A_1750 = tpu.memref_slice %arg8[%dma_wait3A_1749] : memref<400xi32, #tpu.memory_space<vmem>> -> memref<80xi32, #tpu.memory_space<vmem>>
    %dma_wait3A_1751 = arith.constant 0 : i32
    %dma_wait3A_1752 = arith.constant 0 : i32
    %dma_wait3A_1753 = tpu.memref_slice %arg5[%dma_wait3A_1751, %dma_wait3A_1752] : memref<64x128xf32, #tpu.memory_space<vmem_shared>> -> memref<64x128xf32, #tpu.memory_space<vmem_shared>>
    tpu.wait_indirect_dma semaphore(%arg14 : memref<!tpu.dma_semaphore, #tpu.memory_space<semaphore_mem>>) src(%dma_wait3A_1753 : memref<64x128xf32, #tpu.memory_space<vmem_shared>>) dst(%dma_wait3A_1748 : memref<80x128xf32, #tpu.memory_space<vmem>>)
    %dma_wait3A_1754 = arith.constant 80 : i32
    %dma_wait3A_1755 = arith.constant 0 : i32
    %dma_wait3A_1756 = tpu.memref_slice %arg10[%dma_wait3A_1754, %dma_wait3A_1755] : memref<400x128xf32, #tpu.memory_space<vmem>> -> memref<80x128xf32, #tpu.memory_space<vmem>>
    %dma_wait3A_1757 = arith.constant 80 : i32
    %dma_wait3A_1758 = tpu.memref_slice %arg8[%dma_wait3A_1757] : memref<400xi32, #tpu.memory_space<vmem>> -> memref<80xi32, #tpu.memory_space<vmem>>
    %dma_wait3A_1759 = arith.constant 0 : i32
    %dma_wait3A_1760 = arith.constant 0 : i32
    %dma_wait3A_1761 = tpu.memref_slice %arg5[%dma_wait3A_1759, %dma_wait3A_1760] : memref<64x128xf32, #tpu.memory_space<vmem_shared>> -> memref<64x128xf32, #tpu.memory_space<vmem_shared>>
    tpu.wait_indirect_dma semaphore(%arg14 : memref<!tpu.dma_semaphore, #tpu.memory_space<semaphore_mem>>) src(%dma_wait3A_1761 : memref<64x128xf32, #tpu.memory_space<vmem_shared>>) dst(%dma_wait3A_1756 : memref<80x128xf32, #tpu.memory_space<vmem>>)
    %dma_wait3A_1762 = arith.constant 160 : i32
    %dma_wait3A_1763 = arith.constant 0 : i32
    %dma_wait3A_1764 = tpu.memref_slice %arg10[%dma_wait3A_1762, %dma_wait3A_1763] : memref<400x128xf32, #tpu.memory_space<vmem>> -> memref<80x128xf32, #tpu.memory_space<vmem>>
    %dma_wait3A_1765 = arith.constant 160 : i32
    %dma_wait3A_1766 = tpu.memref_slice %arg8[%dma_wait3A_1765] : memref<400xi32, #tpu.memory_space<vmem>> -> memref<80xi32, #tpu.memory_space<vmem>>
    %dma_wait3A_1767 = arith.constant 0 : i32
    %dma_wait3A_1768 = arith.constant 0 : i32
    %dma_wait3A_1769 = tpu.memref_slice %arg5[%dma_wait3A_1767, %dma_wait3A_1768] : memref<64x128xf32, #tpu.memory_space<vmem_shared>> -> memref<64x128xf32, #tpu.memory_space<vmem_shared>>
    tpu.wait_indirect_dma semaphore(%arg14 : memref<!tpu.dma_semaphore, #tpu.memory_space<semaphore_mem>>) src(%dma_wait3A_1769 : memref<64x128xf32, #tpu.memory_space<vmem_shared>>) dst(%dma_wait3A_1764 : memref<80x128xf32, #tpu.memory_space<vmem>>)
    %dma_wait3A_1770 = arith.constant 240 : i32
    %dma_wait3A_1771 = arith.constant 0 : i32
    %dma_wait3A_1772 = tpu.memref_slice %arg10[%dma_wait3A_1770, %dma_wait3A_1771] : memref<400x128xf32, #tpu.memory_space<vmem>> -> memref<80x128xf32, #tpu.memory_space<vmem>>
    %dma_wait3A_1773 = arith.constant 240 : i32
    %dma_wait3A_1774 = tpu.memref_slice %arg8[%dma_wait3A_1773] : memref<400xi32, #tpu.memory_space<vmem>> -> memref<80xi32, #tpu.memory_space<vmem>>
    %dma_wait3A_1775 = arith.constant 0 : i32
    %dma_wait3A_1776 = arith.constant 0 : i32
    %dma_wait3A_1777 = tpu.memref_slice %arg5[%dma_wait3A_1775, %dma_wait3A_1776] : memref<64x128xf32, #tpu.memory_space<vmem_shared>> -> memref<64x128xf32, #tpu.memory_space<vmem_shared>>
    tpu.wait_indirect_dma semaphore(%arg14 : memref<!tpu.dma_semaphore, #tpu.memory_space<semaphore_mem>>) src(%dma_wait3A_1777 : memref<64x128xf32, #tpu.memory_space<vmem_shared>>) dst(%dma_wait3A_1772 : memref<80x128xf32, #tpu.memory_space<vmem>>)
    %dma_wait3A_1778 = arith.constant 320 : i32
    %dma_wait3A_1779 = arith.constant 0 : i32
    %dma_wait3A_1780 = tpu.memref_slice %arg10[%dma_wait3A_1778, %dma_wait3A_1779] : memref<400x128xf32, #tpu.memory_space<vmem>> -> memref<80x128xf32, #tpu.memory_space<vmem>>
    %dma_wait3A_1781 = arith.constant 320 : i32
    %dma_wait3A_1782 = tpu.memref_slice %arg8[%dma_wait3A_1781] : memref<400xi32, #tpu.memory_space<vmem>> -> memref<80xi32, #tpu.memory_space<vmem>>
    %dma_wait3A_1783 = arith.constant 0 : i32
    %dma_wait3A_1784 = arith.constant 0 : i32
    %dma_wait3A_1785 = tpu.memref_slice %arg5[%dma_wait3A_1783, %dma_wait3A_1784] : memref<64x128xf32, #tpu.memory_space<vmem_shared>> -> memref<64x128xf32, #tpu.memory_space<vmem_shared>>
    tpu.wait_indirect_dma semaphore(%arg14 : memref<!tpu.dma_semaphore, #tpu.memory_space<semaphore_mem>>) src(%dma_wait3A_1785 : memref<64x128xf32, #tpu.memory_space<vmem_shared>>) dst(%dma_wait3A_1780 : memref<80x128xf32, #tpu.memory_space<vmem>>)
    %add3A_1786 = arith.constant 6400 : i32
    %add3A_1787 = arith.addi %mul3A_2, %add3A_1786 : i32
    %dma_start3A_1788 = arith.constant 0 : i32
    %dma_start3A_1789 = tpu.memref_slice %arg4[%add3A_1787, %dma_start3A_1788] : memref<320000x128xf32, #tpu.memory_space<hbm>> -> memref<400x128xf32, #tpu.memory_space<hbm>>
    %dma_start3A_1790 = arith.constant 0 : i32
    %dma_start3A_1791 = tpu.memref_slice %arg4[%add3A_1787, %dma_start3A_1790] : memref<320000x128xf32, #tpu.memory_space<hbm>> -> memref<400x128xf32, #tpu.memory_space<hbm>>
    tpu.enqueue_dma source(%arg10 : memref<400x128xf32, #tpu.memory_space<vmem>>) target(%dma_start3A_1791 : memref<400x128xf32, #tpu.memory_space<hbm>>) target_semaphore(%arg16 : memref<!tpu.dma_semaphore, #tpu.memory_space<semaphore_mem>>)
    %add3A_1792 = arith.constant 22800 : i32
    %add3A_1793 = arith.addi %mul3A_8, %add3A_1792 : i32
    %dma_start3A_1794 = tpu.memref_slice %arg3[%add3A_1793] : memref<960000xi32, #tpu.memory_space<hbm>> -> memref<1200xi32, #tpu.memory_space<hbm>>
    %dma_start3A_1795 = tpu.memref_slice %arg3[%add3A_1793] : memref<960000xi32, #tpu.memory_space<hbm>> -> memref<1200xi32, #tpu.memory_space<hbm>>
    tpu.enqueue_dma source(%dma_start3A_1795 : memref<1200xi32, #tpu.memory_space<hbm>>) target(%arg7 : memref<1200xi32, #tpu.memory_space<vmem>>) target_semaphore(%arg13 : memref<!tpu.dma_semaphore, #tpu.memory_space<semaphore_mem>>)
    %dma_wait3A_1796 = tpu.memref_slice %arg3[%add3A_1691] : memref<960000xi32, #tpu.memory_space<hbm>> -> memref<1200xi32, #tpu.memory_space<hbm>>
    %dma_wait3A_1797 = tpu.memref_slice %arg3[%add3A_1691] : memref<960000xi32, #tpu.memory_space<hbm>> -> memref<1200xi32, #tpu.memory_space<hbm>>
    tpu.wait_dma2 semaphore(%arg12 : memref<!tpu.dma_semaphore, #tpu.memory_space<semaphore_mem>>) src(%dma_wait3A_1797 : memref<1200xi32, #tpu.memory_space<hbm>>) dst(%arg6 : memref<1200xi32, #tpu.memory_space<vmem>>)
    %scan3A_1798 = arith.constant 0 : i32
    %scan3A_1799 = arith.constant 0 : i32
    %scan3A_1800 = arith.constant 25 : i32
    %scan3A_1801 = arith.addi %scan3A_1799, %scan3A_1800 : i32
    %scan3A_1802 = arith.constant 1 : i32
    scf.for %scan3A_2556 = %scan3A_1799 to %scan3A_1801 step %scan3A_1802  : i32 {
      %mul3A_2557 = arith.constant 16 : i32
      %mul3A_2558 = arith.muli %scan3A_2556, %mul3A_2557 : i32
      %get3A = arith.index_cast %mul3A_2558 : i32 to index
      %get3A_2559 = tpu.vector_load %arg6[%get3A] {strides = array<i32>} : memref<1200xi32, #tpu.memory_space<vmem>>, vector<16xi32>,
      %get3A_2560 = vector.shape_cast %get3A_2559 : vector<16xi32> to vector<16xi32>
      %add3A_2561 = arith.constant 400 : i32
      %add3A_2562 = arith.addi %add3A_2561, %mul3A_2558 : i32
      %get3A_2563 = arith.index_cast %add3A_2562 : i32 to index
      %get3A_2564 = tpu.vector_load %arg6[%get3A_2563] {strides = array<i32>} : memref<1200xi32, #tpu.memory_space<vmem>>, vector<16xi32>,
      %get3A_2565 = vector.shape_cast %get3A_2564 : vector<16xi32> to vector<16xi32>
      %add3A_2566 = arith.constant 800 : i32
      %add3A_2567 = arith.addi %add3A_2566, %mul3A_2558 : i32
      %get3A_2568 = arith.index_cast %add3A_2567 : i32 to index
      %get3A_2569 = tpu.vector_load %arg6[%get3A_2568] {strides = array<i32>} : memref<1200xi32, #tpu.memory_space<vmem>>, vector<16xi32>,
      %get3A_2570 = vector.shape_cast %get3A_2569 : vector<16xi32> to vector<16xi32>
      %mul3A_2571 = arith.constant 12 : i32
      %mul3A_2572 = vector.broadcast %mul3A_2571 : i32 to vector<16xi32>
      %mul3A_2573 = arith.muli %get3A_2560, %mul3A_2572 : vector<16xi32>
      %mul3A_2574 = arith.constant 2 : i32
      %mul3A_2575 = vector.broadcast %mul3A_2574 : i32 to vector<16xi32>
      %mul3A_2576 = arith.muli %get3A_2565, %mul3A_2575 : vector<16xi32>
      %add3A_2577 = arith.addi %mul3A_2573, %mul3A_2576 : vector<16xi32>
      %add3A_2578 = arith.addi %add3A_2577, %get3A_2570 : vector<16xi32>
      %swap3A = arith.index_cast %mul3A_2558 : i32 to index
      %swap3A_2579 = tpu.vector_load %arg8[%swap3A] {strides = array<i32>} : memref<400xi32, #tpu.memory_space<vmem>>, vector<16xi32>,
      %swap3A_2580 = vector.shape_cast %swap3A_2579 : vector<16xi32> to vector<16xi32>
      %swap3A_2581 = vector.shape_cast %add3A_2578 : vector<16xi32> to vector<16xi32>
      tpu.vector_store %arg8[%swap3A], %swap3A_2581 {strides = array<i32>} : memref<400xi32, #tpu.memory_space<vmem>>, vector<16xi32>,
    }
    %scan3A_1803 = arith.constant 25 : i32
    %dma_wait3A_1804 = arith.constant 0 : i32
    %dma_wait3A_1805 = tpu.memref_slice %arg4[%add3A_1787, %dma_wait3A_1804] : memref<320000x128xf32, #tpu.memory_space<hbm>> -> memref<400x128xf32, #tpu.memory_space<hbm>>
    %dma_wait3A_1806 = arith.constant 0 : i32
    %dma_wait3A_1807 = tpu.memref_slice %arg4[%add3A_1787, %dma_wait3A_1806] : memref<320000x128xf32, #tpu.memory_space<hbm>> -> memref<400x128xf32, #tpu.memory_space<hbm>>
    tpu.wait_dma2 semaphore(%arg16 : memref<!tpu.dma_semaphore, #tpu.memory_space<semaphore_mem>>) src(%arg10 : memref<400x128xf32, #tpu.memory_space<vmem>>) dst(%dma_wait3A_1807 : memref<400x128xf32, #tpu.memory_space<hbm>>)
    %dma_start3A_1808 = arith.constant 0 : i32
    %dma_start3A_1809 = arith.constant 0 : i32
    %dma_start3A_1810 = tpu.memref_slice %arg10[%dma_start3A_1808, %dma_start3A_1809] : memref<400x128xf32, #tpu.memory_space<vmem>> -> memref<80x128xf32, #tpu.memory_space<vmem>>
    %dma_start3A_1811 = arith.constant 0 : i32
    %dma_start3A_1812 = tpu.memref_slice %arg8[%dma_start3A_1811] : memref<400xi32, #tpu.memory_space<vmem>> -> memref<80xi32, #tpu.memory_space<vmem>>
    %dma_start3A_1813 = arith.constant 0 : i32
    %dma_start3A_1814 = arith.constant 0 : i32
    %dma_start3A_1815 = tpu.memref_slice %arg5[%dma_start3A_1813, %dma_start3A_1814] : memref<64x128xf32, #tpu.memory_space<vmem_shared>> -> memref<64x128xf32, #tpu.memory_space<vmem_shared>>
    tpu.enqueue_indirect_dma source(%dma_start3A_1815 : memref<64x128xf32, #tpu.memory_space<vmem_shared>>) target(%dma_start3A_1810 : memref<80x128xf32, #tpu.memory_space<vmem>>) offsets(%dma_start3A_1812 : memref<80xi32, #tpu.memory_space<vmem>>) semaphore(%arg14 : memref<!tpu.dma_semaphore, #tpu.memory_space<semaphore_mem>>)
    %dma_start3A_1816 = arith.constant 80 : i32
    %dma_start3A_1817 = arith.constant 0 : i32
    %dma_start3A_1818 = tpu.memref_slice %arg10[%dma_start3A_1816, %dma_start3A_1817] : memref<400x128xf32, #tpu.memory_space<vmem>> -> memref<80x128xf32, #tpu.memory_space<vmem>>
    %dma_start3A_1819 = arith.constant 80 : i32
    %dma_start3A_1820 = tpu.memref_slice %arg8[%dma_start3A_1819] : memref<400xi32, #tpu.memory_space<vmem>> -> memref<80xi32, #tpu.memory_space<vmem>>
    %dma_start3A_1821 = arith.constant 0 : i32
    %dma_start3A_1822 = arith.constant 0 : i32
    %dma_start3A_1823 = tpu.memref_slice %arg5[%dma_start3A_1821, %dma_start3A_1822] : memref<64x128xf32, #tpu.memory_space<vmem_shared>> -> memref<64x128xf32, #tpu.memory_space<vmem_shared>>
    tpu.enqueue_indirect_dma source(%dma_start3A_1823 : memref<64x128xf32, #tpu.memory_space<vmem_shared>>) target(%dma_start3A_1818 : memref<80x128xf32, #tpu.memory_space<vmem>>) offsets(%dma_start3A_1820 : memref<80xi32, #tpu.memory_space<vmem>>) semaphore(%arg14 : memref<!tpu.dma_semaphore, #tpu.memory_space<semaphore_mem>>)
    %dma_start3A_1824 = arith.constant 160 : i32
    %dma_start3A_1825 = arith.constant 0 : i32
    %dma_start3A_1826 = tpu.memref_slice %arg10[%dma_start3A_1824, %dma_start3A_1825] : memref<400x128xf32, #tpu.memory_space<vmem>> -> memref<80x128xf32, #tpu.memory_space<vmem>>
    %dma_start3A_1827 = arith.constant 160 : i32
    %dma_start3A_1828 = tpu.memref_slice %arg8[%dma_start3A_1827] : memref<400xi32, #tpu.memory_space<vmem>> -> memref<80xi32, #tpu.memory_space<vmem>>
    %dma_start3A_1829 = arith.constant 0 : i32
    %dma_start3A_1830 = arith.constant 0 : i32
    %dma_start3A_1831 = tpu.memref_slice %arg5[%dma_start3A_1829, %dma_start3A_1830] : memref<64x128xf32, #tpu.memory_space<vmem_shared>> -> memref<64x128xf32, #tpu.memory_space<vmem_shared>>
    tpu.enqueue_indirect_dma source(%dma_start3A_1831 : memref<64x128xf32, #tpu.memory_space<vmem_shared>>) target(%dma_start3A_1826 : memref<80x128xf32, #tpu.memory_space<vmem>>) offsets(%dma_start3A_1828 : memref<80xi32, #tpu.memory_space<vmem>>) semaphore(%arg14 : memref<!tpu.dma_semaphore, #tpu.memory_space<semaphore_mem>>)
    %dma_start3A_1832 = arith.constant 240 : i32
    %dma_start3A_1833 = arith.constant 0 : i32
    %dma_start3A_1834 = tpu.memref_slice %arg10[%dma_start3A_1832, %dma_start3A_1833] : memref<400x128xf32, #tpu.memory_space<vmem>> -> memref<80x128xf32, #tpu.memory_space<vmem>>
    %dma_start3A_1835 = arith.constant 240 : i32
    %dma_start3A_1836 = tpu.memref_slice %arg8[%dma_start3A_1835] : memref<400xi32, #tpu.memory_space<vmem>> -> memref<80xi32, #tpu.memory_space<vmem>>
    %dma_start3A_1837 = arith.constant 0 : i32
    %dma_start3A_1838 = arith.constant 0 : i32
    %dma_start3A_1839 = tpu.memref_slice %arg5[%dma_start3A_1837, %dma_start3A_1838] : memref<64x128xf32, #tpu.memory_space<vmem_shared>> -> memref<64x128xf32, #tpu.memory_space<vmem_shared>>
    tpu.enqueue_indirect_dma source(%dma_start3A_1839 : memref<64x128xf32, #tpu.memory_space<vmem_shared>>) target(%dma_start3A_1834 : memref<80x128xf32, #tpu.memory_space<vmem>>) offsets(%dma_start3A_1836 : memref<80xi32, #tpu.memory_space<vmem>>) semaphore(%arg14 : memref<!tpu.dma_semaphore, #tpu.memory_space<semaphore_mem>>)
    %dma_start3A_1840 = arith.constant 320 : i32
    %dma_start3A_1841 = arith.constant 0 : i32
    %dma_start3A_1842 = tpu.memref_slice %arg10[%dma_start3A_1840, %dma_start3A_1841] : memref<400x128xf32, #tpu.memory_space<vmem>> -> memref<80x128xf32, #tpu.memory_space<vmem>>
    %dma_start3A_1843 = arith.constant 320 : i32
    %dma_start3A_1844 = tpu.memref_slice %arg8[%dma_start3A_1843] : memref<400xi32, #tpu.memory_space<vmem>> -> memref<80xi32, #tpu.memory_space<vmem>>
    %dma_start3A_1845 = arith.constant 0 : i32
    %dma_start3A_1846 = arith.constant 0 : i32
    %dma_start3A_1847 = tpu.memref_slice %arg5[%dma_start3A_1845, %dma_start3A_1846] : memref<64x128xf32, #tpu.memory_space<vmem_shared>> -> memref<64x128xf32, #tpu.memory_space<vmem_shared>>
    tpu.enqueue_indirect_dma source(%dma_start3A_1847 : memref<64x128xf32, #tpu.memory_space<vmem_shared>>) target(%dma_start3A_1842 : memref<80x128xf32, #tpu.memory_space<vmem>>) offsets(%dma_start3A_1844 : memref<80xi32, #tpu.memory_space<vmem>>) semaphore(%arg14 : memref<!tpu.dma_semaphore, #tpu.memory_space<semaphore_mem>>)
    %dma_wait3A_1848 = arith.constant 0 : i32
    %dma_wait3A_1849 = arith.constant 0 : i32
    %dma_wait3A_1850 = tpu.memref_slice %arg11[%dma_wait3A_1848, %dma_wait3A_1849] : memref<400x128xf32, #tpu.memory_space<vmem>> -> memref<80x128xf32, #tpu.memory_space<vmem>>
    %dma_wait3A_1851 = arith.constant 0 : i32
    %dma_wait3A_1852 = tpu.memref_slice %arg9[%dma_wait3A_1851] : memref<400xi32, #tpu.memory_space<vmem>> -> memref<80xi32, #tpu.memory_space<vmem>>
    %dma_wait3A_1853 = arith.constant 0 : i32
    %dma_wait3A_1854 = arith.constant 0 : i32
    %dma_wait3A_1855 = tpu.memref_slice %arg5[%dma_wait3A_1853, %dma_wait3A_1854] : memref<64x128xf32, #tpu.memory_space<vmem_shared>> -> memref<64x128xf32, #tpu.memory_space<vmem_shared>>
    tpu.wait_indirect_dma semaphore(%arg15 : memref<!tpu.dma_semaphore, #tpu.memory_space<semaphore_mem>>) src(%dma_wait3A_1855 : memref<64x128xf32, #tpu.memory_space<vmem_shared>>) dst(%dma_wait3A_1850 : memref<80x128xf32, #tpu.memory_space<vmem>>)
    %dma_wait3A_1856 = arith.constant 80 : i32
    %dma_wait3A_1857 = arith.constant 0 : i32
    %dma_wait3A_1858 = tpu.memref_slice %arg11[%dma_wait3A_1856, %dma_wait3A_1857] : memref<400x128xf32, #tpu.memory_space<vmem>> -> memref<80x128xf32, #tpu.memory_space<vmem>>
    %dma_wait3A_1859 = arith.constant 80 : i32
    %dma_wait3A_1860 = tpu.memref_slice %arg9[%dma_wait3A_1859] : memref<400xi32, #tpu.memory_space<vmem>> -> memref<80xi32, #tpu.memory_space<vmem>>
    %dma_wait3A_1861 = arith.constant 0 : i32
    %dma_wait3A_1862 = arith.constant 0 : i32
    %dma_wait3A_1863 = tpu.memref_slice %arg5[%dma_wait3A_1861, %dma_wait3A_1862] : memref<64x128xf32, #tpu.memory_space<vmem_shared>> -> memref<64x128xf32, #tpu.memory_space<vmem_shared>>
    tpu.wait_indirect_dma semaphore(%arg15 : memref<!tpu.dma_semaphore, #tpu.memory_space<semaphore_mem>>) src(%dma_wait3A_1863 : memref<64x128xf32, #tpu.memory_space<vmem_shared>>) dst(%dma_wait3A_1858 : memref<80x128xf32, #tpu.memory_space<vmem>>)
    %dma_wait3A_1864 = arith.constant 160 : i32
    %dma_wait3A_1865 = arith.constant 0 : i32
    %dma_wait3A_1866 = tpu.memref_slice %arg11[%dma_wait3A_1864, %dma_wait3A_1865] : memref<400x128xf32, #tpu.memory_space<vmem>> -> memref<80x128xf32, #tpu.memory_space<vmem>>
    %dma_wait3A_1867 = arith.constant 160 : i32
    %dma_wait3A_1868 = tpu.memref_slice %arg9[%dma_wait3A_1867] : memref<400xi32, #tpu.memory_space<vmem>> -> memref<80xi32, #tpu.memory_space<vmem>>
    %dma_wait3A_1869 = arith.constant 0 : i32
    %dma_wait3A_1870 = arith.constant 0 : i32
    %dma_wait3A_1871 = tpu.memref_slice %arg5[%dma_wait3A_1869, %dma_wait3A_1870] : memref<64x128xf32, #tpu.memory_space<vmem_shared>> -> memref<64x128xf32, #tpu.memory_space<vmem_shared>>
    tpu.wait_indirect_dma semaphore(%arg15 : memref<!tpu.dma_semaphore, #tpu.memory_space<semaphore_mem>>) src(%dma_wait3A_1871 : memref<64x128xf32, #tpu.memory_space<vmem_shared>>) dst(%dma_wait3A_1866 : memref<80x128xf32, #tpu.memory_space<vmem>>)
    %dma_wait3A_1872 = arith.constant 240 : i32
    %dma_wait3A_1873 = arith.constant 0 : i32
    %dma_wait3A_1874 = tpu.memref_slice %arg11[%dma_wait3A_1872, %dma_wait3A_1873] : memref<400x128xf32, #tpu.memory_space<vmem>> -> memref<80x128xf32, #tpu.memory_space<vmem>>
    %dma_wait3A_1875 = arith.constant 240 : i32
    %dma_wait3A_1876 = tpu.memref_slice %arg9[%dma_wait3A_1875] : memref<400xi32, #tpu.memory_space<vmem>> -> memref<80xi32, #tpu.memory_space<vmem>>
    %dma_wait3A_1877 = arith.constant 0 : i32
    %dma_wait3A_1878 = arith.constant 0 : i32
    %dma_wait3A_1879 = tpu.memref_slice %arg5[%dma_wait3A_1877, %dma_wait3A_1878] : memref<64x128xf32, #tpu.memory_space<vmem_shared>> -> memref<64x128xf32, #tpu.memory_space<vmem_shared>>
    tpu.wait_indirect_dma semaphore(%arg15 : memref<!tpu.dma_semaphore, #tpu.memory_space<semaphore_mem>>) src(%dma_wait3A_1879 : memref<64x128xf32, #tpu.memory_space<vmem_shared>>) dst(%dma_wait3A_1874 : memref<80x128xf32, #tpu.memory_space<vmem>>)
    %dma_wait3A_1880 = arith.constant 320 : i32
    %dma_wait3A_1881 = arith.constant 0 : i32
    %dma_wait3A_1882 = tpu.memref_slice %arg11[%dma_wait3A_1880, %dma_wait3A_1881] : memref<400x128xf32, #tpu.memory_space<vmem>> -> memref<80x128xf32, #tpu.memory_space<vmem>>
    %dma_wait3A_1883 = arith.constant 320 : i32
    %dma_wait3A_1884 = tpu.memref_slice %arg9[%dma_wait3A_1883] : memref<400xi32, #tpu.memory_space<vmem>> -> memref<80xi32, #tpu.memory_space<vmem>>
    %dma_wait3A_1885 = arith.constant 0 : i32
    %dma_wait3A_1886 = arith.constant 0 : i32
    %dma_wait3A_1887 = tpu.memref_slice %arg5[%dma_wait3A_1885, %dma_wait3A_1886] : memref<64x128xf32, #tpu.memory_space<vmem_shared>> -> memref<64x128xf32, #tpu.memory_space<vmem_shared>>
    tpu.wait_indirect_dma semaphore(%arg15 : memref<!tpu.dma_semaphore, #tpu.memory_space<semaphore_mem>>) src(%dma_wait3A_1887 : memref<64x128xf32, #tpu.memory_space<vmem_shared>>) dst(%dma_wait3A_1882 : memref<80x128xf32, #tpu.memory_space<vmem>>)
    %add3A_1888 = arith.constant 6800 : i32
    %add3A_1889 = arith.addi %mul3A_2, %add3A_1888 : i32
    %dma_start3A_1890 = arith.constant 0 : i32
    %dma_start3A_1891 = tpu.memref_slice %arg4[%add3A_1889, %dma_start3A_1890] : memref<320000x128xf32, #tpu.memory_space<hbm>> -> memref<400x128xf32, #tpu.memory_space<hbm>>
    %dma_start3A_1892 = arith.constant 0 : i32
    %dma_start3A_1893 = tpu.memref_slice %arg4[%add3A_1889, %dma_start3A_1892] : memref<320000x128xf32, #tpu.memory_space<hbm>> -> memref<400x128xf32, #tpu.memory_space<hbm>>
    tpu.enqueue_dma source(%arg11 : memref<400x128xf32, #tpu.memory_space<vmem>>) target(%dma_start3A_1893 : memref<400x128xf32, #tpu.memory_space<hbm>>) target_semaphore(%arg17 : memref<!tpu.dma_semaphore, #tpu.memory_space<semaphore_mem>>)
    %add3A_1894 = arith.constant 24000 : i32
    %add3A_1895 = arith.addi %mul3A_8, %add3A_1894 : i32
    %dma_start3A_1896 = tpu.memref_slice %arg3[%add3A_1895] : memref<960000xi32, #tpu.memory_space<hbm>> -> memref<1200xi32, #tpu.memory_space<hbm>>
    %dma_start3A_1897 = tpu.memref_slice %arg3[%add3A_1895] : memref<960000xi32, #tpu.memory_space<hbm>> -> memref<1200xi32, #tpu.memory_space<hbm>>
    tpu.enqueue_dma source(%dma_start3A_1897 : memref<1200xi32, #tpu.memory_space<hbm>>) target(%arg6 : memref<1200xi32, #tpu.memory_space<vmem>>) target_semaphore(%arg12 : memref<!tpu.dma_semaphore, #tpu.memory_space<semaphore_mem>>)
    %dma_wait3A_1898 = tpu.memref_slice %arg3[%add3A_1793] : memref<960000xi32, #tpu.memory_space<hbm>> -> memref<1200xi32, #tpu.memory_space<hbm>>
    %dma_wait3A_1899 = tpu.memref_slice %arg3[%add3A_1793] : memref<960000xi32, #tpu.memory_space<hbm>> -> memref<1200xi32, #tpu.memory_space<hbm>>
    tpu.wait_dma2 semaphore(%arg13 : memref<!tpu.dma_semaphore, #tpu.memory_space<semaphore_mem>>) src(%dma_wait3A_1899 : memref<1200xi32, #tpu.memory_space<hbm>>) dst(%arg7 : memref<1200xi32, #tpu.memory_space<vmem>>)
    %scan3A_1900 = arith.constant 0 : i32
    %scan3A_1901 = arith.constant 0 : i32
    %scan3A_1902 = arith.constant 25 : i32
    %scan3A_1903 = arith.addi %scan3A_1901, %scan3A_1902 : i32
    %scan3A_1904 = arith.constant 1 : i32
    scf.for %scan3A_2556 = %scan3A_1901 to %scan3A_1903 step %scan3A_1904  : i32 {
      %mul3A_2557 = arith.constant 16 : i32
      %mul3A_2558 = arith.muli %scan3A_2556, %mul3A_2557 : i32
      %get3A = arith.index_cast %mul3A_2558 : i32 to index
      %get3A_2559 = tpu.vector_load %arg7[%get3A] {strides = array<i32>} : memref<1200xi32, #tpu.memory_space<vmem>>, vector<16xi32>,
      %get3A_2560 = vector.shape_cast %get3A_2559 : vector<16xi32> to vector<16xi32>
      %add3A_2561 = arith.constant 400 : i32
      %add3A_2562 = arith.addi %add3A_2561, %mul3A_2558 : i32
      %get3A_2563 = arith.index_cast %add3A_2562 : i32 to index
      %get3A_2564 = tpu.vector_load %arg7[%get3A_2563] {strides = array<i32>} : memref<1200xi32, #tpu.memory_space<vmem>>, vector<16xi32>,
      %get3A_2565 = vector.shape_cast %get3A_2564 : vector<16xi32> to vector<16xi32>
      %add3A_2566 = arith.constant 800 : i32
      %add3A_2567 = arith.addi %add3A_2566, %mul3A_2558 : i32
      %get3A_2568 = arith.index_cast %add3A_2567 : i32 to index
      %get3A_2569 = tpu.vector_load %arg7[%get3A_2568] {strides = array<i32>} : memref<1200xi32, #tpu.memory_space<vmem>>, vector<16xi32>,
      %get3A_2570 = vector.shape_cast %get3A_2569 : vector<16xi32> to vector<16xi32>
      %mul3A_2571 = arith.constant 12 : i32
      %mul3A_2572 = vector.broadcast %mul3A_2571 : i32 to vector<16xi32>
      %mul3A_2573 = arith.muli %get3A_2560, %mul3A_2572 : vector<16xi32>
      %mul3A_2574 = arith.constant 2 : i32
      %mul3A_2575 = vector.broadcast %mul3A_2574 : i32 to vector<16xi32>
      %mul3A_2576 = arith.muli %get3A_2565, %mul3A_2575 : vector<16xi32>
      %add3A_2577 = arith.addi %mul3A_2573, %mul3A_2576 : vector<16xi32>
      %add3A_2578 = arith.addi %add3A_2577, %get3A_2570 : vector<16xi32>
      %swap3A = arith.index_cast %mul3A_2558 : i32 to index
      %swap3A_2579 = tpu.vector_load %arg9[%swap3A] {strides = array<i32>} : memref<400xi32, #tpu.memory_space<vmem>>, vector<16xi32>,
      %swap3A_2580 = vector.shape_cast %swap3A_2579 : vector<16xi32> to vector<16xi32>
      %swap3A_2581 = vector.shape_cast %add3A_2578 : vector<16xi32> to vector<16xi32>
      tpu.vector_store %arg9[%swap3A], %swap3A_2581 {strides = array<i32>} : memref<400xi32, #tpu.memory_space<vmem>>, vector<16xi32>,
    }
    %scan3A_1905 = arith.constant 25 : i32
    %dma_wait3A_1906 = arith.constant 0 : i32
    %dma_wait3A_1907 = tpu.memref_slice %arg4[%add3A_1889, %dma_wait3A_1906] : memref<320000x128xf32, #tpu.memory_space<hbm>> -> memref<400x128xf32, #tpu.memory_space<hbm>>
    %dma_wait3A_1908 = arith.constant 0 : i32
    %dma_wait3A_1909 = tpu.memref_slice %arg4[%add3A_1889, %dma_wait3A_1908] : memref<320000x128xf32, #tpu.memory_space<hbm>> -> memref<400x128xf32, #tpu.memory_space<hbm>>
    tpu.wait_dma2 semaphore(%arg17 : memref<!tpu.dma_semaphore, #tpu.memory_space<semaphore_mem>>) src(%arg11 : memref<400x128xf32, #tpu.memory_space<vmem>>) dst(%dma_wait3A_1909 : memref<400x128xf32, #tpu.memory_space<hbm>>)
    %dma_start3A_1910 = arith.constant 0 : i32
    %dma_start3A_1911 = arith.constant 0 : i32
    %dma_start3A_1912 = tpu.memref_slice %arg11[%dma_start3A_1910, %dma_start3A_1911] : memref<400x128xf32, #tpu.memory_space<vmem>> -> memref<80x128xf32, #tpu.memory_space<vmem>>
    %dma_start3A_1913 = arith.constant 0 : i32
    %dma_start3A_1914 = tpu.memref_slice %arg9[%dma_start3A_1913] : memref<400xi32, #tpu.memory_space<vmem>> -> memref<80xi32, #tpu.memory_space<vmem>>
    %dma_start3A_1915 = arith.constant 0 : i32
    %dma_start3A_1916 = arith.constant 0 : i32
    %dma_start3A_1917 = tpu.memref_slice %arg5[%dma_start3A_1915, %dma_start3A_1916] : memref<64x128xf32, #tpu.memory_space<vmem_shared>> -> memref<64x128xf32, #tpu.memory_space<vmem_shared>>
    tpu.enqueue_indirect_dma source(%dma_start3A_1917 : memref<64x128xf32, #tpu.memory_space<vmem_shared>>) target(%dma_start3A_1912 : memref<80x128xf32, #tpu.memory_space<vmem>>) offsets(%dma_start3A_1914 : memref<80xi32, #tpu.memory_space<vmem>>) semaphore(%arg15 : memref<!tpu.dma_semaphore, #tpu.memory_space<semaphore_mem>>)
    %dma_start3A_1918 = arith.constant 80 : i32
    %dma_start3A_1919 = arith.constant 0 : i32
    %dma_start3A_1920 = tpu.memref_slice %arg11[%dma_start3A_1918, %dma_start3A_1919] : memref<400x128xf32, #tpu.memory_space<vmem>> -> memref<80x128xf32, #tpu.memory_space<vmem>>
    %dma_start3A_1921 = arith.constant 80 : i32
    %dma_start3A_1922 = tpu.memref_slice %arg9[%dma_start3A_1921] : memref<400xi32, #tpu.memory_space<vmem>> -> memref<80xi32, #tpu.memory_space<vmem>>
    %dma_start3A_1923 = arith.constant 0 : i32
    %dma_start3A_1924 = arith.constant 0 : i32
    %dma_start3A_1925 = tpu.memref_slice %arg5[%dma_start3A_1923, %dma_start3A_1924] : memref<64x128xf32, #tpu.memory_space<vmem_shared>> -> memref<64x128xf32, #tpu.memory_space<vmem_shared>>
    tpu.enqueue_indirect_dma source(%dma_start3A_1925 : memref<64x128xf32, #tpu.memory_space<vmem_shared>>) target(%dma_start3A_1920 : memref<80x128xf32, #tpu.memory_space<vmem>>) offsets(%dma_start3A_1922 : memref<80xi32, #tpu.memory_space<vmem>>) semaphore(%arg15 : memref<!tpu.dma_semaphore, #tpu.memory_space<semaphore_mem>>)
    %dma_start3A_1926 = arith.constant 160 : i32
    %dma_start3A_1927 = arith.constant 0 : i32
    %dma_start3A_1928 = tpu.memref_slice %arg11[%dma_start3A_1926, %dma_start3A_1927] : memref<400x128xf32, #tpu.memory_space<vmem>> -> memref<80x128xf32, #tpu.memory_space<vmem>>
    %dma_start3A_1929 = arith.constant 160 : i32
    %dma_start3A_1930 = tpu.memref_slice %arg9[%dma_start3A_1929] : memref<400xi32, #tpu.memory_space<vmem>> -> memref<80xi32, #tpu.memory_space<vmem>>
    %dma_start3A_1931 = arith.constant 0 : i32
    %dma_start3A_1932 = arith.constant 0 : i32
    %dma_start3A_1933 = tpu.memref_slice %arg5[%dma_start3A_1931, %dma_start3A_1932] : memref<64x128xf32, #tpu.memory_space<vmem_shared>> -> memref<64x128xf32, #tpu.memory_space<vmem_shared>>
    tpu.enqueue_indirect_dma source(%dma_start3A_1933 : memref<64x128xf32, #tpu.memory_space<vmem_shared>>) target(%dma_start3A_1928 : memref<80x128xf32, #tpu.memory_space<vmem>>) offsets(%dma_start3A_1930 : memref<80xi32, #tpu.memory_space<vmem>>) semaphore(%arg15 : memref<!tpu.dma_semaphore, #tpu.memory_space<semaphore_mem>>)
    %dma_start3A_1934 = arith.constant 240 : i32
    %dma_start3A_1935 = arith.constant 0 : i32
    %dma_start3A_1936 = tpu.memref_slice %arg11[%dma_start3A_1934, %dma_start3A_1935] : memref<400x128xf32, #tpu.memory_space<vmem>> -> memref<80x128xf32, #tpu.memory_space<vmem>>
    %dma_start3A_1937 = arith.constant 240 : i32
    %dma_start3A_1938 = tpu.memref_slice %arg9[%dma_start3A_1937] : memref<400xi32, #tpu.memory_space<vmem>> -> memref<80xi32, #tpu.memory_space<vmem>>
    %dma_start3A_1939 = arith.constant 0 : i32
    %dma_start3A_1940 = arith.constant 0 : i32
    %dma_start3A_1941 = tpu.memref_slice %arg5[%dma_start3A_1939, %dma_start3A_1940] : memref<64x128xf32, #tpu.memory_space<vmem_shared>> -> memref<64x128xf32, #tpu.memory_space<vmem_shared>>
    tpu.enqueue_indirect_dma source(%dma_start3A_1941 : memref<64x128xf32, #tpu.memory_space<vmem_shared>>) target(%dma_start3A_1936 : memref<80x128xf32, #tpu.memory_space<vmem>>) offsets(%dma_start3A_1938 : memref<80xi32, #tpu.memory_space<vmem>>) semaphore(%arg15 : memref<!tpu.dma_semaphore, #tpu.memory_space<semaphore_mem>>)
    %dma_start3A_1942 = arith.constant 320 : i32
    %dma_start3A_1943 = arith.constant 0 : i32
    %dma_start3A_1944 = tpu.memref_slice %arg11[%dma_start3A_1942, %dma_start3A_1943] : memref<400x128xf32, #tpu.memory_space<vmem>> -> memref<80x128xf32, #tpu.memory_space<vmem>>
    %dma_start3A_1945 = arith.constant 320 : i32
    %dma_start3A_1946 = tpu.memref_slice %arg9[%dma_start3A_1945] : memref<400xi32, #tpu.memory_space<vmem>> -> memref<80xi32, #tpu.memory_space<vmem>>
    %dma_start3A_1947 = arith.constant 0 : i32
    %dma_start3A_1948 = arith.constant 0 : i32
    %dma_start3A_1949 = tpu.memref_slice %arg5[%dma_start3A_1947, %dma_start3A_1948] : memref<64x128xf32, #tpu.memory_space<vmem_shared>> -> memref<64x128xf32, #tpu.memory_space<vmem_shared>>
    tpu.enqueue_indirect_dma source(%dma_start3A_1949 : memref<64x128xf32, #tpu.memory_space<vmem_shared>>) target(%dma_start3A_1944 : memref<80x128xf32, #tpu.memory_space<vmem>>) offsets(%dma_start3A_1946 : memref<80xi32, #tpu.memory_space<vmem>>) semaphore(%arg15 : memref<!tpu.dma_semaphore, #tpu.memory_space<semaphore_mem>>)
    %dma_wait3A_1950 = arith.constant 0 : i32
    %dma_wait3A_1951 = arith.constant 0 : i32
    %dma_wait3A_1952 = tpu.memref_slice %arg10[%dma_wait3A_1950, %dma_wait3A_1951] : memref<400x128xf32, #tpu.memory_space<vmem>> -> memref<80x128xf32, #tpu.memory_space<vmem>>
    %dma_wait3A_1953 = arith.constant 0 : i32
    %dma_wait3A_1954 = tpu.memref_slice %arg8[%dma_wait3A_1953] : memref<400xi32, #tpu.memory_space<vmem>> -> memref<80xi32, #tpu.memory_space<vmem>>
    %dma_wait3A_1955 = arith.constant 0 : i32
    %dma_wait3A_1956 = arith.constant 0 : i32
    %dma_wait3A_1957 = tpu.memref_slice %arg5[%dma_wait3A_1955, %dma_wait3A_1956] : memref<64x128xf32, #tpu.memory_space<vmem_shared>> -> memref<64x128xf32, #tpu.memory_space<vmem_shared>>
    tpu.wait_indirect_dma semaphore(%arg14 : memref<!tpu.dma_semaphore, #tpu.memory_space<semaphore_mem>>) src(%dma_wait3A_1957 : memref<64x128xf32, #tpu.memory_space<vmem_shared>>) dst(%dma_wait3A_1952 : memref<80x128xf32, #tpu.memory_space<vmem>>)
    %dma_wait3A_1958 = arith.constant 80 : i32
    %dma_wait3A_1959 = arith.constant 0 : i32
    %dma_wait3A_1960 = tpu.memref_slice %arg10[%dma_wait3A_1958, %dma_wait3A_1959] : memref<400x128xf32, #tpu.memory_space<vmem>> -> memref<80x128xf32, #tpu.memory_space<vmem>>
    %dma_wait3A_1961 = arith.constant 80 : i32
    %dma_wait3A_1962 = tpu.memref_slice %arg8[%dma_wait3A_1961] : memref<400xi32, #tpu.memory_space<vmem>> -> memref<80xi32, #tpu.memory_space<vmem>>
    %dma_wait3A_1963 = arith.constant 0 : i32
    %dma_wait3A_1964 = arith.constant 0 : i32
    %dma_wait3A_1965 = tpu.memref_slice %arg5[%dma_wait3A_1963, %dma_wait3A_1964] : memref<64x128xf32, #tpu.memory_space<vmem_shared>> -> memref<64x128xf32, #tpu.memory_space<vmem_shared>>
    tpu.wait_indirect_dma semaphore(%arg14 : memref<!tpu.dma_semaphore, #tpu.memory_space<semaphore_mem>>) src(%dma_wait3A_1965 : memref<64x128xf32, #tpu.memory_space<vmem_shared>>) dst(%dma_wait3A_1960 : memref<80x128xf32, #tpu.memory_space<vmem>>)
    %dma_wait3A_1966 = arith.constant 160 : i32
    %dma_wait3A_1967 = arith.constant 0 : i32
    %dma_wait3A_1968 = tpu.memref_slice %arg10[%dma_wait3A_1966, %dma_wait3A_1967] : memref<400x128xf32, #tpu.memory_space<vmem>> -> memref<80x128xf32, #tpu.memory_space<vmem>>
    %dma_wait3A_1969 = arith.constant 160 : i32
    %dma_wait3A_1970 = tpu.memref_slice %arg8[%dma_wait3A_1969] : memref<400xi32, #tpu.memory_space<vmem>> -> memref<80xi32, #tpu.memory_space<vmem>>
    %dma_wait3A_1971 = arith.constant 0 : i32
    %dma_wait3A_1972 = arith.constant 0 : i32
    %dma_wait3A_1973 = tpu.memref_slice %arg5[%dma_wait3A_1971, %dma_wait3A_1972] : memref<64x128xf32, #tpu.memory_space<vmem_shared>> -> memref<64x128xf32, #tpu.memory_space<vmem_shared>>
    tpu.wait_indirect_dma semaphore(%arg14 : memref<!tpu.dma_semaphore, #tpu.memory_space<semaphore_mem>>) src(%dma_wait3A_1973 : memref<64x128xf32, #tpu.memory_space<vmem_shared>>) dst(%dma_wait3A_1968 : memref<80x128xf32, #tpu.memory_space<vmem>>)
    %dma_wait3A_1974 = arith.constant 240 : i32
    %dma_wait3A_1975 = arith.constant 0 : i32
    %dma_wait3A_1976 = tpu.memref_slice %arg10[%dma_wait3A_1974, %dma_wait3A_1975] : memref<400x128xf32, #tpu.memory_space<vmem>> -> memref<80x128xf32, #tpu.memory_space<vmem>>
    %dma_wait3A_1977 = arith.constant 240 : i32
    %dma_wait3A_1978 = tpu.memref_slice %arg8[%dma_wait3A_1977] : memref<400xi32, #tpu.memory_space<vmem>> -> memref<80xi32, #tpu.memory_space<vmem>>
    %dma_wait3A_1979 = arith.constant 0 : i32
    %dma_wait3A_1980 = arith.constant 0 : i32
    %dma_wait3A_1981 = tpu.memref_slice %arg5[%dma_wait3A_1979, %dma_wait3A_1980] : memref<64x128xf32, #tpu.memory_space<vmem_shared>> -> memref<64x128xf32, #tpu.memory_space<vmem_shared>>
    tpu.wait_indirect_dma semaphore(%arg14 : memref<!tpu.dma_semaphore, #tpu.memory_space<semaphore_mem>>) src(%dma_wait3A_1981 : memref<64x128xf32, #tpu.memory_space<vmem_shared>>) dst(%dma_wait3A_1976 : memref<80x128xf32, #tpu.memory_space<vmem>>)
    %dma_wait3A_1982 = arith.constant 320 : i32
    %dma_wait3A_1983 = arith.constant 0 : i32
    %dma_wait3A_1984 = tpu.memref_slice %arg10[%dma_wait3A_1982, %dma_wait3A_1983] : memref<400x128xf32, #tpu.memory_space<vmem>> -> memref<80x128xf32, #tpu.memory_space<vmem>>
    %dma_wait3A_1985 = arith.constant 320 : i32
    %dma_wait3A_1986 = tpu.memref_slice %arg8[%dma_wait3A_1985] : memref<400xi32, #tpu.memory_space<vmem>> -> memref<80xi32, #tpu.memory_space<vmem>>
    %dma_wait3A_1987 = arith.constant 0 : i32
    %dma_wait3A_1988 = arith.constant 0 : i32
    %dma_wait3A_1989 = tpu.memref_slice %arg5[%dma_wait3A_1987, %dma_wait3A_1988] : memref<64x128xf32, #tpu.memory_space<vmem_shared>> -> memref<64x128xf32, #tpu.memory_space<vmem_shared>>
    tpu.wait_indirect_dma semaphore(%arg14 : memref<!tpu.dma_semaphore, #tpu.memory_space<semaphore_mem>>) src(%dma_wait3A_1989 : memref<64x128xf32, #tpu.memory_space<vmem_shared>>) dst(%dma_wait3A_1984 : memref<80x128xf32, #tpu.memory_space<vmem>>)
    %add3A_1990 = arith.constant 7200 : i32
    %add3A_1991 = arith.addi %mul3A_2, %add3A_1990 : i32
    %dma_start3A_1992 = arith.constant 0 : i32
    %dma_start3A_1993 = tpu.memref_slice %arg4[%add3A_1991, %dma_start3A_1992] : memref<320000x128xf32, #tpu.memory_space<hbm>> -> memref<400x128xf32, #tpu.memory_space<hbm>>
    %dma_start3A_1994 = arith.constant 0 : i32
    %dma_start3A_1995 = tpu.memref_slice %arg4[%add3A_1991, %dma_start3A_1994] : memref<320000x128xf32, #tpu.memory_space<hbm>> -> memref<400x128xf32, #tpu.memory_space<hbm>>
    tpu.enqueue_dma source(%arg10 : memref<400x128xf32, #tpu.memory_space<vmem>>) target(%dma_start3A_1995 : memref<400x128xf32, #tpu.memory_space<hbm>>) target_semaphore(%arg16 : memref<!tpu.dma_semaphore, #tpu.memory_space<semaphore_mem>>)
    %add3A_1996 = arith.constant 25200 : i32
    %add3A_1997 = arith.addi %mul3A_8, %add3A_1996 : i32
    %dma_start3A_1998 = tpu.memref_slice %arg3[%add3A_1997] : memref<960000xi32, #tpu.memory_space<hbm>> -> memref<1200xi32, #tpu.memory_space<hbm>>
    %dma_start3A_1999 = tpu.memref_slice %arg3[%add3A_1997] : memref<960000xi32, #tpu.memory_space<hbm>> -> memref<1200xi32, #tpu.memory_space<hbm>>
    tpu.enqueue_dma source(%dma_start3A_1999 : memref<1200xi32, #tpu.memory_space<hbm>>) target(%arg7 : memref<1200xi32, #tpu.memory_space<vmem>>) target_semaphore(%arg13 : memref<!tpu.dma_semaphore, #tpu.memory_space<semaphore_mem>>)
    %dma_wait3A_2000 = tpu.memref_slice %arg3[%add3A_1895] : memref<960000xi32, #tpu.memory_space<hbm>> -> memref<1200xi32, #tpu.memory_space<hbm>>
    %dma_wait3A_2001 = tpu.memref_slice %arg3[%add3A_1895] : memref<960000xi32, #tpu.memory_space<hbm>> -> memref<1200xi32, #tpu.memory_space<hbm>>
    tpu.wait_dma2 semaphore(%arg12 : memref<!tpu.dma_semaphore, #tpu.memory_space<semaphore_mem>>) src(%dma_wait3A_2001 : memref<1200xi32, #tpu.memory_space<hbm>>) dst(%arg6 : memref<1200xi32, #tpu.memory_space<vmem>>)
    %scan3A_2002 = arith.constant 0 : i32
    %scan3A_2003 = arith.constant 0 : i32
    %scan3A_2004 = arith.constant 25 : i32
    %scan3A_2005 = arith.addi %scan3A_2003, %scan3A_2004 : i32
    %scan3A_2006 = arith.constant 1 : i32
    scf.for %scan3A_2556 = %scan3A_2003 to %scan3A_2005 step %scan3A_2006  : i32 {
      %mul3A_2557 = arith.constant 16 : i32
      %mul3A_2558 = arith.muli %scan3A_2556, %mul3A_2557 : i32
      %get3A = arith.index_cast %mul3A_2558 : i32 to index
      %get3A_2559 = tpu.vector_load %arg6[%get3A] {strides = array<i32>} : memref<1200xi32, #tpu.memory_space<vmem>>, vector<16xi32>,
      %get3A_2560 = vector.shape_cast %get3A_2559 : vector<16xi32> to vector<16xi32>
      %add3A_2561 = arith.constant 400 : i32
      %add3A_2562 = arith.addi %add3A_2561, %mul3A_2558 : i32
      %get3A_2563 = arith.index_cast %add3A_2562 : i32 to index
      %get3A_2564 = tpu.vector_load %arg6[%get3A_2563] {strides = array<i32>} : memref<1200xi32, #tpu.memory_space<vmem>>, vector<16xi32>,
      %get3A_2565 = vector.shape_cast %get3A_2564 : vector<16xi32> to vector<16xi32>
      %add3A_2566 = arith.constant 800 : i32
      %add3A_2567 = arith.addi %add3A_2566, %mul3A_2558 : i32
      %get3A_2568 = arith.index_cast %add3A_2567 : i32 to index
      %get3A_2569 = tpu.vector_load %arg6[%get3A_2568] {strides = array<i32>} : memref<1200xi32, #tpu.memory_space<vmem>>, vector<16xi32>,
      %get3A_2570 = vector.shape_cast %get3A_2569 : vector<16xi32> to vector<16xi32>
      %mul3A_2571 = arith.constant 12 : i32
      %mul3A_2572 = vector.broadcast %mul3A_2571 : i32 to vector<16xi32>
      %mul3A_2573 = arith.muli %get3A_2560, %mul3A_2572 : vector<16xi32>
      %mul3A_2574 = arith.constant 2 : i32
      %mul3A_2575 = vector.broadcast %mul3A_2574 : i32 to vector<16xi32>
      %mul3A_2576 = arith.muli %get3A_2565, %mul3A_2575 : vector<16xi32>
      %add3A_2577 = arith.addi %mul3A_2573, %mul3A_2576 : vector<16xi32>
      %add3A_2578 = arith.addi %add3A_2577, %get3A_2570 : vector<16xi32>
      %swap3A = arith.index_cast %mul3A_2558 : i32 to index
      %swap3A_2579 = tpu.vector_load %arg8[%swap3A] {strides = array<i32>} : memref<400xi32, #tpu.memory_space<vmem>>, vector<16xi32>,
      %swap3A_2580 = vector.shape_cast %swap3A_2579 : vector<16xi32> to vector<16xi32>
      %swap3A_2581 = vector.shape_cast %add3A_2578 : vector<16xi32> to vector<16xi32>
      tpu.vector_store %arg8[%swap3A], %swap3A_2581 {strides = array<i32>} : memref<400xi32, #tpu.memory_space<vmem>>, vector<16xi32>,
    }
    %scan3A_2007 = arith.constant 25 : i32
    %dma_wait3A_2008 = arith.constant 0 : i32
    %dma_wait3A_2009 = tpu.memref_slice %arg4[%add3A_1991, %dma_wait3A_2008] : memref<320000x128xf32, #tpu.memory_space<hbm>> -> memref<400x128xf32, #tpu.memory_space<hbm>>
    %dma_wait3A_2010 = arith.constant 0 : i32
    %dma_wait3A_2011 = tpu.memref_slice %arg4[%add3A_1991, %dma_wait3A_2010] : memref<320000x128xf32, #tpu.memory_space<hbm>> -> memref<400x128xf32, #tpu.memory_space<hbm>>
    tpu.wait_dma2 semaphore(%arg16 : memref<!tpu.dma_semaphore, #tpu.memory_space<semaphore_mem>>) src(%arg10 : memref<400x128xf32, #tpu.memory_space<vmem>>) dst(%dma_wait3A_2011 : memref<400x128xf32, #tpu.memory_space<hbm>>)
    %dma_start3A_2012 = arith.constant 0 : i32
    %dma_start3A_2013 = arith.constant 0 : i32
    %dma_start3A_2014 = tpu.memref_slice %arg10[%dma_start3A_2012, %dma_start3A_2013] : memref<400x128xf32, #tpu.memory_space<vmem>> -> memref<80x128xf32, #tpu.memory_space<vmem>>
    %dma_start3A_2015 = arith.constant 0 : i32
    %dma_start3A_2016 = tpu.memref_slice %arg8[%dma_start3A_2015] : memref<400xi32, #tpu.memory_space<vmem>> -> memref<80xi32, #tpu.memory_space<vmem>>
    %dma_start3A_2017 = arith.constant 0 : i32
    %dma_start3A_2018 = arith.constant 0 : i32
    %dma_start3A_2019 = tpu.memref_slice %arg5[%dma_start3A_2017, %dma_start3A_2018] : memref<64x128xf32, #tpu.memory_space<vmem_shared>> -> memref<64x128xf32, #tpu.memory_space<vmem_shared>>
    tpu.enqueue_indirect_dma source(%dma_start3A_2019 : memref<64x128xf32, #tpu.memory_space<vmem_shared>>) target(%dma_start3A_2014 : memref<80x128xf32, #tpu.memory_space<vmem>>) offsets(%dma_start3A_2016 : memref<80xi32, #tpu.memory_space<vmem>>) semaphore(%arg14 : memref<!tpu.dma_semaphore, #tpu.memory_space<semaphore_mem>>)
    %dma_start3A_2020 = arith.constant 80 : i32
    %dma_start3A_2021 = arith.constant 0 : i32
    %dma_start3A_2022 = tpu.memref_slice %arg10[%dma_start3A_2020, %dma_start3A_2021] : memref<400x128xf32, #tpu.memory_space<vmem>> -> memref<80x128xf32, #tpu.memory_space<vmem>>
    %dma_start3A_2023 = arith.constant 80 : i32
    %dma_start3A_2024 = tpu.memref_slice %arg8[%dma_start3A_2023] : memref<400xi32, #tpu.memory_space<vmem>> -> memref<80xi32, #tpu.memory_space<vmem>>
    %dma_start3A_2025 = arith.constant 0 : i32
    %dma_start3A_2026 = arith.constant 0 : i32
    %dma_start3A_2027 = tpu.memref_slice %arg5[%dma_start3A_2025, %dma_start3A_2026] : memref<64x128xf32, #tpu.memory_space<vmem_shared>> -> memref<64x128xf32, #tpu.memory_space<vmem_shared>>
    tpu.enqueue_indirect_dma source(%dma_start3A_2027 : memref<64x128xf32, #tpu.memory_space<vmem_shared>>) target(%dma_start3A_2022 : memref<80x128xf32, #tpu.memory_space<vmem>>) offsets(%dma_start3A_2024 : memref<80xi32, #tpu.memory_space<vmem>>) semaphore(%arg14 : memref<!tpu.dma_semaphore, #tpu.memory_space<semaphore_mem>>)
    %dma_start3A_2028 = arith.constant 160 : i32
    %dma_start3A_2029 = arith.constant 0 : i32
    %dma_start3A_2030 = tpu.memref_slice %arg10[%dma_start3A_2028, %dma_start3A_2029] : memref<400x128xf32, #tpu.memory_space<vmem>> -> memref<80x128xf32, #tpu.memory_space<vmem>>
    %dma_start3A_2031 = arith.constant 160 : i32
    %dma_start3A_2032 = tpu.memref_slice %arg8[%dma_start3A_2031] : memref<400xi32, #tpu.memory_space<vmem>> -> memref<80xi32, #tpu.memory_space<vmem>>
    %dma_start3A_2033 = arith.constant 0 : i32
    %dma_start3A_2034 = arith.constant 0 : i32
    %dma_start3A_2035 = tpu.memref_slice %arg5[%dma_start3A_2033, %dma_start3A_2034] : memref<64x128xf32, #tpu.memory_space<vmem_shared>> -> memref<64x128xf32, #tpu.memory_space<vmem_shared>>
    tpu.enqueue_indirect_dma source(%dma_start3A_2035 : memref<64x128xf32, #tpu.memory_space<vmem_shared>>) target(%dma_start3A_2030 : memref<80x128xf32, #tpu.memory_space<vmem>>) offsets(%dma_start3A_2032 : memref<80xi32, #tpu.memory_space<vmem>>) semaphore(%arg14 : memref<!tpu.dma_semaphore, #tpu.memory_space<semaphore_mem>>)
    %dma_start3A_2036 = arith.constant 240 : i32
    %dma_start3A_2037 = arith.constant 0 : i32
    %dma_start3A_2038 = tpu.memref_slice %arg10[%dma_start3A_2036, %dma_start3A_2037] : memref<400x128xf32, #tpu.memory_space<vmem>> -> memref<80x128xf32, #tpu.memory_space<vmem>>
    %dma_start3A_2039 = arith.constant 240 : i32
    %dma_start3A_2040 = tpu.memref_slice %arg8[%dma_start3A_2039] : memref<400xi32, #tpu.memory_space<vmem>> -> memref<80xi32, #tpu.memory_space<vmem>>
    %dma_start3A_2041 = arith.constant 0 : i32
    %dma_start3A_2042 = arith.constant 0 : i32
    %dma_start3A_2043 = tpu.memref_slice %arg5[%dma_start3A_2041, %dma_start3A_2042] : memref<64x128xf32, #tpu.memory_space<vmem_shared>> -> memref<64x128xf32, #tpu.memory_space<vmem_shared>>
    tpu.enqueue_indirect_dma source(%dma_start3A_2043 : memref<64x128xf32, #tpu.memory_space<vmem_shared>>) target(%dma_start3A_2038 : memref<80x128xf32, #tpu.memory_space<vmem>>) offsets(%dma_start3A_2040 : memref<80xi32, #tpu.memory_space<vmem>>) semaphore(%arg14 : memref<!tpu.dma_semaphore, #tpu.memory_space<semaphore_mem>>)
    %dma_start3A_2044 = arith.constant 320 : i32
    %dma_start3A_2045 = arith.constant 0 : i32
    %dma_start3A_2046 = tpu.memref_slice %arg10[%dma_start3A_2044, %dma_start3A_2045] : memref<400x128xf32, #tpu.memory_space<vmem>> -> memref<80x128xf32, #tpu.memory_space<vmem>>
    %dma_start3A_2047 = arith.constant 320 : i32
    %dma_start3A_2048 = tpu.memref_slice %arg8[%dma_start3A_2047] : memref<400xi32, #tpu.memory_space<vmem>> -> memref<80xi32, #tpu.memory_space<vmem>>
    %dma_start3A_2049 = arith.constant 0 : i32
    %dma_start3A_2050 = arith.constant 0 : i32
    %dma_start3A_2051 = tpu.memref_slice %arg5[%dma_start3A_2049, %dma_start3A_2050] : memref<64x128xf32, #tpu.memory_space<vmem_shared>> -> memref<64x128xf32, #tpu.memory_space<vmem_shared>>
    tpu.enqueue_indirect_dma source(%dma_start3A_2051 : memref<64x128xf32, #tpu.memory_space<vmem_shared>>) target(%dma_start3A_2046 : memref<80x128xf32, #tpu.memory_space<vmem>>) offsets(%dma_start3A_2048 : memref<80xi32, #tpu.memory_space<vmem>>) semaphore(%arg14 : memref<!tpu.dma_semaphore, #tpu.memory_space<semaphore_mem>>)
    %dma_wait3A_2052 = arith.constant 0 : i32
    %dma_wait3A_2053 = arith.constant 0 : i32
    %dma_wait3A_2054 = tpu.memref_slice %arg11[%dma_wait3A_2052, %dma_wait3A_2053] : memref<400x128xf32, #tpu.memory_space<vmem>> -> memref<80x128xf32, #tpu.memory_space<vmem>>
    %dma_wait3A_2055 = arith.constant 0 : i32
    %dma_wait3A_2056 = tpu.memref_slice %arg9[%dma_wait3A_2055] : memref<400xi32, #tpu.memory_space<vmem>> -> memref<80xi32, #tpu.memory_space<vmem>>
    %dma_wait3A_2057 = arith.constant 0 : i32
    %dma_wait3A_2058 = arith.constant 0 : i32
    %dma_wait3A_2059 = tpu.memref_slice %arg5[%dma_wait3A_2057, %dma_wait3A_2058] : memref<64x128xf32, #tpu.memory_space<vmem_shared>> -> memref<64x128xf32, #tpu.memory_space<vmem_shared>>
    tpu.wait_indirect_dma semaphore(%arg15 : memref<!tpu.dma_semaphore, #tpu.memory_space<semaphore_mem>>) src(%dma_wait3A_2059 : memref<64x128xf32, #tpu.memory_space<vmem_shared>>) dst(%dma_wait3A_2054 : memref<80x128xf32, #tpu.memory_space<vmem>>)
    %dma_wait3A_2060 = arith.constant 80 : i32
    %dma_wait3A_2061 = arith.constant 0 : i32
    %dma_wait3A_2062 = tpu.memref_slice %arg11[%dma_wait3A_2060, %dma_wait3A_2061] : memref<400x128xf32, #tpu.memory_space<vmem>> -> memref<80x128xf32, #tpu.memory_space<vmem>>
    %dma_wait3A_2063 = arith.constant 80 : i32
    %dma_wait3A_2064 = tpu.memref_slice %arg9[%dma_wait3A_2063] : memref<400xi32, #tpu.memory_space<vmem>> -> memref<80xi32, #tpu.memory_space<vmem>>
    %dma_wait3A_2065 = arith.constant 0 : i32
    %dma_wait3A_2066 = arith.constant 0 : i32
    %dma_wait3A_2067 = tpu.memref_slice %arg5[%dma_wait3A_2065, %dma_wait3A_2066] : memref<64x128xf32, #tpu.memory_space<vmem_shared>> -> memref<64x128xf32, #tpu.memory_space<vmem_shared>>
    tpu.wait_indirect_dma semaphore(%arg15 : memref<!tpu.dma_semaphore, #tpu.memory_space<semaphore_mem>>) src(%dma_wait3A_2067 : memref<64x128xf32, #tpu.memory_space<vmem_shared>>) dst(%dma_wait3A_2062 : memref<80x128xf32, #tpu.memory_space<vmem>>)
    %dma_wait3A_2068 = arith.constant 160 : i32
    %dma_wait3A_2069 = arith.constant 0 : i32
    %dma_wait3A_2070 = tpu.memref_slice %arg11[%dma_wait3A_2068, %dma_wait3A_2069] : memref<400x128xf32, #tpu.memory_space<vmem>> -> memref<80x128xf32, #tpu.memory_space<vmem>>
    %dma_wait3A_2071 = arith.constant 160 : i32
    %dma_wait3A_2072 = tpu.memref_slice %arg9[%dma_wait3A_2071] : memref<400xi32, #tpu.memory_space<vmem>> -> memref<80xi32, #tpu.memory_space<vmem>>
    %dma_wait3A_2073 = arith.constant 0 : i32
    %dma_wait3A_2074 = arith.constant 0 : i32
    %dma_wait3A_2075 = tpu.memref_slice %arg5[%dma_wait3A_2073, %dma_wait3A_2074] : memref<64x128xf32, #tpu.memory_space<vmem_shared>> -> memref<64x128xf32, #tpu.memory_space<vmem_shared>>
    tpu.wait_indirect_dma semaphore(%arg15 : memref<!tpu.dma_semaphore, #tpu.memory_space<semaphore_mem>>) src(%dma_wait3A_2075 : memref<64x128xf32, #tpu.memory_space<vmem_shared>>) dst(%dma_wait3A_2070 : memref<80x128xf32, #tpu.memory_space<vmem>>)
    %dma_wait3A_2076 = arith.constant 240 : i32
    %dma_wait3A_2077 = arith.constant 0 : i32
    %dma_wait3A_2078 = tpu.memref_slice %arg11[%dma_wait3A_2076, %dma_wait3A_2077] : memref<400x128xf32, #tpu.memory_space<vmem>> -> memref<80x128xf32, #tpu.memory_space<vmem>>
    %dma_wait3A_2079 = arith.constant 240 : i32
    %dma_wait3A_2080 = tpu.memref_slice %arg9[%dma_wait3A_2079] : memref<400xi32, #tpu.memory_space<vmem>> -> memref<80xi32, #tpu.memory_space<vmem>>
    %dma_wait3A_2081 = arith.constant 0 : i32
    %dma_wait3A_2082 = arith.constant 0 : i32
    %dma_wait3A_2083 = tpu.memref_slice %arg5[%dma_wait3A_2081, %dma_wait3A_2082] : memref<64x128xf32, #tpu.memory_space<vmem_shared>> -> memref<64x128xf32, #tpu.memory_space<vmem_shared>>
    tpu.wait_indirect_dma semaphore(%arg15 : memref<!tpu.dma_semaphore, #tpu.memory_space<semaphore_mem>>) src(%dma_wait3A_2083 : memref<64x128xf32, #tpu.memory_space<vmem_shared>>) dst(%dma_wait3A_2078 : memref<80x128xf32, #tpu.memory_space<vmem>>)
    %dma_wait3A_2084 = arith.constant 320 : i32
    %dma_wait3A_2085 = arith.constant 0 : i32
    %dma_wait3A_2086 = tpu.memref_slice %arg11[%dma_wait3A_2084, %dma_wait3A_2085] : memref<400x128xf32, #tpu.memory_space<vmem>> -> memref<80x128xf32, #tpu.memory_space<vmem>>
    %dma_wait3A_2087 = arith.constant 320 : i32
    %dma_wait3A_2088 = tpu.memref_slice %arg9[%dma_wait3A_2087] : memref<400xi32, #tpu.memory_space<vmem>> -> memref<80xi32, #tpu.memory_space<vmem>>
    %dma_wait3A_2089 = arith.constant 0 : i32
    %dma_wait3A_2090 = arith.constant 0 : i32
    %dma_wait3A_2091 = tpu.memref_slice %arg5[%dma_wait3A_2089, %dma_wait3A_2090] : memref<64x128xf32, #tpu.memory_space<vmem_shared>> -> memref<64x128xf32, #tpu.memory_space<vmem_shared>>
    tpu.wait_indirect_dma semaphore(%arg15 : memref<!tpu.dma_semaphore, #tpu.memory_space<semaphore_mem>>) src(%dma_wait3A_2091 : memref<64x128xf32, #tpu.memory_space<vmem_shared>>) dst(%dma_wait3A_2086 : memref<80x128xf32, #tpu.memory_space<vmem>>)
    %add3A_2092 = arith.constant 7600 : i32
    %add3A_2093 = arith.addi %mul3A_2, %add3A_2092 : i32
    %dma_start3A_2094 = arith.constant 0 : i32
    %dma_start3A_2095 = tpu.memref_slice %arg4[%add3A_2093, %dma_start3A_2094] : memref<320000x128xf32, #tpu.memory_space<hbm>> -> memref<400x128xf32, #tpu.memory_space<hbm>>
    %dma_start3A_2096 = arith.constant 0 : i32
    %dma_start3A_2097 = tpu.memref_slice %arg4[%add3A_2093, %dma_start3A_2096] : memref<320000x128xf32, #tpu.memory_space<hbm>> -> memref<400x128xf32, #tpu.memory_space<hbm>>
    tpu.enqueue_dma source(%arg11 : memref<400x128xf32, #tpu.memory_space<vmem>>) target(%dma_start3A_2097 : memref<400x128xf32, #tpu.memory_space<hbm>>) target_semaphore(%arg17 : memref<!tpu.dma_semaphore, #tpu.memory_space<semaphore_mem>>)
    %add3A_2098 = arith.constant 26400 : i32
    %add3A_2099 = arith.addi %mul3A_8, %add3A_2098 : i32
    %dma_start3A_2100 = tpu.memref_slice %arg3[%add3A_2099] : memref<960000xi32, #tpu.memory_space<hbm>> -> memref<1200xi32, #tpu.memory_space<hbm>>
    %dma_start3A_2101 = tpu.memref_slice %arg3[%add3A_2099] : memref<960000xi32, #tpu.memory_space<hbm>> -> memref<1200xi32, #tpu.memory_space<hbm>>
    tpu.enqueue_dma source(%dma_start3A_2101 : memref<1200xi32, #tpu.memory_space<hbm>>) target(%arg6 : memref<1200xi32, #tpu.memory_space<vmem>>) target_semaphore(%arg12 : memref<!tpu.dma_semaphore, #tpu.memory_space<semaphore_mem>>)
    %dma_wait3A_2102 = tpu.memref_slice %arg3[%add3A_1997] : memref<960000xi32, #tpu.memory_space<hbm>> -> memref<1200xi32, #tpu.memory_space<hbm>>
    %dma_wait3A_2103 = tpu.memref_slice %arg3[%add3A_1997] : memref<960000xi32, #tpu.memory_space<hbm>> -> memref<1200xi32, #tpu.memory_space<hbm>>
    tpu.wait_dma2 semaphore(%arg13 : memref<!tpu.dma_semaphore, #tpu.memory_space<semaphore_mem>>) src(%dma_wait3A_2103 : memref<1200xi32, #tpu.memory_space<hbm>>) dst(%arg7 : memref<1200xi32, #tpu.memory_space<vmem>>)
    %scan3A_2104 = arith.constant 0 : i32
    %scan3A_2105 = arith.constant 0 : i32
    %scan3A_2106 = arith.constant 25 : i32
    %scan3A_2107 = arith.addi %scan3A_2105, %scan3A_2106 : i32
    %scan3A_2108 = arith.constant 1 : i32
    scf.for %scan3A_2556 = %scan3A_2105 to %scan3A_2107 step %scan3A_2108  : i32 {
      %mul3A_2557 = arith.constant 16 : i32
      %mul3A_2558 = arith.muli %scan3A_2556, %mul3A_2557 : i32
      %get3A = arith.index_cast %mul3A_2558 : i32 to index
      %get3A_2559 = tpu.vector_load %arg7[%get3A] {strides = array<i32>} : memref<1200xi32, #tpu.memory_space<vmem>>, vector<16xi32>,
      %get3A_2560 = vector.shape_cast %get3A_2559 : vector<16xi32> to vector<16xi32>
      %add3A_2561 = arith.constant 400 : i32
      %add3A_2562 = arith.addi %add3A_2561, %mul3A_2558 : i32
      %get3A_2563 = arith.index_cast %add3A_2562 : i32 to index
      %get3A_2564 = tpu.vector_load %arg7[%get3A_2563] {strides = array<i32>} : memref<1200xi32, #tpu.memory_space<vmem>>, vector<16xi32>,
      %get3A_2565 = vector.shape_cast %get3A_2564 : vector<16xi32> to vector<16xi32>
      %add3A_2566 = arith.constant 800 : i32
      %add3A_2567 = arith.addi %add3A_2566, %mul3A_2558 : i32
      %get3A_2568 = arith.index_cast %add3A_2567 : i32 to index
      %get3A_2569 = tpu.vector_load %arg7[%get3A_2568] {strides = array<i32>} : memref<1200xi32, #tpu.memory_space<vmem>>, vector<16xi32>,
      %get3A_2570 = vector.shape_cast %get3A_2569 : vector<16xi32> to vector<16xi32>
      %mul3A_2571 = arith.constant 12 : i32
      %mul3A_2572 = vector.broadcast %mul3A_2571 : i32 to vector<16xi32>
      %mul3A_2573 = arith.muli %get3A_2560, %mul3A_2572 : vector<16xi32>
      %mul3A_2574 = arith.constant 2 : i32
      %mul3A_2575 = vector.broadcast %mul3A_2574 : i32 to vector<16xi32>
      %mul3A_2576 = arith.muli %get3A_2565, %mul3A_2575 : vector<16xi32>
      %add3A_2577 = arith.addi %mul3A_2573, %mul3A_2576 : vector<16xi32>
      %add3A_2578 = arith.addi %add3A_2577, %get3A_2570 : vector<16xi32>
      %swap3A = arith.index_cast %mul3A_2558 : i32 to index
      %swap3A_2579 = tpu.vector_load %arg9[%swap3A] {strides = array<i32>} : memref<400xi32, #tpu.memory_space<vmem>>, vector<16xi32>,
      %swap3A_2580 = vector.shape_cast %swap3A_2579 : vector<16xi32> to vector<16xi32>
      %swap3A_2581 = vector.shape_cast %add3A_2578 : vector<16xi32> to vector<16xi32>
      tpu.vector_store %arg9[%swap3A], %swap3A_2581 {strides = array<i32>} : memref<400xi32, #tpu.memory_space<vmem>>, vector<16xi32>,
    }
    %scan3A_2109 = arith.constant 25 : i32
    %dma_wait3A_2110 = arith.constant 0 : i32
    %dma_wait3A_2111 = tpu.memref_slice %arg4[%add3A_2093, %dma_wait3A_2110] : memref<320000x128xf32, #tpu.memory_space<hbm>> -> memref<400x128xf32, #tpu.memory_space<hbm>>
    %dma_wait3A_2112 = arith.constant 0 : i32
    %dma_wait3A_2113 = tpu.memref_slice %arg4[%add3A_2093, %dma_wait3A_2112] : memref<320000x128xf32, #tpu.memory_space<hbm>> -> memref<400x128xf32, #tpu.memory_space<hbm>>
    tpu.wait_dma2 semaphore(%arg17 : memref<!tpu.dma_semaphore, #tpu.memory_space<semaphore_mem>>) src(%arg11 : memref<400x128xf32, #tpu.memory_space<vmem>>) dst(%dma_wait3A_2113 : memref<400x128xf32, #tpu.memory_space<hbm>>)
    %dma_start3A_2114 = arith.constant 0 : i32
    %dma_start3A_2115 = arith.constant 0 : i32
    %dma_start3A_2116 = tpu.memref_slice %arg11[%dma_start3A_2114, %dma_start3A_2115] : memref<400x128xf32, #tpu.memory_space<vmem>> -> memref<80x128xf32, #tpu.memory_space<vmem>>
    %dma_start3A_2117 = arith.constant 0 : i32
    %dma_start3A_2118 = tpu.memref_slice %arg9[%dma_start3A_2117] : memref<400xi32, #tpu.memory_space<vmem>> -> memref<80xi32, #tpu.memory_space<vmem>>
    %dma_start3A_2119 = arith.constant 0 : i32
    %dma_start3A_2120 = arith.constant 0 : i32
    %dma_start3A_2121 = tpu.memref_slice %arg5[%dma_start3A_2119, %dma_start3A_2120] : memref<64x128xf32, #tpu.memory_space<vmem_shared>> -> memref<64x128xf32, #tpu.memory_space<vmem_shared>>
    tpu.enqueue_indirect_dma source(%dma_start3A_2121 : memref<64x128xf32, #tpu.memory_space<vmem_shared>>) target(%dma_start3A_2116 : memref<80x128xf32, #tpu.memory_space<vmem>>) offsets(%dma_start3A_2118 : memref<80xi32, #tpu.memory_space<vmem>>) semaphore(%arg15 : memref<!tpu.dma_semaphore, #tpu.memory_space<semaphore_mem>>)
    %dma_start3A_2122 = arith.constant 80 : i32
    %dma_start3A_2123 = arith.constant 0 : i32
    %dma_start3A_2124 = tpu.memref_slice %arg11[%dma_start3A_2122, %dma_start3A_2123] : memref<400x128xf32, #tpu.memory_space<vmem>> -> memref<80x128xf32, #tpu.memory_space<vmem>>
    %dma_start3A_2125 = arith.constant 80 : i32
    %dma_start3A_2126 = tpu.memref_slice %arg9[%dma_start3A_2125] : memref<400xi32, #tpu.memory_space<vmem>> -> memref<80xi32, #tpu.memory_space<vmem>>
    %dma_start3A_2127 = arith.constant 0 : i32
    %dma_start3A_2128 = arith.constant 0 : i32
    %dma_start3A_2129 = tpu.memref_slice %arg5[%dma_start3A_2127, %dma_start3A_2128] : memref<64x128xf32, #tpu.memory_space<vmem_shared>> -> memref<64x128xf32, #tpu.memory_space<vmem_shared>>
    tpu.enqueue_indirect_dma source(%dma_start3A_2129 : memref<64x128xf32, #tpu.memory_space<vmem_shared>>) target(%dma_start3A_2124 : memref<80x128xf32, #tpu.memory_space<vmem>>) offsets(%dma_start3A_2126 : memref<80xi32, #tpu.memory_space<vmem>>) semaphore(%arg15 : memref<!tpu.dma_semaphore, #tpu.memory_space<semaphore_mem>>)
    %dma_start3A_2130 = arith.constant 160 : i32
    %dma_start3A_2131 = arith.constant 0 : i32
    %dma_start3A_2132 = tpu.memref_slice %arg11[%dma_start3A_2130, %dma_start3A_2131] : memref<400x128xf32, #tpu.memory_space<vmem>> -> memref<80x128xf32, #tpu.memory_space<vmem>>
    %dma_start3A_2133 = arith.constant 160 : i32
    %dma_start3A_2134 = tpu.memref_slice %arg9[%dma_start3A_2133] : memref<400xi32, #tpu.memory_space<vmem>> -> memref<80xi32, #tpu.memory_space<vmem>>
    %dma_start3A_2135 = arith.constant 0 : i32
    %dma_start3A_2136 = arith.constant 0 : i32
    %dma_start3A_2137 = tpu.memref_slice %arg5[%dma_start3A_2135, %dma_start3A_2136] : memref<64x128xf32, #tpu.memory_space<vmem_shared>> -> memref<64x128xf32, #tpu.memory_space<vmem_shared>>
    tpu.enqueue_indirect_dma source(%dma_start3A_2137 : memref<64x128xf32, #tpu.memory_space<vmem_shared>>) target(%dma_start3A_2132 : memref<80x128xf32, #tpu.memory_space<vmem>>) offsets(%dma_start3A_2134 : memref<80xi32, #tpu.memory_space<vmem>>) semaphore(%arg15 : memref<!tpu.dma_semaphore, #tpu.memory_space<semaphore_mem>>)
    %dma_start3A_2138 = arith.constant 240 : i32
    %dma_start3A_2139 = arith.constant 0 : i32
    %dma_start3A_2140 = tpu.memref_slice %arg11[%dma_start3A_2138, %dma_start3A_2139] : memref<400x128xf32, #tpu.memory_space<vmem>> -> memref<80x128xf32, #tpu.memory_space<vmem>>
    %dma_start3A_2141 = arith.constant 240 : i32
    %dma_start3A_2142 = tpu.memref_slice %arg9[%dma_start3A_2141] : memref<400xi32, #tpu.memory_space<vmem>> -> memref<80xi32, #tpu.memory_space<vmem>>
    %dma_start3A_2143 = arith.constant 0 : i32
    %dma_start3A_2144 = arith.constant 0 : i32
    %dma_start3A_2145 = tpu.memref_slice %arg5[%dma_start3A_2143, %dma_start3A_2144] : memref<64x128xf32, #tpu.memory_space<vmem_shared>> -> memref<64x128xf32, #tpu.memory_space<vmem_shared>>
    tpu.enqueue_indirect_dma source(%dma_start3A_2145 : memref<64x128xf32, #tpu.memory_space<vmem_shared>>) target(%dma_start3A_2140 : memref<80x128xf32, #tpu.memory_space<vmem>>) offsets(%dma_start3A_2142 : memref<80xi32, #tpu.memory_space<vmem>>) semaphore(%arg15 : memref<!tpu.dma_semaphore, #tpu.memory_space<semaphore_mem>>)
    %dma_start3A_2146 = arith.constant 320 : i32
    %dma_start3A_2147 = arith.constant 0 : i32
    %dma_start3A_2148 = tpu.memref_slice %arg11[%dma_start3A_2146, %dma_start3A_2147] : memref<400x128xf32, #tpu.memory_space<vmem>> -> memref<80x128xf32, #tpu.memory_space<vmem>>
    %dma_start3A_2149 = arith.constant 320 : i32
    %dma_start3A_2150 = tpu.memref_slice %arg9[%dma_start3A_2149] : memref<400xi32, #tpu.memory_space<vmem>> -> memref<80xi32, #tpu.memory_space<vmem>>
    %dma_start3A_2151 = arith.constant 0 : i32
    %dma_start3A_2152 = arith.constant 0 : i32
    %dma_start3A_2153 = tpu.memref_slice %arg5[%dma_start3A_2151, %dma_start3A_2152] : memref<64x128xf32, #tpu.memory_space<vmem_shared>> -> memref<64x128xf32, #tpu.memory_space<vmem_shared>>
    tpu.enqueue_indirect_dma source(%dma_start3A_2153 : memref<64x128xf32, #tpu.memory_space<vmem_shared>>) target(%dma_start3A_2148 : memref<80x128xf32, #tpu.memory_space<vmem>>) offsets(%dma_start3A_2150 : memref<80xi32, #tpu.memory_space<vmem>>) semaphore(%arg15 : memref<!tpu.dma_semaphore, #tpu.memory_space<semaphore_mem>>)
    %dma_wait3A_2154 = arith.constant 0 : i32
    %dma_wait3A_2155 = arith.constant 0 : i32
    %dma_wait3A_2156 = tpu.memref_slice %arg10[%dma_wait3A_2154, %dma_wait3A_2155] : memref<400x128xf32, #tpu.memory_space<vmem>> -> memref<80x128xf32, #tpu.memory_space<vmem>>
    %dma_wait3A_2157 = arith.constant 0 : i32
    %dma_wait3A_2158 = tpu.memref_slice %arg8[%dma_wait3A_2157] : memref<400xi32, #tpu.memory_space<vmem>> -> memref<80xi32, #tpu.memory_space<vmem>>
    %dma_wait3A_2159 = arith.constant 0 : i32
    %dma_wait3A_2160 = arith.constant 0 : i32
    %dma_wait3A_2161 = tpu.memref_slice %arg5[%dma_wait3A_2159, %dma_wait3A_2160] : memref<64x128xf32, #tpu.memory_space<vmem_shared>> -> memref<64x128xf32, #tpu.memory_space<vmem_shared>>
    tpu.wait_indirect_dma semaphore(%arg14 : memref<!tpu.dma_semaphore, #tpu.memory_space<semaphore_mem>>) src(%dma_wait3A_2161 : memref<64x128xf32, #tpu.memory_space<vmem_shared>>) dst(%dma_wait3A_2156 : memref<80x128xf32, #tpu.memory_space<vmem>>)
    %dma_wait3A_2162 = arith.constant 80 : i32
    %dma_wait3A_2163 = arith.constant 0 : i32
    %dma_wait3A_2164 = tpu.memref_slice %arg10[%dma_wait3A_2162, %dma_wait3A_2163] : memref<400x128xf32, #tpu.memory_space<vmem>> -> memref<80x128xf32, #tpu.memory_space<vmem>>
    %dma_wait3A_2165 = arith.constant 80 : i32
    %dma_wait3A_2166 = tpu.memref_slice %arg8[%dma_wait3A_2165] : memref<400xi32, #tpu.memory_space<vmem>> -> memref<80xi32, #tpu.memory_space<vmem>>
    %dma_wait3A_2167 = arith.constant 0 : i32
    %dma_wait3A_2168 = arith.constant 0 : i32
    %dma_wait3A_2169 = tpu.memref_slice %arg5[%dma_wait3A_2167, %dma_wait3A_2168] : memref<64x128xf32, #tpu.memory_space<vmem_shared>> -> memref<64x128xf32, #tpu.memory_space<vmem_shared>>
    tpu.wait_indirect_dma semaphore(%arg14 : memref<!tpu.dma_semaphore, #tpu.memory_space<semaphore_mem>>) src(%dma_wait3A_2169 : memref<64x128xf32, #tpu.memory_space<vmem_shared>>) dst(%dma_wait3A_2164 : memref<80x128xf32, #tpu.memory_space<vmem>>)
    %dma_wait3A_2170 = arith.constant 160 : i32
    %dma_wait3A_2171 = arith.constant 0 : i32
    %dma_wait3A_2172 = tpu.memref_slice %arg10[%dma_wait3A_2170, %dma_wait3A_2171] : memref<400x128xf32, #tpu.memory_space<vmem>> -> memref<80x128xf32, #tpu.memory_space<vmem>>
    %dma_wait3A_2173 = arith.constant 160 : i32
    %dma_wait3A_2174 = tpu.memref_slice %arg8[%dma_wait3A_2173] : memref<400xi32, #tpu.memory_space<vmem>> -> memref<80xi32, #tpu.memory_space<vmem>>
    %dma_wait3A_2175 = arith.constant 0 : i32
    %dma_wait3A_2176 = arith.constant 0 : i32
    %dma_wait3A_2177 = tpu.memref_slice %arg5[%dma_wait3A_2175, %dma_wait3A_2176] : memref<64x128xf32, #tpu.memory_space<vmem_shared>> -> memref<64x128xf32, #tpu.memory_space<vmem_shared>>
    tpu.wait_indirect_dma semaphore(%arg14 : memref<!tpu.dma_semaphore, #tpu.memory_space<semaphore_mem>>) src(%dma_wait3A_2177 : memref<64x128xf32, #tpu.memory_space<vmem_shared>>) dst(%dma_wait3A_2172 : memref<80x128xf32, #tpu.memory_space<vmem>>)
    %dma_wait3A_2178 = arith.constant 240 : i32
    %dma_wait3A_2179 = arith.constant 0 : i32
    %dma_wait3A_2180 = tpu.memref_slice %arg10[%dma_wait3A_2178, %dma_wait3A_2179] : memref<400x128xf32, #tpu.memory_space<vmem>> -> memref<80x128xf32, #tpu.memory_space<vmem>>
    %dma_wait3A_2181 = arith.constant 240 : i32
    %dma_wait3A_2182 = tpu.memref_slice %arg8[%dma_wait3A_2181] : memref<400xi32, #tpu.memory_space<vmem>> -> memref<80xi32, #tpu.memory_space<vmem>>
    %dma_wait3A_2183 = arith.constant 0 : i32
    %dma_wait3A_2184 = arith.constant 0 : i32
    %dma_wait3A_2185 = tpu.memref_slice %arg5[%dma_wait3A_2183, %dma_wait3A_2184] : memref<64x128xf32, #tpu.memory_space<vmem_shared>> -> memref<64x128xf32, #tpu.memory_space<vmem_shared>>
    tpu.wait_indirect_dma semaphore(%arg14 : memref<!tpu.dma_semaphore, #tpu.memory_space<semaphore_mem>>) src(%dma_wait3A_2185 : memref<64x128xf32, #tpu.memory_space<vmem_shared>>) dst(%dma_wait3A_2180 : memref<80x128xf32, #tpu.memory_space<vmem>>)
    %dma_wait3A_2186 = arith.constant 320 : i32
    %dma_wait3A_2187 = arith.constant 0 : i32
    %dma_wait3A_2188 = tpu.memref_slice %arg10[%dma_wait3A_2186, %dma_wait3A_2187] : memref<400x128xf32, #tpu.memory_space<vmem>> -> memref<80x128xf32, #tpu.memory_space<vmem>>
    %dma_wait3A_2189 = arith.constant 320 : i32
    %dma_wait3A_2190 = tpu.memref_slice %arg8[%dma_wait3A_2189] : memref<400xi32, #tpu.memory_space<vmem>> -> memref<80xi32, #tpu.memory_space<vmem>>
    %dma_wait3A_2191 = arith.constant 0 : i32
    %dma_wait3A_2192 = arith.constant 0 : i32
    %dma_wait3A_2193 = tpu.memref_slice %arg5[%dma_wait3A_2191, %dma_wait3A_2192] : memref<64x128xf32, #tpu.memory_space<vmem_shared>> -> memref<64x128xf32, #tpu.memory_space<vmem_shared>>
    tpu.wait_indirect_dma semaphore(%arg14 : memref<!tpu.dma_semaphore, #tpu.memory_space<semaphore_mem>>) src(%dma_wait3A_2193 : memref<64x128xf32, #tpu.memory_space<vmem_shared>>) dst(%dma_wait3A_2188 : memref<80x128xf32, #tpu.memory_space<vmem>>)
    %add3A_2194 = arith.constant 8000 : i32
    %add3A_2195 = arith.addi %mul3A_2, %add3A_2194 : i32
    %dma_start3A_2196 = arith.constant 0 : i32
    %dma_start3A_2197 = tpu.memref_slice %arg4[%add3A_2195, %dma_start3A_2196] : memref<320000x128xf32, #tpu.memory_space<hbm>> -> memref<400x128xf32, #tpu.memory_space<hbm>>
    %dma_start3A_2198 = arith.constant 0 : i32
    %dma_start3A_2199 = tpu.memref_slice %arg4[%add3A_2195, %dma_start3A_2198] : memref<320000x128xf32, #tpu.memory_space<hbm>> -> memref<400x128xf32, #tpu.memory_space<hbm>>
    tpu.enqueue_dma source(%arg10 : memref<400x128xf32, #tpu.memory_space<vmem>>) target(%dma_start3A_2199 : memref<400x128xf32, #tpu.memory_space<hbm>>) target_semaphore(%arg16 : memref<!tpu.dma_semaphore, #tpu.memory_space<semaphore_mem>>)
    %add3A_2200 = arith.constant 27600 : i32
    %add3A_2201 = arith.addi %mul3A_8, %add3A_2200 : i32
    %dma_start3A_2202 = tpu.memref_slice %arg3[%add3A_2201] : memref<960000xi32, #tpu.memory_space<hbm>> -> memref<1200xi32, #tpu.memory_space<hbm>>
    %dma_start3A_2203 = tpu.memref_slice %arg3[%add3A_2201] : memref<960000xi32, #tpu.memory_space<hbm>> -> memref<1200xi32, #tpu.memory_space<hbm>>
    tpu.enqueue_dma source(%dma_start3A_2203 : memref<1200xi32, #tpu.memory_space<hbm>>) target(%arg7 : memref<1200xi32, #tpu.memory_space<vmem>>) target_semaphore(%arg13 : memref<!tpu.dma_semaphore, #tpu.memory_space<semaphore_mem>>)
    %dma_wait3A_2204 = tpu.memref_slice %arg3[%add3A_2099] : memref<960000xi32, #tpu.memory_space<hbm>> -> memref<1200xi32, #tpu.memory_space<hbm>>
    %dma_wait3A_2205 = tpu.memref_slice %arg3[%add3A_2099] : memref<960000xi32, #tpu.memory_space<hbm>> -> memref<1200xi32, #tpu.memory_space<hbm>>
    tpu.wait_dma2 semaphore(%arg12 : memref<!tpu.dma_semaphore, #tpu.memory_space<semaphore_mem>>) src(%dma_wait3A_2205 : memref<1200xi32, #tpu.memory_space<hbm>>) dst(%arg6 : memref<1200xi32, #tpu.memory_space<vmem>>)
    %scan3A_2206 = arith.constant 0 : i32
    %scan3A_2207 = arith.constant 0 : i32
    %scan3A_2208 = arith.constant 25 : i32
    %scan3A_2209 = arith.addi %scan3A_2207, %scan3A_2208 : i32
    %scan3A_2210 = arith.constant 1 : i32
    scf.for %scan3A_2556 = %scan3A_2207 to %scan3A_2209 step %scan3A_2210  : i32 {
      %mul3A_2557 = arith.constant 16 : i32
      %mul3A_2558 = arith.muli %scan3A_2556, %mul3A_2557 : i32
      %get3A = arith.index_cast %mul3A_2558 : i32 to index
      %get3A_2559 = tpu.vector_load %arg6[%get3A] {strides = array<i32>} : memref<1200xi32, #tpu.memory_space<vmem>>, vector<16xi32>,
      %get3A_2560 = vector.shape_cast %get3A_2559 : vector<16xi32> to vector<16xi32>
      %add3A_2561 = arith.constant 400 : i32
      %add3A_2562 = arith.addi %add3A_2561, %mul3A_2558 : i32
      %get3A_2563 = arith.index_cast %add3A_2562 : i32 to index
      %get3A_2564 = tpu.vector_load %arg6[%get3A_2563] {strides = array<i32>} : memref<1200xi32, #tpu.memory_space<vmem>>, vector<16xi32>,
      %get3A_2565 = vector.shape_cast %get3A_2564 : vector<16xi32> to vector<16xi32>
      %add3A_2566 = arith.constant 800 : i32
      %add3A_2567 = arith.addi %add3A_2566, %mul3A_2558 : i32
      %get3A_2568 = arith.index_cast %add3A_2567 : i32 to index
      %get3A_2569 = tpu.vector_load %arg6[%get3A_2568] {strides = array<i32>} : memref<1200xi32, #tpu.memory_space<vmem>>, vector<16xi32>,
      %get3A_2570 = vector.shape_cast %get3A_2569 : vector<16xi32> to vector<16xi32>
      %mul3A_2571 = arith.constant 12 : i32
      %mul3A_2572 = vector.broadcast %mul3A_2571 : i32 to vector<16xi32>
      %mul3A_2573 = arith.muli %get3A_2560, %mul3A_2572 : vector<16xi32>
      %mul3A_2574 = arith.constant 2 : i32
      %mul3A_2575 = vector.broadcast %mul3A_2574 : i32 to vector<16xi32>
      %mul3A_2576 = arith.muli %get3A_2565, %mul3A_2575 : vector<16xi32>
      %add3A_2577 = arith.addi %mul3A_2573, %mul3A_2576 : vector<16xi32>
      %add3A_2578 = arith.addi %add3A_2577, %get3A_2570 : vector<16xi32>
      %swap3A = arith.index_cast %mul3A_2558 : i32 to index
      %swap3A_2579 = tpu.vector_load %arg8[%swap3A] {strides = array<i32>} : memref<400xi32, #tpu.memory_space<vmem>>, vector<16xi32>,
      %swap3A_2580 = vector.shape_cast %swap3A_2579 : vector<16xi32> to vector<16xi32>
      %swap3A_2581 = vector.shape_cast %add3A_2578 : vector<16xi32> to vector<16xi32>
      tpu.vector_store %arg8[%swap3A], %swap3A_2581 {strides = array<i32>} : memref<400xi32, #tpu.memory_space<vmem>>, vector<16xi32>,
    }
    %scan3A_2211 = arith.constant 25 : i32
    %dma_wait3A_2212 = arith.constant 0 : i32
    %dma_wait3A_2213 = tpu.memref_slice %arg4[%add3A_2195, %dma_wait3A_2212] : memref<320000x128xf32, #tpu.memory_space<hbm>> -> memref<400x128xf32, #tpu.memory_space<hbm>>
    %dma_wait3A_2214 = arith.constant 0 : i32
    %dma_wait3A_2215 = tpu.memref_slice %arg4[%add3A_2195, %dma_wait3A_2214] : memref<320000x128xf32, #tpu.memory_space<hbm>> -> memref<400x128xf32, #tpu.memory_space<hbm>>
    tpu.wait_dma2 semaphore(%arg16 : memref<!tpu.dma_semaphore, #tpu.memory_space<semaphore_mem>>) src(%arg10 : memref<400x128xf32, #tpu.memory_space<vmem>>) dst(%dma_wait3A_2215 : memref<400x128xf32, #tpu.memory_space<hbm>>)
    %dma_start3A_2216 = arith.constant 0 : i32
    %dma_start3A_2217 = arith.constant 0 : i32
    %dma_start3A_2218 = tpu.memref_slice %arg10[%dma_start3A_2216, %dma_start3A_2217] : memref<400x128xf32, #tpu.memory_space<vmem>> -> memref<80x128xf32, #tpu.memory_space<vmem>>
    %dma_start3A_2219 = arith.constant 0 : i32
    %dma_start3A_2220 = tpu.memref_slice %arg8[%dma_start3A_2219] : memref<400xi32, #tpu.memory_space<vmem>> -> memref<80xi32, #tpu.memory_space<vmem>>
    %dma_start3A_2221 = arith.constant 0 : i32
    %dma_start3A_2222 = arith.constant 0 : i32
    %dma_start3A_2223 = tpu.memref_slice %arg5[%dma_start3A_2221, %dma_start3A_2222] : memref<64x128xf32, #tpu.memory_space<vmem_shared>> -> memref<64x128xf32, #tpu.memory_space<vmem_shared>>
    tpu.enqueue_indirect_dma source(%dma_start3A_2223 : memref<64x128xf32, #tpu.memory_space<vmem_shared>>) target(%dma_start3A_2218 : memref<80x128xf32, #tpu.memory_space<vmem>>) offsets(%dma_start3A_2220 : memref<80xi32, #tpu.memory_space<vmem>>) semaphore(%arg14 : memref<!tpu.dma_semaphore, #tpu.memory_space<semaphore_mem>>)
    %dma_start3A_2224 = arith.constant 80 : i32
    %dma_start3A_2225 = arith.constant 0 : i32
    %dma_start3A_2226 = tpu.memref_slice %arg10[%dma_start3A_2224, %dma_start3A_2225] : memref<400x128xf32, #tpu.memory_space<vmem>> -> memref<80x128xf32, #tpu.memory_space<vmem>>
    %dma_start3A_2227 = arith.constant 80 : i32
    %dma_start3A_2228 = tpu.memref_slice %arg8[%dma_start3A_2227] : memref<400xi32, #tpu.memory_space<vmem>> -> memref<80xi32, #tpu.memory_space<vmem>>
    %dma_start3A_2229 = arith.constant 0 : i32
    %dma_start3A_2230 = arith.constant 0 : i32
    %dma_start3A_2231 = tpu.memref_slice %arg5[%dma_start3A_2229, %dma_start3A_2230] : memref<64x128xf32, #tpu.memory_space<vmem_shared>> -> memref<64x128xf32, #tpu.memory_space<vmem_shared>>
    tpu.enqueue_indirect_dma source(%dma_start3A_2231 : memref<64x128xf32, #tpu.memory_space<vmem_shared>>) target(%dma_start3A_2226 : memref<80x128xf32, #tpu.memory_space<vmem>>) offsets(%dma_start3A_2228 : memref<80xi32, #tpu.memory_space<vmem>>) semaphore(%arg14 : memref<!tpu.dma_semaphore, #tpu.memory_space<semaphore_mem>>)
    %dma_start3A_2232 = arith.constant 160 : i32
    %dma_start3A_2233 = arith.constant 0 : i32
    %dma_start3A_2234 = tpu.memref_slice %arg10[%dma_start3A_2232, %dma_start3A_2233] : memref<400x128xf32, #tpu.memory_space<vmem>> -> memref<80x128xf32, #tpu.memory_space<vmem>>
    %dma_start3A_2235 = arith.constant 160 : i32
    %dma_start3A_2236 = tpu.memref_slice %arg8[%dma_start3A_2235] : memref<400xi32, #tpu.memory_space<vmem>> -> memref<80xi32, #tpu.memory_space<vmem>>
    %dma_start3A_2237 = arith.constant 0 : i32
    %dma_start3A_2238 = arith.constant 0 : i32
    %dma_start3A_2239 = tpu.memref_slice %arg5[%dma_start3A_2237, %dma_start3A_2238] : memref<64x128xf32, #tpu.memory_space<vmem_shared>> -> memref<64x128xf32, #tpu.memory_space<vmem_shared>>
    tpu.enqueue_indirect_dma source(%dma_start3A_2239 : memref<64x128xf32, #tpu.memory_space<vmem_shared>>) target(%dma_start3A_2234 : memref<80x128xf32, #tpu.memory_space<vmem>>) offsets(%dma_start3A_2236 : memref<80xi32, #tpu.memory_space<vmem>>) semaphore(%arg14 : memref<!tpu.dma_semaphore, #tpu.memory_space<semaphore_mem>>)
    %dma_start3A_2240 = arith.constant 240 : i32
    %dma_start3A_2241 = arith.constant 0 : i32
    %dma_start3A_2242 = tpu.memref_slice %arg10[%dma_start3A_2240, %dma_start3A_2241] : memref<400x128xf32, #tpu.memory_space<vmem>> -> memref<80x128xf32, #tpu.memory_space<vmem>>
    %dma_start3A_2243 = arith.constant 240 : i32
    %dma_start3A_2244 = tpu.memref_slice %arg8[%dma_start3A_2243] : memref<400xi32, #tpu.memory_space<vmem>> -> memref<80xi32, #tpu.memory_space<vmem>>
    %dma_start3A_2245 = arith.constant 0 : i32
    %dma_start3A_2246 = arith.constant 0 : i32
    %dma_start3A_2247 = tpu.memref_slice %arg5[%dma_start3A_2245, %dma_start3A_2246] : memref<64x128xf32, #tpu.memory_space<vmem_shared>> -> memref<64x128xf32, #tpu.memory_space<vmem_shared>>
    tpu.enqueue_indirect_dma source(%dma_start3A_2247 : memref<64x128xf32, #tpu.memory_space<vmem_shared>>) target(%dma_start3A_2242 : memref<80x128xf32, #tpu.memory_space<vmem>>) offsets(%dma_start3A_2244 : memref<80xi32, #tpu.memory_space<vmem>>) semaphore(%arg14 : memref<!tpu.dma_semaphore, #tpu.memory_space<semaphore_mem>>)
    %dma_start3A_2248 = arith.constant 320 : i32
    %dma_start3A_2249 = arith.constant 0 : i32
    %dma_start3A_2250 = tpu.memref_slice %arg10[%dma_start3A_2248, %dma_start3A_2249] : memref<400x128xf32, #tpu.memory_space<vmem>> -> memref<80x128xf32, #tpu.memory_space<vmem>>
    %dma_start3A_2251 = arith.constant 320 : i32
    %dma_start3A_2252 = tpu.memref_slice %arg8[%dma_start3A_2251] : memref<400xi32, #tpu.memory_space<vmem>> -> memref<80xi32, #tpu.memory_space<vmem>>
    %dma_start3A_2253 = arith.constant 0 : i32
    %dma_start3A_2254 = arith.constant 0 : i32
    %dma_start3A_2255 = tpu.memref_slice %arg5[%dma_start3A_2253, %dma_start3A_2254] : memref<64x128xf32, #tpu.memory_space<vmem_shared>> -> memref<64x128xf32, #tpu.memory_space<vmem_shared>>
    tpu.enqueue_indirect_dma source(%dma_start3A_2255 : memref<64x128xf32, #tpu.memory_space<vmem_shared>>) target(%dma_start3A_2250 : memref<80x128xf32, #tpu.memory_space<vmem>>) offsets(%dma_start3A_2252 : memref<80xi32, #tpu.memory_space<vmem>>) semaphore(%arg14 : memref<!tpu.dma_semaphore, #tpu.memory_space<semaphore_mem>>)
    %dma_wait3A_2256 = arith.constant 0 : i32
    %dma_wait3A_2257 = arith.constant 0 : i32
    %dma_wait3A_2258 = tpu.memref_slice %arg11[%dma_wait3A_2256, %dma_wait3A_2257] : memref<400x128xf32, #tpu.memory_space<vmem>> -> memref<80x128xf32, #tpu.memory_space<vmem>>
    %dma_wait3A_2259 = arith.constant 0 : i32
    %dma_wait3A_2260 = tpu.memref_slice %arg9[%dma_wait3A_2259] : memref<400xi32, #tpu.memory_space<vmem>> -> memref<80xi32, #tpu.memory_space<vmem>>
    %dma_wait3A_2261 = arith.constant 0 : i32
    %dma_wait3A_2262 = arith.constant 0 : i32
    %dma_wait3A_2263 = tpu.memref_slice %arg5[%dma_wait3A_2261, %dma_wait3A_2262] : memref<64x128xf32, #tpu.memory_space<vmem_shared>> -> memref<64x128xf32, #tpu.memory_space<vmem_shared>>
    tpu.wait_indirect_dma semaphore(%arg15 : memref<!tpu.dma_semaphore, #tpu.memory_space<semaphore_mem>>) src(%dma_wait3A_2263 : memref<64x128xf32, #tpu.memory_space<vmem_shared>>) dst(%dma_wait3A_2258 : memref<80x128xf32, #tpu.memory_space<vmem>>)
    %dma_wait3A_2264 = arith.constant 80 : i32
    %dma_wait3A_2265 = arith.constant 0 : i32
    %dma_wait3A_2266 = tpu.memref_slice %arg11[%dma_wait3A_2264, %dma_wait3A_2265] : memref<400x128xf32, #tpu.memory_space<vmem>> -> memref<80x128xf32, #tpu.memory_space<vmem>>
    %dma_wait3A_2267 = arith.constant 80 : i32
    %dma_wait3A_2268 = tpu.memref_slice %arg9[%dma_wait3A_2267] : memref<400xi32, #tpu.memory_space<vmem>> -> memref<80xi32, #tpu.memory_space<vmem>>
    %dma_wait3A_2269 = arith.constant 0 : i32
    %dma_wait3A_2270 = arith.constant 0 : i32
    %dma_wait3A_2271 = tpu.memref_slice %arg5[%dma_wait3A_2269, %dma_wait3A_2270] : memref<64x128xf32, #tpu.memory_space<vmem_shared>> -> memref<64x128xf32, #tpu.memory_space<vmem_shared>>
    tpu.wait_indirect_dma semaphore(%arg15 : memref<!tpu.dma_semaphore, #tpu.memory_space<semaphore_mem>>) src(%dma_wait3A_2271 : memref<64x128xf32, #tpu.memory_space<vmem_shared>>) dst(%dma_wait3A_2266 : memref<80x128xf32, #tpu.memory_space<vmem>>)
    %dma_wait3A_2272 = arith.constant 160 : i32
    %dma_wait3A_2273 = arith.constant 0 : i32
    %dma_wait3A_2274 = tpu.memref_slice %arg11[%dma_wait3A_2272, %dma_wait3A_2273] : memref<400x128xf32, #tpu.memory_space<vmem>> -> memref<80x128xf32, #tpu.memory_space<vmem>>
    %dma_wait3A_2275 = arith.constant 160 : i32
    %dma_wait3A_2276 = tpu.memref_slice %arg9[%dma_wait3A_2275] : memref<400xi32, #tpu.memory_space<vmem>> -> memref<80xi32, #tpu.memory_space<vmem>>
    %dma_wait3A_2277 = arith.constant 0 : i32
    %dma_wait3A_2278 = arith.constant 0 : i32
    %dma_wait3A_2279 = tpu.memref_slice %arg5[%dma_wait3A_2277, %dma_wait3A_2278] : memref<64x128xf32, #tpu.memory_space<vmem_shared>> -> memref<64x128xf32, #tpu.memory_space<vmem_shared>>
    tpu.wait_indirect_dma semaphore(%arg15 : memref<!tpu.dma_semaphore, #tpu.memory_space<semaphore_mem>>) src(%dma_wait3A_2279 : memref<64x128xf32, #tpu.memory_space<vmem_shared>>) dst(%dma_wait3A_2274 : memref<80x128xf32, #tpu.memory_space<vmem>>)
    %dma_wait3A_2280 = arith.constant 240 : i32
    %dma_wait3A_2281 = arith.constant 0 : i32
    %dma_wait3A_2282 = tpu.memref_slice %arg11[%dma_wait3A_2280, %dma_wait3A_2281] : memref<400x128xf32, #tpu.memory_space<vmem>> -> memref<80x128xf32, #tpu.memory_space<vmem>>
    %dma_wait3A_2283 = arith.constant 240 : i32
    %dma_wait3A_2284 = tpu.memref_slice %arg9[%dma_wait3A_2283] : memref<400xi32, #tpu.memory_space<vmem>> -> memref<80xi32, #tpu.memory_space<vmem>>
    %dma_wait3A_2285 = arith.constant 0 : i32
    %dma_wait3A_2286 = arith.constant 0 : i32
    %dma_wait3A_2287 = tpu.memref_slice %arg5[%dma_wait3A_2285, %dma_wait3A_2286] : memref<64x128xf32, #tpu.memory_space<vmem_shared>> -> memref<64x128xf32, #tpu.memory_space<vmem_shared>>
    tpu.wait_indirect_dma semaphore(%arg15 : memref<!tpu.dma_semaphore, #tpu.memory_space<semaphore_mem>>) src(%dma_wait3A_2287 : memref<64x128xf32, #tpu.memory_space<vmem_shared>>) dst(%dma_wait3A_2282 : memref<80x128xf32, #tpu.memory_space<vmem>>)
    %dma_wait3A_2288 = arith.constant 320 : i32
    %dma_wait3A_2289 = arith.constant 0 : i32
    %dma_wait3A_2290 = tpu.memref_slice %arg11[%dma_wait3A_2288, %dma_wait3A_2289] : memref<400x128xf32, #tpu.memory_space<vmem>> -> memref<80x128xf32, #tpu.memory_space<vmem>>
    %dma_wait3A_2291 = arith.constant 320 : i32
    %dma_wait3A_2292 = tpu.memref_slice %arg9[%dma_wait3A_2291] : memref<400xi32, #tpu.memory_space<vmem>> -> memref<80xi32, #tpu.memory_space<vmem>>
    %dma_wait3A_2293 = arith.constant 0 : i32
    %dma_wait3A_2294 = arith.constant 0 : i32
    %dma_wait3A_2295 = tpu.memref_slice %arg5[%dma_wait3A_2293, %dma_wait3A_2294] : memref<64x128xf32, #tpu.memory_space<vmem_shared>> -> memref<64x128xf32, #tpu.memory_space<vmem_shared>>
    tpu.wait_indirect_dma semaphore(%arg15 : memref<!tpu.dma_semaphore, #tpu.memory_space<semaphore_mem>>) src(%dma_wait3A_2295 : memref<64x128xf32, #tpu.memory_space<vmem_shared>>) dst(%dma_wait3A_2290 : memref<80x128xf32, #tpu.memory_space<vmem>>)
    %add3A_2296 = arith.constant 8400 : i32
    %add3A_2297 = arith.addi %mul3A_2, %add3A_2296 : i32
    %dma_start3A_2298 = arith.constant 0 : i32
    %dma_start3A_2299 = tpu.memref_slice %arg4[%add3A_2297, %dma_start3A_2298] : memref<320000x128xf32, #tpu.memory_space<hbm>> -> memref<400x128xf32, #tpu.memory_space<hbm>>
    %dma_start3A_2300 = arith.constant 0 : i32
    %dma_start3A_2301 = tpu.memref_slice %arg4[%add3A_2297, %dma_start3A_2300] : memref<320000x128xf32, #tpu.memory_space<hbm>> -> memref<400x128xf32, #tpu.memory_space<hbm>>
    tpu.enqueue_dma source(%arg11 : memref<400x128xf32, #tpu.memory_space<vmem>>) target(%dma_start3A_2301 : memref<400x128xf32, #tpu.memory_space<hbm>>) target_semaphore(%arg17 : memref<!tpu.dma_semaphore, #tpu.memory_space<semaphore_mem>>)
    %add3A_2302 = arith.constant 28800 : i32
    %add3A_2303 = arith.addi %mul3A_8, %add3A_2302 : i32
    %dma_start3A_2304 = tpu.memref_slice %arg3[%add3A_2303] : memref<960000xi32, #tpu.memory_space<hbm>> -> memref<1200xi32, #tpu.memory_space<hbm>>
    %dma_start3A_2305 = tpu.memref_slice %arg3[%add3A_2303] : memref<960000xi32, #tpu.memory_space<hbm>> -> memref<1200xi32, #tpu.memory_space<hbm>>
    tpu.enqueue_dma source(%dma_start3A_2305 : memref<1200xi32, #tpu.memory_space<hbm>>) target(%arg6 : memref<1200xi32, #tpu.memory_space<vmem>>) target_semaphore(%arg12 : memref<!tpu.dma_semaphore, #tpu.memory_space<semaphore_mem>>)
    %dma_wait3A_2306 = tpu.memref_slice %arg3[%add3A_2201] : memref<960000xi32, #tpu.memory_space<hbm>> -> memref<1200xi32, #tpu.memory_space<hbm>>
    %dma_wait3A_2307 = tpu.memref_slice %arg3[%add3A_2201] : memref<960000xi32, #tpu.memory_space<hbm>> -> memref<1200xi32, #tpu.memory_space<hbm>>
    tpu.wait_dma2 semaphore(%arg13 : memref<!tpu.dma_semaphore, #tpu.memory_space<semaphore_mem>>) src(%dma_wait3A_2307 : memref<1200xi32, #tpu.memory_space<hbm>>) dst(%arg7 : memref<1200xi32, #tpu.memory_space<vmem>>)
    %scan3A_2308 = arith.constant 0 : i32
    %scan3A_2309 = arith.constant 0 : i32
    %scan3A_2310 = arith.constant 25 : i32
    %scan3A_2311 = arith.addi %scan3A_2309, %scan3A_2310 : i32
    %scan3A_2312 = arith.constant 1 : i32
    scf.for %scan3A_2556 = %scan3A_2309 to %scan3A_2311 step %scan3A_2312  : i32 {
      %mul3A_2557 = arith.constant 16 : i32
      %mul3A_2558 = arith.muli %scan3A_2556, %mul3A_2557 : i32
      %get3A = arith.index_cast %mul3A_2558 : i32 to index
      %get3A_2559 = tpu.vector_load %arg7[%get3A] {strides = array<i32>} : memref<1200xi32, #tpu.memory_space<vmem>>, vector<16xi32>,
      %get3A_2560 = vector.shape_cast %get3A_2559 : vector<16xi32> to vector<16xi32>
      %add3A_2561 = arith.constant 400 : i32
      %add3A_2562 = arith.addi %add3A_2561, %mul3A_2558 : i32
      %get3A_2563 = arith.index_cast %add3A_2562 : i32 to index
      %get3A_2564 = tpu.vector_load %arg7[%get3A_2563] {strides = array<i32>} : memref<1200xi32, #tpu.memory_space<vmem>>, vector<16xi32>,
      %get3A_2565 = vector.shape_cast %get3A_2564 : vector<16xi32> to vector<16xi32>
      %add3A_2566 = arith.constant 800 : i32
      %add3A_2567 = arith.addi %add3A_2566, %mul3A_2558 : i32
      %get3A_2568 = arith.index_cast %add3A_2567 : i32 to index
      %get3A_2569 = tpu.vector_load %arg7[%get3A_2568] {strides = array<i32>} : memref<1200xi32, #tpu.memory_space<vmem>>, vector<16xi32>,
      %get3A_2570 = vector.shape_cast %get3A_2569 : vector<16xi32> to vector<16xi32>
      %mul3A_2571 = arith.constant 12 : i32
      %mul3A_2572 = vector.broadcast %mul3A_2571 : i32 to vector<16xi32>
      %mul3A_2573 = arith.muli %get3A_2560, %mul3A_2572 : vector<16xi32>
      %mul3A_2574 = arith.constant 2 : i32
      %mul3A_2575 = vector.broadcast %mul3A_2574 : i32 to vector<16xi32>
      %mul3A_2576 = arith.muli %get3A_2565, %mul3A_2575 : vector<16xi32>
      %add3A_2577 = arith.addi %mul3A_2573, %mul3A_2576 : vector<16xi32>
      %add3A_2578 = arith.addi %add3A_2577, %get3A_2570 : vector<16xi32>
      %swap3A = arith.index_cast %mul3A_2558 : i32 to index
      %swap3A_2579 = tpu.vector_load %arg9[%swap3A] {strides = array<i32>} : memref<400xi32, #tpu.memory_space<vmem>>, vector<16xi32>,
      %swap3A_2580 = vector.shape_cast %swap3A_2579 : vector<16xi32> to vector<16xi32>
      %swap3A_2581 = vector.shape_cast %add3A_2578 : vector<16xi32> to vector<16xi32>
      tpu.vector_store %arg9[%swap3A], %swap3A_2581 {strides = array<i32>} : memref<400xi32, #tpu.memory_space<vmem>>, vector<16xi32>,
    }
    %scan3A_2313 = arith.constant 25 : i32
    %dma_wait3A_2314 = arith.constant 0 : i32
    %dma_wait3A_2315 = tpu.memref_slice %arg4[%add3A_2297, %dma_wait3A_2314] : memref<320000x128xf32, #tpu.memory_space<hbm>> -> memref<400x128xf32, #tpu.memory_space<hbm>>
    %dma_wait3A_2316 = arith.constant 0 : i32
    %dma_wait3A_2317 = tpu.memref_slice %arg4[%add3A_2297, %dma_wait3A_2316] : memref<320000x128xf32, #tpu.memory_space<hbm>> -> memref<400x128xf32, #tpu.memory_space<hbm>>
    tpu.wait_dma2 semaphore(%arg17 : memref<!tpu.dma_semaphore, #tpu.memory_space<semaphore_mem>>) src(%arg11 : memref<400x128xf32, #tpu.memory_space<vmem>>) dst(%dma_wait3A_2317 : memref<400x128xf32, #tpu.memory_space<hbm>>)
    %dma_start3A_2318 = arith.constant 0 : i32
    %dma_start3A_2319 = arith.constant 0 : i32
    %dma_start3A_2320 = tpu.memref_slice %arg11[%dma_start3A_2318, %dma_start3A_2319] : memref<400x128xf32, #tpu.memory_space<vmem>> -> memref<80x128xf32, #tpu.memory_space<vmem>>
    %dma_start3A_2321 = arith.constant 0 : i32
    %dma_start3A_2322 = tpu.memref_slice %arg9[%dma_start3A_2321] : memref<400xi32, #tpu.memory_space<vmem>> -> memref<80xi32, #tpu.memory_space<vmem>>
    %dma_start3A_2323 = arith.constant 0 : i32
    %dma_start3A_2324 = arith.constant 0 : i32
    %dma_start3A_2325 = tpu.memref_slice %arg5[%dma_start3A_2323, %dma_start3A_2324] : memref<64x128xf32, #tpu.memory_space<vmem_shared>> -> memref<64x128xf32, #tpu.memory_space<vmem_shared>>
    tpu.enqueue_indirect_dma source(%dma_start3A_2325 : memref<64x128xf32, #tpu.memory_space<vmem_shared>>) target(%dma_start3A_2320 : memref<80x128xf32, #tpu.memory_space<vmem>>) offsets(%dma_start3A_2322 : memref<80xi32, #tpu.memory_space<vmem>>) semaphore(%arg15 : memref<!tpu.dma_semaphore, #tpu.memory_space<semaphore_mem>>)
    %dma_start3A_2326 = arith.constant 80 : i32
    %dma_start3A_2327 = arith.constant 0 : i32
    %dma_start3A_2328 = tpu.memref_slice %arg11[%dma_start3A_2326, %dma_start3A_2327] : memref<400x128xf32, #tpu.memory_space<vmem>> -> memref<80x128xf32, #tpu.memory_space<vmem>>
    %dma_start3A_2329 = arith.constant 80 : i32
    %dma_start3A_2330 = tpu.memref_slice %arg9[%dma_start3A_2329] : memref<400xi32, #tpu.memory_space<vmem>> -> memref<80xi32, #tpu.memory_space<vmem>>
    %dma_start3A_2331 = arith.constant 0 : i32
    %dma_start3A_2332 = arith.constant 0 : i32
    %dma_start3A_2333 = tpu.memref_slice %arg5[%dma_start3A_2331, %dma_start3A_2332] : memref<64x128xf32, #tpu.memory_space<vmem_shared>> -> memref<64x128xf32, #tpu.memory_space<vmem_shared>>
    tpu.enqueue_indirect_dma source(%dma_start3A_2333 : memref<64x128xf32, #tpu.memory_space<vmem_shared>>) target(%dma_start3A_2328 : memref<80x128xf32, #tpu.memory_space<vmem>>) offsets(%dma_start3A_2330 : memref<80xi32, #tpu.memory_space<vmem>>) semaphore(%arg15 : memref<!tpu.dma_semaphore, #tpu.memory_space<semaphore_mem>>)
    %dma_start3A_2334 = arith.constant 160 : i32
    %dma_start3A_2335 = arith.constant 0 : i32
    %dma_start3A_2336 = tpu.memref_slice %arg11[%dma_start3A_2334, %dma_start3A_2335] : memref<400x128xf32, #tpu.memory_space<vmem>> -> memref<80x128xf32, #tpu.memory_space<vmem>>
    %dma_start3A_2337 = arith.constant 160 : i32
    %dma_start3A_2338 = tpu.memref_slice %arg9[%dma_start3A_2337] : memref<400xi32, #tpu.memory_space<vmem>> -> memref<80xi32, #tpu.memory_space<vmem>>
    %dma_start3A_2339 = arith.constant 0 : i32
    %dma_start3A_2340 = arith.constant 0 : i32
    %dma_start3A_2341 = tpu.memref_slice %arg5[%dma_start3A_2339, %dma_start3A_2340] : memref<64x128xf32, #tpu.memory_space<vmem_shared>> -> memref<64x128xf32, #tpu.memory_space<vmem_shared>>
    tpu.enqueue_indirect_dma source(%dma_start3A_2341 : memref<64x128xf32, #tpu.memory_space<vmem_shared>>) target(%dma_start3A_2336 : memref<80x128xf32, #tpu.memory_space<vmem>>) offsets(%dma_start3A_2338 : memref<80xi32, #tpu.memory_space<vmem>>) semaphore(%arg15 : memref<!tpu.dma_semaphore, #tpu.memory_space<semaphore_mem>>)
    %dma_start3A_2342 = arith.constant 240 : i32
    %dma_start3A_2343 = arith.constant 0 : i32
    %dma_start3A_2344 = tpu.memref_slice %arg11[%dma_start3A_2342, %dma_start3A_2343] : memref<400x128xf32, #tpu.memory_space<vmem>> -> memref<80x128xf32, #tpu.memory_space<vmem>>
    %dma_start3A_2345 = arith.constant 240 : i32
    %dma_start3A_2346 = tpu.memref_slice %arg9[%dma_start3A_2345] : memref<400xi32, #tpu.memory_space<vmem>> -> memref<80xi32, #tpu.memory_space<vmem>>
    %dma_start3A_2347 = arith.constant 0 : i32
    %dma_start3A_2348 = arith.constant 0 : i32
    %dma_start3A_2349 = tpu.memref_slice %arg5[%dma_start3A_2347, %dma_start3A_2348] : memref<64x128xf32, #tpu.memory_space<vmem_shared>> -> memref<64x128xf32, #tpu.memory_space<vmem_shared>>
    tpu.enqueue_indirect_dma source(%dma_start3A_2349 : memref<64x128xf32, #tpu.memory_space<vmem_shared>>) target(%dma_start3A_2344 : memref<80x128xf32, #tpu.memory_space<vmem>>) offsets(%dma_start3A_2346 : memref<80xi32, #tpu.memory_space<vmem>>) semaphore(%arg15 : memref<!tpu.dma_semaphore, #tpu.memory_space<semaphore_mem>>)
    %dma_start3A_2350 = arith.constant 320 : i32
    %dma_start3A_2351 = arith.constant 0 : i32
    %dma_start3A_2352 = tpu.memref_slice %arg11[%dma_start3A_2350, %dma_start3A_2351] : memref<400x128xf32, #tpu.memory_space<vmem>> -> memref<80x128xf32, #tpu.memory_space<vmem>>
    %dma_start3A_2353 = arith.constant 320 : i32
    %dma_start3A_2354 = tpu.memref_slice %arg9[%dma_start3A_2353] : memref<400xi32, #tpu.memory_space<vmem>> -> memref<80xi32, #tpu.memory_space<vmem>>
    %dma_start3A_2355 = arith.constant 0 : i32
    %dma_start3A_2356 = arith.constant 0 : i32
    %dma_start3A_2357 = tpu.memref_slice %arg5[%dma_start3A_2355, %dma_start3A_2356] : memref<64x128xf32, #tpu.memory_space<vmem_shared>> -> memref<64x128xf32, #tpu.memory_space<vmem_shared>>
    tpu.enqueue_indirect_dma source(%dma_start3A_2357 : memref<64x128xf32, #tpu.memory_space<vmem_shared>>) target(%dma_start3A_2352 : memref<80x128xf32, #tpu.memory_space<vmem>>) offsets(%dma_start3A_2354 : memref<80xi32, #tpu.memory_space<vmem>>) semaphore(%arg15 : memref<!tpu.dma_semaphore, #tpu.memory_space<semaphore_mem>>)
    %dma_wait3A_2358 = arith.constant 0 : i32
    %dma_wait3A_2359 = arith.constant 0 : i32
    %dma_wait3A_2360 = tpu.memref_slice %arg10[%dma_wait3A_2358, %dma_wait3A_2359] : memref<400x128xf32, #tpu.memory_space<vmem>> -> memref<80x128xf32, #tpu.memory_space<vmem>>
    %dma_wait3A_2361 = arith.constant 0 : i32
    %dma_wait3A_2362 = tpu.memref_slice %arg8[%dma_wait3A_2361] : memref<400xi32, #tpu.memory_space<vmem>> -> memref<80xi32, #tpu.memory_space<vmem>>
    %dma_wait3A_2363 = arith.constant 0 : i32
    %dma_wait3A_2364 = arith.constant 0 : i32
    %dma_wait3A_2365 = tpu.memref_slice %arg5[%dma_wait3A_2363, %dma_wait3A_2364] : memref<64x128xf32, #tpu.memory_space<vmem_shared>> -> memref<64x128xf32, #tpu.memory_space<vmem_shared>>
    tpu.wait_indirect_dma semaphore(%arg14 : memref<!tpu.dma_semaphore, #tpu.memory_space<semaphore_mem>>) src(%dma_wait3A_2365 : memref<64x128xf32, #tpu.memory_space<vmem_shared>>) dst(%dma_wait3A_2360 : memref<80x128xf32, #tpu.memory_space<vmem>>)
    %dma_wait3A_2366 = arith.constant 80 : i32
    %dma_wait3A_2367 = arith.constant 0 : i32
    %dma_wait3A_2368 = tpu.memref_slice %arg10[%dma_wait3A_2366, %dma_wait3A_2367] : memref<400x128xf32, #tpu.memory_space<vmem>> -> memref<80x128xf32, #tpu.memory_space<vmem>>
    %dma_wait3A_2369 = arith.constant 80 : i32
    %dma_wait3A_2370 = tpu.memref_slice %arg8[%dma_wait3A_2369] : memref<400xi32, #tpu.memory_space<vmem>> -> memref<80xi32, #tpu.memory_space<vmem>>
    %dma_wait3A_2371 = arith.constant 0 : i32
    %dma_wait3A_2372 = arith.constant 0 : i32
    %dma_wait3A_2373 = tpu.memref_slice %arg5[%dma_wait3A_2371, %dma_wait3A_2372] : memref<64x128xf32, #tpu.memory_space<vmem_shared>> -> memref<64x128xf32, #tpu.memory_space<vmem_shared>>
    tpu.wait_indirect_dma semaphore(%arg14 : memref<!tpu.dma_semaphore, #tpu.memory_space<semaphore_mem>>) src(%dma_wait3A_2373 : memref<64x128xf32, #tpu.memory_space<vmem_shared>>) dst(%dma_wait3A_2368 : memref<80x128xf32, #tpu.memory_space<vmem>>)
    %dma_wait3A_2374 = arith.constant 160 : i32
    %dma_wait3A_2375 = arith.constant 0 : i32
    %dma_wait3A_2376 = tpu.memref_slice %arg10[%dma_wait3A_2374, %dma_wait3A_2375] : memref<400x128xf32, #tpu.memory_space<vmem>> -> memref<80x128xf32, #tpu.memory_space<vmem>>
    %dma_wait3A_2377 = arith.constant 160 : i32
    %dma_wait3A_2378 = tpu.memref_slice %arg8[%dma_wait3A_2377] : memref<400xi32, #tpu.memory_space<vmem>> -> memref<80xi32, #tpu.memory_space<vmem>>
    %dma_wait3A_2379 = arith.constant 0 : i32
    %dma_wait3A_2380 = arith.constant 0 : i32
    %dma_wait3A_2381 = tpu.memref_slice %arg5[%dma_wait3A_2379, %dma_wait3A_2380] : memref<64x128xf32, #tpu.memory_space<vmem_shared>> -> memref<64x128xf32, #tpu.memory_space<vmem_shared>>
    tpu.wait_indirect_dma semaphore(%arg14 : memref<!tpu.dma_semaphore, #tpu.memory_space<semaphore_mem>>) src(%dma_wait3A_2381 : memref<64x128xf32, #tpu.memory_space<vmem_shared>>) dst(%dma_wait3A_2376 : memref<80x128xf32, #tpu.memory_space<vmem>>)
    %dma_wait3A_2382 = arith.constant 240 : i32
    %dma_wait3A_2383 = arith.constant 0 : i32
    %dma_wait3A_2384 = tpu.memref_slice %arg10[%dma_wait3A_2382, %dma_wait3A_2383] : memref<400x128xf32, #tpu.memory_space<vmem>> -> memref<80x128xf32, #tpu.memory_space<vmem>>
    %dma_wait3A_2385 = arith.constant 240 : i32
    %dma_wait3A_2386 = tpu.memref_slice %arg8[%dma_wait3A_2385] : memref<400xi32, #tpu.memory_space<vmem>> -> memref<80xi32, #tpu.memory_space<vmem>>
    %dma_wait3A_2387 = arith.constant 0 : i32
    %dma_wait3A_2388 = arith.constant 0 : i32
    %dma_wait3A_2389 = tpu.memref_slice %arg5[%dma_wait3A_2387, %dma_wait3A_2388] : memref<64x128xf32, #tpu.memory_space<vmem_shared>> -> memref<64x128xf32, #tpu.memory_space<vmem_shared>>
    tpu.wait_indirect_dma semaphore(%arg14 : memref<!tpu.dma_semaphore, #tpu.memory_space<semaphore_mem>>) src(%dma_wait3A_2389 : memref<64x128xf32, #tpu.memory_space<vmem_shared>>) dst(%dma_wait3A_2384 : memref<80x128xf32, #tpu.memory_space<vmem>>)
    %dma_wait3A_2390 = arith.constant 320 : i32
    %dma_wait3A_2391 = arith.constant 0 : i32
    %dma_wait3A_2392 = tpu.memref_slice %arg10[%dma_wait3A_2390, %dma_wait3A_2391] : memref<400x128xf32, #tpu.memory_space<vmem>> -> memref<80x128xf32, #tpu.memory_space<vmem>>
    %dma_wait3A_2393 = arith.constant 320 : i32
    %dma_wait3A_2394 = tpu.memref_slice %arg8[%dma_wait3A_2393] : memref<400xi32, #tpu.memory_space<vmem>> -> memref<80xi32, #tpu.memory_space<vmem>>
    %dma_wait3A_2395 = arith.constant 0 : i32
    %dma_wait3A_2396 = arith.constant 0 : i32
    %dma_wait3A_2397 = tpu.memref_slice %arg5[%dma_wait3A_2395, %dma_wait3A_2396] : memref<64x128xf32, #tpu.memory_space<vmem_shared>> -> memref<64x128xf32, #tpu.memory_space<vmem_shared>>
    tpu.wait_indirect_dma semaphore(%arg14 : memref<!tpu.dma_semaphore, #tpu.memory_space<semaphore_mem>>) src(%dma_wait3A_2397 : memref<64x128xf32, #tpu.memory_space<vmem_shared>>) dst(%dma_wait3A_2392 : memref<80x128xf32, #tpu.memory_space<vmem>>)
    %add3A_2398 = arith.constant 8800 : i32
    %add3A_2399 = arith.addi %mul3A_2, %add3A_2398 : i32
    %dma_start3A_2400 = arith.constant 0 : i32
    %dma_start3A_2401 = tpu.memref_slice %arg4[%add3A_2399, %dma_start3A_2400] : memref<320000x128xf32, #tpu.memory_space<hbm>> -> memref<400x128xf32, #tpu.memory_space<hbm>>
    %dma_start3A_2402 = arith.constant 0 : i32
    %dma_start3A_2403 = tpu.memref_slice %arg4[%add3A_2399, %dma_start3A_2402] : memref<320000x128xf32, #tpu.memory_space<hbm>> -> memref<400x128xf32, #tpu.memory_space<hbm>>
    tpu.enqueue_dma source(%arg10 : memref<400x128xf32, #tpu.memory_space<vmem>>) target(%dma_start3A_2403 : memref<400x128xf32, #tpu.memory_space<hbm>>) target_semaphore(%arg16 : memref<!tpu.dma_semaphore, #tpu.memory_space<semaphore_mem>>)
    %dma_wait3A_2404 = tpu.memref_slice %arg3[%add3A_2303] : memref<960000xi32, #tpu.memory_space<hbm>> -> memref<1200xi32, #tpu.memory_space<hbm>>
    %dma_wait3A_2405 = tpu.memref_slice %arg3[%add3A_2303] : memref<960000xi32, #tpu.memory_space<hbm>> -> memref<1200xi32, #tpu.memory_space<hbm>>
    tpu.wait_dma2 semaphore(%arg12 : memref<!tpu.dma_semaphore, #tpu.memory_space<semaphore_mem>>) src(%dma_wait3A_2405 : memref<1200xi32, #tpu.memory_space<hbm>>) dst(%arg6 : memref<1200xi32, #tpu.memory_space<vmem>>)
    %scan3A_2406 = arith.constant 0 : i32
    %scan3A_2407 = arith.constant 0 : i32
    %scan3A_2408 = arith.constant 25 : i32
    %scan3A_2409 = arith.addi %scan3A_2407, %scan3A_2408 : i32
    %scan3A_2410 = arith.constant 1 : i32
    scf.for %scan3A_2556 = %scan3A_2407 to %scan3A_2409 step %scan3A_2410  : i32 {
      %mul3A_2557 = arith.constant 16 : i32
      %mul3A_2558 = arith.muli %scan3A_2556, %mul3A_2557 : i32
      %get3A = arith.index_cast %mul3A_2558 : i32 to index
      %get3A_2559 = tpu.vector_load %arg6[%get3A] {strides = array<i32>} : memref<1200xi32, #tpu.memory_space<vmem>>, vector<16xi32>,
      %get3A_2560 = vector.shape_cast %get3A_2559 : vector<16xi32> to vector<16xi32>
      %add3A_2561 = arith.constant 400 : i32
      %add3A_2562 = arith.addi %add3A_2561, %mul3A_2558 : i32
      %get3A_2563 = arith.index_cast %add3A_2562 : i32 to index
      %get3A_2564 = tpu.vector_load %arg6[%get3A_2563] {strides = array<i32>} : memref<1200xi32, #tpu.memory_space<vmem>>, vector<16xi32>,
      %get3A_2565 = vector.shape_cast %get3A_2564 : vector<16xi32> to vector<16xi32>
      %add3A_2566 = arith.constant 800 : i32
      %add3A_2567 = arith.addi %add3A_2566, %mul3A_2558 : i32
      %get3A_2568 = arith.index_cast %add3A_2567 : i32 to index
      %get3A_2569 = tpu.vector_load %arg6[%get3A_2568] {strides = array<i32>} : memref<1200xi32, #tpu.memory_space<vmem>>, vector<16xi32>,
      %get3A_2570 = vector.shape_cast %get3A_2569 : vector<16xi32> to vector<16xi32>
      %mul3A_2571 = arith.constant 12 : i32
      %mul3A_2572 = vector.broadcast %mul3A_2571 : i32 to vector<16xi32>
      %mul3A_2573 = arith.muli %get3A_2560, %mul3A_2572 : vector<16xi32>
      %mul3A_2574 = arith.constant 2 : i32
      %mul3A_2575 = vector.broadcast %mul3A_2574 : i32 to vector<16xi32>
      %mul3A_2576 = arith.muli %get3A_2565, %mul3A_2575 : vector<16xi32>
      %add3A_2577 = arith.addi %mul3A_2573, %mul3A_2576 : vector<16xi32>
      %add3A_2578 = arith.addi %add3A_2577, %get3A_2570 : vector<16xi32>
      %swap3A = arith.index_cast %mul3A_2558 : i32 to index
      %swap3A_2579 = tpu.vector_load %arg8[%swap3A] {strides = array<i32>} : memref<400xi32, #tpu.memory_space<vmem>>, vector<16xi32>,
      %swap3A_2580 = vector.shape_cast %swap3A_2579 : vector<16xi32> to vector<16xi32>
      %swap3A_2581 = vector.shape_cast %add3A_2578 : vector<16xi32> to vector<16xi32>
      tpu.vector_store %arg8[%swap3A], %swap3A_2581 {strides = array<i32>} : memref<400xi32, #tpu.memory_space<vmem>>, vector<16xi32>,
    }
    %scan3A_2411 = arith.constant 25 : i32
    %dma_wait3A_2412 = arith.constant 0 : i32
    %dma_wait3A_2413 = tpu.memref_slice %arg4[%add3A_2399, %dma_wait3A_2412] : memref<320000x128xf32, #tpu.memory_space<hbm>> -> memref<400x128xf32, #tpu.memory_space<hbm>>
    %dma_wait3A_2414 = arith.constant 0 : i32
    %dma_wait3A_2415 = tpu.memref_slice %arg4[%add3A_2399, %dma_wait3A_2414] : memref<320000x128xf32, #tpu.memory_space<hbm>> -> memref<400x128xf32, #tpu.memory_space<hbm>>
    tpu.wait_dma2 semaphore(%arg16 : memref<!tpu.dma_semaphore, #tpu.memory_space<semaphore_mem>>) src(%arg10 : memref<400x128xf32, #tpu.memory_space<vmem>>) dst(%dma_wait3A_2415 : memref<400x128xf32, #tpu.memory_space<hbm>>)
    %dma_start3A_2416 = arith.constant 0 : i32
    %dma_start3A_2417 = arith.constant 0 : i32
    %dma_start3A_2418 = tpu.memref_slice %arg10[%dma_start3A_2416, %dma_start3A_2417] : memref<400x128xf32, #tpu.memory_space<vmem>> -> memref<80x128xf32, #tpu.memory_space<vmem>>
    %dma_start3A_2419 = arith.constant 0 : i32
    %dma_start3A_2420 = tpu.memref_slice %arg8[%dma_start3A_2419] : memref<400xi32, #tpu.memory_space<vmem>> -> memref<80xi32, #tpu.memory_space<vmem>>
    %dma_start3A_2421 = arith.constant 0 : i32
    %dma_start3A_2422 = arith.constant 0 : i32
    %dma_start3A_2423 = tpu.memref_slice %arg5[%dma_start3A_2421, %dma_start3A_2422] : memref<64x128xf32, #tpu.memory_space<vmem_shared>> -> memref<64x128xf32, #tpu.memory_space<vmem_shared>>
    tpu.enqueue_indirect_dma source(%dma_start3A_2423 : memref<64x128xf32, #tpu.memory_space<vmem_shared>>) target(%dma_start3A_2418 : memref<80x128xf32, #tpu.memory_space<vmem>>) offsets(%dma_start3A_2420 : memref<80xi32, #tpu.memory_space<vmem>>) semaphore(%arg14 : memref<!tpu.dma_semaphore, #tpu.memory_space<semaphore_mem>>)
    %dma_start3A_2424 = arith.constant 80 : i32
    %dma_start3A_2425 = arith.constant 0 : i32
    %dma_start3A_2426 = tpu.memref_slice %arg10[%dma_start3A_2424, %dma_start3A_2425] : memref<400x128xf32, #tpu.memory_space<vmem>> -> memref<80x128xf32, #tpu.memory_space<vmem>>
    %dma_start3A_2427 = arith.constant 80 : i32
    %dma_start3A_2428 = tpu.memref_slice %arg8[%dma_start3A_2427] : memref<400xi32, #tpu.memory_space<vmem>> -> memref<80xi32, #tpu.memory_space<vmem>>
    %dma_start3A_2429 = arith.constant 0 : i32
    %dma_start3A_2430 = arith.constant 0 : i32
    %dma_start3A_2431 = tpu.memref_slice %arg5[%dma_start3A_2429, %dma_start3A_2430] : memref<64x128xf32, #tpu.memory_space<vmem_shared>> -> memref<64x128xf32, #tpu.memory_space<vmem_shared>>
    tpu.enqueue_indirect_dma source(%dma_start3A_2431 : memref<64x128xf32, #tpu.memory_space<vmem_shared>>) target(%dma_start3A_2426 : memref<80x128xf32, #tpu.memory_space<vmem>>) offsets(%dma_start3A_2428 : memref<80xi32, #tpu.memory_space<vmem>>) semaphore(%arg14 : memref<!tpu.dma_semaphore, #tpu.memory_space<semaphore_mem>>)
    %dma_start3A_2432 = arith.constant 160 : i32
    %dma_start3A_2433 = arith.constant 0 : i32
    %dma_start3A_2434 = tpu.memref_slice %arg10[%dma_start3A_2432, %dma_start3A_2433] : memref<400x128xf32, #tpu.memory_space<vmem>> -> memref<80x128xf32, #tpu.memory_space<vmem>>
    %dma_start3A_2435 = arith.constant 160 : i32
    %dma_start3A_2436 = tpu.memref_slice %arg8[%dma_start3A_2435] : memref<400xi32, #tpu.memory_space<vmem>> -> memref<80xi32, #tpu.memory_space<vmem>>
    %dma_start3A_2437 = arith.constant 0 : i32
    %dma_start3A_2438 = arith.constant 0 : i32
    %dma_start3A_2439 = tpu.memref_slice %arg5[%dma_start3A_2437, %dma_start3A_2438] : memref<64x128xf32, #tpu.memory_space<vmem_shared>> -> memref<64x128xf32, #tpu.memory_space<vmem_shared>>
    tpu.enqueue_indirect_dma source(%dma_start3A_2439 : memref<64x128xf32, #tpu.memory_space<vmem_shared>>) target(%dma_start3A_2434 : memref<80x128xf32, #tpu.memory_space<vmem>>) offsets(%dma_start3A_2436 : memref<80xi32, #tpu.memory_space<vmem>>) semaphore(%arg14 : memref<!tpu.dma_semaphore, #tpu.memory_space<semaphore_mem>>)
    %dma_start3A_2440 = arith.constant 240 : i32
    %dma_start3A_2441 = arith.constant 0 : i32
    %dma_start3A_2442 = tpu.memref_slice %arg10[%dma_start3A_2440, %dma_start3A_2441] : memref<400x128xf32, #tpu.memory_space<vmem>> -> memref<80x128xf32, #tpu.memory_space<vmem>>
    %dma_start3A_2443 = arith.constant 240 : i32
    %dma_start3A_2444 = tpu.memref_slice %arg8[%dma_start3A_2443] : memref<400xi32, #tpu.memory_space<vmem>> -> memref<80xi32, #tpu.memory_space<vmem>>
    %dma_start3A_2445 = arith.constant 0 : i32
    %dma_start3A_2446 = arith.constant 0 : i32
    %dma_start3A_2447 = tpu.memref_slice %arg5[%dma_start3A_2445, %dma_start3A_2446] : memref<64x128xf32, #tpu.memory_space<vmem_shared>> -> memref<64x128xf32, #tpu.memory_space<vmem_shared>>
    tpu.enqueue_indirect_dma source(%dma_start3A_2447 : memref<64x128xf32, #tpu.memory_space<vmem_shared>>) target(%dma_start3A_2442 : memref<80x128xf32, #tpu.memory_space<vmem>>) offsets(%dma_start3A_2444 : memref<80xi32, #tpu.memory_space<vmem>>) semaphore(%arg14 : memref<!tpu.dma_semaphore, #tpu.memory_space<semaphore_mem>>)
    %dma_start3A_2448 = arith.constant 320 : i32
    %dma_start3A_2449 = arith.constant 0 : i32
    %dma_start3A_2450 = tpu.memref_slice %arg10[%dma_start3A_2448, %dma_start3A_2449] : memref<400x128xf32, #tpu.memory_space<vmem>> -> memref<80x128xf32, #tpu.memory_space<vmem>>
    %dma_start3A_2451 = arith.constant 320 : i32
    %dma_start3A_2452 = tpu.memref_slice %arg8[%dma_start3A_2451] : memref<400xi32, #tpu.memory_space<vmem>> -> memref<80xi32, #tpu.memory_space<vmem>>
    %dma_start3A_2453 = arith.constant 0 : i32
    %dma_start3A_2454 = arith.constant 0 : i32
    %dma_start3A_2455 = tpu.memref_slice %arg5[%dma_start3A_2453, %dma_start3A_2454] : memref<64x128xf32, #tpu.memory_space<vmem_shared>> -> memref<64x128xf32, #tpu.memory_space<vmem_shared>>
    tpu.enqueue_indirect_dma source(%dma_start3A_2455 : memref<64x128xf32, #tpu.memory_space<vmem_shared>>) target(%dma_start3A_2450 : memref<80x128xf32, #tpu.memory_space<vmem>>) offsets(%dma_start3A_2452 : memref<80xi32, #tpu.memory_space<vmem>>) semaphore(%arg14 : memref<!tpu.dma_semaphore, #tpu.memory_space<semaphore_mem>>)
    %dma_wait3A_2456 = arith.constant 0 : i32
    %dma_wait3A_2457 = arith.constant 0 : i32
    %dma_wait3A_2458 = tpu.memref_slice %arg11[%dma_wait3A_2456, %dma_wait3A_2457] : memref<400x128xf32, #tpu.memory_space<vmem>> -> memref<80x128xf32, #tpu.memory_space<vmem>>
    %dma_wait3A_2459 = arith.constant 0 : i32
    %dma_wait3A_2460 = tpu.memref_slice %arg9[%dma_wait3A_2459] : memref<400xi32, #tpu.memory_space<vmem>> -> memref<80xi32, #tpu.memory_space<vmem>>
    %dma_wait3A_2461 = arith.constant 0 : i32
    %dma_wait3A_2462 = arith.constant 0 : i32
    %dma_wait3A_2463 = tpu.memref_slice %arg5[%dma_wait3A_2461, %dma_wait3A_2462] : memref<64x128xf32, #tpu.memory_space<vmem_shared>> -> memref<64x128xf32, #tpu.memory_space<vmem_shared>>
    tpu.wait_indirect_dma semaphore(%arg15 : memref<!tpu.dma_semaphore, #tpu.memory_space<semaphore_mem>>) src(%dma_wait3A_2463 : memref<64x128xf32, #tpu.memory_space<vmem_shared>>) dst(%dma_wait3A_2458 : memref<80x128xf32, #tpu.memory_space<vmem>>)
    %dma_wait3A_2464 = arith.constant 80 : i32
    %dma_wait3A_2465 = arith.constant 0 : i32
    %dma_wait3A_2466 = tpu.memref_slice %arg11[%dma_wait3A_2464, %dma_wait3A_2465] : memref<400x128xf32, #tpu.memory_space<vmem>> -> memref<80x128xf32, #tpu.memory_space<vmem>>
    %dma_wait3A_2467 = arith.constant 80 : i32
    %dma_wait3A_2468 = tpu.memref_slice %arg9[%dma_wait3A_2467] : memref<400xi32, #tpu.memory_space<vmem>> -> memref<80xi32, #tpu.memory_space<vmem>>
    %dma_wait3A_2469 = arith.constant 0 : i32
    %dma_wait3A_2470 = arith.constant 0 : i32
    %dma_wait3A_2471 = tpu.memref_slice %arg5[%dma_wait3A_2469, %dma_wait3A_2470] : memref<64x128xf32, #tpu.memory_space<vmem_shared>> -> memref<64x128xf32, #tpu.memory_space<vmem_shared>>
    tpu.wait_indirect_dma semaphore(%arg15 : memref<!tpu.dma_semaphore, #tpu.memory_space<semaphore_mem>>) src(%dma_wait3A_2471 : memref<64x128xf32, #tpu.memory_space<vmem_shared>>) dst(%dma_wait3A_2466 : memref<80x128xf32, #tpu.memory_space<vmem>>)
    %dma_wait3A_2472 = arith.constant 160 : i32
    %dma_wait3A_2473 = arith.constant 0 : i32
    %dma_wait3A_2474 = tpu.memref_slice %arg11[%dma_wait3A_2472, %dma_wait3A_2473] : memref<400x128xf32, #tpu.memory_space<vmem>> -> memref<80x128xf32, #tpu.memory_space<vmem>>
    %dma_wait3A_2475 = arith.constant 160 : i32
    %dma_wait3A_2476 = tpu.memref_slice %arg9[%dma_wait3A_2475] : memref<400xi32, #tpu.memory_space<vmem>> -> memref<80xi32, #tpu.memory_space<vmem>>
    %dma_wait3A_2477 = arith.constant 0 : i32
    %dma_wait3A_2478 = arith.constant 0 : i32
    %dma_wait3A_2479 = tpu.memref_slice %arg5[%dma_wait3A_2477, %dma_wait3A_2478] : memref<64x128xf32, #tpu.memory_space<vmem_shared>> -> memref<64x128xf32, #tpu.memory_space<vmem_shared>>
    tpu.wait_indirect_dma semaphore(%arg15 : memref<!tpu.dma_semaphore, #tpu.memory_space<semaphore_mem>>) src(%dma_wait3A_2479 : memref<64x128xf32, #tpu.memory_space<vmem_shared>>) dst(%dma_wait3A_2474 : memref<80x128xf32, #tpu.memory_space<vmem>>)
    %dma_wait3A_2480 = arith.constant 240 : i32
    %dma_wait3A_2481 = arith.constant 0 : i32
    %dma_wait3A_2482 = tpu.memref_slice %arg11[%dma_wait3A_2480, %dma_wait3A_2481] : memref<400x128xf32, #tpu.memory_space<vmem>> -> memref<80x128xf32, #tpu.memory_space<vmem>>
    %dma_wait3A_2483 = arith.constant 240 : i32
    %dma_wait3A_2484 = tpu.memref_slice %arg9[%dma_wait3A_2483] : memref<400xi32, #tpu.memory_space<vmem>> -> memref<80xi32, #tpu.memory_space<vmem>>
    %dma_wait3A_2485 = arith.constant 0 : i32
    %dma_wait3A_2486 = arith.constant 0 : i32
    %dma_wait3A_2487 = tpu.memref_slice %arg5[%dma_wait3A_2485, %dma_wait3A_2486] : memref<64x128xf32, #tpu.memory_space<vmem_shared>> -> memref<64x128xf32, #tpu.memory_space<vmem_shared>>
    tpu.wait_indirect_dma semaphore(%arg15 : memref<!tpu.dma_semaphore, #tpu.memory_space<semaphore_mem>>) src(%dma_wait3A_2487 : memref<64x128xf32, #tpu.memory_space<vmem_shared>>) dst(%dma_wait3A_2482 : memref<80x128xf32, #tpu.memory_space<vmem>>)
    %dma_wait3A_2488 = arith.constant 320 : i32
    %dma_wait3A_2489 = arith.constant 0 : i32
    %dma_wait3A_2490 = tpu.memref_slice %arg11[%dma_wait3A_2488, %dma_wait3A_2489] : memref<400x128xf32, #tpu.memory_space<vmem>> -> memref<80x128xf32, #tpu.memory_space<vmem>>
    %dma_wait3A_2491 = arith.constant 320 : i32
    %dma_wait3A_2492 = tpu.memref_slice %arg9[%dma_wait3A_2491] : memref<400xi32, #tpu.memory_space<vmem>> -> memref<80xi32, #tpu.memory_space<vmem>>
    %dma_wait3A_2493 = arith.constant 0 : i32
    %dma_wait3A_2494 = arith.constant 0 : i32
    %dma_wait3A_2495 = tpu.memref_slice %arg5[%dma_wait3A_2493, %dma_wait3A_2494] : memref<64x128xf32, #tpu.memory_space<vmem_shared>> -> memref<64x128xf32, #tpu.memory_space<vmem_shared>>
    tpu.wait_indirect_dma semaphore(%arg15 : memref<!tpu.dma_semaphore, #tpu.memory_space<semaphore_mem>>) src(%dma_wait3A_2495 : memref<64x128xf32, #tpu.memory_space<vmem_shared>>) dst(%dma_wait3A_2490 : memref<80x128xf32, #tpu.memory_space<vmem>>)
    %add3A_2496 = arith.constant 9200 : i32
    %add3A_2497 = arith.addi %mul3A_2, %add3A_2496 : i32
    %dma_start3A_2498 = arith.constant 0 : i32
    %dma_start3A_2499 = tpu.memref_slice %arg4[%add3A_2497, %dma_start3A_2498] : memref<320000x128xf32, #tpu.memory_space<hbm>> -> memref<400x128xf32, #tpu.memory_space<hbm>>
    %dma_start3A_2500 = arith.constant 0 : i32
    %dma_start3A_2501 = tpu.memref_slice %arg4[%add3A_2497, %dma_start3A_2500] : memref<320000x128xf32, #tpu.memory_space<hbm>> -> memref<400x128xf32, #tpu.memory_space<hbm>>
    tpu.enqueue_dma source(%arg11 : memref<400x128xf32, #tpu.memory_space<vmem>>) target(%dma_start3A_2501 : memref<400x128xf32, #tpu.memory_space<hbm>>) target_semaphore(%arg17 : memref<!tpu.dma_semaphore, #tpu.memory_space<semaphore_mem>>)
    %dma_wait3A_2502 = arith.constant 0 : i32
    %dma_wait3A_2503 = arith.constant 0 : i32
    %dma_wait3A_2504 = tpu.memref_slice %arg10[%dma_wait3A_2502, %dma_wait3A_2503] : memref<400x128xf32, #tpu.memory_space<vmem>> -> memref<80x128xf32, #tpu.memory_space<vmem>>
    %dma_wait3A_2505 = arith.constant 0 : i32
    %dma_wait3A_2506 = tpu.memref_slice %arg8[%dma_wait3A_2505] : memref<400xi32, #tpu.memory_space<vmem>> -> memref<80xi32, #tpu.memory_space<vmem>>
    %dma_wait3A_2507 = arith.constant 0 : i32
    %dma_wait3A_2508 = arith.constant 0 : i32
    %dma_wait3A_2509 = tpu.memref_slice %arg5[%dma_wait3A_2507, %dma_wait3A_2508] : memref<64x128xf32, #tpu.memory_space<vmem_shared>> -> memref<64x128xf32, #tpu.memory_space<vmem_shared>>
    tpu.wait_indirect_dma semaphore(%arg14 : memref<!tpu.dma_semaphore, #tpu.memory_space<semaphore_mem>>) src(%dma_wait3A_2509 : memref<64x128xf32, #tpu.memory_space<vmem_shared>>) dst(%dma_wait3A_2504 : memref<80x128xf32, #tpu.memory_space<vmem>>)
    %dma_wait3A_2510 = arith.constant 80 : i32
    %dma_wait3A_2511 = arith.constant 0 : i32
    %dma_wait3A_2512 = tpu.memref_slice %arg10[%dma_wait3A_2510, %dma_wait3A_2511] : memref<400x128xf32, #tpu.memory_space<vmem>> -> memref<80x128xf32, #tpu.memory_space<vmem>>
    %dma_wait3A_2513 = arith.constant 80 : i32
    %dma_wait3A_2514 = tpu.memref_slice %arg8[%dma_wait3A_2513] : memref<400xi32, #tpu.memory_space<vmem>> -> memref<80xi32, #tpu.memory_space<vmem>>
    %dma_wait3A_2515 = arith.constant 0 : i32
    %dma_wait3A_2516 = arith.constant 0 : i32
    %dma_wait3A_2517 = tpu.memref_slice %arg5[%dma_wait3A_2515, %dma_wait3A_2516] : memref<64x128xf32, #tpu.memory_space<vmem_shared>> -> memref<64x128xf32, #tpu.memory_space<vmem_shared>>
    tpu.wait_indirect_dma semaphore(%arg14 : memref<!tpu.dma_semaphore, #tpu.memory_space<semaphore_mem>>) src(%dma_wait3A_2517 : memref<64x128xf32, #tpu.memory_space<vmem_shared>>) dst(%dma_wait3A_2512 : memref<80x128xf32, #tpu.memory_space<vmem>>)
    %dma_wait3A_2518 = arith.constant 160 : i32
    %dma_wait3A_2519 = arith.constant 0 : i32
    %dma_wait3A_2520 = tpu.memref_slice %arg10[%dma_wait3A_2518, %dma_wait3A_2519] : memref<400x128xf32, #tpu.memory_space<vmem>> -> memref<80x128xf32, #tpu.memory_space<vmem>>
    %dma_wait3A_2521 = arith.constant 160 : i32
    %dma_wait3A_2522 = tpu.memref_slice %arg8[%dma_wait3A_2521] : memref<400xi32, #tpu.memory_space<vmem>> -> memref<80xi32, #tpu.memory_space<vmem>>
    %dma_wait3A_2523 = arith.constant 0 : i32
    %dma_wait3A_2524 = arith.constant 0 : i32
    %dma_wait3A_2525 = tpu.memref_slice %arg5[%dma_wait3A_2523, %dma_wait3A_2524] : memref<64x128xf32, #tpu.memory_space<vmem_shared>> -> memref<64x128xf32, #tpu.memory_space<vmem_shared>>
    tpu.wait_indirect_dma semaphore(%arg14 : memref<!tpu.dma_semaphore, #tpu.memory_space<semaphore_mem>>) src(%dma_wait3A_2525 : memref<64x128xf32, #tpu.memory_space<vmem_shared>>) dst(%dma_wait3A_2520 : memref<80x128xf32, #tpu.memory_space<vmem>>)
    %dma_wait3A_2526 = arith.constant 240 : i32
    %dma_wait3A_2527 = arith.constant 0 : i32
    %dma_wait3A_2528 = tpu.memref_slice %arg10[%dma_wait3A_2526, %dma_wait3A_2527] : memref<400x128xf32, #tpu.memory_space<vmem>> -> memref<80x128xf32, #tpu.memory_space<vmem>>
    %dma_wait3A_2529 = arith.constant 240 : i32
    %dma_wait3A_2530 = tpu.memref_slice %arg8[%dma_wait3A_2529] : memref<400xi32, #tpu.memory_space<vmem>> -> memref<80xi32, #tpu.memory_space<vmem>>
    %dma_wait3A_2531 = arith.constant 0 : i32
    %dma_wait3A_2532 = arith.constant 0 : i32
    %dma_wait3A_2533 = tpu.memref_slice %arg5[%dma_wait3A_2531, %dma_wait3A_2532] : memref<64x128xf32, #tpu.memory_space<vmem_shared>> -> memref<64x128xf32, #tpu.memory_space<vmem_shared>>
    tpu.wait_indirect_dma semaphore(%arg14 : memref<!tpu.dma_semaphore, #tpu.memory_space<semaphore_mem>>) src(%dma_wait3A_2533 : memref<64x128xf32, #tpu.memory_space<vmem_shared>>) dst(%dma_wait3A_2528 : memref<80x128xf32, #tpu.memory_space<vmem>>)
    %dma_wait3A_2534 = arith.constant 320 : i32
    %dma_wait3A_2535 = arith.constant 0 : i32
    %dma_wait3A_2536 = tpu.memref_slice %arg10[%dma_wait3A_2534, %dma_wait3A_2535] : memref<400x128xf32, #tpu.memory_space<vmem>> -> memref<80x128xf32, #tpu.memory_space<vmem>>
    %dma_wait3A_2537 = arith.constant 320 : i32
    %dma_wait3A_2538 = tpu.memref_slice %arg8[%dma_wait3A_2537] : memref<400xi32, #tpu.memory_space<vmem>> -> memref<80xi32, #tpu.memory_space<vmem>>
    %dma_wait3A_2539 = arith.constant 0 : i32
    %dma_wait3A_2540 = arith.constant 0 : i32
    %dma_wait3A_2541 = tpu.memref_slice %arg5[%dma_wait3A_2539, %dma_wait3A_2540] : memref<64x128xf32, #tpu.memory_space<vmem_shared>> -> memref<64x128xf32, #tpu.memory_space<vmem_shared>>
    tpu.wait_indirect_dma semaphore(%arg14 : memref<!tpu.dma_semaphore, #tpu.memory_space<semaphore_mem>>) src(%dma_wait3A_2541 : memref<64x128xf32, #tpu.memory_space<vmem_shared>>) dst(%dma_wait3A_2536 : memref<80x128xf32, #tpu.memory_space<vmem>>)
    %add3A_2542 = arith.constant 9600 : i32
    %add3A_2543 = arith.addi %mul3A_2, %add3A_2542 : i32
    %dma_start3A_2544 = arith.constant 0 : i32
    %dma_start3A_2545 = tpu.memref_slice %arg4[%add3A_2543, %dma_start3A_2544] : memref<320000x128xf32, #tpu.memory_space<hbm>> -> memref<400x128xf32, #tpu.memory_space<hbm>>
    %dma_start3A_2546 = arith.constant 0 : i32
    %dma_start3A_2547 = tpu.memref_slice %arg4[%add3A_2543, %dma_start3A_2546] : memref<320000x128xf32, #tpu.memory_space<hbm>> -> memref<400x128xf32, #tpu.memory_space<hbm>>
    tpu.enqueue_dma source(%arg10 : memref<400x128xf32, #tpu.memory_space<vmem>>) target(%dma_start3A_2547 : memref<400x128xf32, #tpu.memory_space<hbm>>) target_semaphore(%arg16 : memref<!tpu.dma_semaphore, #tpu.memory_space<semaphore_mem>>)
    %dma_wait3A_2548 = arith.constant 0 : i32
    %dma_wait3A_2549 = tpu.memref_slice %arg4[%add3A_2497, %dma_wait3A_2548] : memref<320000x128xf32, #tpu.memory_space<hbm>> -> memref<400x128xf32, #tpu.memory_space<hbm>>
    %dma_wait3A_2550 = arith.constant 0 : i32
    %dma_wait3A_2551 = tpu.memref_slice %arg4[%add3A_2497, %dma_wait3A_2550] : memref<320000x128xf32, #tpu.memory_space<hbm>> -> memref<400x128xf32, #tpu.memory_space<hbm>>
    tpu.wait_dma2 semaphore(%arg17 : memref<!tpu.dma_semaphore, #tpu.memory_space<semaphore_mem>>) src(%arg11 : memref<400x128xf32, #tpu.memory_space<vmem>>) dst(%dma_wait3A_2551 : memref<400x128xf32, #tpu.memory_space<hbm>>)
    %dma_wait3A_2552 = arith.constant 0 : i32
    %dma_wait3A_2553 = tpu.memref_slice %arg4[%add3A_2543, %dma_wait3A_2552] : memref<320000x128xf32, #tpu.memory_space<hbm>> -> memref<400x128xf32, #tpu.memory_space<hbm>>
    %dma_wait3A_2554 = arith.constant 0 : i32
    %dma_wait3A_2555 = tpu.memref_slice %arg4[%add3A_2543, %dma_wait3A_2554] : memref<320000x128xf32, #tpu.memory_space<hbm>> -> memref<400x128xf32, #tpu.memory_space<hbm>>
    tpu.wait_dma2 semaphore(%arg16 : memref<!tpu.dma_semaphore, #tpu.memory_space<semaphore_mem>>) src(%arg10 : memref<400x128xf32, #tpu.memory_space<vmem>>) dst(%dma_wait3A_2555 : memref<400x128xf32, #tpu.memory_space<hbm>>)
    return
  }
}

module attributes {stable_mosaic.version = 14 : i64} {
  func.func @_table_body(%arg0: memref<5x128xf32, #tpu.memory_space<vmem>>, %arg1: memref<6x128xf32, #tpu.memory_space<vmem>>, %arg2: memref<2x128xf32, #tpu.memory_space<vmem>>, %arg3: memref<64x128xf32, #tpu.memory_space<vmem>>) attributes {dimension_semantics = [], scalar_prefetch = 0 : i64, scratch_operands = 0 : i64, tpu.core_type = #tpu.core_type<tc>} {
    %iota3A = tpu.iota {dimensions = array<i32: 0>} : vector<64x128xi32>
    %jit3A = arith.constant 12 : i32
    %div3A = vector.broadcast %jit3A : i32 to vector<64x128xi32>
    %div3A_0 = arith.divsi %iota3A, %div3A : vector<64x128xi32>
    %sign3A = arith.constant 0 : i32
    %sign3A_1 = vector.broadcast %sign3A : i32 to vector<64x128xi32>
    %sign3A_2 = arith.cmpi sgt, %iota3A, %sign3A_1 : vector<64x128xi32>
    %sign3A_3 = arith.extui %sign3A_2 : vector<64x128xi1> to vector<64x128xi32>
    %sign3A_4 = arith.constant 0 : i32
    %sign3A_5 = vector.broadcast %sign3A_4 : i32 to vector<64x128xi32>
    %sign3A_6 = arith.cmpi slt, %iota3A, %sign3A_5 : vector<64x128xi32>
    %sign3A_7 = arith.extui %sign3A_6 : vector<64x128xi1> to vector<64x128xi32>
    %sign3A_8 = arith.subi %sign3A_3, %sign3A_7 : vector<64x128xi32>
    %sign3A_9 = arith.constant 0 : i32
    %sign3A_10 = arith.cmpi sgt, %jit3A, %sign3A_9 : i32
    %sign3A_11 = arith.extui %sign3A_10 : i1 to i32
    %sign3A_12 = arith.constant 0 : i32
    %sign3A_13 = arith.cmpi slt, %jit3A, %sign3A_12 : i32
    %sign3A_14 = arith.extui %sign3A_13 : i1 to i32
    %sign3A_15 = arith.subi %sign3A_11, %sign3A_14 : i32
    %ne3A = vector.broadcast %sign3A_15 : i32 to vector<64x128xi32>
    %ne3A_16 = arith.cmpi ne, %sign3A_8, %ne3A : vector<64x128xi32>
    %rem3A = vector.broadcast %jit3A : i32 to vector<64x128xi32>
    %rem3A_17 = arith.remsi %iota3A, %rem3A : vector<64x128xi32>
    %ne3A_18 = arith.constant 0 : i32
    %ne3A_19 = vector.broadcast %ne3A_18 : i32 to vector<64x128xi32>
    %ne3A_20 = arith.cmpi ne, %rem3A_17, %ne3A_19 : vector<64x128xi32>
    %and3A = arith.andi %ne3A_16, %ne3A_20 : vector<64x128xi1>
    %sub3A = arith.constant 1 : i32
    %sub3A_21 = vector.broadcast %sub3A : i32 to vector<64x128xi32>
    %sub3A_22 = arith.subi %div3A_0, %sub3A_21 : vector<64x128xi32>
    %select_n3A = arith.select %and3A, %sub3A_22, %div3A_0 : vector<64x128xi1>, vector<64x128xi32>
    %jit3A_23 = arith.constant 2 : i32
    %div3A_24 = vector.broadcast %jit3A_23 : i32 to vector<64x128xi32>
    %div3A_25 = arith.divsi %iota3A, %div3A_24 : vector<64x128xi32>
    %sign3A_26 = arith.constant 0 : i32
    %sign3A_27 = vector.broadcast %sign3A_26 : i32 to vector<64x128xi32>
    %sign3A_28 = arith.cmpi sgt, %iota3A, %sign3A_27 : vector<64x128xi32>
    %sign3A_29 = arith.extui %sign3A_28 : vector<64x128xi1> to vector<64x128xi32>
    %sign3A_30 = arith.constant 0 : i32
    %sign3A_31 = vector.broadcast %sign3A_30 : i32 to vector<64x128xi32>
    %sign3A_32 = arith.cmpi slt, %iota3A, %sign3A_31 : vector<64x128xi32>
    %sign3A_33 = arith.extui %sign3A_32 : vector<64x128xi1> to vector<64x128xi32>
    %sign3A_34 = arith.subi %sign3A_29, %sign3A_33 : vector<64x128xi32>
    %sign3A_35 = arith.constant 0 : i32
    %sign3A_36 = arith.cmpi sgt, %jit3A_23, %sign3A_35 : i32
    %sign3A_37 = arith.extui %sign3A_36 : i1 to i32
    %sign3A_38 = arith.constant 0 : i32
    %sign3A_39 = arith.cmpi slt, %jit3A_23, %sign3A_38 : i32
    %sign3A_40 = arith.extui %sign3A_39 : i1 to i32
    %sign3A_41 = arith.subi %sign3A_37, %sign3A_40 : i32
    %ne3A_42 = vector.broadcast %sign3A_41 : i32 to vector<64x128xi32>
    %ne3A_43 = arith.cmpi ne, %sign3A_34, %ne3A_42 : vector<64x128xi32>
    %rem3A_44 = vector.broadcast %jit3A_23 : i32 to vector<64x128xi32>
    %rem3A_45 = arith.remsi %iota3A, %rem3A_44 : vector<64x128xi32>
    %ne3A_46 = arith.constant 0 : i32
    %ne3A_47 = vector.broadcast %ne3A_46 : i32 to vector<64x128xi32>
    %ne3A_48 = arith.cmpi ne, %rem3A_45, %ne3A_47 : vector<64x128xi32>
    %and3A_49 = arith.andi %ne3A_43, %ne3A_48 : vector<64x128xi1>
    %sub3A_50 = arith.constant 1 : i32
    %sub3A_51 = vector.broadcast %sub3A_50 : i32 to vector<64x128xi32>
    %sub3A_52 = arith.subi %div3A_25, %sub3A_51 : vector<64x128xi32>
    %select_n3A_53 = arith.select %and3A_49, %sub3A_52, %div3A_25 : vector<64x128xi1>, vector<64x128xi32>
    %jit3A_54 = arith.constant 6 : i32
    %eq3A = arith.constant 0 : i32
    %eq3A_55 = arith.cmpi eq, %jit3A_54, %eq3A : i32
    %jit3A_56 = arith.constant 1 : i32
    %select_n3A_57 = arith.select %eq3A_55, %jit3A_56, %jit3A_54 : i32
    %rem3A_58 = vector.broadcast %select_n3A_57 : i32 to vector<64x128xi32>
    %rem3A_59 = arith.remsi %select_n3A_53, %rem3A_58 : vector<64x128xi32>
    %ne3A_60 = arith.constant 0 : i32
    %ne3A_61 = vector.broadcast %ne3A_60 : i32 to vector<64x128xi32>
    %ne3A_62 = arith.cmpi ne, %rem3A_59, %ne3A_61 : vector<64x128xi32>
    %lt3A = arith.constant 0 : i32
    %lt3A_63 = vector.broadcast %lt3A : i32 to vector<64x128xi32>
    %lt3A_64 = arith.cmpi slt, %rem3A_59, %lt3A_63 : vector<64x128xi32>
    %lt3A_65 = arith.constant 0 : i32
    %lt3A_66 = arith.cmpi slt, %select_n3A_57, %lt3A_65 : i32
    %ne3A_67 = vector.broadcast %lt3A_66 : i1 to vector<64x128xi1>
    %ne3A_68 = vector.broadcast %ne3A_67 : vector<64x128xi1> to vector<64x128xi1>
    %ne3A_69 = arith.xori %lt3A_64, %ne3A_68 : vector<64x128xi1>
    %and3A_70 = arith.andi %ne3A_69, %ne3A_62 : vector<64x128xi1>
    %add3A = vector.broadcast %select_n3A_57 : i32 to vector<64x128xi32>
    %add3A_71 = arith.addi %rem3A_59, %add3A : vector<64x128xi32>
    %select_n3A_72 = arith.select %and3A_70, %add3A_71, %rem3A_59 : vector<64x128xi1>, vector<64x128xi32>
    %jit3A_73 = arith.constant 2 : i32
    %eq3A_74 = arith.constant 0 : i32
    %eq3A_75 = arith.cmpi eq, %jit3A_73, %eq3A_74 : i32
    %jit3A_76 = arith.constant 1 : i32
    %select_n3A_77 = arith.select %eq3A_75, %jit3A_76, %jit3A_73 : i32
    %rem3A_78 = vector.broadcast %select_n3A_77 : i32 to vector<64x128xi32>
    %rem3A_79 = arith.remsi %iota3A, %rem3A_78 : vector<64x128xi32>
    %ne3A_80 = arith.constant 0 : i32
    %ne3A_81 = vector.broadcast %ne3A_80 : i32 to vector<64x128xi32>
    %ne3A_82 = arith.cmpi ne, %rem3A_79, %ne3A_81 : vector<64x128xi32>
    %lt3A_83 = arith.constant 0 : i32
    %lt3A_84 = vector.broadcast %lt3A_83 : i32 to vector<64x128xi32>
    %lt3A_85 = arith.cmpi slt, %rem3A_79, %lt3A_84 : vector<64x128xi32>
    %lt3A_86 = arith.constant 0 : i32
    %lt3A_87 = arith.cmpi slt, %select_n3A_77, %lt3A_86 : i32
    %ne3A_88 = vector.broadcast %lt3A_87 : i1 to vector<64x128xi1>
    %ne3A_89 = vector.broadcast %ne3A_88 : vector<64x128xi1> to vector<64x128xi1>
    %ne3A_90 = arith.xori %lt3A_85, %ne3A_89 : vector<64x128xi1>
    %and3A_91 = arith.andi %ne3A_90, %ne3A_82 : vector<64x128xi1>
    %add3A_92 = vector.broadcast %select_n3A_77 : i32 to vector<64x128xi32>
    %add3A_93 = arith.addi %rem3A_79, %add3A_92 : vector<64x128xi32>
    %select_n3A_94 = arith.select %and3A_91, %add3A_93, %rem3A_79 : vector<64x128xi1>, vector<64x128xi32>
    %broadcast_in_dim3A = arith.constant 0.000000e+00 : f32
    %broadcast_in_dim3A_95 = vector.broadcast %broadcast_in_dim3A : f32 to vector<64x128xf32>
    %eq3A_96 = arith.constant 0 : i32
    %eq3A_97 = vector.broadcast %eq3A_96 : i32 to vector<64x128xi32>
    %eq3A_98 = arith.cmpi eq, %select_n3A, %eq3A_97 : vector<64x128xi32>
    %get3A = arith.constant 0 : index
    %get3A_99 = arith.constant 0 : index
    %get3A_100 = vector.load %arg0[%get3A, %get3A_99] : memref<5x128xf32, #tpu.memory_space<vmem>>, vector<1x128xf32>
    %get3A_101 = vector.shape_cast %get3A_100 : vector<1x128xf32> to vector<128xf32>
    %broadcast_in_dim3A_102 = vector.shape_cast %get3A_101 : vector<128xf32> to vector<1x128xf32>
    %jit3A_103 = arith.constant 0.000000e+00 : f32
    %broadcast_in_dim3A_104 = vector.shape_cast %broadcast_in_dim3A_102 : vector<1x128xf32> to vector<1x128xf32>
    %broadcast_in_dim3A_105 = vector.broadcast %broadcast_in_dim3A_104 : vector<1x128xf32> to vector<64x128xf32>
    %broadcast_in_dim3A_106 = vector.broadcast %jit3A_103 : f32 to vector<64x128xf32>
    %select_n3A_107 = arith.select %eq3A_98, %broadcast_in_dim3A_105, %broadcast_in_dim3A_106 : vector<64x128xi1>, vector<64x128xf32>
    %add3A_108 = arith.addf %broadcast_in_dim3A_95, %select_n3A_107 : vector<64x128xf32>
    %eq3A_109 = arith.constant 1 : i32
    %eq3A_110 = vector.broadcast %eq3A_109 : i32 to vector<64x128xi32>
    %eq3A_111 = arith.cmpi eq, %select_n3A, %eq3A_110 : vector<64x128xi32>
    %get3A_112 = arith.constant 1 : index
    %get3A_113 = arith.constant 0 : index
    %get3A_114 = vector.load %arg0[%get3A_112, %get3A_113] : memref<5x128xf32, #tpu.memory_space<vmem>>, vector<1x128xf32>
    %get3A_115 = vector.shape_cast %get3A_114 : vector<1x128xf32> to vector<128xf32>
    %broadcast_in_dim3A_116 = vector.shape_cast %get3A_115 : vector<128xf32> to vector<1x128xf32>
    %jit3A_117 = arith.constant 0.000000e+00 : f32
    %broadcast_in_dim3A_118 = vector.shape_cast %broadcast_in_dim3A_116 : vector<1x128xf32> to vector<1x128xf32>
    %broadcast_in_dim3A_119 = vector.broadcast %broadcast_in_dim3A_118 : vector<1x128xf32> to vector<64x128xf32>
    %broadcast_in_dim3A_120 = vector.broadcast %jit3A_117 : f32 to vector<64x128xf32>
    %select_n3A_121 = arith.select %eq3A_111, %broadcast_in_dim3A_119, %broadcast_in_dim3A_120 : vector<64x128xi1>, vector<64x128xf32>
    %add3A_122 = arith.addf %add3A_108, %select_n3A_121 : vector<64x128xf32>
    %eq3A_123 = arith.constant 2 : i32
    %eq3A_124 = vector.broadcast %eq3A_123 : i32 to vector<64x128xi32>
    %eq3A_125 = arith.cmpi eq, %select_n3A, %eq3A_124 : vector<64x128xi32>
    %get3A_126 = arith.constant 2 : index
    %get3A_127 = arith.constant 0 : index
    %get3A_128 = vector.load %arg0[%get3A_126, %get3A_127] : memref<5x128xf32, #tpu.memory_space<vmem>>, vector<1x128xf32>
    %get3A_129 = vector.shape_cast %get3A_128 : vector<1x128xf32> to vector<128xf32>
    %broadcast_in_dim3A_130 = vector.shape_cast %get3A_129 : vector<128xf32> to vector<1x128xf32>
    %jit3A_131 = arith.constant 0.000000e+00 : f32
    %broadcast_in_dim3A_132 = vector.shape_cast %broadcast_in_dim3A_130 : vector<1x128xf32> to vector<1x128xf32>
    %broadcast_in_dim3A_133 = vector.broadcast %broadcast_in_dim3A_132 : vector<1x128xf32> to vector<64x128xf32>
    %broadcast_in_dim3A_134 = vector.broadcast %jit3A_131 : f32 to vector<64x128xf32>
    %select_n3A_135 = arith.select %eq3A_125, %broadcast_in_dim3A_133, %broadcast_in_dim3A_134 : vector<64x128xi1>, vector<64x128xf32>
    %add3A_136 = arith.addf %add3A_122, %select_n3A_135 : vector<64x128xf32>
    %eq3A_137 = arith.constant 3 : i32
    %eq3A_138 = vector.broadcast %eq3A_137 : i32 to vector<64x128xi32>
    %eq3A_139 = arith.cmpi eq, %select_n3A, %eq3A_138 : vector<64x128xi32>
    %get3A_140 = arith.constant 3 : index
    %get3A_141 = arith.constant 0 : index
    %get3A_142 = vector.load %arg0[%get3A_140, %get3A_141] : memref<5x128xf32, #tpu.memory_space<vmem>>, vector<1x128xf32>
    %get3A_143 = vector.shape_cast %get3A_142 : vector<1x128xf32> to vector<128xf32>
    %broadcast_in_dim3A_144 = vector.shape_cast %get3A_143 : vector<128xf32> to vector<1x128xf32>
    %jit3A_145 = arith.constant 0.000000e+00 : f32
    %broadcast_in_dim3A_146 = vector.shape_cast %broadcast_in_dim3A_144 : vector<1x128xf32> to vector<1x128xf32>
    %broadcast_in_dim3A_147 = vector.broadcast %broadcast_in_dim3A_146 : vector<1x128xf32> to vector<64x128xf32>
    %broadcast_in_dim3A_148 = vector.broadcast %jit3A_145 : f32 to vector<64x128xf32>
    %select_n3A_149 = arith.select %eq3A_139, %broadcast_in_dim3A_147, %broadcast_in_dim3A_148 : vector<64x128xi1>, vector<64x128xf32>
    %add3A_150 = arith.addf %add3A_136, %select_n3A_149 : vector<64x128xf32>
    %eq3A_151 = arith.constant 4 : i32
    %eq3A_152 = vector.broadcast %eq3A_151 : i32 to vector<64x128xi32>
    %eq3A_153 = arith.cmpi eq, %select_n3A, %eq3A_152 : vector<64x128xi32>
    %get3A_154 = arith.constant 4 : index
    %get3A_155 = arith.constant 0 : index
    %get3A_156 = vector.load %arg0[%get3A_154, %get3A_155] : memref<5x128xf32, #tpu.memory_space<vmem>>, vector<1x128xf32>
    %get3A_157 = vector.shape_cast %get3A_156 : vector<1x128xf32> to vector<128xf32>
    %broadcast_in_dim3A_158 = vector.shape_cast %get3A_157 : vector<128xf32> to vector<1x128xf32>
    %jit3A_159 = arith.constant 0.000000e+00 : f32
    %broadcast_in_dim3A_160 = vector.shape_cast %broadcast_in_dim3A_158 : vector<1x128xf32> to vector<1x128xf32>
    %broadcast_in_dim3A_161 = vector.broadcast %broadcast_in_dim3A_160 : vector<1x128xf32> to vector<64x128xf32>
    %broadcast_in_dim3A_162 = vector.broadcast %jit3A_159 : f32 to vector<64x128xf32>
    %select_n3A_163 = arith.select %eq3A_153, %broadcast_in_dim3A_161, %broadcast_in_dim3A_162 : vector<64x128xi1>, vector<64x128xf32>
    %add3A_164 = arith.addf %add3A_150, %select_n3A_163 : vector<64x128xf32>
    %eq3A_165 = arith.constant 0 : i32
    %eq3A_166 = vector.broadcast %eq3A_165 : i32 to vector<64x128xi32>
    %eq3A_167 = arith.cmpi eq, %select_n3A_72, %eq3A_166 : vector<64x128xi32>
    %get3A_168 = arith.constant 0 : index
    %get3A_169 = arith.constant 0 : index
    %get3A_170 = vector.load %arg1[%get3A_168, %get3A_169] : memref<6x128xf32, #tpu.memory_space<vmem>>, vector<1x128xf32>
    %get3A_171 = vector.shape_cast %get3A_170 : vector<1x128xf32> to vector<128xf32>
    %broadcast_in_dim3A_172 = vector.shape_cast %get3A_171 : vector<128xf32> to vector<1x128xf32>
    %jit3A_173 = arith.constant 0.000000e+00 : f32
    %broadcast_in_dim3A_174 = vector.shape_cast %broadcast_in_dim3A_172 : vector<1x128xf32> to vector<1x128xf32>
    %broadcast_in_dim3A_175 = vector.broadcast %broadcast_in_dim3A_174 : vector<1x128xf32> to vector<64x128xf32>
    %broadcast_in_dim3A_176 = vector.broadcast %jit3A_173 : f32 to vector<64x128xf32>
    %select_n3A_177 = arith.select %eq3A_167, %broadcast_in_dim3A_175, %broadcast_in_dim3A_176 : vector<64x128xi1>, vector<64x128xf32>
    %add3A_178 = arith.addf %add3A_164, %select_n3A_177 : vector<64x128xf32>
    %eq3A_179 = arith.constant 1 : i32
    %eq3A_180 = vector.broadcast %eq3A_179 : i32 to vector<64x128xi32>
    %eq3A_181 = arith.cmpi eq, %select_n3A_72, %eq3A_180 : vector<64x128xi32>
    %get3A_182 = arith.constant 1 : index
    %get3A_183 = arith.constant 0 : index
    %get3A_184 = vector.load %arg1[%get3A_182, %get3A_183] : memref<6x128xf32, #tpu.memory_space<vmem>>, vector<1x128xf32>
    %get3A_185 = vector.shape_cast %get3A_184 : vector<1x128xf32> to vector<128xf32>
    %broadcast_in_dim3A_186 = vector.shape_cast %get3A_185 : vector<128xf32> to vector<1x128xf32>
    %jit3A_187 = arith.constant 0.000000e+00 : f32
    %broadcast_in_dim3A_188 = vector.shape_cast %broadcast_in_dim3A_186 : vector<1x128xf32> to vector<1x128xf32>
    %broadcast_in_dim3A_189 = vector.broadcast %broadcast_in_dim3A_188 : vector<1x128xf32> to vector<64x128xf32>
    %broadcast_in_dim3A_190 = vector.broadcast %jit3A_187 : f32 to vector<64x128xf32>
    %select_n3A_191 = arith.select %eq3A_181, %broadcast_in_dim3A_189, %broadcast_in_dim3A_190 : vector<64x128xi1>, vector<64x128xf32>
    %add3A_192 = arith.addf %add3A_178, %select_n3A_191 : vector<64x128xf32>
    %eq3A_193 = arith.constant 2 : i32
    %eq3A_194 = vector.broadcast %eq3A_193 : i32 to vector<64x128xi32>
    %eq3A_195 = arith.cmpi eq, %select_n3A_72, %eq3A_194 : vector<64x128xi32>
    %get3A_196 = arith.constant 2 : index
    %get3A_197 = arith.constant 0 : index
    %get3A_198 = vector.load %arg1[%get3A_196, %get3A_197] : memref<6x128xf32, #tpu.memory_space<vmem>>, vector<1x128xf32>
    %get3A_199 = vector.shape_cast %get3A_198 : vector<1x128xf32> to vector<128xf32>
    %broadcast_in_dim3A_200 = vector.shape_cast %get3A_199 : vector<128xf32> to vector<1x128xf32>
    %jit3A_201 = arith.constant 0.000000e+00 : f32
    %broadcast_in_dim3A_202 = vector.shape_cast %broadcast_in_dim3A_200 : vector<1x128xf32> to vector<1x128xf32>
    %broadcast_in_dim3A_203 = vector.broadcast %broadcast_in_dim3A_202 : vector<1x128xf32> to vector<64x128xf32>
    %broadcast_in_dim3A_204 = vector.broadcast %jit3A_201 : f32 to vector<64x128xf32>
    %select_n3A_205 = arith.select %eq3A_195, %broadcast_in_dim3A_203, %broadcast_in_dim3A_204 : vector<64x128xi1>, vector<64x128xf32>
    %add3A_206 = arith.addf %add3A_192, %select_n3A_205 : vector<64x128xf32>
    %eq3A_207 = arith.constant 3 : i32
    %eq3A_208 = vector.broadcast %eq3A_207 : i32 to vector<64x128xi32>
    %eq3A_209 = arith.cmpi eq, %select_n3A_72, %eq3A_208 : vector<64x128xi32>
    %get3A_210 = arith.constant 3 : index
    %get3A_211 = arith.constant 0 : index
    %get3A_212 = vector.load %arg1[%get3A_210, %get3A_211] : memref<6x128xf32, #tpu.memory_space<vmem>>, vector<1x128xf32>
    %get3A_213 = vector.shape_cast %get3A_212 : vector<1x128xf32> to vector<128xf32>
    %broadcast_in_dim3A_214 = vector.shape_cast %get3A_213 : vector<128xf32> to vector<1x128xf32>
    %jit3A_215 = arith.constant 0.000000e+00 : f32
    %broadcast_in_dim3A_216 = vector.shape_cast %broadcast_in_dim3A_214 : vector<1x128xf32> to vector<1x128xf32>
    %broadcast_in_dim3A_217 = vector.broadcast %broadcast_in_dim3A_216 : vector<1x128xf32> to vector<64x128xf32>
    %broadcast_in_dim3A_218 = vector.broadcast %jit3A_215 : f32 to vector<64x128xf32>
    %select_n3A_219 = arith.select %eq3A_209, %broadcast_in_dim3A_217, %broadcast_in_dim3A_218 : vector<64x128xi1>, vector<64x128xf32>
    %add3A_220 = arith.addf %add3A_206, %select_n3A_219 : vector<64x128xf32>
    %eq3A_221 = arith.constant 4 : i32
    %eq3A_222 = vector.broadcast %eq3A_221 : i32 to vector<64x128xi32>
    %eq3A_223 = arith.cmpi eq, %select_n3A_72, %eq3A_222 : vector<64x128xi32>
    %get3A_224 = arith.constant 4 : index
    %get3A_225 = arith.constant 0 : index
    %get3A_226 = vector.load %arg1[%get3A_224, %get3A_225] : memref<6x128xf32, #tpu.memory_space<vmem>>, vector<1x128xf32>
    %get3A_227 = vector.shape_cast %get3A_226 : vector<1x128xf32> to vector<128xf32>
    %broadcast_in_dim3A_228 = vector.shape_cast %get3A_227 : vector<128xf32> to vector<1x128xf32>
    %jit3A_229 = arith.constant 0.000000e+00 : f32
    %broadcast_in_dim3A_230 = vector.shape_cast %broadcast_in_dim3A_228 : vector<1x128xf32> to vector<1x128xf32>
    %broadcast_in_dim3A_231 = vector.broadcast %broadcast_in_dim3A_230 : vector<1x128xf32> to vector<64x128xf32>
    %broadcast_in_dim3A_232 = vector.broadcast %jit3A_229 : f32 to vector<64x128xf32>
    %select_n3A_233 = arith.select %eq3A_223, %broadcast_in_dim3A_231, %broadcast_in_dim3A_232 : vector<64x128xi1>, vector<64x128xf32>
    %add3A_234 = arith.addf %add3A_220, %select_n3A_233 : vector<64x128xf32>
    %eq3A_235 = arith.constant 5 : i32
    %eq3A_236 = vector.broadcast %eq3A_235 : i32 to vector<64x128xi32>
    %eq3A_237 = arith.cmpi eq, %select_n3A_72, %eq3A_236 : vector<64x128xi32>
    %get3A_238 = arith.constant 5 : index
    %get3A_239 = arith.constant 0 : index
    %get3A_240 = vector.load %arg1[%get3A_238, %get3A_239] : memref<6x128xf32, #tpu.memory_space<vmem>>, vector<1x128xf32>
    %get3A_241 = vector.shape_cast %get3A_240 : vector<1x128xf32> to vector<128xf32>
    %broadcast_in_dim3A_242 = vector.shape_cast %get3A_241 : vector<128xf32> to vector<1x128xf32>
    %jit3A_243 = arith.constant 0.000000e+00 : f32
    %broadcast_in_dim3A_244 = vector.shape_cast %broadcast_in_dim3A_242 : vector<1x128xf32> to vector<1x128xf32>
    %broadcast_in_dim3A_245 = vector.broadcast %broadcast_in_dim3A_244 : vector<1x128xf32> to vector<64x128xf32>
    %broadcast_in_dim3A_246 = vector.broadcast %jit3A_243 : f32 to vector<64x128xf32>
    %select_n3A_247 = arith.select %eq3A_237, %broadcast_in_dim3A_245, %broadcast_in_dim3A_246 : vector<64x128xi1>, vector<64x128xf32>
    %add3A_248 = arith.addf %add3A_234, %select_n3A_247 : vector<64x128xf32>
    %eq3A_249 = arith.constant 0 : i32
    %eq3A_250 = vector.broadcast %eq3A_249 : i32 to vector<64x128xi32>
    %eq3A_251 = arith.cmpi eq, %select_n3A_94, %eq3A_250 : vector<64x128xi32>
    %get3A_252 = arith.constant 0 : index
    %get3A_253 = arith.constant 0 : index
    %get3A_254 = vector.load %arg2[%get3A_252, %get3A_253] : memref<2x128xf32, #tpu.memory_space<vmem>>, vector<1x128xf32>
    %get3A_255 = vector.shape_cast %get3A_254 : vector<1x128xf32> to vector<128xf32>
    %broadcast_in_dim3A_256 = vector.shape_cast %get3A_255 : vector<128xf32> to vector<1x128xf32>
    %jit3A_257 = arith.constant 0.000000e+00 : f32
    %broadcast_in_dim3A_258 = vector.shape_cast %broadcast_in_dim3A_256 : vector<1x128xf32> to vector<1x128xf32>
    %broadcast_in_dim3A_259 = vector.broadcast %broadcast_in_dim3A_258 : vector<1x128xf32> to vector<64x128xf32>
    %broadcast_in_dim3A_260 = vector.broadcast %jit3A_257 : f32 to vector<64x128xf32>
    %select_n3A_261 = arith.select %eq3A_251, %broadcast_in_dim3A_259, %broadcast_in_dim3A_260 : vector<64x128xi1>, vector<64x128xf32>
    %add3A_262 = arith.addf %add3A_248, %select_n3A_261 : vector<64x128xf32>
    %eq3A_263 = arith.constant 1 : i32
    %eq3A_264 = vector.broadcast %eq3A_263 : i32 to vector<64x128xi32>
    %eq3A_265 = arith.cmpi eq, %select_n3A_94, %eq3A_264 : vector<64x128xi32>
    %get3A_266 = arith.constant 1 : index
    %get3A_267 = arith.constant 0 : index
    %get3A_268 = vector.load %arg2[%get3A_266, %get3A_267] : memref<2x128xf32, #tpu.memory_space<vmem>>, vector<1x128xf32>
    %get3A_269 = vector.shape_cast %get3A_268 : vector<1x128xf32> to vector<128xf32>
    %broadcast_in_dim3A_270 = vector.shape_cast %get3A_269 : vector<128xf32> to vector<1x128xf32>
    %jit3A_271 = arith.constant 0.000000e+00 : f32
    %broadcast_in_dim3A_272 = vector.shape_cast %broadcast_in_dim3A_270 : vector<1x128xf32> to vector<1x128xf32>
    %broadcast_in_dim3A_273 = vector.broadcast %broadcast_in_dim3A_272 : vector<1x128xf32> to vector<64x128xf32>
    %broadcast_in_dim3A_274 = vector.broadcast %jit3A_271 : f32 to vector<64x128xf32>
    %select_n3A_275 = arith.select %eq3A_265, %broadcast_in_dim3A_273, %broadcast_in_dim3A_274 : vector<64x128xi1>, vector<64x128xf32>
    %add3A_276 = arith.addf %add3A_262, %select_n3A_275 : vector<64x128xf32>
    %swap3A = arith.constant 0 : index
    %swap3A_277 = arith.constant 0 : index
    %swap3A_278 = vector.load %arg3[%swap3A, %swap3A_277] : memref<64x128xf32, #tpu.memory_space<vmem>>, vector<64x128xf32>
    tpu.vector_store %arg3[%swap3A, %swap3A_277], %add3A_276 {strides = array<i32>} : memref<64x128xf32, #tpu.memory_space<vmem>>, vector<64x128xf32>,
    return
  }
}

</mosaic_0001>

<sc_bundles>
// kernel: kernel.4.cloned.1.call-start
scs
__scs_entry_jumppad:
0x0: {  	(pc) =	sbr.rel $0x88, $3  }
0x1: {  	(tag) =	ssettag $0x0;
	lr =	simm.s32 $0x1  }
0x2: {  	[smem:$0x3F9D] =	sst lr;
	_ =	strace $0xD0000000  }
0x3: {  	_ = 	snop  }
0x4: {  	_ = 	snop  }
0x5: {  	_ = 	snop  }
0x6: {  	_ = 	snop  }
0x7: {  	_ = 	snop  }
__scs_overlays_trampoline_lowered:
0x8: {  	[smem:$0x3FAC] =	sst s0  }
0x9: {  	[smem:$0x3FAD] =	sst s1  }
0xa: {  	[smem:$0x3FAE] =	sst s2  }
0xb: {  	[smem:$0x3FAF] =	sst s3  }
0xc: {  	[smem:$0x3FB0] =	sst s4  }
0xd: {  	[smem:$0x3FB1] =	sst s5  }
0xe: {  	[smem:$0x3FB2] =	sst s6  }
0xf: {  	[smem:$0x3FB3] =	sst s7  }
0x10: {  	[smem:$0x3FB4] =	sst s8  }
0x11: {  	[smem:$0x3FB5] =	sst s9;
	s0 =	simm.s32 @!p0 $0x0  }
0x12: {  	s1 =	sld [smem:$0x3F9B];
	s0 =	simm.s32 @p0 $0x1  }
0x13: {  	[smem:$0x3FB6] =	sst s0;
	s0 =	simm.s32 @!p1 $0x0  }
0x14: {  	s2 =	sld [smem:$0x3F9A];
	s0 =	simm.s32 @p1 $0x1  }
0x15: {  	[smem:$0x3FB7] =	sst s0;
	s0 =	simm.s32 @!p2 $0x0  }
0x16: {  	s3 =	sld [smem:$0x3FDB];
	s0 =	simm.s32 @p2 $0x1  }
0x17: {  	s4 =	simm.s32 $0x1BF5;
	[smem:$0x3FB9] =	sst s0  }
0x18: {  	s0 =	sld [smem:$0x3F9C];
	_ =	swait.ge [sflag:s4], $0x0  }
0x19: {  	s7 =	sld [smem:$0x3F9D]  }
0x1a: {  	s8 =	sadd.s32 $0xFFFFE003, lr  }
0x1b: {  	s9 =	sadd.s32 $0xFFFFFEF7, lr;
	s5 =	simm.s32 $0xFFFFFFFF;
	p2 =	slt.u32 s8, $0xFFFFF086  }
0x1c: {  	p1 =	slt.u32 s9, $0xF7A;
	s5 =	simm.s32 @!p2 $0x0  }
0x1d: {  	s5 =	simm.s32 @p1 $0x1;
	p0 =	seq.s32 s7, s2  }
0x1e: {  	s7 =	smul.u32 @!p0 $0xF7A, s2;
	p2 =	seq.s32 @!p0 s5, $0x0  }
0x1f: {  	s9 =	smul.u32 $0xF7A, s1;
	s8 =	simm.s32 @!p0 $0x1BF5;
	p2 =	por !p2, p0  }
0x20: {  	[sflag:s8] =	ssyncset.s32 @!p0 $0xFFFFF086;
	s6 =	sadd.s32 @!p0 s3, s7;
	s7 =	simm.s32 @!p0 $0x108  }
0x21: {  	s3 =	sadd.s32 s3, s9;
	s6 =	sadd.s32 @!p0 $0x88, s6;
	s7 =	simm.s32 @p2 $0x1082  }
0x22: {  	[simem:s7], [sflag:s8] =	dma.local @!p0 [hbm:s6], $0xF7A  }
0x23: {  	s9 =	sor.u32 $0xD0000000, s2;
	s6 =	simm.s32 $0x108;
	_ =	swait.ge @!p0 [sflag:s8], $0x0  }
0x24: {  	s3 =	sadd.s32 $0x88, s3;
	s6 =	simm.s32 @!p1 $0x1082;
	[sflag:s4] =	ssyncset.s32 $0xFFFFF086  }
0x25: {  	[simem:s6], [sflag:s4] =	dma.local [hbm:s3], $0xF7A  }
0x26: {  	[smem:$0x3F9D] =	sst s1;
	(tag) =	ssettag s2;
	_ =	strace s9  }
0x27: {  	s1 =	sld [smem:$0x3FAD]  }
0x28: {  	s2 =	sld [smem:$0x3FAE]  }
0x29: {  	s4 =	sld [smem:$0x3FB0]  }
0x2a: {  	p0 =	seq.s32 s5, $0x0;
	s5 =	sld [smem:$0x3FB1]  }
0x2b: {  	s6 =	sld [smem:$0x3FB2]  }
0x2c: {  	s7 =	sld [smem:$0x3FB3]  }
0x2d: {  	s3 =	simm.s32 $0x108;
	s8 =	sld [smem:$0x3FB4]  }
0x2e: {  	s3 =	simm.s32 @!p0 $0x1082;
	s9 =	sld [smem:$0x3FB5]  }
0x2f: {  	lr =	sadd.s32 s0, s3;
	s0 =	sld [smem:$0x3FAC]  }
0x30: {  	s3 =	sld [smem:$0x3FAF]  }
0x31: {  	[smem:$0x3FB8] =	sst s10  }
0x32: {  	s10 =	sld [smem:$0x3FB6];
	_ =	sdelay $0x3  }
0x33: {  	p0 =	seq.s32 s10, $0x1;
	s10 =	sld [smem:$0x3FB8];
	_ =	sdelay $0x3  }
0x34: {  	[smem:$0x3FB8] =	sst s10  }
0x35: {  	s10 =	sld [smem:$0x3FB7];
	_ =	sdelay $0x3  }
0x36: {  	p1 =	seq.s32 s10, $0x1;
	s10 =	sld [smem:$0x3FB8];
	_ =	sdelay $0x3  }
0x37: {  	[smem:$0x3FB8] =	sst s10  }
0x38: {  	s10 =	sld [smem:$0x3FB9]  }
0x39: {  	_ = 	snop;
	(pc) =	sbr.ind lr, $3  }
0x3a: {  	_ = 	snop  }
0x3b: {  	_ = 	snop  }
0x3c: {  	p2 =	seq.s32 s10, $0x1;
	s10 =	sld [smem:$0x3FB8]  }
0x3d: {  	_ =	shalt  }
0x3e: {  	_ =	shalt  }
0x3f: {  	_ =	shalt  }
0x40: {  	_ =	shalt  }
0x41: {  	_ =	shalt  }
0x42: {  	_ =	shalt  }
0x43: {  	_ =	shalt  }
0x44: {  	_ =	shalt  }
0x45: {  	_ =	shalt  }
0x46: {  	_ =	shalt  }
0x47: {  	_ =	shalt  }
0x48: {  	_ =	shalt  }
0x49: {  	_ =	shalt  }
0x4a: {  	_ =	shalt  }
0x4b: {  	_ =	shalt  }
0x4c: {  	_ =	shalt  }
0x4d: {  	_ =	shalt  }
0x4e: {  	_ =	shalt  }
0x4f: {  	_ =	shalt  }
0x50: {  	_ =	shalt  }
0x51: {  	_ =	shalt  }
0x52: {  	_ =	shalt  }
0x53: {  	_ =	shalt  }
0x54: {  	_ =	shalt  }
0x55: {  	_ =	shalt  }
0x56: {  	_ =	shalt  }
0x57: {  	_ =	shalt  }
0x58: {  	_ =	shalt  }
0x59: {  	_ =	shalt  }
0x5a: {  	_ =	shalt  }
0x5b: {  	_ =	shalt  }
0x5c: {  	_ =	shalt  }
0x5d: {  	_ =	shalt  }
0x5e: {  	_ =	shalt  }
0x5f: {  	_ =	shalt  }
0x60: {  	_ =	shalt  }
0x61: {  	_ =	shalt  }
0x62: {  	_ =	shalt  }
0x63: {  	_ =	shalt  }
0x64: {  	_ =	shalt  }
0x65: {  	_ =	shalt  }
0x66: {  	_ =	shalt  }
0x67: {  	_ =	shalt  }
0x68: {  	_ =	shalt  }
0x69: {  	_ =	shalt  }
0x6a: {  	_ =	shalt  }
0x6b: {  	_ =	shalt  }
0x6c: {  	_ =	shalt  }
0x6d: {  	_ =	shalt  }
0x6e: {  	_ =	shalt  }
0x6f: {  	_ =	shalt  }
0x70: {  	_ =	shalt  }
0x71: {  	_ =	shalt  }
0x72: {  	_ =	shalt  }
0x73: {  	_ =	shalt  }
0x74: {  	_ =	shalt  }
0x75: {  	_ =	shalt  }
0x76: {  	_ =	shalt  }
0x77: {  	_ =	shalt  }
0x78: {  	_ =	shalt  }
0x79: {  	_ =	shalt  }
0x7a: {  	_ =	shalt  }
0x7b: {  	_ =	shalt  }
0x7c: {  	_ =	shalt  }
0x7d: {  	_ =	shalt  }
0x7e: {  	_ =	shalt  }
0x7f: {  	_ =	shalt  }
0x80: {  	_ =	shalt  }
0x81: {  	_ =	shalt  }
0x82: {  	_ =	shalt  }
0x83: {  	_ =	shalt  }
0x84: {  	_ =	shalt  }
0x85: {  	_ =	shalt  }
0x86: {  	_ =	shalt  }
0x87: {  	_ =	shalt  }
.Lfunc_end0:
.L_simem_size_0:
called_computation_lowered:
.L_overlay_start_0:
0x88: {  	s2 =	sld [smem:$0x3FD9]  }
0x89: {  	s3 =	sld [smem:$0x3FFE];
	_ =	sdelay $0x1  }
0x8a: {  	s1 =	srdreg.scid  }
0x8b: {  	s0 =	sand.u32 $0x1, s1  }
0x8c: {  	s17 =	sshll.u32 s0, $0xA;
	s2 =	sadd.s32 s3, s2  }
0x8d: {  	s2 =	sadd.s32 s2, s17  }
0x8e: {  	[smem:$0x3FC4] =	sst s2  }
0x8f: {  	_ = 	snop  }
0x90: {  	s2 =	sld [smem:$0x3FD0];
	(tm) =	ssettm $0x1  }
0x91: {  	s18 =	sld [smem:$0x3FFB];
	_ =	sdelay $0x3  }
0x92: {  	_ =	strace s18  }
0x93: {  	s3 =	sld [smem:$0x3FFC];
	_ =	sdelay $0x3  }
0x94: {  	_ =	strace s3  }
0x95: {  	s3 =	sld [smem:$0x3FFD];
	_ =	sdelay $0x3  }
0x96: {  	_ =	strace s3  }
0x97: {  	_ =	strace $0x8FFFFFFF  }
0x98: {  	s19 =	sld [smem:$0x3FDB];
	_ =	sdelay $0x1  }
0x99: {  	s4 =	simm.s32 $_scs_section_size  }
0x9a: {  	s5 =	simm.s32 $_size__tile_overlayer_lowered;
	s6 =	simm.s32 $_tile_overlayer_lowered  }
0x9b: {  	s22 =	simm.s32 $0x1BFF;
	s21 =	sshll.u32 s6, $0x1;
	s3 =	sadd.s32 s4, s19  }
0x9c: {  	s7 =	simm.s32 $0x0;
	s20 =	sshll.u32 s5, $0x1;
	s5 =	sadd.s32 s21, s3  }
0x9d: {  	[timem:s7], [sflag:s22] =	dma.local [hbm:s5], s20  }
0x9e: {  	_ =	swait.ge [sflag:s22], s20  }
0x9f: {  	s4 =	ssub.s32 $0x0, s20;
	[sflag:s22] =	ssyncset.done $0x0  }
0xa0: {  	[sflag:s22] =	ssyncadd.s32 s4;
	_ =	sdelay $0x1  }
0xa1: {  	s23 =	simm.s32 $0x1B8B  }
0xa2: {  	_ =	swait.ge [sflag:s23], $0x1  }
0xa3: {  	[sflag:s23] =	ssyncset.done $0x0  }
0xa4: {  	s25 =	simm.s32 $0x1B8E;
	s24 =	sld [smem:$0x3FFE];
	[sflag:s23] =	ssyncadd.s32 $0xFFFFFFFF  }
0xa5: {  	s26 =	simm.s32 $execute0_lowered;
	[smem:$0x3FD2] =	sst s25  }
0xa6: {  	s5 =	sshll.u32 s26, $0x1;
	_ =	strace $0x80000046;
	[dreg:$0x1] =	wrdreg $0xFFFFFFFF  }
0xa7: {  	s28 =	simm.s32 $_size_execute0_lowered;
	s3 =	sadd.s32 s3, s5;
	[dreg:$0x0] =	wrdreg $0x0  }
0xa8: {  	s5 =	sshll.u32 s28, $0x1;
	[dreg:$0x2] =	wrdreg s3  }
0xa9: {  	[dreg:$0x3] =	wrdreg s5  }
0xaa: {  	[dreg:$0x4] =	wrdreg $0xC0  }
0xab: {  	_ =	task [dreg:s7], $0x5FFFF  }
0xac: {  	[dreg:$0x1] =	wrdreg $0xFFFFFFFF  }
0xad: {  	[dreg:$0x0] =	wrdreg $0x60  }
0xae: {  	[dreg:$0x2] =	wrdreg s24  }
0xaf: {  	[dreg:$0x3] =	wrdreg s2  }
0xb0: {  	[dreg:$0x4] =	wrdreg $0x0  }
0xb1: {  	[dreg:$0x5] =	wrdreg $0x9  }
0xb2: {  	_ =	task.clear_ibuf [dreg:s7], $0x6FFFF;
	_ =	strace $0x90000046  }
0xb3: {  	s29 =	simm.s32 $0x9;
	_ =	strace $0x80000048  }
0xb4: {  	_ =	swait.ge [sflag:s29], $0x1  }
0xb5: {  	[sflag:s29] =	ssyncadd.s32 $0xFFFFFFFF  }
0xb6: {  	_ =	strace $0x90000048  }
0xb7: {  	_ =	sfence  }
0xb8: {  	s30 =	sld [smem:$0x0];
	_ =	sdelay $0x2  }
0xb9: {  	s31 =	sshll.u32 s1, $0xD;
	s1 =	sshrl.u32 s1, $0x2  }
0xba: {  	s3 =	sand.u32 $0x4000, s31;
	s1 =	sadd.s32 s1, s30  }
0xbb: {  	s0 =	sor.u32 s3, s0;
	s1 =	sshll.u32 s1, $0x11  }
0xbc: {  	s0 =	sor.u32 s1, s0  }
0xbd: {  	s0 =	sadd.s32 $0x8F2B, s0  }
0xbe: {  	[sflag:s0] =	ssyncadd.remote.s32 $0x1  }
0xbf: {  	_ =	sfence.sel $0xFFFF  }
0xc0: {  	[dreg:$0x0] =	wrdreg $0xFFFFFFFF;
	(pc) =	sbr.abs _section_cstart, $3  }
0xc1: {  	[dreg:$0x1] =	wrdreg $0xFFFFFFFF  }
0xc2: {  	_ =	task.clear_ibuf [dreg:s7], $0x2FFFF;
	_ =	strace $0x9FFFFFFF  }
0xc3: {  	(tm) =	ssettm $0x7FFFFFFF  }
tec
execute0_lowered:
.L_overlay_start_1:
0x0: {  	(tag) =	ssettag $0x1  }
0x1: {  	s0 =	rddreg [dreg:$0x0]  }
0x2: {  	s1 =	srdreg.scid;
	s6 =	stileid.u32  }
0x3: {  	s3 =	rddreg [dreg:$0x1];
	s1 =	sand.u32 $0x1, s1;
	s4 =	sshll.u32 s6, $0x1  }
0x4: {  	s2 =	rddreg [dreg:$0x2];
	s17 =	simm.s32 $0x0;
	s4 =	sor.u32 s1, s4  }
0x5: {  	[smem:$0x7FF] =	sst s17;
	s7 =	sadd.s32 $0x1E200, s0;
	s5 =	smul.u32 $0x7530, s4  }
0x6: {  	s6 =	sshll.u32 s6, $0x6;
	_ =	strace $0x80000047;
	s21 =	smul.u32 $0x27100, s4  }
0x7: {  	[dreg:$0x4] =	wrdreg s7;
	s22 =	sor.u32 $0x1C07, s6;
	s5 =	sshrl.u32 s5, $0x3  }
0x8: {  	[dreg:$0x5] =	wrdreg s22;
	s26 =	sadd.s32 s3, s21;
	s0 =	sadd.s32 s5, s0  }
0x9: {  	[dreg:$0x9] =	wrdreg s26;
	s23 =	sadd.s32 $0xC00, s0  }
0xa: {  	s24 =	sadd.s32 $0xC96, s0;
	[dreg:$0x6] =	wrdreg s23  }
0xb: {  	s25 =	sadd.s32 $0xD2C, s0;
	[dreg:$0x7] =	wrdreg s24  }
0xc: {  	s31 =	sadd.s32 $0xDC2, s0;
	[dreg:$0x8] =	wrdreg s25  }
0xd: {  	s5 =	sadd.s32 $0xE58, s0;
	[dreg:$0xa] =	wrdreg s31  }
0xe: {  	s6 =	sadd.s32 $0xEEE, s0;
	[dreg:$0xb] =	wrdreg s5  }
0xf: {  	s7 =	sadd.s32 $0xF84, s0;
	[dreg:$0xc] =	wrdreg s6  }
0x10: {  	s8 =	sadd.s32 $0x101A, s0;
	[dreg:$0xd] =	wrdreg s7  }
0x11: {  	s9 =	sadd.s32 $0x10B0, s0;
	[dreg:$0xe] =	wrdreg s8  }
0x12: {  	s10 =	sadd.s32 $0x1146, s0;
	[dreg:$0xf] =	wrdreg s9  }
0x13: {  	s11 =	sadd.s32 $0x11DC, s0;
	[dreg:$0x10] =	wrdreg s10  }
0x14: {  	s12 =	sadd.s32 $0x1272, s0;
	[dreg:$0x11] =	wrdreg s11  }
0x15: {  	s13 =	sadd.s32 $0x1308, s0;
	[dreg:$0x12] =	wrdreg s12  }
0x16: {  	s14 =	sadd.s32 $0x139E, s0;
	[dreg:$0x13] =	wrdreg s13  }
0x17: {  	s15 =	sadd.s32 $0x1434, s0;
	[dreg:$0x14] =	wrdreg s14  }
0x18: {  	s1 =	ssub.s32 $0x2, s1;
	s16 =	sadd.s32 $0x14CA, s0;
	[dreg:$0x15] =	wrdreg s15  }
0x19: {  	s20 =	sshrl.u32 s1, $0x1;
	s18 =	sadd.s32 $0x1560, s0;
	[dreg:$0x16] =	wrdreg s16  }
0x1a: {  	s4 =	smul.u32 $0x138800, s4;
	s19 =	sadd.s32 $0x15F6, s0;
	[dreg:$0x17] =	wrdreg s18  }
0x1b: {  	s1 =	ssub.s32 s1, s20;
	s20 =	sadd.s32 $0x168C, s0;
	[dreg:$0x18] =	wrdreg s19  }
0x1c: {  	s4 =	sshrl.u32 s4, $0x3;
	s21 =	sadd.s32 $0x1722, s0;
	[dreg:$0x19] =	wrdreg s20  }
0x1d: {  	s3 =	sadd.s32 s3, s4;
	s22 =	sadd.s32 $0x17B8, s0;
	[dreg:$0x1a] =	wrdreg s21  }
0x1e: {  	s26 =	sadd.s32 $0x1900, s3;
	[dreg:$0x1b] =	wrdreg s22  }
0x1f: {  	s4 =	sadd.s32 $0x4B00, s3;
	[smem:$0x7E5] =	sst s26  }
0x20: {  	s23 =	sadd.s32 $0x184E, s0;
	[smem:$0x7E7] =	sst s4  }
0x21: {  	s24 =	sadd.s32 $0x18E4, s0;
	[dreg:$0x1c] =	wrdreg s23  }
0x22: {  	s25 =	sadd.s32 $0x197A, s0;
	[dreg:$0x1d] =	wrdreg s24  }
0x23: {  	s0 =	sadd.s32 $0x1A10, s0;
	[dreg:$0x1e] =	wrdreg s25  }
0x24: {  	s31 =	sadd.s32 $0x3200, s3;
	[dreg:$0x1f] =	wrdreg s0  }
0x25: {  	s5 =	sadd.s32 $0x6400, s3;
	[smem:$0x7E6] =	sst s31  }
0x26: {  	s6 =	sadd.s32 $0x7D00, s3;
	[smem:$0x7E8] =	sst s5  }
0x27: {  	s7 =	sadd.s32 $0x9600, s3;
	[smem:$0x7E9] =	sst s6  }
0x28: {  	s8 =	sadd.s32 $0xAF00, s3;
	[smem:$0x7EA] =	sst s7  }
0x29: {  	s9 =	sadd.s32 $0xC800, s3;
	[smem:$0x7EB] =	sst s8  }
0x2a: {  	s10 =	sadd.s32 $0xE100, s3;
	[smem:$0x7EC] =	sst s9  }
0x2b: {  	s11 =	sadd.s32 $0xFA00, s3;
	[smem:$0x7ED] =	sst s10  }
0x2c: {  	s12 =	sadd.s32 $0x11300, s3;
	[smem:$0x7EE] =	sst s11  }
0x2d: {  	s13 =	sadd.s32 $0x12C00, s3;
	[smem:$0x7EF] =	sst s12  }
0x2e: {  	s14 =	sadd.s32 $0x14500, s3;
	[smem:$0x7F0] =	sst s13  }
0x2f: {  	s15 =	sadd.s32 $0x15E00, s3;
	[smem:$0x7F1] =	sst s14  }
0x30: {  	s16 =	sadd.s32 $0x17700, s3;
	[smem:$0x7F2] =	sst s15  }
0x31: {  	s18 =	sadd.s32 $0x19000, s3;
	[smem:$0x7F3] =	sst s16  }
0x32: {  	s30 =	simm.s32 $0x200;
	s19 =	sadd.s32 $0x1A900, s3;
	[smem:$0x7F4] =	sst s18  }
0x33: {  	s28 =	simm.s32 $0x4;
	s20 =	sadd.s32 $0x1C200, s3;
	[smem:$0x7F5] =	sst s19  }
0x34: {  	s29 =	simm.s32 $0x6;
	s21 =	sadd.s32 $0x1DB00, s3;
	[smem:$0x7F6] =	sst s20  }
0x35: {  	s22 =	sadd.s32 $0x1F400, s3;
	s26 =	sadd.s32 $0x25800, s3;
	[smem:$0x7F7] =	sst s21  }
0x36: {  	s4 =	simm.s32 $0xC00;
	[smem:$0x7F8] =	sst s22;
	s23 =	sadd.s32 $0x20D00, s3  }
0x37: {  	s24 =	sadd.s32 $0x22600, s3;
	s25 =	sadd.s32 $0x23F00, s3;
	[smem:$0x7FC] =	sst s26  }
0x38: {  	s31 =	smax.u32 s1, $0x1;
	s1 =	simm.s32 $0x1;
	s0 =	simm.s32 $0x50  }
0x39: {  	s5 =	simm.s32 $0x1000;
	s6 =	simm.s32 $0xC50;
	s7 =	simm.s32 $0x3800  }
0x3a: {  	s8 =	simm.s32 $0xCA0;
	s9 =	simm.s32 $0x6000;
	s10 =	simm.s32 $0xCF0  }
0x3b: {  	s11 =	simm.s32 $0x8800;
	s12 =	simm.s32 $0xD40;
	s13 =	simm.s32 $0xB000  }
0x3c: {  	s14 =	simm.s32 $0x2;
	s16 =	simm.s32 $0xD800;
	[smem:$0x7F9] =	sst s23  }
0x3d: {  	s19 =	simm.s32 $0xEA0;
	s20 =	simm.s32 $0x12800;
	[smem:$0x7FA] =	sst s24  }
0x3e: {  	s21 =	simm.s32 $0xEF0;
	s22 =	simm.s32 $0x15000;
	[smem:$0x7FB] =	sst s25  }
0x3f: {  	s26 =	simm.s32 $0x5;
	s3 =	simm.s32 $0x0;
	[smem:$0x7FD] =	sst s31  }
0x40: {  	s23 =	simm.s32 $0xF40;
	s24 =	simm.s32 $0x17800;
	s25 =	simm.s32 $0x3  }
.LBB2_1:
0x41: {  	s31 =	rddreg [dreg:$0x4]  }
0x42: {  	s15 =	sshrl.u32 s2, $0x3;
	s18 =	rddreg [dreg:$0x5]  }
0x43: {  	[spmem:s15], [sflag:s18] =	dma.local [hbm:s31], $0x400  }
0x44: {  	s15 =	simm.s32 $0x7  }
0x45: {  	_ =	swait.ge [sflag:s15], $0x400  }
0x46: {  	[sflag:s15] =	ssyncset.done $0x0  }
0x47: {  	[sflag:s15] =	ssyncadd.s32 $0xFFFFFC00;
	s15 =	rddreg [dreg:$0x6]  }
0x48: {  	[tilespmem:s30], [sflag:$0x1] =	stream.linear.gather [hbm4b:s15+s17], $0x4B0, $0x38;
	[tilespmem:$0x1A000] =	vst v63  }
0x49: {  	s18 =	simm.s32 $0x700;
	s15 =	rddreg [dreg:$0x7]  }
0x4a: {  	[tilespmem:s18], [sflag:$0x2] =	stream.linear.gather [hbm4b:s15+s17], $0x4B0, $0x38;
	[tilespmem:$0x1A000] =	vst v63  }
0x4b: {  	_ =	swait.ge [sflag:s1], $0x4B0  }
0x4c: {  	[sflag:s1] =	ssyncset.done $0x0  }
0x4d: {  	s31 =	simm.s32 $0x0;
	[sflag:s1] =	ssyncadd.s32 $0xFFFFFB50  }
0x4e: {  	v0 =	vld [tilespmem:s31+$0x200]  }
0x4f: {  	v1 =	vld [tilespmem:s31+$0x390];
	_ =	sdelay $0x1  }
0x50: {  	s15 =	simm.s32 $0x40;
	v2 =	vld [tilespmem:s31+$0x520]  }
.LBB2_2:
0x51: {  	p0 =	sne.s32 s15, $0x600  }
.Ltmp0:
0x52: {  	s17 =	sshra.s32 s15, $0x2;
	s15 =	sadd.s32 $0x40, s15;
	v3 =	vmul.u32 $0xC, v0;
	(pc) =	sbr.rel @p0 .LBB2_2-.Ltmp0, $4  }
0x53: {  	v0 =	vld [tilespmem:s17+$0x200];
	v4 =	vshll.u32 v1, $0x1  }
0x54: {  	v1 =	vld [tilespmem:s17+$0x390];
	v3 =	vadd.s32 v3, v4  }
0x55: {  	v3 =	vadd.s32 v2, v3  }
0x56: {  	v2 =	vld [tilespmem:s17+$0x520];
	[tilespmem:s31+$0xC00] =	vst v3;
	s31 =	smov.u32 s17  }
0x57: {  	_ = 	snop  }
0x58: {  	v0 =	vmul.u32 $0xC, v0  }
0x59: {  	v1 =	vshll.u32 v1, $0x1  }
0x5a: {  	v0 =	vadd.s32 v0, v1  }
0x5b: {  	v0 =	vadd.s32 v2, v0  }
0x5c: {  	[tilespmem:s31+$0xC00] =	vst v0  }
0x5d: {  	[tilespmem:s5], [sflag:$0x3] =	stream.indirect.gather [spmem:s2], $0x80, s4, s0, $0xb8;
	[tilespmem:$0x1A000] =	vst v63  }
0x5e: {  	_ = 	snop  }
0x5f: {  	[tilespmem:s7], [sflag:$0x3] =	stream.indirect.gather [spmem:s2], $0x80, s6, s0, $0xb8;
	[tilespmem:$0x1A000] =	vst v63  }
0x60: {  	_ = 	snop  }
0x61: {  	[tilespmem:s9], [sflag:$0x3] =	stream.indirect.gather [spmem:s2], $0x80, s8, s0, $0xb8;
	[tilespmem:$0x1A000] =	vst v63  }
0x62: {  	_ = 	snop  }
0x63: {  	[tilespmem:s11], [sflag:$0x3] =	stream.indirect.gather [spmem:s2], $0x80, s10, s0, $0xb8;
	[tilespmem:$0x1A000] =	vst v63  }
0x64: {  	_ = 	snop  }
0x65: {  	[tilespmem:s13], [sflag:$0x3] =	stream.indirect.gather [spmem:s2], $0x80, s12, s0, $0xb8;
	[tilespmem:$0x1A000] =	vst v63  }
0x66: {  	s15 =	simm.s32 $0x0;
	s17 =	rddreg [dreg:$0x8]  }
0x67: {  	[tilespmem:s30], [sflag:$0x1] =	stream.linear.gather [hbm4b:s17+s15], $0x4B0, $0x38;
	[tilespmem:$0x1A000] =	vst v63  }
0x68: {  	_ =	swait.ge [sflag:s14], $0x4B0  }
0x69: {  	[sflag:s14] =	ssyncset.done $0x0  }
0x6a: {  	s31 =	simm.s32 $0x0;
	[sflag:s14] =	ssyncadd.s32 $0xFFFFFB50  }
0x6b: {  	v0 =	vld [tilespmem:s31+$0x700]  }
0x6c: {  	v1 =	vld [tilespmem:s31+$0x890];
	_ =	sdelay $0x1  }
0x6d: {  	s15 =	simm.s32 $0x40;
	v2 =	vld [tilespmem:s31+$0xA20]  }
.LBB2_4:
0x6e: {  	p0 =	sne.s32 s15, $0x600  }
.Ltmp1:
0x6f: {  	s17 =	sshra.s32 s15, $0x2;
	s15 =	sadd.s32 $0x40, s15;
	v3 =	vmul.u32 $0xC, v0;
	(pc) =	sbr.rel @p0 .LBB2_4-.Ltmp1, $4  }
0x70: {  	v0 =	vld [tilespmem:s17+$0x700];
	v4 =	vshll.u32 v1, $0x1  }
0x71: {  	v1 =	vld [tilespmem:s17+$0x890];
	v3 =	vadd.s32 v3, v4  }
0x72: {  	v3 =	vadd.s32 v2, v3  }
0x73: {  	v2 =	vld [tilespmem:s17+$0xA20];
	[tilespmem:s31+$0xE00] =	vst v3;
	s31 =	smov.u32 s17  }
0x74: {  	_ = 	snop  }
0x75: {  	v0 =	vmul.u32 $0xC, v0  }
0x76: {  	v1 =	vshll.u32 v1, $0x1  }
0x77: {  	v0 =	vadd.s32 v0, v1  }
0x78: {  	v0 =	vadd.s32 v2, v0  }
0x79: {  	s15 =	simm.s32 $0xE00;
	[tilespmem:s31+$0xE00] =	vst v0  }
0x7a: {  	[tilespmem:s16], [sflag:$0x4] =	stream.indirect.gather [spmem:s2], $0x80, s15, s0, $0xb8;
	[tilespmem:$0x1A000] =	vst v63  }
0x7b: {  	s17 =	simm.s32 $0x10000;
	s15 =	simm.s32 $0xE50  }
0x7c: {  	[tilespmem:s17], [sflag:$0x4] =	stream.indirect.gather [spmem:s2], $0x80, s15, s0, $0xb8;
	[tilespmem:$0x1A000] =	vst v63  }
0x7d: {  	_ = 	snop  }
0x7e: {  	[tilespmem:s20], [sflag:$0x4] =	stream.indirect.gather [spmem:s2], $0x80, s19, s0, $0xb8;
	[tilespmem:$0x1A000] =	vst v63  }
0x7f: {  	_ = 	snop  }
0x80: {  	[tilespmem:s22], [sflag:$0x4] =	stream.indirect.gather [spmem:s2], $0x80, s21, s0, $0xb8;
	[tilespmem:$0x1A000] =	vst v63  }
0x81: {  	_ = 	snop  }
0x82: {  	[tilespmem:s24], [sflag:$0x4] =	stream.indirect.gather [spmem:s2], $0x80, s23, s0, $0xb8;
	[tilespmem:$0x1A000] =	vst v63  }
0x83: {  	_ =	swait.ge [sflag:s25], $0x2800  }
0x84: {  	[sflag:s25] =	ssyncset.done $0x0  }
0x85: {  	[sflag:s25] =	ssyncadd.s32 $0xFFFFD800  }
0x86: {  	_ =	swait.ge [sflag:s25], $0x2800  }
0x87: {  	[sflag:s25] =	ssyncset.done $0x0  }
0x88: {  	[sflag:s25] =	ssyncadd.s32 $0xFFFFD800  }
0x89: {  	_ =	swait.ge [sflag:s25], $0x2800  }
0x8a: {  	[sflag:s25] =	ssyncset.done $0x0  }
0x8b: {  	[sflag:s25] =	ssyncadd.s32 $0xFFFFD800  }
0x8c: {  	_ =	swait.ge [sflag:s25], $0x2800  }
0x8d: {  	[sflag:s25] =	ssyncset.done $0x0  }
0x8e: {  	[sflag:s25] =	ssyncadd.s32 $0xFFFFD800  }
0x8f: {  	_ =	swait.ge [sflag:s25], $0x2800  }
0x90: {  	[sflag:s25] =	ssyncset.done $0x0  }
0x91: {  	s15 =	simm.s32 $0x0;
	s17 =	rddreg [dreg:$0x9];
	[sflag:s25] =	ssyncadd.s32 $0xFFFFD800  }
0x92: {  	[hbm4b:s17+s15] =	stream.linear.scatter [tilespmem:s5], [sflag:$0x5], $0xC800, $0x38;
	[tilespmem:$0x1A000] =	vst v63  }
0x93: {  	s17 =	rddreg [dreg:$0xa]  }
0x94: {  	[tilespmem:s18], [sflag:$0x2] =	stream.linear.gather [hbm4b:s17+s15], $0x4B0, $0x38;
	[tilespmem:$0x1A000] =	vst v63  }
0x95: {  	_ =	swait.ge [sflag:s1], $0x4B0  }
0x96: {  	[sflag:s1] =	ssyncset.done $0x0  }
0x97: {  	s31 =	simm.s32 $0x0;
	[sflag:s1] =	ssyncadd.s32 $0xFFFFFB50  }
0x98: {  	v0 =	vld [tilespmem:s31+$0x200]  }
0x99: {  	v1 =	vld [tilespmem:s31+$0x390];
	_ =	sdelay $0x1  }
0x9a: {  	s15 =	simm.s32 $0x40;
	v2 =	vld [tilespmem:s31+$0x520]  }
.LBB2_6:
0x9b: {  	p0 =	sne.s32 s15, $0x600  }
.Ltmp2:
0x9c: {  	s17 =	sshra.s32 s15, $0x2;
	s15 =	sadd.s32 $0x40, s15;
	v3 =	vmul.u32 $0xC, v0;
	(pc) =	sbr.rel @p0 .LBB2_6-.Ltmp2, $4  }
0x9d: {  	v0 =	vld [tilespmem:s17+$0x200];
	v4 =	vshll.u32 v1, $0x1  }
0x9e: {  	v1 =	vld [tilespmem:s17+$0x390];
	v3 =	vadd.s32 v3, v4  }
0x9f: {  	v3 =	vadd.s32 v2, v3  }
0xa0: {  	v2 =	vld [tilespmem:s17+$0x520];
	[tilespmem:s31+$0xC00] =	vst v3;
	s31 =	smov.u32 s17  }
0xa1: {  	_ = 	snop  }
0xa2: {  	v0 =	vmul.u32 $0xC, v0  }
0xa3: {  	v1 =	vshll.u32 v1, $0x1  }
0xa4: {  	v0 =	vadd.s32 v0, v1  }
0xa5: {  	v0 =	vadd.s32 v2, v0  }
0xa6: {  	[tilespmem:s31+$0xC00] =	vst v0  }
0xa7: {  	_ =	swait.ge [sflag:s26], $0xC800  }
0xa8: {  	[sflag:s26] =	ssyncset.done $0x0  }
0xa9: {  	[sflag:s26] =	ssyncadd.s32 $0xFFFF3800  }
0xaa: {  	[tilespmem:s5], [sflag:$0x3] =	stream.indirect.gather [spmem:s2], $0x80, s4, s0, $0xb8;
	[tilespmem:$0x1A000] =	vst v63  }
0xab: {  	_ = 	snop  }
0xac: {  	[tilespmem:s7], [sflag:$0x3] =	stream.indirect.gather [spmem:s2], $0x80, s6, s0, $0xb8;
	[tilespmem:$0x1A000] =	vst v63  }
0xad: {  	_ = 	snop  }
0xae: {  	[tilespmem:s9], [sflag:$0x3] =	stream.indirect.gather [spmem:s2], $0x80, s8, s0, $0xb8;
	[tilespmem:$0x1A000] =	vst v63  }
0xaf: {  	_ = 	snop  }
0xb0: {  	[tilespmem:s11], [sflag:$0x3] =	stream.indirect.gather [spmem:s2], $0x80, s10, s0, $0xb8;
	[tilespmem:$0x1A000] =	vst v63  }
0xb1: {  	_ = 	snop  }
0xb2: {  	[tilespmem:s13], [sflag:$0x3] =	stream.indirect.gather [spmem:s2], $0x80, s12, s0, $0xb8;
	[tilespmem:$0x1A000] =	vst v63  }
0xb3: {  	_ =	swait.ge [sflag:s28], $0x2800  }
0xb4: {  	[sflag:s28] =	ssyncset.done $0x0  }
0xb5: {  	[sflag:s28] =	ssyncadd.s32 $0xFFFFD800  }
0xb6: {  	_ =	swait.ge [sflag:s28], $0x2800  }
0xb7: {  	[sflag:s28] =	ssyncset.done $0x0  }
0xb8: {  	[sflag:s28] =	ssyncadd.s32 $0xFFFFD800  }
0xb9: {  	_ =	swait.ge [sflag:s28], $0x2800  }
0xba: {  	[sflag:s28] =	ssyncset.done $0x0  }
0xbb: {  	[sflag:s28] =	ssyncadd.s32 $0xFFFFD800  }
0xbc: {  	_ =	swait.ge [sflag:s28], $0x2800  }
0xbd: {  	[sflag:s28] =	ssyncset.done $0x0  }
0xbe: {  	[sflag:s28] =	ssyncadd.s32 $0xFFFFD800  }
0xbf: {  	_ =	swait.ge [sflag:s28], $0x2800  }
0xc0: {  	s17 =	sld [smem:$0x7E5]  }
0xc1: {  	[sflag:s28] =	ssyncset.done $0x0  }
0xc2: {  	s15 =	simm.s32 $0x0;
	[sflag:s28] =	ssyncadd.s32 $0xFFFFD800  }
0xc3: {  	[hbm4b:s17+s15] =	stream.linear.scatter [tilespmem:s16], [sflag:$0x6], $0xC800, $0x38;
	[tilespmem:$0x1A000] =	vst v63  }
0xc4: {  	s17 =	rddreg [dreg:$0xb]  }
0xc5: {  	[tilespmem:s30], [sflag:$0x1] =	stream.linear.gather [hbm4b:s17+s15], $0x4B0, $0x38;
	[tilespmem:$0x1A000] =	vst v63  }
0xc6: {  	_ =	swait.ge [sflag:s14], $0x4B0  }
0xc7: {  	[sflag:s14] =	ssyncset.done $0x0  }
0xc8: {  	s31 =	simm.s32 $0x0;
	[sflag:s14] =	ssyncadd.s32 $0xFFFFFB50  }
0xc9: {  	v0 =	vld [tilespmem:s31+$0x700]  }
0xca: {  	v1 =	vld [tilespmem:s31+$0x890];
	_ =	sdelay $0x1  }
0xcb: {  	s15 =	simm.s32 $0x40;
	v2 =	vld [tilespmem:s31+$0xA20]  }
.LBB2_8:
0xcc: {  	p0 =	sne.s32 s15, $0x600  }
.Ltmp3:
0xcd: {  	s17 =	sshra.s32 s15, $0x2;
	s15 =	sadd.s32 $0x40, s15;
	v3 =	vmul.u32 $0xC, v0;
	(pc) =	sbr.rel @p0 .LBB2_8-.Ltmp3, $4  }
0xce: {  	v0 =	vld [tilespmem:s17+$0x700];
	v4 =	vshll.u32 v1, $0x1  }
0xcf: {  	v1 =	vld [tilespmem:s17+$0x890];
	v3 =	vadd.s32 v3, v4  }
0xd0: {  	v3 =	vadd.s32 v2, v3  }
0xd1: {  	v2 =	vld [tilespmem:s17+$0xA20];
	[tilespmem:s31+$0xE00] =	vst v3;
	s31 =	smov.u32 s17  }
0xd2: {  	_ = 	snop  }
0xd3: {  	v0 =	vmul.u32 $0xC, v0  }
0xd4: {  	v1 =	vshll.u32 v1, $0x1  }
0xd5: {  	v0 =	vadd.s32 v0, v1  }
0xd6: {  	v0 =	vadd.s32 v2, v0  }
0xd7: {  	[tilespmem:s31+$0xE00] =	vst v0  }
0xd8: {  	_ =	swait.ge [sflag:s29], $0xC800  }
0xd9: {  	[sflag:s29] =	ssyncset.done $0x0  }
0xda: {  	s15 =	simm.s32 $0xE00;
	[sflag:s29] =	ssyncadd.s32 $0xFFFF3800  }
0xdb: {  	[tilespmem:s16], [sflag:$0x4] =	stream.indirect.gather [spmem:s2], $0x80, s15, s0, $0xb8;
	[tilespmem:$0x1A000] =	vst v63  }
0xdc: {  	s17 =	simm.s32 $0x10000;
	s15 =	simm.s32 $0xE50  }
0xdd: {  	[tilespmem:s17], [sflag:$0x4] =	stream.indirect.gather [spmem:s2], $0x80, s15, s0, $0xb8;
	[tilespmem:$0x1A000] =	vst v63  }
0xde: {  	_ = 	snop  }
0xdf: {  	[tilespmem:s20], [sflag:$0x4] =	stream.indirect.gather [spmem:s2], $0x80, s19, s0, $0xb8;
	[tilespmem:$0x1A000] =	vst v63  }
0xe0: {  	_ = 	snop  }
0xe1: {  	[tilespmem:s22], [sflag:$0x4] =	stream.indirect.gather [spmem:s2], $0x80, s21, s0, $0xb8;
	[tilespmem:$0x1A000] =	vst v63  }
0xe2: {  	_ = 	snop  }
0xe3: {  	[tilespmem:s24], [sflag:$0x4] =	stream.indirect.gather [spmem:s2], $0x80, s23, s0, $0xb8;
	[tilespmem:$0x1A000] =	vst v63  }
0xe4: {  	_ =	swait.ge [sflag:s25], $0x2800  }
0xe5: {  	[sflag:s25] =	ssyncset.done $0x0  }
0xe6: {  	[sflag:s25] =	ssyncadd.s32 $0xFFFFD800  }
0xe7: {  	_ =	swait.ge [sflag:s25], $0x2800  }
0xe8: {  	[sflag:s25] =	ssyncset.done $0x0  }
0xe9: {  	[sflag:s25] =	ssyncadd.s32 $0xFFFFD800  }
0xea: {  	_ =	swait.ge [sflag:s25], $0x2800  }
0xeb: {  	[sflag:s25] =	ssyncset.done $0x0  }
0xec: {  	[sflag:s25] =	ssyncadd.s32 $0xFFFFD800  }
0xed: {  	_ =	swait.ge [sflag:s25], $0x2800  }
0xee: {  	[sflag:s25] =	ssyncset.done $0x0  }
0xef: {  	[sflag:s25] =	ssyncadd.s32 $0xFFFFD800  }
0xf0: {  	_ =	swait.ge [sflag:s25], $0x2800  }
0xf1: {  	s17 =	sld [smem:$0x7E6]  }
0xf2: {  	[sflag:s25] =	ssyncset.done $0x0  }
0xf3: {  	s15 =	simm.s32 $0x0;
	[sflag:s25] =	ssyncadd.s32 $0xFFFFD800  }
0xf4: {  	[hbm4b:s17+s15] =	stream.linear.scatter [tilespmem:s5], [sflag:$0x5], $0xC800, $0x38;
	[tilespmem:$0x1A000] =	vst v63  }
0xf5: {  	s17 =	rddreg [dreg:$0xc]  }
0xf6: {  	[tilespmem:s18], [sflag:$0x2] =	stream.linear.gather [hbm4b:s17+s15], $0x4B0, $0x38;
	[tilespmem:$0x1A000] =	vst v63  }
0xf7: {  	_ =	swait.ge [sflag:s1], $0x4B0  }
0xf8: {  	[sflag:s1] =	ssyncset.done $0x0  }
0xf9: {  	s31 =	simm.s32 $0x0;
	[sflag:s1] =	ssyncadd.s32 $0xFFFFFB50  }
0xfa: {  	v0 =	vld [tilespmem:s31+$0x200]  }
0xfb: {  	v1 =	vld [tilespmem:s31+$0x390];
	_ =	sdelay $0x1  }
0xfc: {  	s15 =	simm.s32 $0x40;
	v2 =	vld [tilespmem:s31+$0x520]  }
.LBB2_10:
0xfd: {  	p0 =	sne.s32 s15, $0x600  }
.Ltmp4:
0xfe: {  	s17 =	sshra.s32 s15, $0x2;
	s15 =	sadd.s32 $0x40, s15;
	v3 =	vmul.u32 $0xC, v0;
	(pc) =	sbr.rel @p0 .LBB2_10-.Ltmp4, $4  }
0xff: {  	v0 =	vld [tilespmem:s17+$0x200];
	v4 =	vshll.u32 v1, $0x1  }
0x100: {  	v1 =	vld [tilespmem:s17+$0x390];
	v3 =	vadd.s32 v3, v4  }
0x101: {  	v3 =	vadd.s32 v2, v3  }
0x102: {  	v2 =	vld [tilespmem:s17+$0x520];
	[tilespmem:s31+$0xC00] =	vst v3;
	s31 =	smov.u32 s17  }
0x103: {  	_ = 	snop  }
0x104: {  	v0 =	vmul.u32 $0xC, v0  }
0x105: {  	v1 =	vshll.u32 v1, $0x1  }
0x106: {  	v0 =	vadd.s32 v0, v1  }
0x107: {  	v0 =	vadd.s32 v2, v0  }
0x108: {  	[tilespmem:s31+$0xC00] =	vst v0  }
0x109: {  	_ =	swait.ge [sflag:s26], $0xC800  }
0x10a: {  	[sflag:s26] =	ssyncset.done $0x0  }
0x10b: {  	[sflag:s26] =	ssyncadd.s32 $0xFFFF3800  }
0x10c: {  	[tilespmem:s5], [sflag:$0x3] =	stream.indirect.gather [spmem:s2], $0x80, s4, s0, $0xb8;
	[tilespmem:$0x1A000] =	vst v63  }
0x10d: {  	_ = 	snop  }
0x10e: {  	[tilespmem:s7], [sflag:$0x3] =	stream.indirect.gather [spmem:s2], $0x80, s6, s0, $0xb8;
	[tilespmem:$0x1A000] =	vst v63  }
0x10f: {  	_ = 	snop  }
0x110: {  	[tilespmem:s9], [sflag:$0x3] =	stream.indirect.gather [spmem:s2], $0x80, s8, s0, $0xb8;
	[tilespmem:$0x1A000] =	vst v63  }
0x111: {  	_ = 	snop  }
0x112: {  	[tilespmem:s11], [sflag:$0x3] =	stream.indirect.gather [spmem:s2], $0x80, s10, s0, $0xb8;
	[tilespmem:$0x1A000] =	vst v63  }
0x113: {  	_ = 	snop  }
0x114: {  	[tilespmem:s13], [sflag:$0x3] =	stream.indirect.gather [spmem:s2], $0x80, s12, s0, $0xb8;
	[tilespmem:$0x1A000] =	vst v63  }
0x115: {  	_ =	swait.ge [sflag:s28], $0x2800  }
0x116: {  	[sflag:s28] =	ssyncset.done $0x0  }
0x117: {  	[sflag:s28] =	ssyncadd.s32 $0xFFFFD800  }
0x118: {  	_ =	swait.ge [sflag:s28], $0x2800  }
0x119: {  	[sflag:s28] =	ssyncset.done $0x0  }
0x11a: {  	[sflag:s28] =	ssyncadd.s32 $0xFFFFD800  }
0x11b: {  	_ =	swait.ge [sflag:s28], $0x2800  }
0x11c: {  	[sflag:s28] =	ssyncset.done $0x0  }
0x11d: {  	[sflag:s28] =	ssyncadd.s32 $0xFFFFD800  }
0x11e: {  	_ =	swait.ge [sflag:s28], $0x2800  }
0x11f: {  	[sflag:s28] =	ssyncset.done $0x0  }
0x120: {  	[sflag:s28] =	ssyncadd.s32 $0xFFFFD800  }
0x121: {  	_ =	swait.ge [sflag:s28], $0x2800  }
0x122: {  	s17 =	sld [smem:$0x7E7]  }
0x123: {  	[sflag:s28] =	ssyncset.done $0x0  }
0x124: {  	s15 =	simm.s32 $0x0;
	[sflag:s28] =	ssyncadd.s32 $0xFFFFD800  }
0x125: {  	[hbm4b:s17+s15] =	stream.linear.scatter [tilespmem:s16], [sflag:$0x6], $0xC800, $0x38;
	[tilespmem:$0x1A000] =	vst v63  }
0x126: {  	s17 =	rddreg [dreg:$0xd]  }
0x127: {  	[tilespmem:s30], [sflag:$0x1] =	stream.linear.gather [hbm4b:s17+s15], $0x4B0, $0x38;
	[tilespmem:$0x1A000] =	vst v63  }
0x128: {  	_ =	swait.ge [sflag:s14], $0x4B0  }
0x129: {  	[sflag:s14] =	ssyncset.done $0x0  }
0x12a: {  	s31 =	simm.s32 $0x0;
	[sflag:s14] =	ssyncadd.s32 $0xFFFFFB50  }
0x12b: {  	v0 =	vld [tilespmem:s31+$0x700]  }
0x12c: {  	v1 =	vld [tilespmem:s31+$0x890];
	_ =	sdelay $0x1  }
0x12d: {  	s15 =	simm.s32 $0x40;
	v2 =	vld [tilespmem:s31+$0xA20]  }
.LBB2_12:
0x12e: {  	p0 =	sne.s32 s15, $0x600  }
.Ltmp5:
0x12f: {  	s17 =	sshra.s32 s15, $0x2;
	s15 =	sadd.s32 $0x40, s15;
	v3 =	vmul.u32 $0xC, v0;
	(pc) =	sbr.rel @p0 .LBB2_12-.Ltmp5, $4  }
0x130: {  	v0 =	vld [tilespmem:s17+$0x700];
	v4 =	vshll.u32 v1, $0x1  }
0x131: {  	v1 =	vld [tilespmem:s17+$0x890];
	v3 =	vadd.s32 v3, v4  }
0x132: {  	v3 =	vadd.s32 v2, v3  }
0x133: {  	v2 =	vld [tilespmem:s17+$0xA20];
	[tilespmem:s31+$0xE00] =	vst v3;
	s31 =	smov.u32 s17  }
0x134: {  	_ = 	snop  }
0x135: {  	v0 =	vmul.u32 $0xC, v0  }
0x136: {  	v1 =	vshll.u32 v1, $0x1  }
0x137: {  	v0 =	vadd.s32 v0, v1  }
0x138: {  	v0 =	vadd.s32 v2, v0  }
0x139: {  	[tilespmem:s31+$0xE00] =	vst v0  }
0x13a: {  	_ =	swait.ge [sflag:s29], $0xC800  }
0x13b: {  	[sflag:s29] =	ssyncset.done $0x0  }
0x13c: {  	s15 =	simm.s32 $0xE00;
	[sflag:s29] =	ssyncadd.s32 $0xFFFF3800  }
0x13d: {  	[tilespmem:s16], [sflag:$0x4] =	stream.indirect.gather [spmem:s2], $0x80, s15, s0, $0xb8;
	[tilespmem:$0x1A000] =	vst v63  }
0x13e: {  	s17 =	simm.s32 $0x10000;
	s15 =	simm.s32 $0xE50  }
0x13f: {  	[tilespmem:s17], [sflag:$0x4] =	stream.indirect.gather [spmem:s2], $0x80, s15, s0, $0xb8;
	[tilespmem:$0x1A000] =	vst v63  }
0x140: {  	_ = 	snop  }
0x141: {  	[tilespmem:s20], [sflag:$0x4] =	stream.indirect.gather [spmem:s2], $0x80, s19, s0, $0xb8;
	[tilespmem:$0x1A000] =	vst v63  }
0x142: {  	_ = 	snop  }
0x143: {  	[tilespmem:s22], [sflag:$0x4] =	stream.indirect.gather [spmem:s2], $0x80, s21, s0, $0xb8;
	[tilespmem:$0x1A000] =	vst v63  }
0x144: {  	_ = 	snop  }
0x145: {  	[tilespmem:s24], [sflag:$0x4] =	stream.indirect.gather [spmem:s2], $0x80, s23, s0, $0xb8;
	[tilespmem:$0x1A000] =	vst v63  }
0x146: {  	_ =	swait.ge [sflag:s25], $0x2800  }
0x147: {  	[sflag:s25] =	ssyncset.done $0x0  }
0x148: {  	[sflag:s25] =	ssyncadd.s32 $0xFFFFD800  }
0x149: {  	_ =	swait.ge [sflag:s25], $0x2800  }
0x14a: {  	[sflag:s25] =	ssyncset.done $0x0  }
0x14b: {  	[sflag:s25] =	ssyncadd.s32 $0xFFFFD800  }
0x14c: {  	_ =	swait.ge [sflag:s25], $0x2800  }
0x14d: {  	[sflag:s25] =	ssyncset.done $0x0  }
0x14e: {  	[sflag:s25] =	ssyncadd.s32 $0xFFFFD800  }
0x14f: {  	_ =	swait.ge [sflag:s25], $0x2800  }
0x150: {  	[sflag:s25] =	ssyncset.done $0x0  }
0x151: {  	[sflag:s25] =	ssyncadd.s32 $0xFFFFD800  }
0x152: {  	_ =	swait.ge [sflag:s25], $0x2800  }
0x153: {  	s17 =	sld [smem:$0x7E8]  }
0x154: {  	[sflag:s25] =	ssyncset.done $0x0  }
0x155: {  	s15 =	simm.s32 $0x0;
	[sflag:s25] =	ssyncadd.s32 $0xFFFFD800  }
0x156: {  	[hbm4b:s17+s15] =	stream.linear.scatter [tilespmem:s5], [sflag:$0x5], $0xC800, $0x38;
	[tilespmem:$0x1A000] =	vst v63  }
0x157: {  	s17 =	rddreg [dreg:$0xe]  }
0x158: {  	[tilespmem:s18], [sflag:$0x2] =	stream.linear.gather [hbm4b:s17+s15], $0x4B0, $0x38;
	[tilespmem:$0x1A000] =	vst v63  }
0x159: {  	_ =	swait.ge [sflag:s1], $0x4B0  }
0x15a: {  	[sflag:s1] =	ssyncset.done $0x0  }
0x15b: {  	s31 =	simm.s32 $0x0;
	[sflag:s1] =	ssyncadd.s32 $0xFFFFFB50  }
0x15c: {  	v0 =	vld [tilespmem:s31+$0x200]  }
0x15d: {  	v1 =	vld [tilespmem:s31+$0x390];
	_ =	sdelay $0x1  }
0x15e: {  	s15 =	simm.s32 $0x40;
	v2 =	vld [tilespmem:s31+$0x520]  }
.LBB2_14:
0x15f: {  	p0 =	sne.s32 s15, $0x600  }
.Ltmp6:
0x160: {  	s17 =	sshra.s32 s15, $0x2;
	s15 =	sadd.s32 $0x40, s15;
	v3 =	vmul.u32 $0xC, v0;
	(pc) =	sbr.rel @p0 .LBB2_14-.Ltmp6, $4  }
0x161: {  	v0 =	vld [tilespmem:s17+$0x200];
	v4 =	vshll.u32 v1, $0x1  }
0x162: {  	v1 =	vld [tilespmem:s17+$0x390];
	v3 =	vadd.s32 v3, v4  }
0x163: {  	v3 =	vadd.s32 v2, v3  }
0x164: {  	v2 =	vld [tilespmem:s17+$0x520];
	[tilespmem:s31+$0xC00] =	vst v3;
	s31 =	smov.u32 s17  }
0x165: {  	_ = 	snop  }
0x166: {  	v0 =	vmul.u32 $0xC, v0  }
0x167: {  	v1 =	vshll.u32 v1, $0x1  }
0x168: {  	v0 =	vadd.s32 v0, v1  }
0x169: {  	v0 =	vadd.s32 v2, v0  }
0x16a: {  	[tilespmem:s31+$0xC00] =	vst v0  }
0x16b: {  	_ =	swait.ge [sflag:s26], $0xC800  }
0x16c: {  	[sflag:s26] =	ssyncset.done $0x0  }
0x16d: {  	[sflag:s26] =	ssyncadd.s32 $0xFFFF3800  }
0x16e: {  	[tilespmem:s5], [sflag:$0x3] =	stream.indirect.gather [spmem:s2], $0x80, s4, s0, $0xb8;
	[tilespmem:$0x1A000] =	vst v63  }
0x16f: {  	_ = 	snop  }
0x170: {  	[tilespmem:s7], [sflag:$0x3] =	stream.indirect.gather [spmem:s2], $0x80, s6, s0, $0xb8;
	[tilespmem:$0x1A000] =	vst v63  }
0x171: {  	_ = 	snop  }
0x172: {  	[tilespmem:s9], [sflag:$0x3] =	stream.indirect.gather [spmem:s2], $0x80, s8, s0, $0xb8;
	[tilespmem:$0x1A000] =	vst v63  }
0x173: {  	_ = 	snop  }
0x174: {  	[tilespmem:s11], [sflag:$0x3] =	stream.indirect.gather [spmem:s2], $0x80, s10, s0, $0xb8;
	[tilespmem:$0x1A000] =	vst v63  }
0x175: {  	_ = 	snop  }
0x176: {  	[tilespmem:s13], [sflag:$0x3] =	stream.indirect.gather [spmem:s2], $0x80, s12, s0, $0xb8;
	[tilespmem:$0x1A000] =	vst v63  }
0x177: {  	_ =	swait.ge [sflag:s28], $0x2800  }
0x178: {  	[sflag:s28] =	ssyncset.done $0x0  }
0x179: {  	[sflag:s28] =	ssyncadd.s32 $0xFFFFD800  }
0x17a: {  	_ =	swait.ge [sflag:s28], $0x2800  }
0x17b: {  	[sflag:s28] =	ssyncset.done $0x0  }
0x17c: {  	[sflag:s28] =	ssyncadd.s32 $0xFFFFD800  }
0x17d: {  	_ =	swait.ge [sflag:s28], $0x2800  }
0x17e: {  	[sflag:s28] =	ssyncset.done $0x0  }
0x17f: {  	[sflag:s28] =	ssyncadd.s32 $0xFFFFD800  }
0x180: {  	_ =	swait.ge [sflag:s28], $0x2800  }
0x181: {  	[sflag:s28] =	ssyncset.done $0x0  }
0x182: {  	[sflag:s28] =	ssyncadd.s32 $0xFFFFD800  }
0x183: {  	_ =	swait.ge [sflag:s28], $0x2800  }
0x184: {  	s17 =	sld [smem:$0x7E9]  }
0x185: {  	[sflag:s28] =	ssyncset.done $0x0  }
0x186: {  	s15 =	simm.s32 $0x0;
	[sflag:s28] =	ssyncadd.s32 $0xFFFFD800  }
0x187: {  	[hbm4b:s17+s15] =	stream.linear.scatter [tilespmem:s16], [sflag:$0x6], $0xC800, $0x38;
	[tilespmem:$0x1A000] =	vst v63  }
0x188: {  	s17 =	rddreg [dreg:$0xf]  }
0x189: {  	[tilespmem:s30], [sflag:$0x1] =	stream.linear.gather [hbm4b:s17+s15], $0x4B0, $0x38;
	[tilespmem:$0x1A000] =	vst v63  }
0x18a: {  	_ =	swait.ge [sflag:s14], $0x4B0  }
0x18b: {  	[sflag:s14] =	ssyncset.done $0x0  }
0x18c: {  	s31 =	simm.s32 $0x0;
	[sflag:s14] =	ssyncadd.s32 $0xFFFFFB50  }
0x18d: {  	v0 =	vld [tilespmem:s31+$0x700]  }
0x18e: {  	v1 =	vld [tilespmem:s31+$0x890];
	_ =	sdelay $0x1  }
0x18f: {  	s15 =	simm.s32 $0x40;
	v2 =	vld [tilespmem:s31+$0xA20]  }
.LBB2_16:
0x190: {  	p0 =	sne.s32 s15, $0x600  }
.Ltmp7:
0x191: {  	s17 =	sshra.s32 s15, $0x2;
	s15 =	sadd.s32 $0x40, s15;
	v3 =	vmul.u32 $0xC, v0;
	(pc) =	sbr.rel @p0 .LBB2_16-.Ltmp7, $4  }
0x192: {  	v0 =	vld [tilespmem:s17+$0x700];
	v4 =	vshll.u32 v1, $0x1  }
0x193: {  	v1 =	vld [tilespmem:s17+$0x890];
	v3 =	vadd.s32 v3, v4  }
0x194: {  	v3 =	vadd.s32 v2, v3  }
0x195: {  	v2 =	vld [tilespmem:s17+$0xA20];
	[tilespmem:s31+$0xE00] =	vst v3;
	s31 =	smov.u32 s17  }
0x196: {  	_ = 	snop  }
0x197: {  	v0 =	vmul.u32 $0xC, v0  }
0x198: {  	v1 =	vshll.u32 v1, $0x1  }
0x199: {  	v0 =	vadd.s32 v0, v1  }
0x19a: {  	v0 =	vadd.s32 v2, v0  }
0x19b: {  	[tilespmem:s31+$0xE00] =	vst v0  }
0x19c: {  	_ =	swait.ge [sflag:s29], $0xC800  }
0x19d: {  	[sflag:s29] =	ssyncset.done $0x0  }
0x19e: {  	s15 =	simm.s32 $0xE00;
	[sflag:s29] =	ssyncadd.s32 $0xFFFF3800  }
0x19f: {  	[tilespmem:s16], [sflag:$0x4] =	stream.indirect.gather [spmem:s2], $0x80, s15, s0, $0xb8;
	[tilespmem:$0x1A000] =	vst v63  }
0x1a0: {  	s17 =	simm.s32 $0x10000;
	s15 =	simm.s32 $0xE50  }
0x1a1: {  	[tilespmem:s17], [sflag:$0x4] =	stream.indirect.gather [spmem:s2], $0x80, s15, s0, $0xb8;
	[tilespmem:$0x1A000] =	vst v63  }
0x1a2: {  	_ = 	snop  }
0x1a3: {  	[tilespmem:s20], [sflag:$0x4] =	stream.indirect.gather [spmem:s2], $0x80, s19, s0, $0xb8;
	[tilespmem:$0x1A000] =	vst v63  }
0x1a4: {  	_ = 	snop  }
0x1a5: {  	[tilespmem:s22], [sflag:$0x4] =	stream.indirect.gather [spmem:s2], $0x80, s21, s0, $0xb8;
	[tilespmem:$0x1A000] =	vst v63  }
0x1a6: {  	_ = 	snop  }
0x1a7: {  	[tilespmem:s24], [sflag:$0x4] =	stream.indirect.gather [spmem:s2], $0x80, s23, s0, $0xb8;
	[tilespmem:$0x1A000] =	vst v63  }
0x1a8: {  	_ =	swait.ge [sflag:s25], $0x2800  }
0x1a9: {  	[sflag:s25] =	ssyncset.done $0x0  }
0x1aa: {  	[sflag:s25] =	ssyncadd.s32 $0xFFFFD800  }
0x1ab: {  	_ =	swait.ge [sflag:s25], $0x2800  }
0x1ac: {  	[sflag:s25] =	ssyncset.done $0x0  }
0x1ad: {  	[sflag:s25] =	ssyncadd.s32 $0xFFFFD800  }
0x1ae: {  	_ =	swait.ge [sflag:s25], $0x2800  }
0x1af: {  	[sflag:s25] =	ssyncset.done $0x0  }
0x1b0: {  	[sflag:s25] =	ssyncadd.s32 $0xFFFFD800  }
0x1b1: {  	_ =	swait.ge [sflag:s25], $0x2800  }
0x1b2: {  	[sflag:s25] =	ssyncset.done $0x0  }
0x1b3: {  	[sflag:s25] =	ssyncadd.s32 $0xFFFFD800  }
0x1b4: {  	_ =	swait.ge [sflag:s25], $0x2800  }
0x1b5: {  	s17 =	sld [smem:$0x7EA]  }
0x1b6: {  	[sflag:s25] =	ssyncset.done $0x0  }
0x1b7: {  	s15 =	simm.s32 $0x0;
	[sflag:s25] =	ssyncadd.s32 $0xFFFFD800  }
0x1b8: {  	[hbm4b:s17+s15] =	stream.linear.scatter [tilespmem:s5], [sflag:$0x5], $0xC800, $0x38;
	[tilespmem:$0x1A000] =	vst v63  }
0x1b9: {  	s17 =	rddreg [dreg:$0x10]  }
0x1ba: {  	[tilespmem:s18], [sflag:$0x2] =	stream.linear.gather [hbm4b:s17+s15], $0x4B0, $0x38;
	[tilespmem:$0x1A000] =	vst v63  }
0x1bb: {  	_ =	swait.ge [sflag:s1], $0x4B0  }
0x1bc: {  	[sflag:s1] =	ssyncset.done $0x0  }
0x1bd: {  	s31 =	simm.s32 $0x0;
	[sflag:s1] =	ssyncadd.s32 $0xFFFFFB50  }
0x1be: {  	v0 =	vld [tilespmem:s31+$0x200]  }
0x1bf: {  	v1 =	vld [tilespmem:s31+$0x390];
	_ =	sdelay $0x1  }
0x1c0: {  	s15 =	simm.s32 $0x40;
	v2 =	vld [tilespmem:s31+$0x520]  }
.LBB2_18:
0x1c1: {  	p0 =	sne.s32 s15, $0x600  }
.Ltmp8:
0x1c2: {  	s17 =	sshra.s32 s15, $0x2;
	s15 =	sadd.s32 $0x40, s15;
	v3 =	vmul.u32 $0xC, v0;
	(pc) =	sbr.rel @p0 .LBB2_18-.Ltmp8, $4  }
0x1c3: {  	v0 =	vld [tilespmem:s17+$0x200];
	v4 =	vshll.u32 v1, $0x1  }
0x1c4: {  	v1 =	vld [tilespmem:s17+$0x390];
	v3 =	vadd.s32 v3, v4  }
0x1c5: {  	v3 =	vadd.s32 v2, v3  }
0x1c6: {  	v2 =	vld [tilespmem:s17+$0x520];
	[tilespmem:s31+$0xC00] =	vst v3;
	s31 =	smov.u32 s17  }
0x1c7: {  	_ = 	snop  }
0x1c8: {  	v0 =	vmul.u32 $0xC, v0  }
0x1c9: {  	v1 =	vshll.u32 v1, $0x1  }
0x1ca: {  	v0 =	vadd.s32 v0, v1  }
0x1cb: {  	v0 =	vadd.s32 v2, v0  }
0x1cc: {  	[tilespmem:s31+$0xC00] =	vst v0  }
0x1cd: {  	_ =	swait.ge [sflag:s26], $0xC800  }
0x1ce: {  	[sflag:s26] =	ssyncset.done $0x0  }
0x1cf: {  	[sflag:s26] =	ssyncadd.s32 $0xFFFF3800  }
0x1d0: {  	[tilespmem:s5], [sflag:$0x3] =	stream.indirect.gather [spmem:s2], $0x80, s4, s0, $0xb8;
	[tilespmem:$0x1A000] =	vst v63  }
0x1d1: {  	_ = 	snop  }
0x1d2: {  	[tilespmem:s7], [sflag:$0x3] =	stream.indirect.gather [spmem:s2], $0x80, s6, s0, $0xb8;
	[tilespmem:$0x1A000] =	vst v63  }
0x1d3: {  	_ = 	snop  }
0x1d4: {  	[tilespmem:s9], [sflag:$0x3] =	stream.indirect.gather [spmem:s2], $0x80, s8, s0, $0xb8;
	[tilespmem:$0x1A000] =	vst v63  }
0x1d5: {  	_ = 	snop  }
0x1d6: {  	[tilespmem:s11], [sflag:$0x3] =	stream.indirect.gather [spmem:s2], $0x80, s10, s0, $0xb8;
	[tilespmem:$0x1A000] =	vst v63  }
0x1d7: {  	_ = 	snop  }
0x1d8: {  	[tilespmem:s13], [sflag:$0x3] =	stream.indirect.gather [spmem:s2], $0x80, s12, s0, $0xb8;
	[tilespmem:$0x1A000] =	vst v63  }
0x1d9: {  	_ =	swait.ge [sflag:s28], $0x2800  }
0x1da: {  	[sflag:s28] =	ssyncset.done $0x0  }
0x1db: {  	[sflag:s28] =	ssyncadd.s32 $0xFFFFD800  }
0x1dc: {  	_ =	swait.ge [sflag:s28], $0x2800  }
0x1dd: {  	[sflag:s28] =	ssyncset.done $0x0  }
0x1de: {  	[sflag:s28] =	ssyncadd.s32 $0xFFFFD800  }
0x1df: {  	_ =	swait.ge [sflag:s28], $0x2800  }
0x1e0: {  	[sflag:s28] =	ssyncset.done $0x0  }
0x1e1: {  	[sflag:s28] =	ssyncadd.s32 $0xFFFFD800  }
0x1e2: {  	_ =	swait.ge [sflag:s28], $0x2800  }
0x1e3: {  	[sflag:s28] =	ssyncset.done $0x0  }
0x1e4: {  	[sflag:s28] =	ssyncadd.s32 $0xFFFFD800  }
0x1e5: {  	_ =	swait.ge [sflag:s28], $0x2800  }
0x1e6: {  	s17 =	sld [smem:$0x7EB]  }
0x1e7: {  	[sflag:s28] =	ssyncset.done $0x0  }
0x1e8: {  	s15 =	simm.s32 $0x0;
	[sflag:s28] =	ssyncadd.s32 $0xFFFFD800  }
0x1e9: {  	[hbm4b:s17+s15] =	stream.linear.scatter [tilespmem:s16], [sflag:$0x6], $0xC800, $0x38;
	[tilespmem:$0x1A000] =	vst v63  }
0x1ea: {  	s17 =	rddreg [dreg:$0x11]  }
0x1eb: {  	[tilespmem:s30], [sflag:$0x1] =	stream.linear.gather [hbm4b:s17+s15], $0x4B0, $0x38;
	[tilespmem:$0x1A000] =	vst v63  }
0x1ec: {  	_ =	swait.ge [sflag:s14], $0x4B0  }
0x1ed: {  	[sflag:s14] =	ssyncset.done $0x0  }
0x1ee: {  	s31 =	simm.s32 $0x0;
	[sflag:s14] =	ssyncadd.s32 $0xFFFFFB50  }
0x1ef: {  	v0 =	vld [tilespmem:s31+$0x700]  }
0x1f0: {  	v1 =	vld [tilespmem:s31+$0x890];
	_ =	sdelay $0x1  }
0x1f1: {  	s15 =	simm.s32 $0x40;
	v2 =	vld [tilespmem:s31+$0xA20]  }
.LBB2_20:
0x1f2: {  	p0 =	sne.s32 s15, $0x600  }
.Ltmp9:
0x1f3: {  	s17 =	sshra.s32 s15, $0x2;
	s15 =	sadd.s32 $0x40, s15;
	v3 =	vmul.u32 $0xC, v0;
	(pc) =	sbr.rel @p0 .LBB2_20-.Ltmp9, $4  }
0x1f4: {  	v0 =	vld [tilespmem:s17+$0x700];
	v4 =	vshll.u32 v1, $0x1  }
0x1f5: {  	v1 =	vld [tilespmem:s17+$0x890];
	v3 =	vadd.s32 v3, v4  }
0x1f6: {  	v3 =	vadd.s32 v2, v3  }
0x1f7: {  	v2 =	vld [tilespmem:s17+$0xA20];
	[tilespmem:s31+$0xE00] =	vst v3;
	s31 =	smov.u32 s17  }
0x1f8: {  	_ = 	snop  }
0x1f9: {  	v0 =	vmul.u32 $0xC, v0  }
0x1fa: {  	v1 =	vshll.u32 v1, $0x1  }
0x1fb: {  	v0 =	vadd.s32 v0, v1  }
0x1fc: {  	v0 =	vadd.s32 v2, v0  }
0x1fd: {  	[tilespmem:s31+$0xE00] =	vst v0  }
0x1fe: {  	_ =	swait.ge [sflag:s29], $0xC800  }
0x1ff: {  	[sflag:s29] =	ssyncset.done $0x0  }
0x200: {  	s15 =	simm.s32 $0xE00;
	[sflag:s29] =	ssyncadd.s32 $0xFFFF3800  }
0x201: {  	[tilespmem:s16], [sflag:$0x4] =	stream.indirect.gather [spmem:s2], $0x80, s15, s0, $0xb8;
	[tilespmem:$0x1A000] =	vst v63  }
0x202: {  	s17 =	simm.s32 $0x10000;
	s15 =	simm.s32 $0xE50  }
0x203: {  	[tilespmem:s17], [sflag:$0x4] =	stream.indirect.gather [spmem:s2], $0x80, s15, s0, $0xb8;
	[tilespmem:$0x1A000] =	vst v63  }
0x204: {  	_ = 	snop  }
0x205: {  	[tilespmem:s20], [sflag:$0x4] =	stream.indirect.gather [spmem:s2], $0x80, s19, s0, $0xb8;
	[tilespmem:$0x1A000] =	vst v63  }
0x206: {  	_ = 	snop  }
0x207: {  	[tilespmem:s22], [sflag:$0x4] =	stream.indirect.gather [spmem:s2], $0x80, s21, s0, $0xb8;
	[tilespmem:$0x1A000] =	vst v63  }
0x208: {  	_ = 	snop  }
0x209: {  	[tilespmem:s24], [sflag:$0x4] =	stream.indirect.gather [spmem:s2], $0x80, s23, s0, $0xb8;
	[tilespmem:$0x1A000] =	vst v63  }
0x20a: {  	_ =	swait.ge [sflag:s25], $0x2800  }
0x20b: {  	[sflag:s25] =	ssyncset.done $0x0  }
0x20c: {  	[sflag:s25] =	ssyncadd.s32 $0xFFFFD800  }
0x20d: {  	_ =	swait.ge [sflag:s25], $0x2800  }
0x20e: {  	[sflag:s25] =	ssyncset.done $0x0  }
0x20f: {  	[sflag:s25] =	ssyncadd.s32 $0xFFFFD800  }
0x210: {  	_ =	swait.ge [sflag:s25], $0x2800  }
0x211: {  	[sflag:s25] =	ssyncset.done $0x0  }
0x212: {  	[sflag:s25] =	ssyncadd.s32 $0xFFFFD800  }
0x213: {  	_ =	swait.ge [sflag:s25], $0x2800  }
0x214: {  	[sflag:s25] =	ssyncset.done $0x0  }
0x215: {  	[sflag:s25] =	ssyncadd.s32 $0xFFFFD800  }
0x216: {  	_ =	swait.ge [sflag:s25], $0x2800  }
0x217: {  	s17 =	sld [smem:$0x7EC]  }
0x218: {  	[sflag:s25] =	ssyncset.done $0x0  }
0x219: {  	s15 =	simm.s32 $0x0;
	[sflag:s25] =	ssyncadd.s32 $0xFFFFD800  }
0x21a: {  	[hbm4b:s17+s15] =	stream.linear.scatter [tilespmem:s5], [sflag:$0x5], $0xC800, $0x38;
	[tilespmem:$0x1A000] =	vst v63  }
0x21b: {  	s17 =	rddreg [dreg:$0x12]  }
0x21c: {  	[tilespmem:s18], [sflag:$0x2] =	stream.linear.gather [hbm4b:s17+s15], $0x4B0, $0x38;
	[tilespmem:$0x1A000] =	vst v63  }
0x21d: {  	_ =	swait.ge [sflag:s1], $0x4B0  }
0x21e: {  	[sflag:s1] =	ssyncset.done $0x0  }
0x21f: {  	s31 =	simm.s32 $0x0;
	[sflag:s1] =	ssyncadd.s32 $0xFFFFFB50  }
0x220: {  	v0 =	vld [tilespmem:s31+$0x200]  }
0x221: {  	v1 =	vld [tilespmem:s31+$0x390];
	_ =	sdelay $0x1  }
0x222: {  	s15 =	simm.s32 $0x40;
	v2 =	vld [tilespmem:s31+$0x520]  }
.LBB2_22:
0x223: {  	p0 =	sne.s32 s15, $0x600  }
.Ltmp10:
0x224: {  	s17 =	sshra.s32 s15, $0x2;
	s15 =	sadd.s32 $0x40, s15;
	v3 =	vmul.u32 $0xC, v0;
	(pc) =	sbr.rel @p0 .LBB2_22-.Ltmp10, $4  }
0x225: {  	v0 =	vld [tilespmem:s17+$0x200];
	v4 =	vshll.u32 v1, $0x1  }
0x226: {  	v1 =	vld [tilespmem:s17+$0x390];
	v3 =	vadd.s32 v3, v4  }
0x227: {  	v3 =	vadd.s32 v2, v3  }
0x228: {  	v2 =	vld [tilespmem:s17+$0x520];
	[tilespmem:s31+$0xC00] =	vst v3;
	s31 =	smov.u32 s17  }
0x229: {  	_ = 	snop  }
0x22a: {  	v0 =	vmul.u32 $0xC, v0  }
0x22b: {  	v1 =	vshll.u32 v1, $0x1  }
0x22c: {  	v0 =	vadd.s32 v0, v1  }
0x22d: {  	v0 =	vadd.s32 v2, v0  }
0x22e: {  	[tilespmem:s31+$0xC00] =	vst v0  }
0x22f: {  	_ =	swait.ge [sflag:s26], $0xC800  }
0x230: {  	[sflag:s26] =	ssyncset.done $0x0  }
0x231: {  	[sflag:s26] =	ssyncadd.s32 $0xFFFF3800  }
0x232: {  	[tilespmem:s5], [sflag:$0x3] =	stream.indirect.gather [spmem:s2], $0x80, s4, s0, $0xb8;
	[tilespmem:$0x1A000] =	vst v63  }
0x233: {  	_ = 	snop  }
0x234: {  	[tilespmem:s7], [sflag:$0x3] =	stream.indirect.gather [spmem:s2], $0x80, s6, s0, $0xb8;
	[tilespmem:$0x1A000] =	vst v63  }
0x235: {  	_ = 	snop  }
0x236: {  	[tilespmem:s9], [sflag:$0x3] =	stream.indirect.gather [spmem:s2], $0x80, s8, s0, $0xb8;
	[tilespmem:$0x1A000] =	vst v63  }
0x237: {  	_ = 	snop  }
0x238: {  	[tilespmem:s11], [sflag:$0x3] =	stream.indirect.gather [spmem:s2], $0x80, s10, s0, $0xb8;
	[tilespmem:$0x1A000] =	vst v63  }
0x239: {  	_ = 	snop  }
0x23a: {  	[tilespmem:s13], [sflag:$0x3] =	stream.indirect.gather [spmem:s2], $0x80, s12, s0, $0xb8;
	[tilespmem:$0x1A000] =	vst v63  }
0x23b: {  	_ =	swait.ge [sflag:s28], $0x2800  }
0x23c: {  	[sflag:s28] =	ssyncset.done $0x0  }
0x23d: {  	[sflag:s28] =	ssyncadd.s32 $0xFFFFD800  }
0x23e: {  	_ =	swait.ge [sflag:s28], $0x2800  }
0x23f: {  	[sflag:s28] =	ssyncset.done $0x0  }
0x240: {  	[sflag:s28] =	ssyncadd.s32 $0xFFFFD800  }
0x241: {  	_ =	swait.ge [sflag:s28], $0x2800  }
0x242: {  	[sflag:s28] =	ssyncset.done $0x0  }
0x243: {  	[sflag:s28] =	ssyncadd.s32 $0xFFFFD800  }
0x244: {  	_ =	swait.ge [sflag:s28], $0x2800  }
0x245: {  	[sflag:s28] =	ssyncset.done $0x0  }
0x246: {  	[sflag:s28] =	ssyncadd.s32 $0xFFFFD800  }
0x247: {  	_ =	swait.ge [sflag:s28], $0x2800  }
0x248: {  	s17 =	sld [smem:$0x7ED]  }
0x249: {  	[sflag:s28] =	ssyncset.done $0x0  }
0x24a: {  	s15 =	simm.s32 $0x0;
	[sflag:s28] =	ssyncadd.s32 $0xFFFFD800  }
0x24b: {  	[hbm4b:s17+s15] =	stream.linear.scatter [tilespmem:s16], [sflag:$0x6], $0xC800, $0x38;
	[tilespmem:$0x1A000] =	vst v63  }
0x24c: {  	s17 =	rddreg [dreg:$0x13]  }
0x24d: {  	[tilespmem:s30], [sflag:$0x1] =	stream.linear.gather [hbm4b:s17+s15], $0x4B0, $0x38;
	[tilespmem:$0x1A000] =	vst v63  }
0x24e: {  	_ =	swait.ge [sflag:s14], $0x4B0  }
0x24f: {  	[sflag:s14] =	ssyncset.done $0x0  }
0x250: {  	s31 =	simm.s32 $0x0;
	[sflag:s14] =	ssyncadd.s32 $0xFFFFFB50  }
0x251: {  	v0 =	vld [tilespmem:s31+$0x700]  }
0x252: {  	v1 =	vld [tilespmem:s31+$0x890];
	_ =	sdelay $0x1  }
0x253: {  	s15 =	simm.s32 $0x40;
	v2 =	vld [tilespmem:s31+$0xA20]  }
.LBB2_24:
0x254: {  	p0 =	sne.s32 s15, $0x600  }
.Ltmp11:
0x255: {  	s17 =	sshra.s32 s15, $0x2;
	s15 =	sadd.s32 $0x40, s15;
	v3 =	vmul.u32 $0xC, v0;
	(pc) =	sbr.rel @p0 .LBB2_24-.Ltmp11, $4  }
0x256: {  	v0 =	vld [tilespmem:s17+$0x700];
	v4 =	vshll.u32 v1, $0x1  }
0x257: {  	v1 =	vld [tilespmem:s17+$0x890];
	v3 =	vadd.s32 v3, v4  }
0x258: {  	v3 =	vadd.s32 v2, v3  }
0x259: {  	v2 =	vld [tilespmem:s17+$0xA20];
	[tilespmem:s31+$0xE00] =	vst v3;
	s31 =	smov.u32 s17  }
0x25a: {  	_ = 	snop  }
0x25b: {  	v0 =	vmul.u32 $0xC, v0  }
0x25c: {  	v1 =	vshll.u32 v1, $0x1  }
0x25d: {  	v0 =	vadd.s32 v0, v1  }
0x25e: {  	v0 =	vadd.s32 v2, v0  }
0x25f: {  	[tilespmem:s31+$0xE00] =	vst v0  }
0x260: {  	_ =	swait.ge [sflag:s29], $0xC800  }
0x261: {  	[sflag:s29] =	ssyncset.done $0x0  }
0x262: {  	s15 =	simm.s32 $0xE00;
	[sflag:s29] =	ssyncadd.s32 $0xFFFF3800  }
0x263: {  	[tilespmem:s16], [sflag:$0x4] =	stream.indirect.gather [spmem:s2], $0x80, s15, s0, $0xb8;
	[tilespmem:$0x1A000] =	vst v63  }
0x264: {  	s17 =	simm.s32 $0x10000;
	s15 =	simm.s32 $0xE50  }
0x265: {  	[tilespmem:s17], [sflag:$0x4] =	stream.indirect.gather [spmem:s2], $0x80, s15, s0, $0xb8;
	[tilespmem:$0x1A000] =	vst v63  }
0x266: {  	_ = 	snop  }
0x267: {  	[tilespmem:s20], [sflag:$0x4] =	stream.indirect.gather [spmem:s2], $0x80, s19, s0, $0xb8;
	[tilespmem:$0x1A000] =	vst v63  }
0x268: {  	_ = 	snop  }
0x269: {  	[tilespmem:s22], [sflag:$0x4] =	stream.indirect.gather [spmem:s2], $0x80, s21, s0, $0xb8;
	[tilespmem:$0x1A000] =	vst v63  }
0x26a: {  	_ = 	snop  }
0x26b: {  	[tilespmem:s24], [sflag:$0x4] =	stream.indirect.gather [spmem:s2], $0x80, s23, s0, $0xb8;
	[tilespmem:$0x1A000] =	vst v63  }
0x26c: {  	_ =	swait.ge [sflag:s25], $0x2800  }
0x26d: {  	[sflag:s25] =	ssyncset.done $0x0  }
0x26e: {  	[sflag:s25] =	ssyncadd.s32 $0xFFFFD800  }
0x26f: {  	_ =	swait.ge [sflag:s25], $0x2800  }
0x270: {  	[sflag:s25] =	ssyncset.done $0x0  }
0x271: {  	[sflag:s25] =	ssyncadd.s32 $0xFFFFD800  }
0x272: {  	_ =	swait.ge [sflag:s25], $0x2800  }
0x273: {  	[sflag:s25] =	ssyncset.done $0x0  }
0x274: {  	[sflag:s25] =	ssyncadd.s32 $0xFFFFD800  }
0x275: {  	_ =	swait.ge [sflag:s25], $0x2800  }
0x276: {  	[sflag:s25] =	ssyncset.done $0x0  }
0x277: {  	[sflag:s25] =	ssyncadd.s32 $0xFFFFD800  }
0x278: {  	_ =	swait.ge [sflag:s25], $0x2800  }
0x279: {  	s17 =	sld [smem:$0x7EE]  }
0x27a: {  	[sflag:s25] =	ssyncset.done $0x0  }
0x27b: {  	s15 =	simm.s32 $0x0;
	[sflag:s25] =	ssyncadd.s32 $0xFFFFD800  }
0x27c: {  	[hbm4b:s17+s15] =	stream.linear.scatter [tilespmem:s5], [sflag:$0x5], $0xC800, $0x38;
	[tilespmem:$0x1A000] =	vst v63  }
0x27d: {  	s17 =	rddreg [dreg:$0x14]  }
0x27e: {  	[tilespmem:s18], [sflag:$0x2] =	stream.linear.gather [hbm4b:s17+s15], $0x4B0, $0x38;
	[tilespmem:$0x1A000] =	vst v63  }
0x27f: {  	_ =	swait.ge [sflag:s1], $0x4B0  }
0x280: {  	[sflag:s1] =	ssyncset.done $0x0  }
0x281: {  	s31 =	simm.s32 $0x0;
	[sflag:s1] =	ssyncadd.s32 $0xFFFFFB50  }
0x282: {  	v0 =	vld [tilespmem:s31+$0x200]  }
0x283: {  	v1 =	vld [tilespmem:s31+$0x390];
	_ =	sdelay $0x1  }
0x284: {  	s15 =	simm.s32 $0x40;
	v2 =	vld [tilespmem:s31+$0x520]  }
.LBB2_26:
0x285: {  	p0 =	sne.s32 s15, $0x600  }
.Ltmp12:
0x286: {  	s17 =	sshra.s32 s15, $0x2;
	s15 =	sadd.s32 $0x40, s15;
	v3 =	vmul.u32 $0xC, v0;
	(pc) =	sbr.rel @p0 .LBB2_26-.Ltmp12, $4  }
0x287: {  	v0 =	vld [tilespmem:s17+$0x200];
	v4 =	vshll.u32 v1, $0x1  }
0x288: {  	v1 =	vld [tilespmem:s17+$0x390];
	v3 =	vadd.s32 v3, v4  }
0x289: {  	v3 =	vadd.s32 v2, v3  }
0x28a: {  	v2 =	vld [tilespmem:s17+$0x520];
	[tilespmem:s31+$0xC00] =	vst v3;
	s31 =	smov.u32 s17  }
0x28b: {  	_ = 	snop  }
0x28c: {  	v0 =	vmul.u32 $0xC, v0  }
0x28d: {  	v1 =	vshll.u32 v1, $0x1  }
0x28e: {  	v0 =	vadd.s32 v0, v1  }
0x28f: {  	v0 =	vadd.s32 v2, v0  }
0x290: {  	[tilespmem:s31+$0xC00] =	vst v0  }
0x291: {  	_ =	swait.ge [sflag:s26], $0xC800  }
0x292: {  	[sflag:s26] =	ssyncset.done $0x0  }
0x293: {  	[sflag:s26] =	ssyncadd.s32 $0xFFFF3800  }
0x294: {  	[tilespmem:s5], [sflag:$0x3] =	stream.indirect.gather [spmem:s2], $0x80, s4, s0, $0xb8;
	[tilespmem:$0x1A000] =	vst v63  }
0x295: {  	_ = 	snop  }
0x296: {  	[tilespmem:s7], [sflag:$0x3] =	stream.indirect.gather [spmem:s2], $0x80, s6, s0, $0xb8;
	[tilespmem:$0x1A000] =	vst v63  }
0x297: {  	_ = 	snop  }
0x298: {  	[tilespmem:s9], [sflag:$0x3] =	stream.indirect.gather [spmem:s2], $0x80, s8, s0, $0xb8;
	[tilespmem:$0x1A000] =	vst v63  }
0x299: {  	_ = 	snop  }
0x29a: {  	[tilespmem:s11], [sflag:$0x3] =	stream.indirect.gather [spmem:s2], $0x80, s10, s0, $0xb8;
	[tilespmem:$0x1A000] =	vst v63  }
0x29b: {  	_ = 	snop  }
0x29c: {  	[tilespmem:s13], [sflag:$0x3] =	stream.indirect.gather [spmem:s2], $0x80, s12, s0, $0xb8;
	[tilespmem:$0x1A000] =	vst v63  }
0x29d: {  	_ =	swait.ge [sflag:s28], $0x2800  }
0x29e: {  	[sflag:s28] =	ssyncset.done $0x0  }
0x29f: {  	[sflag:s28] =	ssyncadd.s32 $0xFFFFD800  }
0x2a0: {  	_ =	swait.ge [sflag:s28], $0x2800  }
0x2a1: {  	[sflag:s28] =	ssyncset.done $0x0  }
0x2a2: {  	[sflag:s28] =	ssyncadd.s32 $0xFFFFD800  }
0x2a3: {  	_ =	swait.ge [sflag:s28], $0x2800  }
0x2a4: {  	[sflag:s28] =	ssyncset.done $0x0  }
0x2a5: {  	[sflag:s28] =	ssyncadd.s32 $0xFFFFD800  }
0x2a6: {  	_ =	swait.ge [sflag:s28], $0x2800  }
0x2a7: {  	[sflag:s28] =	ssyncset.done $0x0  }
0x2a8: {  	[sflag:s28] =	ssyncadd.s32 $0xFFFFD800  }
0x2a9: {  	_ =	swait.ge [sflag:s28], $0x2800  }
0x2aa: {  	s17 =	sld [smem:$0x7EF]  }
0x2ab: {  	[sflag:s28] =	ssyncset.done $0x0  }
0x2ac: {  	s15 =	simm.s32 $0x0;
	[sflag:s28] =	ssyncadd.s32 $0xFFFFD800  }
0x2ad: {  	[hbm4b:s17+s15] =	stream.linear.scatter [tilespmem:s16], [sflag:$0x6], $0xC800, $0x38;
	[tilespmem:$0x1A000] =	vst v63  }
0x2ae: {  	s17 =	rddreg [dreg:$0x15]  }
0x2af: {  	[tilespmem:s30], [sflag:$0x1] =	stream.linear.gather [hbm4b:s17+s15], $0x4B0, $0x38;
	[tilespmem:$0x1A000] =	vst v63  }
0x2b0: {  	_ =	swait.ge [sflag:s14], $0x4B0  }
0x2b1: {  	[sflag:s14] =	ssyncset.done $0x0  }
0x2b2: {  	s31 =	simm.s32 $0x0;
	[sflag:s14] =	ssyncadd.s32 $0xFFFFFB50  }
0x2b3: {  	v0 =	vld [tilespmem:s31+$0x700]  }
0x2b4: {  	v1 =	vld [tilespmem:s31+$0x890];
	_ =	sdelay $0x1  }
0x2b5: {  	s15 =	simm.s32 $0x40;
	v2 =	vld [tilespmem:s31+$0xA20]  }
.LBB2_28:
0x2b6: {  	p0 =	sne.s32 s15, $0x600  }
.Ltmp13:
0x2b7: {  	s17 =	sshra.s32 s15, $0x2;
	s15 =	sadd.s32 $0x40, s15;
	v3 =	vmul.u32 $0xC, v0;
	(pc) =	sbr.rel @p0 .LBB2_28-.Ltmp13, $4  }
0x2b8: {  	v0 =	vld [tilespmem:s17+$0x700];
	v4 =	vshll.u32 v1, $0x1  }
0x2b9: {  	v1 =	vld [tilespmem:s17+$0x890];
	v3 =	vadd.s32 v3, v4  }
0x2ba: {  	v3 =	vadd.s32 v2, v3  }
0x2bb: {  	v2 =	vld [tilespmem:s17+$0xA20];
	[tilespmem:s31+$0xE00] =	vst v3;
	s31 =	smov.u32 s17  }
0x2bc: {  	_ = 	snop  }
0x2bd: {  	v0 =	vmul.u32 $0xC, v0  }
0x2be: {  	v1 =	vshll.u32 v1, $0x1  }
0x2bf: {  	v0 =	vadd.s32 v0, v1  }
0x2c0: {  	v0 =	vadd.s32 v2, v0  }
0x2c1: {  	[tilespmem:s31+$0xE00] =	vst v0  }
0x2c2: {  	_ =	swait.ge [sflag:s29], $0xC800  }
0x2c3: {  	[sflag:s29] =	ssyncset.done $0x0  }
0x2c4: {  	s15 =	simm.s32 $0xE00;
	[sflag:s29] =	ssyncadd.s32 $0xFFFF3800  }
0x2c5: {  	[tilespmem:s16], [sflag:$0x4] =	stream.indirect.gather [spmem:s2], $0x80, s15, s0, $0xb8;
	[tilespmem:$0x1A000] =	vst v63  }
0x2c6: {  	s17 =	simm.s32 $0x10000;
	s15 =	simm.s32 $0xE50  }
0x2c7: {  	[tilespmem:s17], [sflag:$0x4] =	stream.indirect.gather [spmem:s2], $0x80, s15, s0, $0xb8;
	[tilespmem:$0x1A000] =	vst v63  }
0x2c8: {  	_ = 	snop  }
0x2c9: {  	[tilespmem:s20], [sflag:$0x4] =	stream.indirect.gather [spmem:s2], $0x80, s19, s0, $0xb8;
	[tilespmem:$0x1A000] =	vst v63  }
0x2ca: {  	_ = 	snop  }
0x2cb: {  	[tilespmem:s22], [sflag:$0x4] =	stream.indirect.gather [spmem:s2], $0x80, s21, s0, $0xb8;
	[tilespmem:$0x1A000] =	vst v63  }
0x2cc: {  	_ = 	snop  }
0x2cd: {  	[tilespmem:s24], [sflag:$0x4] =	stream.indirect.gather [spmem:s2], $0x80, s23, s0, $0xb8;
	[tilespmem:$0x1A000] =	vst v63  }
0x2ce: {  	_ =	swait.ge [sflag:s25], $0x2800  }
0x2cf: {  	[sflag:s25] =	ssyncset.done $0x0  }
0x2d0: {  	[sflag:s25] =	ssyncadd.s32 $0xFFFFD800  }
0x2d1: {  	_ =	swait.ge [sflag:s25], $0x2800  }
0x2d2: {  	[sflag:s25] =	ssyncset.done $0x0  }
0x2d3: {  	[sflag:s25] =	ssyncadd.s32 $0xFFFFD800  }
0x2d4: {  	_ =	swait.ge [sflag:s25], $0x2800  }
0x2d5: {  	[sflag:s25] =	ssyncset.done $0x0  }
0x2d6: {  	[sflag:s25] =	ssyncadd.s32 $0xFFFFD800  }
0x2d7: {  	_ =	swait.ge [sflag:s25], $0x2800  }
0x2d8: {  	[sflag:s25] =	ssyncset.done $0x0  }
0x2d9: {  	[sflag:s25] =	ssyncadd.s32 $0xFFFFD800  }
0x2da: {  	_ =	swait.ge [sflag:s25], $0x2800  }
0x2db: {  	s17 =	sld [smem:$0x7F0]  }
0x2dc: {  	[sflag:s25] =	ssyncset.done $0x0  }
0x2dd: {  	s15 =	simm.s32 $0x0;
	[sflag:s25] =	ssyncadd.s32 $0xFFFFD800  }
0x2de: {  	[hbm4b:s17+s15] =	stream.linear.scatter [tilespmem:s5], [sflag:$0x5], $0xC800, $0x38;
	[tilespmem:$0x1A000] =	vst v63  }
0x2df: {  	s17 =	rddreg [dreg:$0x16]  }
0x2e0: {  	[tilespmem:s18], [sflag:$0x2] =	stream.linear.gather [hbm4b:s17+s15], $0x4B0, $0x38;
	[tilespmem:$0x1A000] =	vst v63  }
0x2e1: {  	_ =	swait.ge [sflag:s1], $0x4B0  }
0x2e2: {  	[sflag:s1] =	ssyncset.done $0x0  }
0x2e3: {  	s31 =	simm.s32 $0x0;
	[sflag:s1] =	ssyncadd.s32 $0xFFFFFB50  }
0x2e4: {  	v0 =	vld [tilespmem:s31+$0x200]  }
0x2e5: {  	v1 =	vld [tilespmem:s31+$0x390];
	_ =	sdelay $0x1  }
0x2e6: {  	s15 =	simm.s32 $0x40;
	v2 =	vld [tilespmem:s31+$0x520]  }
.LBB2_30:
0x2e7: {  	p0 =	sne.s32 s15, $0x600  }
.Ltmp14:
0x2e8: {  	s17 =	sshra.s32 s15, $0x2;
	s15 =	sadd.s32 $0x40, s15;
	v3 =	vmul.u32 $0xC, v0;
	(pc) =	sbr.rel @p0 .LBB2_30-.Ltmp14, $4  }
0x2e9: {  	v0 =	vld [tilespmem:s17+$0x200];
	v4 =	vshll.u32 v1, $0x1  }
0x2ea: {  	v1 =	vld [tilespmem:s17+$0x390];
	v3 =	vadd.s32 v3, v4  }
0x2eb: {  	v3 =	vadd.s32 v2, v3  }
0x2ec: {  	v2 =	vld [tilespmem:s17+$0x520];
	[tilespmem:s31+$0xC00] =	vst v3;
	s31 =	smov.u32 s17  }
0x2ed: {  	_ = 	snop  }
0x2ee: {  	v0 =	vmul.u32 $0xC, v0  }
0x2ef: {  	v1 =	vshll.u32 v1, $0x1  }
0x2f0: {  	v0 =	vadd.s32 v0, v1  }
0x2f1: {  	v0 =	vadd.s32 v2, v0  }
0x2f2: {  	[tilespmem:s31+$0xC00] =	vst v0  }
0x2f3: {  	_ =	swait.ge [sflag:s26], $0xC800  }
0x2f4: {  	[sflag:s26] =	ssyncset.done $0x0  }
0x2f5: {  	[sflag:s26] =	ssyncadd.s32 $0xFFFF3800  }
0x2f6: {  	[tilespmem:s5], [sflag:$0x3] =	stream.indirect.gather [spmem:s2], $0x80, s4, s0, $0xb8;
	[tilespmem:$0x1A000] =	vst v63  }
0x2f7: {  	_ = 	snop  }
0x2f8: {  	[tilespmem:s7], [sflag:$0x3] =	stream.indirect.gather [spmem:s2], $0x80, s6, s0, $0xb8;
	[tilespmem:$0x1A000] =	vst v63  }
0x2f9: {  	_ = 	snop  }
0x2fa: {  	[tilespmem:s9], [sflag:$0x3] =	stream.indirect.gather [spmem:s2], $0x80, s8, s0, $0xb8;
	[tilespmem:$0x1A000] =	vst v63  }
0x2fb: {  	_ = 	snop  }
0x2fc: {  	[tilespmem:s11], [sflag:$0x3] =	stream.indirect.gather [spmem:s2], $0x80, s10, s0, $0xb8;
	[tilespmem:$0x1A000] =	vst v63  }
0x2fd: {  	_ = 	snop  }
0x2fe: {  	[tilespmem:s13], [sflag:$0x3] =	stream.indirect.gather [spmem:s2], $0x80, s12, s0, $0xb8;
	[tilespmem:$0x1A000] =	vst v63  }
0x2ff: {  	_ =	swait.ge [sflag:s28], $0x2800  }
0x300: {  	[sflag:s28] =	ssyncset.done $0x0  }
0x301: {  	[sflag:s28] =	ssyncadd.s32 $0xFFFFD800  }
0x302: {  	_ =	swait.ge [sflag:s28], $0x2800  }
0x303: {  	[sflag:s28] =	ssyncset.done $0x0  }
0x304: {  	[sflag:s28] =	ssyncadd.s32 $0xFFFFD800  }
0x305: {  	_ =	swait.ge [sflag:s28], $0x2800  }
0x306: {  	[sflag:s28] =	ssyncset.done $0x0  }
0x307: {  	[sflag:s28] =	ssyncadd.s32 $0xFFFFD800  }
0x308: {  	_ =	swait.ge [sflag:s28], $0x2800  }
0x309: {  	[sflag:s28] =	ssyncset.done $0x0  }
0x30a: {  	[sflag:s28] =	ssyncadd.s32 $0xFFFFD800  }
0x30b: {  	_ =	swait.ge [sflag:s28], $0x2800  }
0x30c: {  	s17 =	sld [smem:$0x7F1]  }
0x30d: {  	[sflag:s28] =	ssyncset.done $0x0  }
0x30e: {  	s15 =	simm.s32 $0x0;
	[sflag:s28] =	ssyncadd.s32 $0xFFFFD800  }
0x30f: {  	[hbm4b:s17+s15] =	stream.linear.scatter [tilespmem:s16], [sflag:$0x6], $0xC800, $0x38;
	[tilespmem:$0x1A000] =	vst v63  }
0x310: {  	s17 =	rddreg [dreg:$0x17]  }
0x311: {  	[tilespmem:s30], [sflag:$0x1] =	stream.linear.gather [hbm4b:s17+s15], $0x4B0, $0x38;
	[tilespmem:$0x1A000] =	vst v63  }
0x312: {  	_ =	swait.ge [sflag:s14], $0x4B0  }
0x313: {  	[sflag:s14] =	ssyncset.done $0x0  }
0x314: {  	s31 =	simm.s32 $0x0;
	[sflag:s14] =	ssyncadd.s32 $0xFFFFFB50  }
0x315: {  	v0 =	vld [tilespmem:s31+$0x700]  }
0x316: {  	v1 =	vld [tilespmem:s31+$0x890];
	_ =	sdelay $0x1  }
0x317: {  	s15 =	simm.s32 $0x40;
	v2 =	vld [tilespmem:s31+$0xA20]  }
.LBB2_32:
0x318: {  	p0 =	sne.s32 s15, $0x600  }
.Ltmp15:
0x319: {  	s17 =	sshra.s32 s15, $0x2;
	s15 =	sadd.s32 $0x40, s15;
	v3 =	vmul.u32 $0xC, v0;
	(pc) =	sbr.rel @p0 .LBB2_32-.Ltmp15, $4  }
0x31a: {  	v0 =	vld [tilespmem:s17+$0x700];
	v4 =	vshll.u32 v1, $0x1  }
0x31b: {  	v1 =	vld [tilespmem:s17+$0x890];
	v3 =	vadd.s32 v3, v4  }
0x31c: {  	v3 =	vadd.s32 v2, v3  }
0x31d: {  	v2 =	vld [tilespmem:s17+$0xA20];
	[tilespmem:s31+$0xE00] =	vst v3;
	s31 =	smov.u32 s17  }
0x31e: {  	_ = 	snop  }
0x31f: {  	v0 =	vmul.u32 $0xC, v0  }
0x320: {  	v1 =	vshll.u32 v1, $0x1  }
0x321: {  	v0 =	vadd.s32 v0, v1  }
0x322: {  	v0 =	vadd.s32 v2, v0  }
0x323: {  	[tilespmem:s31+$0xE00] =	vst v0  }
0x324: {  	_ =	swait.ge [sflag:s29], $0xC800  }
0x325: {  	[sflag:s29] =	ssyncset.done $0x0  }
0x326: {  	s15 =	simm.s32 $0xE00;
	[sflag:s29] =	ssyncadd.s32 $0xFFFF3800  }
0x327: {  	[tilespmem:s16], [sflag:$0x4] =	stream.indirect.gather [spmem:s2], $0x80, s15, s0, $0xb8;
	[tilespmem:$0x1A000] =	vst v63  }
0x328: {  	s17 =	simm.s32 $0x10000;
	s15 =	simm.s32 $0xE50  }
0x329: {  	[tilespmem:s17], [sflag:$0x4] =	stream.indirect.gather [spmem:s2], $0x80, s15, s0, $0xb8;
	[tilespmem:$0x1A000] =	vst v63  }
0x32a: {  	_ = 	snop  }
0x32b: {  	[tilespmem:s20], [sflag:$0x4] =	stream.indirect.gather [spmem:s2], $0x80, s19, s0, $0xb8;
	[tilespmem:$0x1A000] =	vst v63  }
0x32c: {  	_ = 	snop  }
0x32d: {  	[tilespmem:s22], [sflag:$0x4] =	stream.indirect.gather [spmem:s2], $0x80, s21, s0, $0xb8;
	[tilespmem:$0x1A000] =	vst v63  }
0x32e: {  	_ = 	snop  }
0x32f: {  	[tilespmem:s24], [sflag:$0x4] =	stream.indirect.gather [spmem:s2], $0x80, s23, s0, $0xb8;
	[tilespmem:$0x1A000] =	vst v63  }
0x330: {  	_ =	swait.ge [sflag:s25], $0x2800  }
0x331: {  	[sflag:s25] =	ssyncset.done $0x0  }
0x332: {  	[sflag:s25] =	ssyncadd.s32 $0xFFFFD800  }
0x333: {  	_ =	swait.ge [sflag:s25], $0x2800  }
0x334: {  	[sflag:s25] =	ssyncset.done $0x0  }
0x335: {  	[sflag:s25] =	ssyncadd.s32 $0xFFFFD800  }
0x336: {  	_ =	swait.ge [sflag:s25], $0x2800  }
0x337: {  	[sflag:s25] =	ssyncset.done $0x0  }
0x338: {  	[sflag:s25] =	ssyncadd.s32 $0xFFFFD800  }
0x339: {  	_ =	swait.ge [sflag:s25], $0x2800  }
0x33a: {  	[sflag:s25] =	ssyncset.done $0x0  }
0x33b: {  	[sflag:s25] =	ssyncadd.s32 $0xFFFFD800  }
0x33c: {  	_ =	swait.ge [sflag:s25], $0x2800  }
0x33d: {  	s17 =	sld [smem:$0x7F2]  }
0x33e: {  	[sflag:s25] =	ssyncset.done $0x0  }
0x33f: {  	s15 =	simm.s32 $0x0;
	[sflag:s25] =	ssyncadd.s32 $0xFFFFD800  }
0x340: {  	[hbm4b:s17+s15] =	stream.linear.scatter [tilespmem:s5], [sflag:$0x5], $0xC800, $0x38;
	[tilespmem:$0x1A000] =	vst v63  }
0x341: {  	s17 =	rddreg [dreg:$0x18]  }
0x342: {  	[tilespmem:s18], [sflag:$0x2] =	stream.linear.gather [hbm4b:s17+s15], $0x4B0, $0x38;
	[tilespmem:$0x1A000] =	vst v63  }
0x343: {  	_ =	swait.ge [sflag:s1], $0x4B0  }
0x344: {  	[sflag:s1] =	ssyncset.done $0x0  }
0x345: {  	s31 =	simm.s32 $0x0;
	[sflag:s1] =	ssyncadd.s32 $0xFFFFFB50  }
0x346: {  	v0 =	vld [tilespmem:s31+$0x200]  }
0x347: {  	v1 =	vld [tilespmem:s31+$0x390];
	_ =	sdelay $0x1  }
0x348: {  	s15 =	simm.s32 $0x40;
	v2 =	vld [tilespmem:s31+$0x520]  }
.LBB2_34:
0x349: {  	p0 =	sne.s32 s15, $0x600  }
.Ltmp16:
0x34a: {  	s17 =	sshra.s32 s15, $0x2;
	s15 =	sadd.s32 $0x40, s15;
	v3 =	vmul.u32 $0xC, v0;
	(pc) =	sbr.rel @p0 .LBB2_34-.Ltmp16, $4  }
0x34b: {  	v0 =	vld [tilespmem:s17+$0x200];
	v4 =	vshll.u32 v1, $0x1  }
0x34c: {  	v1 =	vld [tilespmem:s17+$0x390];
	v3 =	vadd.s32 v3, v4  }
0x34d: {  	v3 =	vadd.s32 v2, v3  }
0x34e: {  	v2 =	vld [tilespmem:s17+$0x520];
	[tilespmem:s31+$0xC00] =	vst v3;
	s31 =	smov.u32 s17  }
0x34f: {  	_ = 	snop  }
0x350: {  	v0 =	vmul.u32 $0xC, v0  }
0x351: {  	v1 =	vshll.u32 v1, $0x1  }
0x352: {  	v0 =	vadd.s32 v0, v1  }
0x353: {  	v0 =	vadd.s32 v2, v0  }
0x354: {  	[tilespmem:s31+$0xC00] =	vst v0  }
0x355: {  	_ =	swait.ge [sflag:s26], $0xC800  }
0x356: {  	[sflag:s26] =	ssyncset.done $0x0  }
0x357: {  	[sflag:s26] =	ssyncadd.s32 $0xFFFF3800  }
0x358: {  	[tilespmem:s5], [sflag:$0x3] =	stream.indirect.gather [spmem:s2], $0x80, s4, s0, $0xb8;
	[tilespmem:$0x1A000] =	vst v63  }
0x359: {  	_ = 	snop  }
0x35a: {  	[tilespmem:s7], [sflag:$0x3] =	stream.indirect.gather [spmem:s2], $0x80, s6, s0, $0xb8;
	[tilespmem:$0x1A000] =	vst v63  }
0x35b: {  	_ = 	snop  }
0x35c: {  	[tilespmem:s9], [sflag:$0x3] =	stream.indirect.gather [spmem:s2], $0x80, s8, s0, $0xb8;
	[tilespmem:$0x1A000] =	vst v63  }
0x35d: {  	_ = 	snop  }
0x35e: {  	[tilespmem:s11], [sflag:$0x3] =	stream.indirect.gather [spmem:s2], $0x80, s10, s0, $0xb8;
	[tilespmem:$0x1A000] =	vst v63  }
0x35f: {  	_ = 	snop  }
0x360: {  	[tilespmem:s13], [sflag:$0x3] =	stream.indirect.gather [spmem:s2], $0x80, s12, s0, $0xb8;
	[tilespmem:$0x1A000] =	vst v63  }
0x361: {  	_ =	swait.ge [sflag:s28], $0x2800  }
0x362: {  	[sflag:s28] =	ssyncset.done $0x0  }
0x363: {  	[sflag:s28] =	ssyncadd.s32 $0xFFFFD800  }
0x364: {  	_ =	swait.ge [sflag:s28], $0x2800  }
0x365: {  	[sflag:s28] =	ssyncset.done $0x0  }
0x366: {  	[sflag:s28] =	ssyncadd.s32 $0xFFFFD800  }
0x367: {  	_ =	swait.ge [sflag:s28], $0x2800  }
0x368: {  	[sflag:s28] =	ssyncset.done $0x0  }
0x369: {  	[sflag:s28] =	ssyncadd.s32 $0xFFFFD800  }
0x36a: {  	_ =	swait.ge [sflag:s28], $0x2800  }
0x36b: {  	[sflag:s28] =	ssyncset.done $0x0  }
0x36c: {  	[sflag:s28] =	ssyncadd.s32 $0xFFFFD800  }
0x36d: {  	_ =	swait.ge [sflag:s28], $0x2800  }
0x36e: {  	s17 =	sld [smem:$0x7F3]  }
0x36f: {  	[sflag:s28] =	ssyncset.done $0x0  }
0x370: {  	s15 =	simm.s32 $0x0;
	[sflag:s28] =	ssyncadd.s32 $0xFFFFD800  }
0x371: {  	[hbm4b:s17+s15] =	stream.linear.scatter [tilespmem:s16], [sflag:$0x6], $0xC800, $0x38;
	[tilespmem:$0x1A000] =	vst v63  }
0x372: {  	s17 =	rddreg [dreg:$0x19]  }
0x373: {  	[tilespmem:s30], [sflag:$0x1] =	stream.linear.gather [hbm4b:s17+s15], $0x4B0, $0x38;
	[tilespmem:$0x1A000] =	vst v63  }
0x374: {  	_ =	swait.ge [sflag:s14], $0x4B0  }
0x375: {  	[sflag:s14] =	ssyncset.done $0x0  }
0x376: {  	s31 =	simm.s32 $0x0;
	[sflag:s14] =	ssyncadd.s32 $0xFFFFFB50  }
0x377: {  	v0 =	vld [tilespmem:s31+$0x700]  }
0x378: {  	v1 =	vld [tilespmem:s31+$0x890];
	_ =	sdelay $0x1  }
0x379: {  	s15 =	simm.s32 $0x40;
	v2 =	vld [tilespmem:s31+$0xA20]  }
.LBB2_36:
0x37a: {  	p0 =	sne.s32 s15, $0x600  }
.Ltmp17:
0x37b: {  	s17 =	sshra.s32 s15, $0x2;
	s15 =	sadd.s32 $0x40, s15;
	v3 =	vmul.u32 $0xC, v0;
	(pc) =	sbr.rel @p0 .LBB2_36-.Ltmp17, $4  }
0x37c: {  	v0 =	vld [tilespmem:s17+$0x700];
	v4 =	vshll.u32 v1, $0x1  }
0x37d: {  	v1 =	vld [tilespmem:s17+$0x890];
	v3 =	vadd.s32 v3, v4  }
0x37e: {  	v3 =	vadd.s32 v2, v3  }
0x37f: {  	v2 =	vld [tilespmem:s17+$0xA20];
	[tilespmem:s31+$0xE00] =	vst v3;
	s31 =	smov.u32 s17  }
0x380: {  	_ = 	snop  }
0x381: {  	v0 =	vmul.u32 $0xC, v0  }
0x382: {  	v1 =	vshll.u32 v1, $0x1  }
0x383: {  	v0 =	vadd.s32 v0, v1  }
0x384: {  	v0 =	vadd.s32 v2, v0  }
0x385: {  	[tilespmem:s31+$0xE00] =	vst v0  }
0x386: {  	_ =	swait.ge [sflag:s29], $0xC800  }
0x387: {  	[sflag:s29] =	ssyncset.done $0x0  }
0x388: {  	s15 =	simm.s32 $0xE00;
	[sflag:s29] =	ssyncadd.s32 $0xFFFF3800  }
0x389: {  	[tilespmem:s16], [sflag:$0x4] =	stream.indirect.gather [spmem:s2], $0x80, s15, s0, $0xb8;
	[tilespmem:$0x1A000] =	vst v63  }
0x38a: {  	s17 =	simm.s32 $0x10000;
	s15 =	simm.s32 $0xE50  }
0x38b: {  	[tilespmem:s17], [sflag:$0x4] =	stream.indirect.gather [spmem:s2], $0x80, s15, s0, $0xb8;
	[tilespmem:$0x1A000] =	vst v63  }
0x38c: {  	_ = 	snop  }
0x38d: {  	[tilespmem:s20], [sflag:$0x4] =	stream.indirect.gather [spmem:s2], $0x80, s19, s0, $0xb8;
	[tilespmem:$0x1A000] =	vst v63  }
0x38e: {  	_ = 	snop  }
0x38f: {  	[tilespmem:s22], [sflag:$0x4] =	stream.indirect.gather [spmem:s2], $0x80, s21, s0, $0xb8;
	[tilespmem:$0x1A000] =	vst v63  }
0x390: {  	_ = 	snop  }
0x391: {  	[tilespmem:s24], [sflag:$0x4] =	stream.indirect.gather [spmem:s2], $0x80, s23, s0, $0xb8;
	[tilespmem:$0x1A000] =	vst v63  }
0x392: {  	_ =	swait.ge [sflag:s25], $0x2800  }
0x393: {  	[sflag:s25] =	ssyncset.done $0x0  }
0x394: {  	[sflag:s25] =	ssyncadd.s32 $0xFFFFD800  }
0x395: {  	_ =	swait.ge [sflag:s25], $0x2800  }
0x396: {  	[sflag:s25] =	ssyncset.done $0x0  }
0x397: {  	[sflag:s25] =	ssyncadd.s32 $0xFFFFD800  }
0x398: {  	_ =	swait.ge [sflag:s25], $0x2800  }
0x399: {  	[sflag:s25] =	ssyncset.done $0x0  }
0x39a: {  	[sflag:s25] =	ssyncadd.s32 $0xFFFFD800  }
0x39b: {  	_ =	swait.ge [sflag:s25], $0x2800  }
0x39c: {  	[sflag:s25] =	ssyncset.done $0x0  }
0x39d: {  	[sflag:s25] =	ssyncadd.s32 $0xFFFFD800  }
0x39e: {  	_ =	swait.ge [sflag:s25], $0x2800  }
0x39f: {  	s17 =	sld [smem:$0x7F4]  }
0x3a0: {  	[sflag:s25] =	ssyncset.done $0x0  }
0x3a1: {  	s15 =	simm.s32 $0x0;
	[sflag:s25] =	ssyncadd.s32 $0xFFFFD800  }
0x3a2: {  	[hbm4b:s17+s15] =	stream.linear.scatter [tilespmem:s5], [sflag:$0x5], $0xC800, $0x38;
	[tilespmem:$0x1A000] =	vst v63  }
0x3a3: {  	s17 =	rddreg [dreg:$0x1a]  }
0x3a4: {  	[tilespmem:s18], [sflag:$0x2] =	stream.linear.gather [hbm4b:s17+s15], $0x4B0, $0x38;
	[tilespmem:$0x1A000] =	vst v63  }
0x3a5: {  	_ =	swait.ge [sflag:s1], $0x4B0  }
0x3a6: {  	[sflag:s1] =	ssyncset.done $0x0  }
0x3a7: {  	s31 =	simm.s32 $0x0;
	[sflag:s1] =	ssyncadd.s32 $0xFFFFFB50  }
0x3a8: {  	v0 =	vld [tilespmem:s31+$0x200]  }
0x3a9: {  	v1 =	vld [tilespmem:s31+$0x390];
	_ =	sdelay $0x1  }
0x3aa: {  	s15 =	simm.s32 $0x40;
	v2 =	vld [tilespmem:s31+$0x520]  }
.LBB2_38:
0x3ab: {  	p0 =	sne.s32 s15, $0x600  }
.Ltmp18:
0x3ac: {  	s17 =	sshra.s32 s15, $0x2;
	s15 =	sadd.s32 $0x40, s15;
	v3 =	vmul.u32 $0xC, v0;
	(pc) =	sbr.rel @p0 .LBB2_38-.Ltmp18, $4  }
0x3ad: {  	v0 =	vld [tilespmem:s17+$0x200];
	v4 =	vshll.u32 v1, $0x1  }
0x3ae: {  	v1 =	vld [tilespmem:s17+$0x390];
	v3 =	vadd.s32 v3, v4  }
0x3af: {  	v3 =	vadd.s32 v2, v3  }
0x3b0: {  	v2 =	vld [tilespmem:s17+$0x520];
	[tilespmem:s31+$0xC00] =	vst v3;
	s31 =	smov.u32 s17  }
0x3b1: {  	_ = 	snop  }
0x3b2: {  	v0 =	vmul.u32 $0xC, v0  }
0x3b3: {  	v1 =	vshll.u32 v1, $0x1  }
0x3b4: {  	v0 =	vadd.s32 v0, v1  }
0x3b5: {  	v0 =	vadd.s32 v2, v0  }
0x3b6: {  	[tilespmem:s31+$0xC00] =	vst v0  }
0x3b7: {  	_ =	swait.ge [sflag:s26], $0xC800  }
0x3b8: {  	[sflag:s26] =	ssyncset.done $0x0  }
0x3b9: {  	[sflag:s26] =	ssyncadd.s32 $0xFFFF3800  }
0x3ba: {  	[tilespmem:s5], [sflag:$0x3] =	stream.indirect.gather [spmem:s2], $0x80, s4, s0, $0xb8;
	[tilespmem:$0x1A000] =	vst v63  }
0x3bb: {  	_ = 	snop  }
0x3bc: {  	[tilespmem:s7], [sflag:$0x3] =	stream.indirect.gather [spmem:s2], $0x80, s6, s0, $0xb8;
	[tilespmem:$0x1A000] =	vst v63  }
0x3bd: {  	_ = 	snop  }
0x3be: {  	[tilespmem:s9], [sflag:$0x3] =	stream.indirect.gather [spmem:s2], $0x80, s8, s0, $0xb8;
	[tilespmem:$0x1A000] =	vst v63  }
0x3bf: {  	_ = 	snop  }
0x3c0: {  	[tilespmem:s11], [sflag:$0x3] =	stream.indirect.gather [spmem:s2], $0x80, s10, s0, $0xb8;
	[tilespmem:$0x1A000] =	vst v63  }
0x3c1: {  	_ = 	snop  }
0x3c2: {  	[tilespmem:s13], [sflag:$0x3] =	stream.indirect.gather [spmem:s2], $0x80, s12, s0, $0xb8;
	[tilespmem:$0x1A000] =	vst v63  }
0x3c3: {  	_ =	swait.ge [sflag:s28], $0x2800  }
0x3c4: {  	[sflag:s28] =	ssyncset.done $0x0  }
0x3c5: {  	[sflag:s28] =	ssyncadd.s32 $0xFFFFD800  }
0x3c6: {  	_ =	swait.ge [sflag:s28], $0x2800  }
0x3c7: {  	[sflag:s28] =	ssyncset.done $0x0  }
0x3c8: {  	[sflag:s28] =	ssyncadd.s32 $0xFFFFD800  }
0x3c9: {  	_ =	swait.ge [sflag:s28], $0x2800  }
0x3ca: {  	[sflag:s28] =	ssyncset.done $0x0  }
0x3cb: {  	[sflag:s28] =	ssyncadd.s32 $0xFFFFD800  }
0x3cc: {  	_ =	swait.ge [sflag:s28], $0x2800  }
0x3cd: {  	[sflag:s28] =	ssyncset.done $0x0  }
0x3ce: {  	[sflag:s28] =	ssyncadd.s32 $0xFFFFD800  }
0x3cf: {  	_ =	swait.ge [sflag:s28], $0x2800  }
0x3d0: {  	s17 =	sld [smem:$0x7F5]  }
0x3d1: {  	[sflag:s28] =	ssyncset.done $0x0  }
0x3d2: {  	s15 =	simm.s32 $0x0;
	[sflag:s28] =	ssyncadd.s32 $0xFFFFD800  }
0x3d3: {  	[hbm4b:s17+s15] =	stream.linear.scatter [tilespmem:s16], [sflag:$0x6], $0xC800, $0x38;
	[tilespmem:$0x1A000] =	vst v63  }
0x3d4: {  	s17 =	rddreg [dreg:$0x1b]  }
0x3d5: {  	[tilespmem:s30], [sflag:$0x1] =	stream.linear.gather [hbm4b:s17+s15], $0x4B0, $0x38;
	[tilespmem:$0x1A000] =	vst v63  }
0x3d6: {  	_ =	swait.ge [sflag:s14], $0x4B0  }
0x3d7: {  	[sflag:s14] =	ssyncset.done $0x0  }
0x3d8: {  	s31 =	simm.s32 $0x0;
	[sflag:s14] =	ssyncadd.s32 $0xFFFFFB50  }
0x3d9: {  	v0 =	vld [tilespmem:s31+$0x700]  }
0x3da: {  	v1 =	vld [tilespmem:s31+$0x890];
	_ =	sdelay $0x1  }
0x3db: {  	s15 =	simm.s32 $0x40;
	v2 =	vld [tilespmem:s31+$0xA20]  }
.LBB2_40:
0x3dc: {  	p0 =	sne.s32 s15, $0x600  }
.Ltmp19:
0x3dd: {  	s17 =	sshra.s32 s15, $0x2;
	s15 =	sadd.s32 $0x40, s15;
	v3 =	vmul.u32 $0xC, v0;
	(pc) =	sbr.rel @p0 .LBB2_40-.Ltmp19, $4  }
0x3de: {  	v0 =	vld [tilespmem:s17+$0x700];
	v4 =	vshll.u32 v1, $0x1  }
0x3df: {  	v1 =	vld [tilespmem:s17+$0x890];
	v3 =	vadd.s32 v3, v4  }
0x3e0: {  	v3 =	vadd.s32 v2, v3  }
0x3e1: {  	v2 =	vld [tilespmem:s17+$0xA20];
	[tilespmem:s31+$0xE00] =	vst v3;
	s31 =	smov.u32 s17  }
0x3e2: {  	_ = 	snop  }
0x3e3: {  	v0 =	vmul.u32 $0xC, v0  }
0x3e4: {  	v1 =	vshll.u32 v1, $0x1  }
0x3e5: {  	v0 =	vadd.s32 v0, v1  }
0x3e6: {  	v0 =	vadd.s32 v2, v0  }
0x3e7: {  	[tilespmem:s31+$0xE00] =	vst v0  }
0x3e8: {  	_ =	swait.ge [sflag:s29], $0xC800  }
0x3e9: {  	[sflag:s29] =	ssyncset.done $0x0  }
0x3ea: {  	s15 =	simm.s32 $0xE00;
	[sflag:s29] =	ssyncadd.s32 $0xFFFF3800  }
0x3eb: {  	[tilespmem:s16], [sflag:$0x4] =	stream.indirect.gather [spmem:s2], $0x80, s15, s0, $0xb8;
	[tilespmem:$0x1A000] =	vst v63  }
0x3ec: {  	s17 =	simm.s32 $0x10000;
	s15 =	simm.s32 $0xE50  }
0x3ed: {  	[tilespmem:s17], [sflag:$0x4] =	stream.indirect.gather [spmem:s2], $0x80, s15, s0, $0xb8;
	[tilespmem:$0x1A000] =	vst v63  }
0x3ee: {  	_ = 	snop  }
0x3ef: {  	[tilespmem:s20], [sflag:$0x4] =	stream.indirect.gather [spmem:s2], $0x80, s19, s0, $0xb8;
	[tilespmem:$0x1A000] =	vst v63  }
0x3f0: {  	_ = 	snop  }
0x3f1: {  	[tilespmem:s22], [sflag:$0x4] =	stream.indirect.gather [spmem:s2], $0x80, s21, s0, $0xb8;
	[tilespmem:$0x1A000] =	vst v63  }
0x3f2: {  	_ = 	snop  }
0x3f3: {  	[tilespmem:s24], [sflag:$0x4] =	stream.indirect.gather [spmem:s2], $0x80, s23, s0, $0xb8;
	[tilespmem:$0x1A000] =	vst v63  }
0x3f4: {  	_ =	swait.ge [sflag:s25], $0x2800  }
0x3f5: {  	[sflag:s25] =	ssyncset.done $0x0  }
0x3f6: {  	[sflag:s25] =	ssyncadd.s32 $0xFFFFD800  }
0x3f7: {  	_ =	swait.ge [sflag:s25], $0x2800  }
0x3f8: {  	[sflag:s25] =	ssyncset.done $0x0  }
0x3f9: {  	[sflag:s25] =	ssyncadd.s32 $0xFFFFD800  }
0x3fa: {  	_ =	swait.ge [sflag:s25], $0x2800  }
0x3fb: {  	[sflag:s25] =	ssyncset.done $0x0  }
0x3fc: {  	[sflag:s25] =	ssyncadd.s32 $0xFFFFD800  }
0x3fd: {  	_ =	swait.ge [sflag:s25], $0x2800  }
0x3fe: {  	[sflag:s25] =	ssyncset.done $0x0  }
0x3ff: {  	[sflag:s25] =	ssyncadd.s32 $0xFFFFD800  }
0x400: {  	_ =	swait.ge [sflag:s25], $0x2800  }
0x401: {  	s17 =	sld [smem:$0x7F6]  }
0x402: {  	[sflag:s25] =	ssyncset.done $0x0  }
0x403: {  	s15 =	simm.s32 $0x0;
	[sflag:s25] =	ssyncadd.s32 $0xFFFFD800  }
0x404: {  	[hbm4b:s17+s15] =	stream.linear.scatter [tilespmem:s5], [sflag:$0x5], $0xC800, $0x38;
	[tilespmem:$0x1A000] =	vst v63  }
0x405: {  	s17 =	rddreg [dreg:$0x1c]  }
0x406: {  	[tilespmem:s18], [sflag:$0x2] =	stream.linear.gather [hbm4b:s17+s15], $0x4B0, $0x38;
	[tilespmem:$0x1A000] =	vst v63  }
0x407: {  	_ =	swait.ge [sflag:s1], $0x4B0  }
0x408: {  	[sflag:s1] =	ssyncset.done $0x0  }
0x409: {  	s31 =	simm.s32 $0x0;
	[sflag:s1] =	ssyncadd.s32 $0xFFFFFB50  }
0x40a: {  	v0 =	vld [tilespmem:s31+$0x200]  }
0x40b: {  	v1 =	vld [tilespmem:s31+$0x390];
	_ =	sdelay $0x1  }
0x40c: {  	s15 =	simm.s32 $0x40;
	v2 =	vld [tilespmem:s31+$0x520]  }
.LBB2_42:
0x40d: {  	p0 =	sne.s32 s15, $0x600  }
.Ltmp20:
0x40e: {  	s17 =	sshra.s32 s15, $0x2;
	s15 =	sadd.s32 $0x40, s15;
	v3 =	vmul.u32 $0xC, v0;
	(pc) =	sbr.rel @p0 .LBB2_42-.Ltmp20, $4  }
0x40f: {  	v0 =	vld [tilespmem:s17+$0x200];
	v4 =	vshll.u32 v1, $0x1  }
0x410: {  	v1 =	vld [tilespmem:s17+$0x390];
	v3 =	vadd.s32 v3, v4  }
0x411: {  	v3 =	vadd.s32 v2, v3  }
0x412: {  	v2 =	vld [tilespmem:s17+$0x520];
	[tilespmem:s31+$0xC00] =	vst v3;
	s31 =	smov.u32 s17  }
0x413: {  	_ = 	snop  }
0x414: {  	v0 =	vmul.u32 $0xC, v0  }
0x415: {  	v1 =	vshll.u32 v1, $0x1  }
0x416: {  	v0 =	vadd.s32 v0, v1  }
0x417: {  	v0 =	vadd.s32 v2, v0  }
0x418: {  	[tilespmem:s31+$0xC00] =	vst v0  }
0x419: {  	_ =	swait.ge [sflag:s26], $0xC800  }
0x41a: {  	[sflag:s26] =	ssyncset.done $0x0  }
0x41b: {  	[sflag:s26] =	ssyncadd.s32 $0xFFFF3800  }
0x41c: {  	[tilespmem:s5], [sflag:$0x3] =	stream.indirect.gather [spmem:s2], $0x80, s4, s0, $0xb8;
	[tilespmem:$0x1A000] =	vst v63  }
0x41d: {  	_ = 	snop  }
0x41e: {  	[tilespmem:s7], [sflag:$0x3] =	stream.indirect.gather [spmem:s2], $0x80, s6, s0, $0xb8;
	[tilespmem:$0x1A000] =	vst v63  }
0x41f: {  	_ = 	snop  }
0x420: {  	[tilespmem:s9], [sflag:$0x3] =	stream.indirect.gather [spmem:s2], $0x80, s8, s0, $0xb8;
	[tilespmem:$0x1A000] =	vst v63  }
0x421: {  	_ = 	snop  }
0x422: {  	[tilespmem:s11], [sflag:$0x3] =	stream.indirect.gather [spmem:s2], $0x80, s10, s0, $0xb8;
	[tilespmem:$0x1A000] =	vst v63  }
0x423: {  	_ = 	snop  }
0x424: {  	[tilespmem:s13], [sflag:$0x3] =	stream.indirect.gather [spmem:s2], $0x80, s12, s0, $0xb8;
	[tilespmem:$0x1A000] =	vst v63  }
0x425: {  	_ =	swait.ge [sflag:s28], $0x2800  }
0x426: {  	[sflag:s28] =	ssyncset.done $0x0  }
0x427: {  	[sflag:s28] =	ssyncadd.s32 $0xFFFFD800  }
0x428: {  	_ =	swait.ge [sflag:s28], $0x2800  }
0x429: {  	[sflag:s28] =	ssyncset.done $0x0  }
0x42a: {  	[sflag:s28] =	ssyncadd.s32 $0xFFFFD800  }
0x42b: {  	_ =	swait.ge [sflag:s28], $0x2800  }
0x42c: {  	[sflag:s28] =	ssyncset.done $0x0  }
0x42d: {  	[sflag:s28] =	ssyncadd.s32 $0xFFFFD800  }
0x42e: {  	_ =	swait.ge [sflag:s28], $0x2800  }
0x42f: {  	[sflag:s28] =	ssyncset.done $0x0  }
0x430: {  	[sflag:s28] =	ssyncadd.s32 $0xFFFFD800  }
0x431: {  	_ =	swait.ge [sflag:s28], $0x2800  }
0x432: {  	s17 =	sld [smem:$0x7F7]  }
0x433: {  	[sflag:s28] =	ssyncset.done $0x0  }
0x434: {  	s15 =	simm.s32 $0x0;
	[sflag:s28] =	ssyncadd.s32 $0xFFFFD800  }
0x435: {  	[hbm4b:s17+s15] =	stream.linear.scatter [tilespmem:s16], [sflag:$0x6], $0xC800, $0x38;
	[tilespmem:$0x1A000] =	vst v63  }
0x436: {  	s17 =	rddreg [dreg:$0x1d]  }
0x437: {  	[tilespmem:s30], [sflag:$0x1] =	stream.linear.gather [hbm4b:s17+s15], $0x4B0, $0x38;
	[tilespmem:$0x1A000] =	vst v63  }
0x438: {  	_ =	swait.ge [sflag:s14], $0x4B0  }
0x439: {  	[sflag:s14] =	ssyncset.done $0x0  }
0x43a: {  	s31 =	simm.s32 $0x0;
	[sflag:s14] =	ssyncadd.s32 $0xFFFFFB50  }
0x43b: {  	v0 =	vld [tilespmem:s31+$0x700]  }
0x43c: {  	v1 =	vld [tilespmem:s31+$0x890];
	_ =	sdelay $0x1  }
0x43d: {  	s15 =	simm.s32 $0x40;
	v2 =	vld [tilespmem:s31+$0xA20]  }
.LBB2_44:
0x43e: {  	p0 =	sne.s32 s15, $0x600  }
.Ltmp21:
0x43f: {  	s17 =	sshra.s32 s15, $0x2;
	s15 =	sadd.s32 $0x40, s15;
	v3 =	vmul.u32 $0xC, v0;
	(pc) =	sbr.rel @p0 .LBB2_44-.Ltmp21, $4  }
0x440: {  	v0 =	vld [tilespmem:s17+$0x700];
	v4 =	vshll.u32 v1, $0x1  }
0x441: {  	v1 =	vld [tilespmem:s17+$0x890];
	v3 =	vadd.s32 v3, v4  }
0x442: {  	v3 =	vadd.s32 v2, v3  }
0x443: {  	v2 =	vld [tilespmem:s17+$0xA20];
	[tilespmem:s31+$0xE00] =	vst v3;
	s31 =	smov.u32 s17  }
0x444: {  	_ = 	snop  }
0x445: {  	v0 =	vmul.u32 $0xC, v0  }
0x446: {  	v1 =	vshll.u32 v1, $0x1  }
0x447: {  	v0 =	vadd.s32 v0, v1  }
0x448: {  	v0 =	vadd.s32 v2, v0  }
0x449: {  	[tilespmem:s31+$0xE00] =	vst v0  }
0x44a: {  	_ =	swait.ge [sflag:s29], $0xC800  }
0x44b: {  	[sflag:s29] =	ssyncset.done $0x0  }
0x44c: {  	s15 =	simm.s32 $0xE00;
	[sflag:s29] =	ssyncadd.s32 $0xFFFF3800  }
0x44d: {  	[tilespmem:s16], [sflag:$0x4] =	stream.indirect.gather [spmem:s2], $0x80, s15, s0, $0xb8;
	[tilespmem:$0x1A000] =	vst v63  }
0x44e: {  	s17 =	simm.s32 $0x10000;
	s15 =	simm.s32 $0xE50  }
0x44f: {  	[tilespmem:s17], [sflag:$0x4] =	stream.indirect.gather [spmem:s2], $0x80, s15, s0, $0xb8;
	[tilespmem:$0x1A000] =	vst v63  }
0x450: {  	_ = 	snop  }
0x451: {  	[tilespmem:s20], [sflag:$0x4] =	stream.indirect.gather [spmem:s2], $0x80, s19, s0, $0xb8;
	[tilespmem:$0x1A000] =	vst v63  }
0x452: {  	_ = 	snop  }
0x453: {  	[tilespmem:s22], [sflag:$0x4] =	stream.indirect.gather [spmem:s2], $0x80, s21, s0, $0xb8;
	[tilespmem:$0x1A000] =	vst v63  }
0x454: {  	_ = 	snop  }
0x455: {  	[tilespmem:s24], [sflag:$0x4] =	stream.indirect.gather [spmem:s2], $0x80, s23, s0, $0xb8;
	[tilespmem:$0x1A000] =	vst v63  }
0x456: {  	_ =	swait.ge [sflag:s25], $0x2800  }
0x457: {  	[sflag:s25] =	ssyncset.done $0x0  }
0x458: {  	[sflag:s25] =	ssyncadd.s32 $0xFFFFD800  }
0x459: {  	_ =	swait.ge [sflag:s25], $0x2800  }
0x45a: {  	[sflag:s25] =	ssyncset.done $0x0  }
0x45b: {  	[sflag:s25] =	ssyncadd.s32 $0xFFFFD800  }
0x45c: {  	_ =	swait.ge [sflag:s25], $0x2800  }
0x45d: {  	[sflag:s25] =	ssyncset.done $0x0  }
0x45e: {  	[sflag:s25] =	ssyncadd.s32 $0xFFFFD800  }
0x45f: {  	_ =	swait.ge [sflag:s25], $0x2800  }
0x460: {  	[sflag:s25] =	ssyncset.done $0x0  }
0x461: {  	[sflag:s25] =	ssyncadd.s32 $0xFFFFD800  }
0x462: {  	_ =	swait.ge [sflag:s25], $0x2800  }
0x463: {  	s17 =	sld [smem:$0x7F8]  }
0x464: {  	[sflag:s25] =	ssyncset.done $0x0  }
0x465: {  	s15 =	simm.s32 $0x0;
	[sflag:s25] =	ssyncadd.s32 $0xFFFFD800  }
0x466: {  	[hbm4b:s17+s15] =	stream.linear.scatter [tilespmem:s5], [sflag:$0x5], $0xC800, $0x38;
	[tilespmem:$0x1A000] =	vst v63  }
0x467: {  	s17 =	rddreg [dreg:$0x1e]  }
0x468: {  	[tilespmem:s18], [sflag:$0x2] =	stream.linear.gather [hbm4b:s17+s15], $0x4B0, $0x38;
	[tilespmem:$0x1A000] =	vst v63  }
0x469: {  	_ =	swait.ge [sflag:s1], $0x4B0  }
0x46a: {  	[sflag:s1] =	ssyncset.done $0x0  }
0x46b: {  	s31 =	simm.s32 $0x0;
	[sflag:s1] =	ssyncadd.s32 $0xFFFFFB50  }
0x46c: {  	v0 =	vld [tilespmem:s31+$0x200]  }
0x46d: {  	v1 =	vld [tilespmem:s31+$0x390];
	_ =	sdelay $0x1  }
0x46e: {  	s15 =	simm.s32 $0x40;
	v2 =	vld [tilespmem:s31+$0x520]  }
.LBB2_46:
0x46f: {  	p0 =	sne.s32 s15, $0x600  }
.Ltmp22:
0x470: {  	s17 =	sshra.s32 s15, $0x2;
	s15 =	sadd.s32 $0x40, s15;
	v3 =	vmul.u32 $0xC, v0;
	(pc) =	sbr.rel @p0 .LBB2_46-.Ltmp22, $4  }
0x471: {  	v0 =	vld [tilespmem:s17+$0x200];
	v4 =	vshll.u32 v1, $0x1  }
0x472: {  	v1 =	vld [tilespmem:s17+$0x390];
	v3 =	vadd.s32 v3, v4  }
0x473: {  	v3 =	vadd.s32 v2, v3  }
0x474: {  	v2 =	vld [tilespmem:s17+$0x520];
	[tilespmem:s31+$0xC00] =	vst v3;
	s31 =	smov.u32 s17  }
0x475: {  	_ = 	snop  }
0x476: {  	v0 =	vmul.u32 $0xC, v0  }
0x477: {  	v1 =	vshll.u32 v1, $0x1  }
0x478: {  	v0 =	vadd.s32 v0, v1  }
0x479: {  	v0 =	vadd.s32 v2, v0  }
0x47a: {  	[tilespmem:s31+$0xC00] =	vst v0  }
0x47b: {  	_ =	swait.ge [sflag:s26], $0xC800  }
0x47c: {  	[sflag:s26] =	ssyncset.done $0x0  }
0x47d: {  	[sflag:s26] =	ssyncadd.s32 $0xFFFF3800  }
0x47e: {  	[tilespmem:s5], [sflag:$0x3] =	stream.indirect.gather [spmem:s2], $0x80, s4, s0, $0xb8;
	[tilespmem:$0x1A000] =	vst v63  }
0x47f: {  	_ = 	snop  }
0x480: {  	[tilespmem:s7], [sflag:$0x3] =	stream.indirect.gather [spmem:s2], $0x80, s6, s0, $0xb8;
	[tilespmem:$0x1A000] =	vst v63  }
0x481: {  	_ = 	snop  }
0x482: {  	[tilespmem:s9], [sflag:$0x3] =	stream.indirect.gather [spmem:s2], $0x80, s8, s0, $0xb8;
	[tilespmem:$0x1A000] =	vst v63  }
0x483: {  	_ = 	snop  }
0x484: {  	[tilespmem:s11], [sflag:$0x3] =	stream.indirect.gather [spmem:s2], $0x80, s10, s0, $0xb8;
	[tilespmem:$0x1A000] =	vst v63  }
0x485: {  	_ = 	snop  }
0x486: {  	[tilespmem:s13], [sflag:$0x3] =	stream.indirect.gather [spmem:s2], $0x80, s12, s0, $0xb8;
	[tilespmem:$0x1A000] =	vst v63  }
0x487: {  	_ =	swait.ge [sflag:s28], $0x2800  }
0x488: {  	[sflag:s28] =	ssyncset.done $0x0  }
0x489: {  	[sflag:s28] =	ssyncadd.s32 $0xFFFFD800  }
0x48a: {  	_ =	swait.ge [sflag:s28], $0x2800  }
0x48b: {  	[sflag:s28] =	ssyncset.done $0x0  }
0x48c: {  	[sflag:s28] =	ssyncadd.s32 $0xFFFFD800  }
0x48d: {  	_ =	swait.ge [sflag:s28], $0x2800  }
0x48e: {  	[sflag:s28] =	ssyncset.done $0x0  }
0x48f: {  	[sflag:s28] =	ssyncadd.s32 $0xFFFFD800  }
0x490: {  	_ =	swait.ge [sflag:s28], $0x2800  }
0x491: {  	[sflag:s28] =	ssyncset.done $0x0  }
0x492: {  	[sflag:s28] =	ssyncadd.s32 $0xFFFFD800  }
0x493: {  	_ =	swait.ge [sflag:s28], $0x2800  }
0x494: {  	s17 =	sld [smem:$0x7F9]  }
0x495: {  	[sflag:s28] =	ssyncset.done $0x0  }
0x496: {  	s15 =	simm.s32 $0x0;
	[sflag:s28] =	ssyncadd.s32 $0xFFFFD800  }
0x497: {  	[hbm4b:s17+s15] =	stream.linear.scatter [tilespmem:s16], [sflag:$0x6], $0xC800, $0x38;
	[tilespmem:$0x1A000] =	vst v63  }
0x498: {  	s18 =	rddreg [dreg:$0x1f]  }
0x499: {  	[tilespmem:s30], [sflag:$0x1] =	stream.linear.gather [hbm4b:s18+s15], $0x4B0, $0x38;
	[tilespmem:$0x1A000] =	vst v63  }
0x49a: {  	_ =	swait.ge [sflag:s14], $0x4B0  }
0x49b: {  	[sflag:s14] =	ssyncset.done $0x0  }
0x49c: {  	s31 =	simm.s32 $0x0;
	[sflag:s14] =	ssyncadd.s32 $0xFFFFFB50  }
0x49d: {  	v0 =	vld [tilespmem:s31+$0x700]  }
0x49e: {  	v1 =	vld [tilespmem:s31+$0x890];
	_ =	sdelay $0x1  }
0x49f: {  	s15 =	simm.s32 $0x40;
	v2 =	vld [tilespmem:s31+$0xA20]  }
.LBB2_48:
0x4a0: {  	p0 =	sne.s32 s15, $0x600  }
.Ltmp23:
0x4a1: {  	s17 =	sshra.s32 s15, $0x2;
	s15 =	sadd.s32 $0x40, s15;
	v3 =	vmul.u32 $0xC, v0;
	(pc) =	sbr.rel @p0 .LBB2_48-.Ltmp23, $4  }
0x4a2: {  	v0 =	vld [tilespmem:s17+$0x700];
	v4 =	vshll.u32 v1, $0x1  }
0x4a3: {  	v1 =	vld [tilespmem:s17+$0x890];
	v3 =	vadd.s32 v3, v4  }
0x4a4: {  	v3 =	vadd.s32 v2, v3  }
0x4a5: {  	v2 =	vld [tilespmem:s17+$0xA20];
	[tilespmem:s31+$0xE00] =	vst v3;
	s31 =	smov.u32 s17  }
0x4a6: {  	_ = 	snop  }
0x4a7: {  	v0 =	vmul.u32 $0xC, v0  }
0x4a8: {  	v1 =	vshll.u32 v1, $0x1  }
0x4a9: {  	v0 =	vadd.s32 v0, v1  }
0x4aa: {  	v0 =	vadd.s32 v2, v0  }
0x4ab: {  	[tilespmem:s31+$0xE00] =	vst v0  }
0x4ac: {  	_ =	swait.ge [sflag:s29], $0xC800  }
0x4ad: {  	[sflag:s29] =	ssyncset.done $0x0  }
0x4ae: {  	s15 =	simm.s32 $0xE00;
	[sflag:s29] =	ssyncadd.s32 $0xFFFF3800  }
0x4af: {  	[tilespmem:s16], [sflag:$0x4] =	stream.indirect.gather [spmem:s2], $0x80, s15, s0, $0xb8;
	[tilespmem:$0x1A000] =	vst v63  }
0x4b0: {  	s18 =	simm.s32 $0xE50;
	s17 =	simm.s32 $0x10000  }
0x4b1: {  	[tilespmem:s17], [sflag:$0x4] =	stream.indirect.gather [spmem:s2], $0x80, s18, s0, $0xb8;
	[tilespmem:$0x1A000] =	vst v63  }
0x4b2: {  	_ = 	snop  }
0x4b3: {  	[tilespmem:s20], [sflag:$0x4] =	stream.indirect.gather [spmem:s2], $0x80, s19, s0, $0xb8;
	[tilespmem:$0x1A000] =	vst v63  }
0x4b4: {  	_ = 	snop  }
0x4b5: {  	[tilespmem:s22], [sflag:$0x4] =	stream.indirect.gather [spmem:s2], $0x80, s21, s0, $0xb8;
	[tilespmem:$0x1A000] =	vst v63  }
0x4b6: {  	_ = 	snop  }
0x4b7: {  	[tilespmem:s24], [sflag:$0x4] =	stream.indirect.gather [spmem:s2], $0x80, s23, s0, $0xb8;
	[tilespmem:$0x1A000] =	vst v63  }
0x4b8: {  	_ =	swait.ge [sflag:s25], $0x2800  }
0x4b9: {  	[sflag:s25] =	ssyncset.done $0x0  }
0x4ba: {  	[sflag:s25] =	ssyncadd.s32 $0xFFFFD800  }
0x4bb: {  	_ =	swait.ge [sflag:s25], $0x2800  }
0x4bc: {  	[sflag:s25] =	ssyncset.done $0x0  }
0x4bd: {  	[sflag:s25] =	ssyncadd.s32 $0xFFFFD800  }
0x4be: {  	_ =	swait.ge [sflag:s25], $0x2800  }
0x4bf: {  	[sflag:s25] =	ssyncset.done $0x0  }
0x4c0: {  	[sflag:s25] =	ssyncadd.s32 $0xFFFFD800  }
0x4c1: {  	_ =	swait.ge [sflag:s25], $0x2800  }
0x4c2: {  	[sflag:s25] =	ssyncset.done $0x0  }
0x4c3: {  	[sflag:s25] =	ssyncadd.s32 $0xFFFFD800  }
0x4c4: {  	_ =	swait.ge [sflag:s25], $0x2800  }
0x4c5: {  	s18 =	sld [smem:$0x7FA]  }
0x4c6: {  	[sflag:s25] =	ssyncset.done $0x0  }
0x4c7: {  	s17 =	simm.s32 $0x0;
	[sflag:s25] =	ssyncadd.s32 $0xFFFFD800  }
0x4c8: {  	[hbm4b:s18+s17] =	stream.linear.scatter [tilespmem:s5], [sflag:$0x5], $0xC800, $0x38;
	[tilespmem:$0x1A000] =	vst v63  }
0x4c9: {  	_ =	swait.ge [sflag:s1], $0x4B0  }
0x4ca: {  	[sflag:s1] =	ssyncset.done $0x0  }
0x4cb: {  	s31 =	simm.s32 $0x0;
	[sflag:s1] =	ssyncadd.s32 $0xFFFFFB50  }
0x4cc: {  	v0 =	vld [tilespmem:s31+$0x200]  }
0x4cd: {  	v1 =	vld [tilespmem:s31+$0x390];
	_ =	sdelay $0x1  }
0x4ce: {  	s15 =	simm.s32 $0x40;
	v2 =	vld [tilespmem:s31+$0x520]  }
.LBB2_50:
0x4cf: {  	p0 =	sne.s32 s15, $0x600  }
.Ltmp24:
0x4d0: {  	s17 =	sshra.s32 s15, $0x2;
	s15 =	sadd.s32 $0x40, s15;
	v3 =	vmul.u32 $0xC, v0;
	(pc) =	sbr.rel @p0 .LBB2_50-.Ltmp24, $4  }
0x4d1: {  	v0 =	vld [tilespmem:s17+$0x200];
	v4 =	vshll.u32 v1, $0x1  }
0x4d2: {  	v1 =	vld [tilespmem:s17+$0x390];
	v3 =	vadd.s32 v3, v4  }
0x4d3: {  	v3 =	vadd.s32 v2, v3  }
0x4d4: {  	v2 =	vld [tilespmem:s17+$0x520];
	[tilespmem:s31+$0xC00] =	vst v3;
	s31 =	smov.u32 s17  }
0x4d5: {  	_ = 	snop  }
0x4d6: {  	v0 =	vmul.u32 $0xC, v0  }
0x4d7: {  	v1 =	vshll.u32 v1, $0x1  }
0x4d8: {  	v0 =	vadd.s32 v0, v1  }
0x4d9: {  	v0 =	vadd.s32 v2, v0  }
0x4da: {  	[tilespmem:s31+$0xC00] =	vst v0  }
0x4db: {  	_ =	swait.ge [sflag:s26], $0xC800  }
0x4dc: {  	[sflag:s26] =	ssyncset.done $0x0  }
0x4dd: {  	[sflag:s26] =	ssyncadd.s32 $0xFFFF3800  }
0x4de: {  	[tilespmem:s5], [sflag:$0x3] =	stream.indirect.gather [spmem:s2], $0x80, s4, s0, $0xb8;
	[tilespmem:$0x1A000] =	vst v63  }
0x4df: {  	_ = 	snop  }
0x4e0: {  	[tilespmem:s7], [sflag:$0x3] =	stream.indirect.gather [spmem:s2], $0x80, s6, s0, $0xb8;
	[tilespmem:$0x1A000] =	vst v63  }
0x4e1: {  	_ = 	snop  }
0x4e2: {  	[tilespmem:s9], [sflag:$0x3] =	stream.indirect.gather [spmem:s2], $0x80, s8, s0, $0xb8;
	[tilespmem:$0x1A000] =	vst v63  }
0x4e3: {  	_ = 	snop  }
0x4e4: {  	[tilespmem:s11], [sflag:$0x3] =	stream.indirect.gather [spmem:s2], $0x80, s10, s0, $0xb8;
	[tilespmem:$0x1A000] =	vst v63  }
0x4e5: {  	_ = 	snop  }
0x4e6: {  	[tilespmem:s13], [sflag:$0x3] =	stream.indirect.gather [spmem:s2], $0x80, s12, s0, $0xb8;
	[tilespmem:$0x1A000] =	vst v63  }
0x4e7: {  	_ =	swait.ge [sflag:s28], $0x2800  }
0x4e8: {  	[sflag:s28] =	ssyncset.done $0x0  }
0x4e9: {  	[sflag:s28] =	ssyncadd.s32 $0xFFFFD800  }
0x4ea: {  	_ =	swait.ge [sflag:s28], $0x2800  }
0x4eb: {  	[sflag:s28] =	ssyncset.done $0x0  }
0x4ec: {  	[sflag:s28] =	ssyncadd.s32 $0xFFFFD800  }
0x4ed: {  	_ =	swait.ge [sflag:s28], $0x2800  }
0x4ee: {  	[sflag:s28] =	ssyncset.done $0x0  }
0x4ef: {  	[sflag:s28] =	ssyncadd.s32 $0xFFFFD800  }
0x4f0: {  	_ =	swait.ge [sflag:s28], $0x2800  }
0x4f1: {  	[sflag:s28] =	ssyncset.done $0x0  }
0x4f2: {  	[sflag:s28] =	ssyncadd.s32 $0xFFFFD800  }
0x4f3: {  	_ =	swait.ge [sflag:s28], $0x2800  }
0x4f4: {  	s15 =	sld [smem:$0x7FB]  }
0x4f5: {  	[sflag:s28] =	ssyncset.done $0x0  }
0x4f6: {  	s17 =	simm.s32 $0x0;
	[sflag:s28] =	ssyncadd.s32 $0xFFFFD800  }
0x4f7: {  	[hbm4b:s15+s17] =	stream.linear.scatter [tilespmem:s16], [sflag:$0x6], $0xC800, $0x38;
	[tilespmem:$0x1A000] =	vst v63  }
0x4f8: {  	_ =	swait.ge [sflag:s25], $0x2800  }
0x4f9: {  	[sflag:s25] =	ssyncset.done $0x0  }
0x4fa: {  	[sflag:s25] =	ssyncadd.s32 $0xFFFFD800  }
0x4fb: {  	_ =	swait.ge [sflag:s25], $0x2800  }
0x4fc: {  	[sflag:s25] =	ssyncset.done $0x0  }
0x4fd: {  	[sflag:s25] =	ssyncadd.s32 $0xFFFFD800  }
0x4fe: {  	_ =	swait.ge [sflag:s25], $0x2800  }
0x4ff: {  	[sflag:s25] =	ssyncset.done $0x0  }
0x500: {  	[sflag:s25] =	ssyncadd.s32 $0xFFFFD800  }
0x501: {  	_ =	swait.ge [sflag:s25], $0x2800  }
0x502: {  	[sflag:s25] =	ssyncset.done $0x0  }
0x503: {  	[sflag:s25] =	ssyncadd.s32 $0xFFFFD800  }
0x504: {  	_ =	swait.ge [sflag:s25], $0x2800  }
0x505: {  	s18 =	sld [smem:$0x7FC]  }
0x506: {  	[sflag:s25] =	ssyncset.done $0x0  }
0x507: {  	[sflag:s25] =	ssyncadd.s32 $0xFFFFD800  }
0x508: {  	[hbm4b:s18+s17] =	stream.linear.scatter [tilespmem:s5], [sflag:$0x5], $0xC800, $0x38;
	[tilespmem:$0x1A000] =	vst v63  }
0x509: {  	_ =	swait.ge [sflag:s29], $0xC800  }
0x50a: {  	[sflag:s29] =	ssyncset.done $0x0  }
0x50b: {  	[sflag:s29] =	ssyncadd.s32 $0xFFFF3800  }
0x50c: {  	_ =	swait.ge [sflag:s26], $0xC800  }
0x50d: {  	s31 =	sld [smem:$0x7FD];
	_ =	sdelay $0x1  }
0x50e: {  	s3 =	sadd.s32 $0x1, s3  }
0x50f: {  	p0 =	sne.s32 s3, s31  }
.Ltmp25:
0x510: {  	_ = 	snop;
	(pc) =	sbr.rel @p0 .LBB2_1-.Ltmp25, $3  }
0x511: {  	_ =	sdelay $0x1  }
0x512: {  	[sflag:s26] =	ssyncset.done $0x0  }
0x513: {  	[sflag:s26] =	ssyncadd.s32 $0xFFFF3800  }
0x514: {  	_ =	sfence.sel $0x180000  }
0x515: {  	[bflag:$0x0] =	sbarrier.arrive $0xFFFF  }
0x516: {  	_ =	strace $0x90000047  }
0x517: {  	s0 =	stileid.u32;
	[bflag:$0x2] =	sbarrier.arrive $0xFFFF  }
0x518: {  	p0 =	sne.s32 s0, $0x0;
	s0 =	rddreg [dreg:$0x3]  }
0x519: {  	s0 =	sadd.s32 @!p0 $0x100000, s0  }
0x51a: {  	[sflag:s0] =	ssyncadd.tile.s32 @!p0 $0x1;
	_ =	shalt  }
.Lfunc_end2:
_tile_overlayer_lowered:
.L_overlay_start_2:
0x51b: {  	(tag) =	ssettag $0x2  }
0x51c: {  	s0 =	rddreg [dreg:$0x0];
	s2 =	stileid.u32  }
0x51d: {  	s1 =	rddreg [dreg:$0x1];
	p0 =	sne.s32 s2, $0x0  }
0x51e: {  	s3 =	rddreg [dreg:$0x2];
	[bflag:$0x3] =	sbarrier.arrive $0xFFFF;
	s2 =	simm.s32 @!p0 $0x1C07  }
0x51f: {  	[timem:s3], [sflag:s2] =	dma.local @!p0 [hbm:s0], s1  }
0x520: {  	s0 =	simm.s32 @!p0 $0x7  }
0x521: {  	_ =	swait.ge @!p0 [sflag:s0], s1  }
0x522: {  	s1 =	ssub.s32 @!p0 $0x0, s1;
	[sflag:s0] =	ssyncset.done @!p0 $0x0  }
0x523: {  	[sflag:s0] =	ssyncadd.s32 @!p0 s1  }
0x524: {  	[bflag:$0x3] =	sbarrier.arrive $0xFFFF  }
0x525: {  	_ =	shalt  }

</sc_bundles>
